<compile_context>
chip_gen: v7x
topology: tpu7x:2x2x1
jax: 0.10.2.dev20260603
libtpu: 0.0.44.dev20260713+nightly
codegen_flags: <defaults>
</compile_context>

<pallas_src>
import jax
import jax.numpy as jnp
from jax import lax
from jax.experimental import pallas as pl
from jax.experimental.pallas import tpu as pltpu
from jax.experimental.pallas import tpu_sc as plsc

DIM = 128
GLOVE_DIM = 300
OUT_DIM = DIM + GLOVE_DIM
COMB_DIM = 432

NC = 2
NS = 16
NW = NC * NS
LANES = 16

CB = 2
L = 50
CL = CB * L


def _sc_body(x_hbm, comb_hbm, out_hbm,
             idx2_a, idx2_b, idx_a, idx_b, comb_a, comb_b, asm_v,
             sem_a, sem_b, sem_w):
    wid = lax.axis_index("s") * NC + lax.axis_index("c")
    nb_total = x_hbm.shape[0]
    per_w = nb_total // NW
    n_chunks = per_w // CB
    n2 = n_chunks // 2
    base_w = wid * per_w

    def start_gather(c, idx2_v, idx_v, comb_v, sem):
        b0 = base_w + c * CB
        pltpu.sync_copy(x_hbm.at[pl.ds(b0, CB)], idx2_v)

        def flat_body(m, carry2):
            q = jax.lax.iota(jnp.int32, LANES) + m * LANES
            msk = q < CL
            qc = jnp.minimum(q, CL - 1)
            bb = qc // L
            l = qc - bb * L
            vals = plsc.load_gather(idx2_v, [bb, l], mask=msk)
            plsc.store_scatter(idx_v, [qc], vals, mask=msk)
            return carry2

        lax.fori_loop(0, (CL + LANES - 1) // LANES, flat_body, 0, unroll=2)
        pltpu.async_copy(comb_hbm.at[idx_v], comb_v, sem)

    def wait_gather(idx_v, comb_v, sem):
        pltpu.make_async_copy(comb_hbm.at[idx_v], comb_v, sem).wait()

    def drain_write(c):
        b0 = base_w + c * CB
        pltpu.make_async_copy(asm_v, out_hbm.at[pl.ds(b0, CB)], sem_w).wait()

    def assemble_and_write(c, comb_v):
        def row_body(l, carry2):
            for bb in range(CB):
                for j in range(COMB_DIM // LANES):
                    sl = pl.ds(j * LANES, LANES)
                    asm_v[bb, l, sl] = comb_v[bb * L + l, sl]
            return carry2

        lax.fori_loop(0, L, row_body, 0, unroll=2)
        b0 = base_w + c * CB
        pltpu.async_copy(asm_v, out_hbm.at[pl.ds(b0, CB)], sem_w)

    start_gather(0, idx2_a, idx_a, comb_a, sem_a)

    def body2(k, carry):
        c0 = 2 * k
        start_gather(c0 + 1, idx2_b, idx_b, comb_b, sem_b)
        wait_gather(idx_a, comb_a, sem_a)

        @pl.when(k > 0)
        def _():
            drain_write(c0 - 1)

        assemble_and_write(c0, comb_a)

        @pl.when(k < n2 - 1)
        def _():
            start_gather(c0 + 2, idx2_a, idx_a, comb_a, sem_a)

        wait_gather(idx_b, comb_b, sem_b)
        drain_write(c0)
        assemble_and_write(c0 + 1, comb_b)
        return carry

    lax.fori_loop(0, n2, body2, 0)
    drain_write(n_chunks - 1)


def _comb_body(g_ref, t_ref, o_ref):
    o_ref[:, :DIM] = jnp.tanh(t_ref[...])
    o_ref[:, DIM:OUT_DIM] = g_ref[...]
    o_ref[:, OUT_DIM:] = jnp.zeros(
        (o_ref.shape[0], COMB_DIM - OUT_DIM), jnp.float32)


def _build_comb(glove_table, table):
    v = glove_table.shape[0]
    rows = 2000
    return pl.pallas_call(
        _comb_body,
        grid=(v // rows,),
        in_specs=[pl.BlockSpec((rows, GLOVE_DIM), lambda i: (i, 0)),
                  pl.BlockSpec((rows, DIM), lambda i: (i, 0))],
        out_specs=pl.BlockSpec((rows, COMB_DIM), lambda i: (i, 0)),
        out_shape=jax.ShapeDtypeStruct((v, COMB_DIM), jnp.float32),
    )(glove_table, table)


@jax.jit
def _glove_fused(x, glove_table, table):
    nb = x.shape[0]
    comb = _build_comb(glove_table, table)
    mesh = plsc.VectorSubcoreMesh(
        core_axis_name="c", subcore_axis_name="s",
        num_cores=NC, num_subcores=NS)
    staged = pl.kernel(
        _sc_body,
        out_type=jax.ShapeDtypeStruct((nb, L, COMB_DIM), jnp.float32),
        mesh=mesh,
        scratch_types=[
            pltpu.VMEM((CB, L), jnp.int32),
            pltpu.VMEM((CB, L), jnp.int32),
            pltpu.VMEM((CL,), jnp.int32),
            pltpu.VMEM((CL,), jnp.int32),
            pltpu.VMEM((CL, COMB_DIM), jnp.float32),
            pltpu.VMEM((CL, COMB_DIM), jnp.float32),
            pltpu.VMEM((CB, L, COMB_DIM), jnp.float32),
            pltpu.SemaphoreType.DMA,
            pltpu.SemaphoreType.DMA,
            pltpu.SemaphoreType.DMA,
        ],
        compiler_params=pltpu.CompilerParams(
            use_tc_tiling_on_sc=False, needs_layout_passes=False),
    )(x, comb)
    return staged[:, :, :OUT_DIM]


def kernel(x, glove_table, table):
    return _glove_fused(x, glove_table, table)

# --- scband reference (transcript-rebuilt; emitter-appended) ---
"""Pipeline reference for scband-glove-52381421142196 (READ-ONLY COPY).

The authoritative reference and input builder live on the scoring server;
editing this copy changes nothing except your own understanding.
"""

import jax, jax.numpy as jnp
import numpy as np

VOCAB = 100000
DIM = 128
GLOVE_DIM = 300
B = 4096
L = 50


def setup_inputs(seed: int = 0) -> dict:
    key = jax.random.key(seed)
    k1, k2, k3 = jax.random.split(key, 3)
    x = jax.random.randint(k1, (B, L), 0, VOCAB, dtype=jnp.int32)
    # frozen GloVe embedding table (padding_idx=0 -> zero row)
    glove_table = jax.random.normal(k2, (VOCAB, GLOVE_DIM), dtype=jnp.float32)
    glove_table = glove_table.at[0].set(0.0)
    # trainable embedding table (padding_idx=0 -> zero row)
    table = jax.random.normal(k3, (VOCAB, DIM), dtype=jnp.float32) * 0.02
    table = table.at[0].set(0.0)
    return {"x": x, "glove_table": glove_table, "table": table}


def reference(x, glove_table, table):
    # embed = self.glove_embedding(x)
    embed = jnp.take(glove_table, x, axis=0)
    # raw_embed = self.embedding(x); af == 'tanh'
    raw_embed = jnp.tanh(jnp.take(table, x, axis=0))
    # embed = torch.cat((raw_embed, embed), dim=-1)
    out = jnp.concatenate((raw_embed, embed), axis=-1)
    return out

if __name__ == "__main__":
    import jax
    _d = setup_inputs()
    print(jax.jit(kernel)(*tuple(_d.values())))

</pallas_src>

<mosaic_0001>
#map = affine_map<(d0, d1) -> (0, 0)>
#map1 = affine_map<(d0, d1) -> (0, 0, 0)>
module attributes {stable_mosaic.version = 14 : i64} {
  func.func @_sc_body(%arg0: i32, %arg1: i32, %arg2: memref<4096x50xi32, #tpu.memory_space<hbm>>, %arg3: memref<100000x432xf32, #tpu.memory_space<hbm>>, %arg4: memref<4096x50x432xf32, #tpu.memory_space<hbm>>, %arg5: memref<2x50xi32, #tpu.memory_space<vmem>>, %arg6: memref<2x50xi32, #tpu.memory_space<vmem>>, %arg7: memref<100xi32, #tpu.memory_space<vmem>>, %arg8: memref<100xi32, #tpu.memory_space<vmem>>, %arg9: memref<100x432xf32, #tpu.memory_space<vmem>>, %arg10: memref<100x432xf32, #tpu.memory_space<vmem>>, %arg11: memref<2x50x432xf32, #tpu.memory_space<vmem>>, %arg12: memref<!tpu.dma_semaphore, #tpu.memory_space<semaphore_mem>>, %arg13: memref<!tpu.dma_semaphore, #tpu.memory_space<semaphore_mem>>, %arg14: memref<!tpu.dma_semaphore, #tpu.memory_space<semaphore_mem>>) attributes {dimension_semantics = [#tpu.dimension_semantics<core_parallel>, #tpu.dimension_semantics<subcore_parallel>], iteration_bounds = array<i64: 2, 16>, scalar_prefetch = 0 : i64, scratch_operands = 10 : i64, tpu.core_type = #tpu.core_type<sc_vector_subcore>, window_params = [{transform_indices = #map}, {transform_indices = #map}, {transform_indices = #map1}]} {
    %mul3A = arith.constant 2 : i32
    %mul3A_0 = arith.muli %arg1, %mul3A : i32
    %add3A = arith.addi %mul3A_0, %arg0 : i32
    %mul3A_1 = arith.constant 128 : i32
    %mul3A_2 = arith.muli %add3A, %mul3A_1 : i32
    %add3A_3 = arith.constant 0 : i32
    %add3A_4 = arith.addi %mul3A_2, %add3A_3 : i32
    "tpu.region"() ({
      %run_scoped3A = tpu.sem_alloc : memref<!tpu.dma_semaphore, #tpu.memory_space<semaphore_mem>>
      %dma_start3A_62 = arith.constant 0 : i32
      %dma_start3A_63 = tpu.memref_slice %arg2[%add3A_4, %dma_start3A_62] : memref<4096x50xi32, #tpu.memory_space<hbm>> -> memref<2x50xi32, #tpu.memory_space<hbm>>
      %dma_start3A_64 = arith.constant 0 : i32
      %dma_start3A_65 = tpu.memref_slice %arg2[%add3A_4, %dma_start3A_64] : memref<4096x50xi32, #tpu.memory_space<hbm>> -> memref<2x50xi32, #tpu.memory_space<hbm>>
      tpu.enqueue_dma source(%dma_start3A_65 : memref<2x50xi32, #tpu.memory_space<hbm>>) target(%arg5 : memref<2x50xi32, #tpu.memory_space<vmem>>) target_semaphore(%run_scoped3A : memref<!tpu.dma_semaphore, #tpu.memory_space<semaphore_mem>>)
      %dma_wait3A_66 = arith.constant 0 : i32
      %dma_wait3A_67 = tpu.memref_slice %arg2[%add3A_4, %dma_wait3A_66] : memref<4096x50xi32, #tpu.memory_space<hbm>> -> memref<2x50xi32, #tpu.memory_space<hbm>>
      %dma_wait3A_68 = arith.constant 0 : i32
      %dma_wait3A_69 = tpu.memref_slice %arg2[%add3A_4, %dma_wait3A_68] : memref<4096x50xi32, #tpu.memory_space<hbm>> -> memref<2x50xi32, #tpu.memory_space<hbm>>
      tpu.wait_dma2 semaphore(%run_scoped3A : memref<!tpu.dma_semaphore, #tpu.memory_space<semaphore_mem>>) src(%dma_wait3A_69 : memref<2x50xi32, #tpu.memory_space<hbm>>) dst(%arg5 : memref<2x50xi32, #tpu.memory_space<vmem>>)
      tpu.yield
    }) : () -> ()
    %scan3A = arith.constant 0 : i32
    %scan3A_5 = arith.constant 0 : i32
    %scan3A_6 = arith.constant 6 : i32
    %scan3A_7 = arith.addi %scan3A_5, %scan3A_6 : i32
    %scan3A_8 = arith.constant 2 : i32
    scf.for %scan3A_62 = %scan3A_5 to %scan3A_7 step %scan3A_8  : i32 {
      %iota3A_63 = tpu.iota {dimensions = array<i32: 0>} : vector<16xi32>
      %mul3A_64 = arith.constant 16 : i32
      %mul3A_65 = arith.muli %scan3A_62, %mul3A_64 : i32
      %add3A_66 = vector.broadcast %mul3A_65 : i32 to vector<16xi32>
      %add3A_67 = arith.addi %iota3A_63, %add3A_66 : vector<16xi32>
      %lt3A_68 = arith.constant 100 : i32
      %lt3A_69 = vector.broadcast %lt3A_68 : i32 to vector<16xi32>
      %lt3A_70 = arith.cmpi slt, %add3A_67, %lt3A_69 : vector<16xi32>
      %min3A_71 = arith.constant 99 : i32
      %min3A_72 = vector.broadcast %min3A_71 : i32 to vector<16xi32>
      %min3A_73 = arith.minsi %add3A_67, %min3A_72 : vector<16xi32>
      %jit3A_74 = arith.constant 50 : i32
      %div3A_75 = vector.broadcast %jit3A_74 : i32 to vector<16xi32>
      %div3A_76 = arith.divsi %min3A_73, %div3A_75 : vector<16xi32>
      %sign3A_77 = arith.constant 0 : i32
      %sign3A_78 = vector.broadcast %sign3A_77 : i32 to vector<16xi32>
      %sign3A_79 = arith.cmpi sgt, %min3A_73, %sign3A_78 : vector<16xi32>
      %sign3A_80 = arith.extui %sign3A_79 : vector<16xi1> to vector<16xi32>
      %sign3A_81 = arith.constant 0 : i32
      %sign3A_82 = vector.broadcast %sign3A_81 : i32 to vector<16xi32>
      %sign3A_83 = arith.cmpi slt, %min3A_73, %sign3A_82 : vector<16xi32>
      %sign3A_84 = arith.extui %sign3A_83 : vector<16xi1> to vector<16xi32>
      %sign3A_85 = arith.subi %sign3A_80, %sign3A_84 : vector<16xi32>
      %sign3A_86 = arith.constant 0 : i32
      %sign3A_87 = arith.cmpi sgt, %jit3A_74, %sign3A_86 : i32
      %sign3A_88 = arith.extui %sign3A_87 : i1 to i32
      %sign3A_89 = arith.constant 0 : i32
      %sign3A_90 = arith.cmpi slt, %jit3A_74, %sign3A_89 : i32
      %sign3A_91 = arith.extui %sign3A_90 : i1 to i32
      %sign3A_92 = arith.subi %sign3A_88, %sign3A_91 : i32
      %ne3A_93 = vector.broadcast %sign3A_92 : i32 to vector<16xi32>
      %ne3A_94 = arith.cmpi ne, %sign3A_85, %ne3A_93 : vector<16xi32>
      %rem3A_95 = vector.broadcast %jit3A_74 : i32 to vector<16xi32>
      %rem3A_96 = arith.remsi %min3A_73, %rem3A_95 : vector<16xi32>
      %ne3A_97 = arith.constant 0 : i32
      %ne3A_98 = vector.broadcast %ne3A_97 : i32 to vector<16xi32>
      %ne3A_99 = arith.cmpi ne, %rem3A_96, %ne3A_98 : vector<16xi32>
      %and3A_100 = arith.andi %ne3A_94, %ne3A_99 : vector<16xi1>
      %sub3A_101 = arith.constant 1 : i32
      %sub3A_102 = vector.broadcast %sub3A_101 : i32 to vector<16xi32>
      %sub3A_103 = arith.subi %div3A_76, %sub3A_102 : vector<16xi32>
      %select_n3A_104 = arith.select %and3A_100, %sub3A_103, %div3A_76 : vector<16xi1>, vector<16xi32>
      %mul3A_105 = arith.constant 50 : i32
      %mul3A_106 = vector.broadcast %mul3A_105 : i32 to vector<16xi32>
      %mul3A_107 = arith.muli %select_n3A_104, %mul3A_106 : vector<16xi32>
      %sub3A_108 = arith.subi %min3A_73, %mul3A_107 : vector<16xi32>
      %gather3A_109 = tpu.vector_load_idx %arg5[%select_n3A_104, %sub3A_108] masked %lt3A_70 : memref<2x50xi32, #tpu.memory_space<vmem>>[vector<16xi32>, vector<16xi32>], vector<16xi32>, vector<16xi1>
      tpu.vector_store_idx %arg7[%min3A_73], %gather3A_109 masked %lt3A_70 : memref<100xi32, #tpu.memory_space<vmem>>[vector<16xi32>], vector<16xi32>, vector<16xi1>
      %scan3A_110 = arith.constant 1 : i32
      %scan3A_111 = arith.addi %scan3A_62, %scan3A_110 : i32
      %iota3A_112 = tpu.iota {dimensions = array<i32: 0>} : vector<16xi32>
      %mul3A_113 = arith.constant 16 : i32
      %mul3A_114 = arith.muli %scan3A_111, %mul3A_113 : i32
      %add3A_115 = vector.broadcast %mul3A_114 : i32 to vector<16xi32>
      %add3A_116 = arith.addi %iota3A_112, %add3A_115 : vector<16xi32>
      %lt3A_117 = arith.constant 100 : i32
      %lt3A_118 = vector.broadcast %lt3A_117 : i32 to vector<16xi32>
      %lt3A_119 = arith.cmpi slt, %add3A_116, %lt3A_118 : vector<16xi32>
      %min3A_120 = arith.constant 99 : i32
      %min3A_121 = vector.broadcast %min3A_120 : i32 to vector<16xi32>
      %min3A_122 = arith.minsi %add3A_116, %min3A_121 : vector<16xi32>
      %jit3A_123 = arith.constant 50 : i32
      %div3A_124 = vector.broadcast %jit3A_123 : i32 to vector<16xi32>
      %div3A_125 = arith.divsi %min3A_122, %div3A_124 : vector<16xi32>
      %sign3A_126 = arith.constant 0 : i32
      %sign3A_127 = vector.broadcast %sign3A_126 : i32 to vector<16xi32>
      %sign3A_128 = arith.cmpi sgt, %min3A_122, %sign3A_127 : vector<16xi32>
      %sign3A_129 = arith.extui %sign3A_128 : vector<16xi1> to vector<16xi32>
      %sign3A_130 = arith.constant 0 : i32
      %sign3A_131 = vector.broadcast %sign3A_130 : i32 to vector<16xi32>
      %sign3A_132 = arith.cmpi slt, %min3A_122, %sign3A_131 : vector<16xi32>
      %sign3A_133 = arith.extui %sign3A_132 : vector<16xi1> to vector<16xi32>
      %sign3A_134 = arith.subi %sign3A_129, %sign3A_133 : vector<16xi32>
      %sign3A_135 = arith.constant 0 : i32
      %sign3A_136 = arith.cmpi sgt, %jit3A_123, %sign3A_135 : i32
      %sign3A_137 = arith.extui %sign3A_136 : i1 to i32
      %sign3A_138 = arith.constant 0 : i32
      %sign3A_139 = arith.cmpi slt, %jit3A_123, %sign3A_138 : i32
      %sign3A_140 = arith.extui %sign3A_139 : i1 to i32
      %sign3A_141 = arith.subi %sign3A_137, %sign3A_140 : i32
      %ne3A_142 = vector.broadcast %sign3A_141 : i32 to vector<16xi32>
      %ne3A_143 = arith.cmpi ne, %sign3A_134, %ne3A_142 : vector<16xi32>
      %rem3A_144 = vector.broadcast %jit3A_123 : i32 to vector<16xi32>
      %rem3A_145 = arith.remsi %min3A_122, %rem3A_144 : vector<16xi32>
      %ne3A_146 = arith.constant 0 : i32
      %ne3A_147 = vector.broadcast %ne3A_146 : i32 to vector<16xi32>
      %ne3A_148 = arith.cmpi ne, %rem3A_145, %ne3A_147 : vector<16xi32>
      %and3A_149 = arith.andi %ne3A_143, %ne3A_148 : vector<16xi1>
      %sub3A_150 = arith.constant 1 : i32
      %sub3A_151 = vector.broadcast %sub3A_150 : i32 to vector<16xi32>
      %sub3A_152 = arith.subi %div3A_125, %sub3A_151 : vector<16xi32>
      %select_n3A_153 = arith.select %and3A_149, %sub3A_152, %div3A_125 : vector<16xi1>, vector<16xi32>
      %mul3A_154 = arith.constant 50 : i32
      %mul3A_155 = vector.broadcast %mul3A_154 : i32 to vector<16xi32>
      %mul3A_156 = arith.muli %select_n3A_153, %mul3A_155 : vector<16xi32>
      %sub3A_157 = arith.subi %min3A_122, %mul3A_156 : vector<16xi32>
      %gather3A_158 = tpu.vector_load_idx %arg5[%select_n3A_153, %sub3A_157] masked %lt3A_119 : memref<2x50xi32, #tpu.memory_space<vmem>>[vector<16xi32>, vector<16xi32>], vector<16xi32>, vector<16xi1>
      tpu.vector_store_idx %arg7[%min3A_122], %gather3A_158 masked %lt3A_119 : memref<100xi32, #tpu.memory_space<vmem>>[vector<16xi32>], vector<16xi32>, vector<16xi1>
    }
    %scan3A_9 = arith.constant 6 : i32
    %scan3A_10 = arith.addi %scan3A_5, %scan3A_9 : i32
    %iota3A = tpu.iota {dimensions = array<i32: 0>} : vector<16xi32>
    %mul3A_11 = arith.constant 16 : i32
    %mul3A_12 = arith.muli %scan3A_10, %mul3A_11 : i32
    %add3A_13 = vector.broadcast %mul3A_12 : i32 to vector<16xi32>
    %add3A_14 = arith.addi %iota3A, %add3A_13 : vector<16xi32>
    %lt3A = arith.constant 100 : i32
    %lt3A_15 = vector.broadcast %lt3A : i32 to vector<16xi32>
    %lt3A_16 = arith.cmpi slt, %add3A_14, %lt3A_15 : vector<16xi32>
    %min3A = arith.constant 99 : i32
    %min3A_17 = vector.broadcast %min3A : i32 to vector<16xi32>
    %min3A_18 = arith.minsi %add3A_14, %min3A_17 : vector<16xi32>
    %jit3A = arith.constant 50 : i32
    %div3A = vector.broadcast %jit3A : i32 to vector<16xi32>
    %div3A_19 = arith.divsi %min3A_18, %div3A : vector<16xi32>
    %sign3A = arith.constant 0 : i32
    %sign3A_20 = vector.broadcast %sign3A : i32 to vector<16xi32>
    %sign3A_21 = arith.cmpi sgt, %min3A_18, %sign3A_20 : vector<16xi32>
    %sign3A_22 = arith.extui %sign3A_21 : vector<16xi1> to vector<16xi32>
    %sign3A_23 = arith.constant 0 : i32
    %sign3A_24 = vector.broadcast %sign3A_23 : i32 to vector<16xi32>
    %sign3A_25 = arith.cmpi slt, %min3A_18, %sign3A_24 : vector<16xi32>
    %sign3A_26 = arith.extui %sign3A_25 : vector<16xi1> to vector<16xi32>
    %sign3A_27 = arith.subi %sign3A_22, %sign3A_26 : vector<16xi32>
    %sign3A_28 = arith.constant 0 : i32
    %sign3A_29 = arith.cmpi sgt, %jit3A, %sign3A_28 : i32
    %sign3A_30 = arith.extui %sign3A_29 : i1 to i32
    %sign3A_31 = arith.constant 0 : i32
    %sign3A_32 = arith.cmpi slt, %jit3A, %sign3A_31 : i32
    %sign3A_33 = arith.extui %sign3A_32 : i1 to i32
    %sign3A_34 = arith.subi %sign3A_30, %sign3A_33 : i32
    %ne3A = vector.broadcast %sign3A_34 : i32 to vector<16xi32>
    %ne3A_35 = arith.cmpi ne, %sign3A_27, %ne3A : vector<16xi32>
    %rem3A = vector.broadcast %jit3A : i32 to vector<16xi32>
    %rem3A_36 = arith.remsi %min3A_18, %rem3A : vector<16xi32>
    %ne3A_37 = arith.constant 0 : i32
    %ne3A_38 = vector.broadcast %ne3A_37 : i32 to vector<16xi32>
    %ne3A_39 = arith.cmpi ne, %rem3A_36, %ne3A_38 : vector<16xi32>
    %and3A = arith.andi %ne3A_35, %ne3A_39 : vector<16xi1>
    %sub3A = arith.constant 1 : i32
    %sub3A_40 = vector.broadcast %sub3A : i32 to vector<16xi32>
    %sub3A_41 = arith.subi %div3A_19, %sub3A_40 : vector<16xi32>
    %select_n3A = arith.select %and3A, %sub3A_41, %div3A_19 : vector<16xi1>, vector<16xi32>
    %mul3A_42 = arith.constant 50 : i32
    %mul3A_43 = vector.broadcast %mul3A_42 : i32 to vector<16xi32>
    %mul3A_44 = arith.muli %select_n3A, %mul3A_43 : vector<16xi32>
    %sub3A_45 = arith.subi %min3A_18, %mul3A_44 : vector<16xi32>
    %gather3A = tpu.vector_load_idx %arg5[%select_n3A, %sub3A_45] masked %lt3A_16 : memref<2x50xi32, #tpu.memory_space<vmem>>[vector<16xi32>, vector<16xi32>], vector<16xi32>, vector<16xi1>
    tpu.vector_store_idx %arg7[%min3A_18], %gather3A masked %lt3A_16 : memref<100xi32, #tpu.memory_space<vmem>>[vector<16xi32>], vector<16xi32>, vector<16xi1>
    %scan3A_46 = arith.constant 7 : i32
    %dma_start3A = arith.constant 0 : i32
    %dma_start3A_47 = arith.constant 0 : i32
    %dma_start3A_48 = tpu.memref_slice %arg3[%dma_start3A, %dma_start3A_47] : memref<100000x432xf32, #tpu.memory_space<hbm>> -> memref<100000x432xf32, #tpu.memory_space<hbm>>
    tpu.enqueue_indirect_dma source(%dma_start3A_48 : memref<100000x432xf32, #tpu.memory_space<hbm>>) target(%arg9 : memref<100x432xf32, #tpu.memory_space<vmem>>) offsets(%arg7 : memref<100xi32, #tpu.memory_space<vmem>>) semaphore(%arg12 : memref<!tpu.dma_semaphore, #tpu.memory_space<semaphore_mem>>)
    %scan3A_49 = arith.constant 0 : i32
    %scan3A_50 = arith.constant 0 : i32
    %scan3A_51 = arith.constant 32 : i32
    %scan3A_52 = arith.addi %scan3A_50, %scan3A_51 : i32
    %scan3A_53 = arith.constant 1 : i32
    scf.for %scan3A_62 = %scan3A_50 to %scan3A_52 step %scan3A_53  : i32 {
      %mul3A_63 = arith.constant 2 : i32
      %mul3A_64 = arith.muli %mul3A_63, %scan3A_62 : i32
      %add3A_65 = arith.constant 1 : i32
      %add3A_66 = arith.addi %mul3A_64, %add3A_65 : i32
      %mul3A_67 = arith.constant 2 : i32
      %mul3A_68 = arith.muli %add3A_66, %mul3A_67 : i32
      %add3A_69 = arith.addi %mul3A_2, %mul3A_68 : i32
      "tpu.region"() ({
        %run_scoped3A = tpu.sem_alloc : memref<!tpu.dma_semaphore, #tpu.memory_space<semaphore_mem>>
        %dma_start3A_182 = arith.constant 0 : i32
        %dma_start3A_183 = tpu.memref_slice %arg2[%add3A_69, %dma_start3A_182] : memref<4096x50xi32, #tpu.memory_space<hbm>> -> memref<2x50xi32, #tpu.memory_space<hbm>>
        %dma_start3A_184 = arith.constant 0 : i32
        %dma_start3A_185 = tpu.memref_slice %arg2[%add3A_69, %dma_start3A_184] : memref<4096x50xi32, #tpu.memory_space<hbm>> -> memref<2x50xi32, #tpu.memory_space<hbm>>
        tpu.enqueue_dma source(%dma_start3A_185 : memref<2x50xi32, #tpu.memory_space<hbm>>) target(%arg6 : memref<2x50xi32, #tpu.memory_space<vmem>>) target_semaphore(%run_scoped3A : memref<!tpu.dma_semaphore, #tpu.memory_space<semaphore_mem>>)
        %dma_wait3A_186 = arith.constant 0 : i32
        %dma_wait3A_187 = tpu.memref_slice %arg2[%add3A_69, %dma_wait3A_186] : memref<4096x50xi32, #tpu.memory_space<hbm>> -> memref<2x50xi32, #tpu.memory_space<hbm>>
        %dma_wait3A_188 = arith.constant 0 : i32
        %dma_wait3A_189 = tpu.memref_slice %arg2[%add3A_69, %dma_wait3A_188] : memref<4096x50xi32, #tpu.memory_space<hbm>> -> memref<2x50xi32, #tpu.memory_space<hbm>>
        tpu.wait_dma2 semaphore(%run_scoped3A : memref<!tpu.dma_semaphore, #tpu.memory_space<semaphore_mem>>) src(%dma_wait3A_189 : memref<2x50xi32, #tpu.memory_space<hbm>>) dst(%arg6 : memref<2x50xi32, #tpu.memory_space<vmem>>)
        tpu.yield
      }) : () -> ()
      %scan3A_70 = arith.constant 0 : i32
      %scan3A_71 = arith.constant 0 : i32
      %scan3A_72 = arith.constant 6 : i32
      %scan3A_73 = arith.addi %scan3A_71, %scan3A_72 : i32
      %scan3A_74 = arith.constant 2 : i32
      scf.for %scan3A_182 = %scan3A_71 to %scan3A_73 step %scan3A_74  : i32 {
        %iota3A_183 = tpu.iota {dimensions = array<i32: 0>} : vector<16xi32>
        %mul3A_184 = arith.constant 16 : i32
        %mul3A_185 = arith.muli %scan3A_182, %mul3A_184 : i32
        %add3A_186 = vector.broadcast %mul3A_185 : i32 to vector<16xi32>
        %add3A_187 = arith.addi %iota3A_183, %add3A_186 : vector<16xi32>
        %lt3A_188 = arith.constant 100 : i32
        %lt3A_189 = vector.broadcast %lt3A_188 : i32 to vector<16xi32>
        %lt3A_190 = arith.cmpi slt, %add3A_187, %lt3A_189 : vector<16xi32>
        %min3A_191 = arith.constant 99 : i32
        %min3A_192 = vector.broadcast %min3A_191 : i32 to vector<16xi32>
        %min3A_193 = arith.minsi %add3A_187, %min3A_192 : vector<16xi32>
        %jit3A_194 = arith.constant 50 : i32
        %div3A_195 = vector.broadcast %jit3A_194 : i32 to vector<16xi32>
        %div3A_196 = arith.divsi %min3A_193, %div3A_195 : vector<16xi32>
        %sign3A_197 = arith.constant 0 : i32
        %sign3A_198 = vector.broadcast %sign3A_197 : i32 to vector<16xi32>
        %sign3A_199 = arith.cmpi sgt, %min3A_193, %sign3A_198 : vector<16xi32>
        %sign3A_200 = arith.extui %sign3A_199 : vector<16xi1> to vector<16xi32>
        %sign3A_201 = arith.constant 0 : i32
        %sign3A_202 = vector.broadcast %sign3A_201 : i32 to vector<16xi32>
        %sign3A_203 = arith.cmpi slt, %min3A_193, %sign3A_202 : vector<16xi32>
        %sign3A_204 = arith.extui %sign3A_203 : vector<16xi1> to vector<16xi32>
        %sign3A_205 = arith.subi %sign3A_200, %sign3A_204 : vector<16xi32>
        %sign3A_206 = arith.constant 0 : i32
        %sign3A_207 = arith.cmpi sgt, %jit3A_194, %sign3A_206 : i32
        %sign3A_208 = arith.extui %sign3A_207 : i1 to i32
        %sign3A_209 = arith.constant 0 : i32
        %sign3A_210 = arith.cmpi slt, %jit3A_194, %sign3A_209 : i32
        %sign3A_211 = arith.extui %sign3A_210 : i1 to i32
        %sign3A_212 = arith.subi %sign3A_208, %sign3A_211 : i32
        %ne3A_213 = vector.broadcast %sign3A_212 : i32 to vector<16xi32>
        %ne3A_214 = arith.cmpi ne, %sign3A_205, %ne3A_213 : vector<16xi32>
        %rem3A_215 = vector.broadcast %jit3A_194 : i32 to vector<16xi32>
        %rem3A_216 = arith.remsi %min3A_193, %rem3A_215 : vector<16xi32>
        %ne3A_217 = arith.constant 0 : i32
        %ne3A_218 = vector.broadcast %ne3A_217 : i32 to vector<16xi32>
        %ne3A_219 = arith.cmpi ne, %rem3A_216, %ne3A_218 : vector<16xi32>
        %and3A_220 = arith.andi %ne3A_214, %ne3A_219 : vector<16xi1>
        %sub3A_221 = arith.constant 1 : i32
        %sub3A_222 = vector.broadcast %sub3A_221 : i32 to vector<16xi32>
        %sub3A_223 = arith.subi %div3A_196, %sub3A_222 : vector<16xi32>
        %select_n3A_224 = arith.select %and3A_220, %sub3A_223, %div3A_196 : vector<16xi1>, vector<16xi32>
        %mul3A_225 = arith.constant 50 : i32
        %mul3A_226 = vector.broadcast %mul3A_225 : i32 to vector<16xi32>
        %mul3A_227 = arith.muli %select_n3A_224, %mul3A_226 : vector<16xi32>
        %sub3A_228 = arith.subi %min3A_193, %mul3A_227 : vector<16xi32>
        %gather3A_229 = tpu.vector_load_idx %arg6[%select_n3A_224, %sub3A_228] masked %lt3A_190 : memref<2x50xi32, #tpu.memory_space<vmem>>[vector<16xi32>, vector<16xi32>], vector<16xi32>, vector<16xi1>
        tpu.vector_store_idx %arg8[%min3A_193], %gather3A_229 masked %lt3A_190 : memref<100xi32, #tpu.memory_space<vmem>>[vector<16xi32>], vector<16xi32>, vector<16xi1>
        %scan3A_230 = arith.constant 1 : i32
        %scan3A_231 = arith.addi %scan3A_182, %scan3A_230 : i32
        %iota3A_232 = tpu.iota {dimensions = array<i32: 0>} : vector<16xi32>
        %mul3A_233 = arith.constant 16 : i32
        %mul3A_234 = arith.muli %scan3A_231, %mul3A_233 : i32
        %add3A_235 = vector.broadcast %mul3A_234 : i32 to vector<16xi32>
        %add3A_236 = arith.addi %iota3A_232, %add3A_235 : vector<16xi32>
        %lt3A_237 = arith.constant 100 : i32
        %lt3A_238 = vector.broadcast %lt3A_237 : i32 to vector<16xi32>
        %lt3A_239 = arith.cmpi slt, %add3A_236, %lt3A_238 : vector<16xi32>
        %min3A_240 = arith.constant 99 : i32
        %min3A_241 = vector.broadcast %min3A_240 : i32 to vector<16xi32>
        %min3A_242 = arith.minsi %add3A_236, %min3A_241 : vector<16xi32>
        %jit3A_243 = arith.constant 50 : i32
        %div3A_244 = vector.broadcast %jit3A_243 : i32 to vector<16xi32>
        %div3A_245 = arith.divsi %min3A_242, %div3A_244 : vector<16xi32>
        %sign3A_246 = arith.constant 0 : i32
        %sign3A_247 = vector.broadcast %sign3A_246 : i32 to vector<16xi32>
        %sign3A_248 = arith.cmpi sgt, %min3A_242, %sign3A_247 : vector<16xi32>
        %sign3A_249 = arith.extui %sign3A_248 : vector<16xi1> to vector<16xi32>
        %sign3A_250 = arith.constant 0 : i32
        %sign3A_251 = vector.broadcast %sign3A_250 : i32 to vector<16xi32>
        %sign3A_252 = arith.cmpi slt, %min3A_242, %sign3A_251 : vector<16xi32>
        %sign3A_253 = arith.extui %sign3A_252 : vector<16xi1> to vector<16xi32>
        %sign3A_254 = arith.subi %sign3A_249, %sign3A_253 : vector<16xi32>
        %sign3A_255 = arith.constant 0 : i32
        %sign3A_256 = arith.cmpi sgt, %jit3A_243, %sign3A_255 : i32
        %sign3A_257 = arith.extui %sign3A_256 : i1 to i32
        %sign3A_258 = arith.constant 0 : i32
        %sign3A_259 = arith.cmpi slt, %jit3A_243, %sign3A_258 : i32
        %sign3A_260 = arith.extui %sign3A_259 : i1 to i32
        %sign3A_261 = arith.subi %sign3A_257, %sign3A_260 : i32
        %ne3A_262 = vector.broadcast %sign3A_261 : i32 to vector<16xi32>
        %ne3A_263 = arith.cmpi ne, %sign3A_254, %ne3A_262 : vector<16xi32>
        %rem3A_264 = vector.broadcast %jit3A_243 : i32 to vector<16xi32>
        %rem3A_265 = arith.remsi %min3A_242, %rem3A_264 : vector<16xi32>
        %ne3A_266 = arith.constant 0 : i32
        %ne3A_267 = vector.broadcast %ne3A_266 : i32 to vector<16xi32>
        %ne3A_268 = arith.cmpi ne, %rem3A_265, %ne3A_267 : vector<16xi32>
        %and3A_269 = arith.andi %ne3A_263, %ne3A_268 : vector<16xi1>
        %sub3A_270 = arith.constant 1 : i32
        %sub3A_271 = vector.broadcast %sub3A_270 : i32 to vector<16xi32>
        %sub3A_272 = arith.subi %div3A_245, %sub3A_271 : vector<16xi32>
        %select_n3A_273 = arith.select %and3A_269, %sub3A_272, %div3A_245 : vector<16xi1>, vector<16xi32>
        %mul3A_274 = arith.constant 50 : i32
        %mul3A_275 = vector.broadcast %mul3A_274 : i32 to vector<16xi32>
        %mul3A_276 = arith.muli %select_n3A_273, %mul3A_275 : vector<16xi32>
        %sub3A_277 = arith.subi %min3A_242, %mul3A_276 : vector<16xi32>
        %gather3A_278 = tpu.vector_load_idx %arg6[%select_n3A_273, %sub3A_277] masked %lt3A_239 : memref<2x50xi32, #tpu.memory_space<vmem>>[vector<16xi32>, vector<16xi32>], vector<16xi32>, vector<16xi1>
        tpu.vector_store_idx %arg8[%min3A_242], %gather3A_278 masked %lt3A_239 : memref<100xi32, #tpu.memory_space<vmem>>[vector<16xi32>], vector<16xi32>, vector<16xi1>
      }
      %scan3A_75 = arith.constant 6 : i32
      %scan3A_76 = arith.addi %scan3A_71, %scan3A_75 : i32
      %iota3A_77 = tpu.iota {dimensions = array<i32: 0>} : vector<16xi32>
      %mul3A_78 = arith.constant 16 : i32
      %mul3A_79 = arith.muli %scan3A_76, %mul3A_78 : i32
      %add3A_80 = vector.broadcast %mul3A_79 : i32 to vector<16xi32>
      %add3A_81 = arith.addi %iota3A_77, %add3A_80 : vector<16xi32>
      %lt3A_82 = arith.constant 100 : i32
      %lt3A_83 = vector.broadcast %lt3A_82 : i32 to vector<16xi32>
      %lt3A_84 = arith.cmpi slt, %add3A_81, %lt3A_83 : vector<16xi32>
      %min3A_85 = arith.constant 99 : i32
      %min3A_86 = vector.broadcast %min3A_85 : i32 to vector<16xi32>
      %min3A_87 = arith.minsi %add3A_81, %min3A_86 : vector<16xi32>
      %jit3A_88 = arith.constant 50 : i32
      %div3A_89 = vector.broadcast %jit3A_88 : i32 to vector<16xi32>
      %div3A_90 = arith.divsi %min3A_87, %div3A_89 : vector<16xi32>
      %sign3A_91 = arith.constant 0 : i32
      %sign3A_92 = vector.broadcast %sign3A_91 : i32 to vector<16xi32>
      %sign3A_93 = arith.cmpi sgt, %min3A_87, %sign3A_92 : vector<16xi32>
      %sign3A_94 = arith.extui %sign3A_93 : vector<16xi1> to vector<16xi32>
      %sign3A_95 = arith.constant 0 : i32
      %sign3A_96 = vector.broadcast %sign3A_95 : i32 to vector<16xi32>
      %sign3A_97 = arith.cmpi slt, %min3A_87, %sign3A_96 : vector<16xi32>
      %sign3A_98 = arith.extui %sign3A_97 : vector<16xi1> to vector<16xi32>
      %sign3A_99 = arith.subi %sign3A_94, %sign3A_98 : vector<16xi32>
      %sign3A_100 = arith.constant 0 : i32
      %sign3A_101 = arith.cmpi sgt, %jit3A_88, %sign3A_100 : i32
      %sign3A_102 = arith.extui %sign3A_101 : i1 to i32
      %sign3A_103 = arith.constant 0 : i32
      %sign3A_104 = arith.cmpi slt, %jit3A_88, %sign3A_103 : i32
      %sign3A_105 = arith.extui %sign3A_104 : i1 to i32
      %sign3A_106 = arith.subi %sign3A_102, %sign3A_105 : i32
      %ne3A_107 = vector.broadcast %sign3A_106 : i32 to vector<16xi32>
      %ne3A_108 = arith.cmpi ne, %sign3A_99, %ne3A_107 : vector<16xi32>
      %rem3A_109 = vector.broadcast %jit3A_88 : i32 to vector<16xi32>
      %rem3A_110 = arith.remsi %min3A_87, %rem3A_109 : vector<16xi32>
      %ne3A_111 = arith.constant 0 : i32
      %ne3A_112 = vector.broadcast %ne3A_111 : i32 to vector<16xi32>
      %ne3A_113 = arith.cmpi ne, %rem3A_110, %ne3A_112 : vector<16xi32>
      %and3A_114 = arith.andi %ne3A_108, %ne3A_113 : vector<16xi1>
      %sub3A_115 = arith.constant 1 : i32
      %sub3A_116 = vector.broadcast %sub3A_115 : i32 to vector<16xi32>
      %sub3A_117 = arith.subi %div3A_90, %sub3A_116 : vector<16xi32>
      %select_n3A_118 = arith.select %and3A_114, %sub3A_117, %div3A_90 : vector<16xi1>, vector<16xi32>
      %mul3A_119 = arith.constant 50 : i32
      %mul3A_120 = vector.broadcast %mul3A_119 : i32 to vector<16xi32>
      %mul3A_121 = arith.muli %select_n3A_118, %mul3A_120 : vector<16xi32>
      %sub3A_122 = arith.subi %min3A_87, %mul3A_121 : vector<16xi32>
      %gather3A_123 = tpu.vector_load_idx %arg6[%select_n3A_118, %sub3A_122] masked %lt3A_84 : memref<2x50xi32, #tpu.memory_space<vmem>>[vector<16xi32>, vector<16xi32>], vector<16xi32>, vector<16xi1>
      tpu.vector_store_idx %arg8[%min3A_87], %gather3A_123 masked %lt3A_84 : memref<100xi32, #tpu.memory_space<vmem>>[vector<16xi32>], vector<16xi32>, vector<16xi1>
      %scan3A_124 = arith.constant 7 : i32
      %dma_start3A_125 = arith.constant 0 : i32
      %dma_start3A_126 = arith.constant 0 : i32
      %dma_start3A_127 = tpu.memref_slice %arg3[%dma_start3A_125, %dma_start3A_126] : memref<100000x432xf32, #tpu.memory_space<hbm>> -> memref<100000x432xf32, #tpu.memory_space<hbm>>
      tpu.enqueue_indirect_dma source(%dma_start3A_127 : memref<100000x432xf32, #tpu.memory_space<hbm>>) target(%arg10 : memref<100x432xf32, #tpu.memory_space<vmem>>) offsets(%arg8 : memref<100xi32, #tpu.memory_space<vmem>>) semaphore(%arg13 : memref<!tpu.dma_semaphore, #tpu.memory_space<semaphore_mem>>)
      %dma_wait3A_128 = arith.constant 0 : i32
      %dma_wait3A_129 = arith.constant 0 : i32
      %dma_wait3A_130 = tpu.memref_slice %arg3[%dma_wait3A_128, %dma_wait3A_129] : memref<100000x432xf32, #tpu.memory_space<hbm>> -> memref<100000x432xf32, #tpu.memory_space<hbm>>
      tpu.wait_indirect_dma semaphore(%arg12 : memref<!tpu.dma_semaphore, #tpu.memory_space<semaphore_mem>>) src(%dma_wait3A_130 : memref<100000x432xf32, #tpu.memory_space<hbm>>) dst(%arg9 : memref<100x432xf32, #tpu.memory_space<vmem>>)
      %gt3A = arith.constant 0 : i32
      %gt3A_131 = arith.cmpi sgt, %scan3A_62, %gt3A : i32
      %convert_element_type3A = arith.extui %gt3A_131 : i1 to i32
      %cond3A = arith.constant 0 : i32
      %cond3A_132 = arith.cmpi ne, %convert_element_type3A, %cond3A : i32
      scf.if %cond3A_132 {
        %sub3A_182 = arith.constant 1 : i32
        %sub3A_183 = arith.subi %mul3A_64, %sub3A_182 : i32
        %mul3A_184 = arith.constant 2 : i32
        %mul3A_185 = arith.muli %sub3A_183, %mul3A_184 : i32
        %add3A_186 = arith.addi %mul3A_2, %mul3A_185 : i32
        %dma_wait3A_187 = arith.constant 0 : i32
        %dma_wait3A_188 = arith.constant 0 : i32
        %dma_wait3A_189 = tpu.memref_slice %arg4[%add3A_186, %dma_wait3A_187, %dma_wait3A_188] : memref<4096x50x432xf32, #tpu.memory_space<hbm>> -> memref<2x50x432xf32, #tpu.memory_space<hbm>>
        %dma_wait3A_190 = arith.constant 0 : i32
        %dma_wait3A_191 = arith.constant 0 : i32
        %dma_wait3A_192 = tpu.memref_slice %arg4[%add3A_186, %dma_wait3A_190, %dma_wait3A_191] : memref<4096x50x432xf32, #tpu.memory_space<hbm>> -> memref<2x50x432xf32, #tpu.memory_space<hbm>>
        tpu.wait_dma2 semaphore(%arg14 : memref<!tpu.dma_semaphore, #tpu.memory_space<semaphore_mem>>) src(%arg11 : memref<2x50x432xf32, #tpu.memory_space<vmem>>) dst(%dma_wait3A_192 : memref<2x50x432xf32, #tpu.memory_space<hbm>>)
      } else {
      }
      %scan3A_133 = arith.constant 0 : i32
      %scan3A_134 = arith.constant 0 : i32
      %scan3A_135 = arith.constant 50 : i32
      %scan3A_136 = arith.addi %scan3A_134, %scan3A_135 : i32
      %scan3A_137 = arith.constant 2 : i32
      scf.for %scan3A_182 = %scan3A_134 to %scan3A_136 step %scan3A_137  : i32 {
        %add3A_183 = arith.constant 0 : i32
        %add3A_184 = arith.addi %add3A_183, %scan3A_182 : i32
        %get3A = arith.index_cast %add3A_184 : i32 to index
        %get3A_185 = arith.constant 0 : index
        %get3A_186 = tpu.vector_load %arg9[%get3A, %get3A_185] {strides = array<i32>} : memref<100x432xf32, #tpu.memory_space<vmem>>, vector<16xf32>,
        %swap3A = arith.constant 0 : i32
        %swap3A_187 = arith.index_cast %swap3A : i32 to index
        %swap3A_188 = arith.index_cast %scan3A_182 : i32 to index
        %swap3A_189 = arith.constant 0 : index
        %swap3A_190 = tpu.vector_load %arg11[%swap3A_187, %swap3A_188, %swap3A_189] {strides = array<i32>} : memref<2x50x432xf32, #tpu.memory_space<vmem>>, vector<16xf32>,
        tpu.vector_store %arg11[%swap3A_187, %swap3A_188, %swap3A_189], %get3A_186 {strides = array<i32>} : memref<2x50x432xf32, #tpu.memory_space<vmem>>, vector<16xf32>,
        %add3A_191 = arith.constant 0 : i32
        %add3A_192 = arith.addi %add3A_191, %scan3A_182 : i32
        %get3A_193 = arith.index_cast %add3A_192 : i32 to index
        %get3A_194 = arith.constant 16 : index
        %get3A_195 = tpu.vector_load %arg9[%get3A_193, %get3A_194] {strides = array<i32>} : memref<100x432xf32, #tpu.memory_space<vmem>>, vector<16xf32>,
        %swap3A_196 = arith.constant 0 : i32
        %swap3A_197 = arith.index_cast %swap3A_196 : i32 to index
        %swap3A_198 = arith.index_cast %scan3A_182 : i32 to index
        %swap3A_199 = arith.constant 16 : index
        %swap3A_200 = tpu.vector_load %arg11[%swap3A_197, %swap3A_198, %swap3A_199] {strides = array<i32>} : memref<2x50x432xf32, #tpu.memory_space<vmem>>, vector<16xf32>,
        tpu.vector_store %arg11[%swap3A_197, %swap3A_198, %swap3A_199], %get3A_195 {strides = array<i32>} : memref<2x50x432xf32, #tpu.memory_space<vmem>>, vector<16xf32>,
        %add3A_201 = arith.constant 0 : i32
        %add3A_202 = arith.addi %add3A_201, %scan3A_182 : i32
        %get3A_203 = arith.index_cast %add3A_202 : i32 to index
        %get3A_204 = arith.constant 32 : index
        %get3A_205 = tpu.vector_load %arg9[%get3A_203, %get3A_204] {strides = array<i32>} : memref<100x432xf32, #tpu.memory_space<vmem>>, vector<16xf32>,
        %swap3A_206 = arith.constant 0 : i32
        %swap3A_207 = arith.index_cast %swap3A_206 : i32 to index
        %swap3A_208 = arith.index_cast %scan3A_182 : i32 to index
        %swap3A_209 = arith.constant 32 : index
        %swap3A_210 = tpu.vector_load %arg11[%swap3A_207, %swap3A_208, %swap3A_209] {strides = array<i32>} : memref<2x50x432xf32, #tpu.memory_space<vmem>>, vector<16xf32>,
        tpu.vector_store %arg11[%swap3A_207, %swap3A_208, %swap3A_209], %get3A_205 {strides = array<i32>} : memref<2x50x432xf32, #tpu.memory_space<vmem>>, vector<16xf32>,
        %add3A_211 = arith.constant 0 : i32
        %add3A_212 = arith.addi %add3A_211, %scan3A_182 : i32
        %get3A_213 = arith.index_cast %add3A_212 : i32 to index
        %get3A_214 = arith.constant 48 : index
        %get3A_215 = tpu.vector_load %arg9[%get3A_213, %get3A_214] {strides = array<i32>} : memref<100x432xf32, #tpu.memory_space<vmem>>, vector<16xf32>,
        %swap3A_216 = arith.constant 0 : i32
        %swap3A_217 = arith.index_cast %swap3A_216 : i32 to index
        %swap3A_218 = arith.index_cast %scan3A_182 : i32 to index
        %swap3A_219 = arith.constant 48 : index
        %swap3A_220 = tpu.vector_load %arg11[%swap3A_217, %swap3A_218, %swap3A_219] {strides = array<i32>} : memref<2x50x432xf32, #tpu.memory_space<vmem>>, vector<16xf32>,
        tpu.vector_store %arg11[%swap3A_217, %swap3A_218, %swap3A_219], %get3A_215 {strides = array<i32>} : memref<2x50x432xf32, #tpu.memory_space<vmem>>, vector<16xf32>,
        %add3A_221 = arith.constant 0 : i32
        %add3A_222 = arith.addi %add3A_221, %scan3A_182 : i32
        %get3A_223 = arith.index_cast %add3A_222 : i32 to index
        %get3A_224 = arith.constant 64 : index
        %get3A_225 = tpu.vector_load %arg9[%get3A_223, %get3A_224] {strides = array<i32>} : memref<100x432xf32, #tpu.memory_space<vmem>>, vector<16xf32>,
        %swap3A_226 = arith.constant 0 : i32
        %swap3A_227 = arith.index_cast %swap3A_226 : i32 to index
        %swap3A_228 = arith.index_cast %scan3A_182 : i32 to index
        %swap3A_229 = arith.constant 64 : index
        %swap3A_230 = tpu.vector_load %arg11[%swap3A_227, %swap3A_228, %swap3A_229] {strides = array<i32>} : memref<2x50x432xf32, #tpu.memory_space<vmem>>, vector<16xf32>,
        tpu.vector_store %arg11[%swap3A_227, %swap3A_228, %swap3A_229], %get3A_225 {strides = array<i32>} : memref<2x50x432xf32, #tpu.memory_space<vmem>>, vector<16xf32>,
        %add3A_231 = arith.constant 0 : i32
        %add3A_232 = arith.addi %add3A_231, %scan3A_182 : i32
        %get3A_233 = arith.index_cast %add3A_232 : i32 to index
        %get3A_234 = arith.constant 80 : index
        %get3A_235 = tpu.vector_load %arg9[%get3A_233, %get3A_234] {strides = array<i32>} : memref<100x432xf32, #tpu.memory_space<vmem>>, vector<16xf32>,
        %swap3A_236 = arith.constant 0 : i32
        %swap3A_237 = arith.index_cast %swap3A_236 : i32 to index
        %swap3A_238 = arith.index_cast %scan3A_182 : i32 to index
        %swap3A_239 = arith.constant 80 : index
        %swap3A_240 = tpu.vector_load %arg11[%swap3A_237, %swap3A_238, %swap3A_239] {strides = array<i32>} : memref<2x50x432xf32, #tpu.memory_space<vmem>>, vector<16xf32>,
        tpu.vector_store %arg11[%swap3A_237, %swap3A_238, %swap3A_239], %get3A_235 {strides = array<i32>} : memref<2x50x432xf32, #tpu.memory_space<vmem>>, vector<16xf32>,
        %add3A_241 = arith.constant 0 : i32
        %add3A_242 = arith.addi %add3A_241, %scan3A_182 : i32
        %get3A_243 = arith.index_cast %add3A_242 : i32 to index
        %get3A_244 = arith.constant 96 : index
        %get3A_245 = tpu.vector_load %arg9[%get3A_243, %get3A_244] {strides = array<i32>} : memref<100x432xf32, #tpu.memory_space<vmem>>, vector<16xf32>,
        %swap3A_246 = arith.constant 0 : i32
        %swap3A_247 = arith.index_cast %swap3A_246 : i32 to index
        %swap3A_248 = arith.index_cast %scan3A_182 : i32 to index
        %swap3A_249 = arith.constant 96 : index
        %swap3A_250 = tpu.vector_load %arg11[%swap3A_247, %swap3A_248, %swap3A_249] {strides = array<i32>} : memref<2x50x432xf32, #tpu.memory_space<vmem>>, vector<16xf32>,
        tpu.vector_store %arg11[%swap3A_247, %swap3A_248, %swap3A_249], %get3A_245 {strides = array<i32>} : memref<2x50x432xf32, #tpu.memory_space<vmem>>, vector<16xf32>,
        %add3A_251 = arith.constant 0 : i32
        %add3A_252 = arith.addi %add3A_251, %scan3A_182 : i32
        %get3A_253 = arith.index_cast %add3A_252 : i32 to index
        %get3A_254 = arith.constant 112 : index
        %get3A_255 = tpu.vector_load %arg9[%get3A_253, %get3A_254] {strides = array<i32>} : memref<100x432xf32, #tpu.memory_space<vmem>>, vector<16xf32>,
        %swap3A_256 = arith.constant 0 : i32
        %swap3A_257 = arith.index_cast %swap3A_256 : i32 to index
        %swap3A_258 = arith.index_cast %scan3A_182 : i32 to index
        %swap3A_259 = arith.constant 112 : index
        %swap3A_260 = tpu.vector_load %arg11[%swap3A_257, %swap3A_258, %swap3A_259] {strides = array<i32>} : memref<2x50x432xf32, #tpu.memory_space<vmem>>, vector<16xf32>,
        tpu.vector_store %arg11[%swap3A_257, %swap3A_258, %swap3A_259], %get3A_255 {strides = array<i32>} : memref<2x50x432xf32, #tpu.memory_space<vmem>>, vector<16xf32>,
        %add3A_261 = arith.constant 0 : i32
        %add3A_262 = arith.addi %add3A_261, %scan3A_182 : i32
        %get3A_263 = arith.index_cast %add3A_262 : i32 to index
        %get3A_264 = arith.constant 128 : index
        %get3A_265 = tpu.vector_load %arg9[%get3A_263, %get3A_264] {strides = array<i32>} : memref<100x432xf32, #tpu.memory_space<vmem>>, vector<16xf32>,
        %swap3A_266 = arith.constant 0 : i32
        %swap3A_267 = arith.index_cast %swap3A_266 : i32 to index
        %swap3A_268 = arith.index_cast %scan3A_182 : i32 to index
        %swap3A_269 = arith.constant 128 : index
        %swap3A_270 = tpu.vector_load %arg11[%swap3A_267, %swap3A_268, %swap3A_269] {strides = array<i32>} : memref<2x50x432xf32, #tpu.memory_space<vmem>>, vector<16xf32>,
        tpu.vector_store %arg11[%swap3A_267, %swap3A_268, %swap3A_269], %get3A_265 {strides = array<i32>} : memref<2x50x432xf32, #tpu.memory_space<vmem>>, vector<16xf32>,
        %add3A_271 = arith.constant 0 : i32
        %add3A_272 = arith.addi %add3A_271, %scan3A_182 : i32
        %get3A_273 = arith.index_cast %add3A_272 : i32 to index
        %get3A_274 = arith.constant 144 : index
        %get3A_275 = tpu.vector_load %arg9[%get3A_273, %get3A_274] {strides = array<i32>} : memref<100x432xf32, #tpu.memory_space<vmem>>, vector<16xf32>,
        %swap3A_276 = arith.constant 0 : i32
        %swap3A_277 = arith.index_cast %swap3A_276 : i32 to index
        %swap3A_278 = arith.index_cast %scan3A_182 : i32 to index
        %swap3A_279 = arith.constant 144 : index
        %swap3A_280 = tpu.vector_load %arg11[%swap3A_277, %swap3A_278, %swap3A_279] {strides = array<i32>} : memref<2x50x432xf32, #tpu.memory_space<vmem>>, vector<16xf32>,
        tpu.vector_store %arg11[%swap3A_277, %swap3A_278, %swap3A_279], %get3A_275 {strides = array<i32>} : memref<2x50x432xf32, #tpu.memory_space<vmem>>, vector<16xf32>,
        %add3A_281 = arith.constant 0 : i32
        %add3A_282 = arith.addi %add3A_281, %scan3A_182 : i32
        %get3A_283 = arith.index_cast %add3A_282 : i32 to index
        %get3A_284 = arith.constant 160 : index
        %get3A_285 = tpu.vector_load %arg9[%get3A_283, %get3A_284] {strides = array<i32>} : memref<100x432xf32, #tpu.memory_space<vmem>>, vector<16xf32>,
        %swap3A_286 = arith.constant 0 : i32
        %swap3A_287 = arith.index_cast %swap3A_286 : i32 to index
        %swap3A_288 = arith.index_cast %scan3A_182 : i32 to index
        %swap3A_289 = arith.constant 160 : index
        %swap3A_290 = tpu.vector_load %arg11[%swap3A_287, %swap3A_288, %swap3A_289] {strides = array<i32>} : memref<2x50x432xf32, #tpu.memory_space<vmem>>, vector<16xf32>,
        tpu.vector_store %arg11[%swap3A_287, %swap3A_288, %swap3A_289], %get3A_285 {strides = array<i32>} : memref<2x50x432xf32, #tpu.memory_space<vmem>>, vector<16xf32>,
        %add3A_291 = arith.constant 0 : i32
        %add3A_292 = arith.addi %add3A_291, %scan3A_182 : i32
        %get3A_293 = arith.index_cast %add3A_292 : i32 to index
        %get3A_294 = arith.constant 176 : index
        %get3A_295 = tpu.vector_load %arg9[%get3A_293, %get3A_294] {strides = array<i32>} : memref<100x432xf32, #tpu.memory_space<vmem>>, vector<16xf32>,
        %swap3A_296 = arith.constant 0 : i32
        %swap3A_297 = arith.index_cast %swap3A_296 : i32 to index
        %swap3A_298 = arith.index_cast %scan3A_182 : i32 to index
        %swap3A_299 = arith.constant 176 : index
        %swap3A_300 = tpu.vector_load %arg11[%swap3A_297, %swap3A_298, %swap3A_299] {strides = array<i32>} : memref<2x50x432xf32, #tpu.memory_space<vmem>>, vector<16xf32>,
        tpu.vector_store %arg11[%swap3A_297, %swap3A_298, %swap3A_299], %get3A_295 {strides = array<i32>} : memref<2x50x432xf32, #tpu.memory_space<vmem>>, vector<16xf32>,
        %add3A_301 = arith.constant 0 : i32
        %add3A_302 = arith.addi %add3A_301, %scan3A_182 : i32
        %get3A_303 = arith.index_cast %add3A_302 : i32 to index
        %get3A_304 = arith.constant 192 : index
        %get3A_305 = tpu.vector_load %arg9[%get3A_303, %get3A_304] {strides = array<i32>} : memref<100x432xf32, #tpu.memory_space<vmem>>, vector<16xf32>,
        %swap3A_306 = arith.constant 0 : i32
        %swap3A_307 = arith.index_cast %swap3A_306 : i32 to index
        %swap3A_308 = arith.index_cast %scan3A_182 : i32 to index
        %swap3A_309 = arith.constant 192 : index
        %swap3A_310 = tpu.vector_load %arg11[%swap3A_307, %swap3A_308, %swap3A_309] {strides = array<i32>} : memref<2x50x432xf32, #tpu.memory_space<vmem>>, vector<16xf32>,
        tpu.vector_store %arg11[%swap3A_307, %swap3A_308, %swap3A_309], %get3A_305 {strides = array<i32>} : memref<2x50x432xf32, #tpu.memory_space<vmem>>, vector<16xf32>,
        %add3A_311 = arith.constant 0 : i32
        %add3A_312 = arith.addi %add3A_311, %scan3A_182 : i32
        %get3A_313 = arith.index_cast %add3A_312 : i32 to index
        %get3A_314 = arith.constant 208 : index
        %get3A_315 = tpu.vector_load %arg9[%get3A_313, %get3A_314] {strides = array<i32>} : memref<100x432xf32, #tpu.memory_space<vmem>>, vector<16xf32>,
        %swap3A_316 = arith.constant 0 : i32
        %swap3A_317 = arith.index_cast %swap3A_316 : i32 to index
        %swap3A_318 = arith.index_cast %scan3A_182 : i32 to index
        %swap3A_319 = arith.constant 208 : index
        %swap3A_320 = tpu.vector_load %arg11[%swap3A_317, %swap3A_318, %swap3A_319] {strides = array<i32>} : memref<2x50x432xf32, #tpu.memory_space<vmem>>, vector<16xf32>,
        tpu.vector_store %arg11[%swap3A_317, %swap3A_318, %swap3A_319], %get3A_315 {strides = array<i32>} : memref<2x50x432xf32, #tpu.memory_space<vmem>>, vector<16xf32>,
        %add3A_321 = arith.constant 0 : i32
        %add3A_322 = arith.addi %add3A_321, %scan3A_182 : i32
        %get3A_323 = arith.index_cast %add3A_322 : i32 to index
        %get3A_324 = arith.constant 224 : index
        %get3A_325 = tpu.vector_load %arg9[%get3A_323, %get3A_324] {strides = array<i32>} : memref<100x432xf32, #tpu.memory_space<vmem>>, vector<16xf32>,
        %swap3A_326 = arith.constant 0 : i32
        %swap3A_327 = arith.index_cast %swap3A_326 : i32 to index
        %swap3A_328 = arith.index_cast %scan3A_182 : i32 to index
        %swap3A_329 = arith.constant 224 : index
        %swap3A_330 = tpu.vector_load %arg11[%swap3A_327, %swap3A_328, %swap3A_329] {strides = array<i32>} : memref<2x50x432xf32, #tpu.memory_space<vmem>>, vector<16xf32>,
        tpu.vector_store %arg11[%swap3A_327, %swap3A_328, %swap3A_329], %get3A_325 {strides = array<i32>} : memref<2x50x432xf32, #tpu.memory_space<vmem>>, vector<16xf32>,
        %add3A_331 = arith.constant 0 : i32
        %add3A_332 = arith.addi %add3A_331, %scan3A_182 : i32
        %get3A_333 = arith.index_cast %add3A_332 : i32 to index
        %get3A_334 = arith.constant 240 : index
        %get3A_335 = tpu.vector_load %arg9[%get3A_333, %get3A_334] {strides = array<i32>} : memref<100x432xf32, #tpu.memory_space<vmem>>, vector<16xf32>,
        %swap3A_336 = arith.constant 0 : i32
        %swap3A_337 = arith.index_cast %swap3A_336 : i32 to index
        %swap3A_338 = arith.index_cast %scan3A_182 : i32 to index
        %swap3A_339 = arith.constant 240 : index
        %swap3A_340 = tpu.vector_load %arg11[%swap3A_337, %swap3A_338, %swap3A_339] {strides = array<i32>} : memref<2x50x432xf32, #tpu.memory_space<vmem>>, vector<16xf32>,
        tpu.vector_store %arg11[%swap3A_337, %swap3A_338, %swap3A_339], %get3A_335 {strides = array<i32>} : memref<2x50x432xf32, #tpu.memory_space<vmem>>, vector<16xf32>,
        %add3A_341 = arith.constant 0 : i32
        %add3A_342 = arith.addi %add3A_341, %scan3A_182 : i32
        %get3A_343 = arith.index_cast %add3A_342 : i32 to index
        %get3A_344 = arith.constant 256 : index
        %get3A_345 = tpu.vector_load %arg9[%get3A_343, %get3A_344] {strides = array<i32>} : memref<100x432xf32, #tpu.memory_space<vmem>>, vector<16xf32>,
        %swap3A_346 = arith.constant 0 : i32
        %swap3A_347 = arith.index_cast %swap3A_346 : i32 to index
        %swap3A_348 = arith.index_cast %scan3A_182 : i32 to index
        %swap3A_349 = arith.constant 256 : index
        %swap3A_350 = tpu.vector_load %arg11[%swap3A_347, %swap3A_348, %swap3A_349] {strides = array<i32>} : memref<2x50x432xf32, #tpu.memory_space<vmem>>, vector<16xf32>,
        tpu.vector_store %arg11[%swap3A_347, %swap3A_348, %swap3A_349], %get3A_345 {strides = array<i32>} : memref<2x50x432xf32, #tpu.memory_space<vmem>>, vector<16xf32>,
        %add3A_351 = arith.constant 0 : i32
        %add3A_352 = arith.addi %add3A_351, %scan3A_182 : i32
        %get3A_353 = arith.index_cast %add3A_352 : i32 to index
        %get3A_354 = arith.constant 272 : index
        %get3A_355 = tpu.vector_load %arg9[%get3A_353, %get3A_354] {strides = array<i32>} : memref<100x432xf32, #tpu.memory_space<vmem>>, vector<16xf32>,
        %swap3A_356 = arith.constant 0 : i32
        %swap3A_357 = arith.index_cast %swap3A_356 : i32 to index
        %swap3A_358 = arith.index_cast %scan3A_182 : i32 to index
        %swap3A_359 = arith.constant 272 : index
        %swap3A_360 = tpu.vector_load %arg11[%swap3A_357, %swap3A_358, %swap3A_359] {strides = array<i32>} : memref<2x50x432xf32, #tpu.memory_space<vmem>>, vector<16xf32>,
        tpu.vector_store %arg11[%swap3A_357, %swap3A_358, %swap3A_359], %get3A_355 {strides = array<i32>} : memref<2x50x432xf32, #tpu.memory_space<vmem>>, vector<16xf32>,
        %add3A_361 = arith.constant 0 : i32
        %add3A_362 = arith.addi %add3A_361, %scan3A_182 : i32
        %get3A_363 = arith.index_cast %add3A_362 : i32 to index
        %get3A_364 = arith.constant 288 : index
        %get3A_365 = tpu.vector_load %arg9[%get3A_363, %get3A_364] {strides = array<i32>} : memref<100x432xf32, #tpu.memory_space<vmem>>, vector<16xf32>,
        %swap3A_366 = arith.constant 0 : i32
        %swap3A_367 = arith.index_cast %swap3A_366 : i32 to index
        %swap3A_368 = arith.index_cast %scan3A_182 : i32 to index
        %swap3A_369 = arith.constant 288 : index
        %swap3A_370 = tpu.vector_load %arg11[%swap3A_367, %swap3A_368, %swap3A_369] {strides = array<i32>} : memref<2x50x432xf32, #tpu.memory_space<vmem>>, vector<16xf32>,
        tpu.vector_store %arg11[%swap3A_367, %swap3A_368, %swap3A_369], %get3A_365 {strides = array<i32>} : memref<2x50x432xf32, #tpu.memory_space<vmem>>, vector<16xf32>,
        %add3A_371 = arith.constant 0 : i32
        %add3A_372 = arith.addi %add3A_371, %scan3A_182 : i32
        %get3A_373 = arith.index_cast %add3A_372 : i32 to index
        %get3A_374 = arith.constant 304 : index
        %get3A_375 = tpu.vector_load %arg9[%get3A_373, %get3A_374] {strides = array<i32>} : memref<100x432xf32, #tpu.memory_space<vmem>>, vector<16xf32>,
        %swap3A_376 = arith.constant 0 : i32
        %swap3A_377 = arith.index_cast %swap3A_376 : i32 to index
        %swap3A_378 = arith.index_cast %scan3A_182 : i32 to index
        %swap3A_379 = arith.constant 304 : index
        %swap3A_380 = tpu.vector_load %arg11[%swap3A_377, %swap3A_378, %swap3A_379] {strides = array<i32>} : memref<2x50x432xf32, #tpu.memory_space<vmem>>, vector<16xf32>,
        tpu.vector_store %arg11[%swap3A_377, %swap3A_378, %swap3A_379], %get3A_375 {strides = array<i32>} : memref<2x50x432xf32, #tpu.memory_space<vmem>>, vector<16xf32>,
        %add3A_381 = arith.constant 0 : i32
        %add3A_382 = arith.addi %add3A_381, %scan3A_182 : i32
        %get3A_383 = arith.index_cast %add3A_382 : i32 to index
        %get3A_384 = arith.constant 320 : index
        %get3A_385 = tpu.vector_load %arg9[%get3A_383, %get3A_384] {strides = array<i32>} : memref<100x432xf32, #tpu.memory_space<vmem>>, vector<16xf32>,
        %swap3A_386 = arith.constant 0 : i32
        %swap3A_387 = arith.index_cast %swap3A_386 : i32 to index
        %swap3A_388 = arith.index_cast %scan3A_182 : i32 to index
        %swap3A_389 = arith.constant 320 : index
        %swap3A_390 = tpu.vector_load %arg11[%swap3A_387, %swap3A_388, %swap3A_389] {strides = array<i32>} : memref<2x50x432xf32, #tpu.memory_space<vmem>>, vector<16xf32>,
        tpu.vector_store %arg11[%swap3A_387, %swap3A_388, %swap3A_389], %get3A_385 {strides = array<i32>} : memref<2x50x432xf32, #tpu.memory_space<vmem>>, vector<16xf32>,
        %add3A_391 = arith.constant 0 : i32
        %add3A_392 = arith.addi %add3A_391, %scan3A_182 : i32
        %get3A_393 = arith.index_cast %add3A_392 : i32 to index
        %get3A_394 = arith.constant 336 : index
        %get3A_395 = tpu.vector_load %arg9[%get3A_393, %get3A_394] {strides = array<i32>} : memref<100x432xf32, #tpu.memory_space<vmem>>, vector<16xf32>,
        %swap3A_396 = arith.constant 0 : i32
        %swap3A_397 = arith.index_cast %swap3A_396 : i32 to index
        %swap3A_398 = arith.index_cast %scan3A_182 : i32 to index
        %swap3A_399 = arith.constant 336 : index
        %swap3A_400 = tpu.vector_load %arg11[%swap3A_397, %swap3A_398, %swap3A_399] {strides = array<i32>} : memref<2x50x432xf32, #tpu.memory_space<vmem>>, vector<16xf32>,
        tpu.vector_store %arg11[%swap3A_397, %swap3A_398, %swap3A_399], %get3A_395 {strides = array<i32>} : memref<2x50x432xf32, #tpu.memory_space<vmem>>, vector<16xf32>,
        %add3A_401 = arith.constant 0 : i32
        %add3A_402 = arith.addi %add3A_401, %scan3A_182 : i32
        %get3A_403 = arith.index_cast %add3A_402 : i32 to index
        %get3A_404 = arith.constant 352 : index
        %get3A_405 = tpu.vector_load %arg9[%get3A_403, %get3A_404] {strides = array<i32>} : memref<100x432xf32, #tpu.memory_space<vmem>>, vector<16xf32>,
        %swap3A_406 = arith.constant 0 : i32
        %swap3A_407 = arith.index_cast %swap3A_406 : i32 to index
        %swap3A_408 = arith.index_cast %scan3A_182 : i32 to index
        %swap3A_409 = arith.constant 352 : index
        %swap3A_410 = tpu.vector_load %arg11[%swap3A_407, %swap3A_408, %swap3A_409] {strides = array<i32>} : memref<2x50x432xf32, #tpu.memory_space<vmem>>, vector<16xf32>,
        tpu.vector_store %arg11[%swap3A_407, %swap3A_408, %swap3A_409], %get3A_405 {strides = array<i32>} : memref<2x50x432xf32, #tpu.memory_space<vmem>>, vector<16xf32>,
        %add3A_411 = arith.constant 0 : i32
        %add3A_412 = arith.addi %add3A_411, %scan3A_182 : i32
        %get3A_413 = arith.index_cast %add3A_412 : i32 to index
        %get3A_414 = arith.constant 368 : index
        %get3A_415 = tpu.vector_load %arg9[%get3A_413, %get3A_414] {strides = array<i32>} : memref<100x432xf32, #tpu.memory_space<vmem>>, vector<16xf32>,
        %swap3A_416 = arith.constant 0 : i32
        %swap3A_417 = arith.index_cast %swap3A_416 : i32 to index
        %swap3A_418 = arith.index_cast %scan3A_182 : i32 to index
        %swap3A_419 = arith.constant 368 : index
        %swap3A_420 = tpu.vector_load %arg11[%swap3A_417, %swap3A_418, %swap3A_419] {strides = array<i32>} : memref<2x50x432xf32, #tpu.memory_space<vmem>>, vector<16xf32>,
        tpu.vector_store %arg11[%swap3A_417, %swap3A_418, %swap3A_419], %get3A_415 {strides = array<i32>} : memref<2x50x432xf32, #tpu.memory_space<vmem>>, vector<16xf32>,
        %add3A_421 = arith.constant 0 : i32
        %add3A_422 = arith.addi %add3A_421, %scan3A_182 : i32
        %get3A_423 = arith.index_cast %add3A_422 : i32 to index
        %get3A_424 = arith.constant 384 : index
        %get3A_425 = tpu.vector_load %arg9[%get3A_423, %get3A_424] {strides = array<i32>} : memref<100x432xf32, #tpu.memory_space<vmem>>, vector<16xf32>,
        %swap3A_426 = arith.constant 0 : i32
        %swap3A_427 = arith.index_cast %swap3A_426 : i32 to index
        %swap3A_428 = arith.index_cast %scan3A_182 : i32 to index
        %swap3A_429 = arith.constant 384 : index
        %swap3A_430 = tpu.vector_load %arg11[%swap3A_427, %swap3A_428, %swap3A_429] {strides = array<i32>} : memref<2x50x432xf32, #tpu.memory_space<vmem>>, vector<16xf32>,
        tpu.vector_store %arg11[%swap3A_427, %swap3A_428, %swap3A_429], %get3A_425 {strides = array<i32>} : memref<2x50x432xf32, #tpu.memory_space<vmem>>, vector<16xf32>,
        %add3A_431 = arith.constant 0 : i32
        %add3A_432 = arith.addi %add3A_431, %scan3A_182 : i32
        %get3A_433 = arith.index_cast %add3A_432 : i32 to index
        %get3A_434 = arith.constant 400 : index
        %get3A_435 = tpu.vector_load %arg9[%get3A_433, %get3A_434] {strides = array<i32>} : memref<100x432xf32, #tpu.memory_space<vmem>>, vector<16xf32>,
        %swap3A_436 = arith.constant 0 : i32
        %swap3A_437 = arith.index_cast %swap3A_436 : i32 to index
        %swap3A_438 = arith.index_cast %scan3A_182 : i32 to index
        %swap3A_439 = arith.constant 400 : index
        %swap3A_440 = tpu.vector_load %arg11[%swap3A_437, %swap3A_438, %swap3A_439] {strides = array<i32>} : memref<2x50x432xf32, #tpu.memory_space<vmem>>, vector<16xf32>,
        tpu.vector_store %arg11[%swap3A_437, %swap3A_438, %swap3A_439], %get3A_435 {strides = array<i32>} : memref<2x50x432xf32, #tpu.memory_space<vmem>>, vector<16xf32>,
        %add3A_441 = arith.constant 0 : i32
        %add3A_442 = arith.addi %add3A_441, %scan3A_182 : i32
        %get3A_443 = arith.index_cast %add3A_442 : i32 to index
        %get3A_444 = arith.constant 416 : index
        %get3A_445 = tpu.vector_load %arg9[%get3A_443, %get3A_444] {strides = array<i32>} : memref<100x432xf32, #tpu.memory_space<vmem>>, vector<16xf32>,
        %swap3A_446 = arith.constant 0 : i32
        %swap3A_447 = arith.index_cast %swap3A_446 : i32 to index
        %swap3A_448 = arith.index_cast %scan3A_182 : i32 to index
        %swap3A_449 = arith.constant 416 : index
        %swap3A_450 = tpu.vector_load %arg11[%swap3A_447, %swap3A_448, %swap3A_449] {strides = array<i32>} : memref<2x50x432xf32, #tpu.memory_space<vmem>>, vector<16xf32>,
        tpu.vector_store %arg11[%swap3A_447, %swap3A_448, %swap3A_449], %get3A_445 {strides = array<i32>} : memref<2x50x432xf32, #tpu.memory_space<vmem>>, vector<16xf32>,
        %add3A_451 = arith.constant 50 : i32
        %add3A_452 = arith.addi %add3A_451, %scan3A_182 : i32
        %get3A_453 = arith.index_cast %add3A_452 : i32 to index
        %get3A_454 = arith.constant 0 : index
        %get3A_455 = tpu.vector_load %arg9[%get3A_453, %get3A_454] {strides = array<i32>} : memref<100x432xf32, #tpu.memory_space<vmem>>, vector<16xf32>,
        %swap3A_456 = arith.constant 1 : i32
        %swap3A_457 = arith.index_cast %swap3A_456 : i32 to index
        %swap3A_458 = arith.index_cast %scan3A_182 : i32 to index
        %swap3A_459 = arith.constant 0 : index
        %swap3A_460 = tpu.vector_load %arg11[%swap3A_457, %swap3A_458, %swap3A_459] {strides = array<i32>} : memref<2x50x432xf32, #tpu.memory_space<vmem>>, vector<16xf32>,
        tpu.vector_store %arg11[%swap3A_457, %swap3A_458, %swap3A_459], %get3A_455 {strides = array<i32>} : memref<2x50x432xf32, #tpu.memory_space<vmem>>, vector<16xf32>,
        %add3A_461 = arith.constant 50 : i32
        %add3A_462 = arith.addi %add3A_461, %scan3A_182 : i32
        %get3A_463 = arith.index_cast %add3A_462 : i32 to index
        %get3A_464 = arith.constant 16 : index
        %get3A_465 = tpu.vector_load %arg9[%get3A_463, %get3A_464] {strides = array<i32>} : memref<100x432xf32, #tpu.memory_space<vmem>>, vector<16xf32>,
        %swap3A_466 = arith.constant 1 : i32
        %swap3A_467 = arith.index_cast %swap3A_466 : i32 to index
        %swap3A_468 = arith.index_cast %scan3A_182 : i32 to index
        %swap3A_469 = arith.constant 16 : index
        %swap3A_470 = tpu.vector_load %arg11[%swap3A_467, %swap3A_468, %swap3A_469] {strides = array<i32>} : memref<2x50x432xf32, #tpu.memory_space<vmem>>, vector<16xf32>,
        tpu.vector_store %arg11[%swap3A_467, %swap3A_468, %swap3A_469], %get3A_465 {strides = array<i32>} : memref<2x50x432xf32, #tpu.memory_space<vmem>>, vector<16xf32>,
        %add3A_471 = arith.constant 50 : i32
        %add3A_472 = arith.addi %add3A_471, %scan3A_182 : i32
        %get3A_473 = arith.index_cast %add3A_472 : i32 to index
        %get3A_474 = arith.constant 32 : index
        %get3A_475 = tpu.vector_load %arg9[%get3A_473, %get3A_474] {strides = array<i32>} : memref<100x432xf32, #tpu.memory_space<vmem>>, vector<16xf32>,
        %swap3A_476 = arith.constant 1 : i32
        %swap3A_477 = arith.index_cast %swap3A_476 : i32 to index
        %swap3A_478 = arith.index_cast %scan3A_182 : i32 to index
        %swap3A_479 = arith.constant 32 : index
        %swap3A_480 = tpu.vector_load %arg11[%swap3A_477, %swap3A_478, %swap3A_479] {strides = array<i32>} : memref<2x50x432xf32, #tpu.memory_space<vmem>>, vector<16xf32>,
        tpu.vector_store %arg11[%swap3A_477, %swap3A_478, %swap3A_479], %get3A_475 {strides = array<i32>} : memref<2x50x432xf32, #tpu.memory_space<vmem>>, vector<16xf32>,
        %add3A_481 = arith.constant 50 : i32
        %add3A_482 = arith.addi %add3A_481, %scan3A_182 : i32
        %get3A_483 = arith.index_cast %add3A_482 : i32 to index
        %get3A_484 = arith.constant 48 : index
        %get3A_485 = tpu.vector_load %arg9[%get3A_483, %get3A_484] {strides = array<i32>} : memref<100x432xf32, #tpu.memory_space<vmem>>, vector<16xf32>,
        %swap3A_486 = arith.constant 1 : i32
        %swap3A_487 = arith.index_cast %swap3A_486 : i32 to index
        %swap3A_488 = arith.index_cast %scan3A_182 : i32 to index
        %swap3A_489 = arith.constant 48 : index
        %swap3A_490 = tpu.vector_load %arg11[%swap3A_487, %swap3A_488, %swap3A_489] {strides = array<i32>} : memref<2x50x432xf32, #tpu.memory_space<vmem>>, vector<16xf32>,
        tpu.vector_store %arg11[%swap3A_487, %swap3A_488, %swap3A_489], %get3A_485 {strides = array<i32>} : memref<2x50x432xf32, #tpu.memory_space<vmem>>, vector<16xf32>,
        %add3A_491 = arith.constant 50 : i32
        %add3A_492 = arith.addi %add3A_491, %scan3A_182 : i32
        %get3A_493 = arith.index_cast %add3A_492 : i32 to index
        %get3A_494 = arith.constant 64 : index
        %get3A_495 = tpu.vector_load %arg9[%get3A_493, %get3A_494] {strides = array<i32>} : memref<100x432xf32, #tpu.memory_space<vmem>>, vector<16xf32>,
        %swap3A_496 = arith.constant 1 : i32
        %swap3A_497 = arith.index_cast %swap3A_496 : i32 to index
        %swap3A_498 = arith.index_cast %scan3A_182 : i32 to index
        %swap3A_499 = arith.constant 64 : index
        %swap3A_500 = tpu.vector_load %arg11[%swap3A_497, %swap3A_498, %swap3A_499] {strides = array<i32>} : memref<2x50x432xf32, #tpu.memory_space<vmem>>, vector<16xf32>,
        tpu.vector_store %arg11[%swap3A_497, %swap3A_498, %swap3A_499], %get3A_495 {strides = array<i32>} : memref<2x50x432xf32, #tpu.memory_space<vmem>>, vector<16xf32>,
        %add3A_501 = arith.constant 50 : i32
        %add3A_502 = arith.addi %add3A_501, %scan3A_182 : i32
        %get3A_503 = arith.index_cast %add3A_502 : i32 to index
        %get3A_504 = arith.constant 80 : index
        %get3A_505 = tpu.vector_load %arg9[%get3A_503, %get3A_504] {strides = array<i32>} : memref<100x432xf32, #tpu.memory_space<vmem>>, vector<16xf32>,
        %swap3A_506 = arith.constant 1 : i32
        %swap3A_507 = arith.index_cast %swap3A_506 : i32 to index
        %swap3A_508 = arith.index_cast %scan3A_182 : i32 to index
        %swap3A_509 = arith.constant 80 : index
        %swap3A_510 = tpu.vector_load %arg11[%swap3A_507, %swap3A_508, %swap3A_509] {strides = array<i32>} : memref<2x50x432xf32, #tpu.memory_space<vmem>>, vector<16xf32>,
        tpu.vector_store %arg11[%swap3A_507, %swap3A_508, %swap3A_509], %get3A_505 {strides = array<i32>} : memref<2x50x432xf32, #tpu.memory_space<vmem>>, vector<16xf32>,
        %add3A_511 = arith.constant 50 : i32
        %add3A_512 = arith.addi %add3A_511, %scan3A_182 : i32
        %get3A_513 = arith.index_cast %add3A_512 : i32 to index
        %get3A_514 = arith.constant 96 : index
        %get3A_515 = tpu.vector_load %arg9[%get3A_513, %get3A_514] {strides = array<i32>} : memref<100x432xf32, #tpu.memory_space<vmem>>, vector<16xf32>,
        %swap3A_516 = arith.constant 1 : i32
        %swap3A_517 = arith.index_cast %swap3A_516 : i32 to index
        %swap3A_518 = arith.index_cast %scan3A_182 : i32 to index
        %swap3A_519 = arith.constant 96 : index
        %swap3A_520 = tpu.vector_load %arg11[%swap3A_517, %swap3A_518, %swap3A_519] {strides = array<i32>} : memref<2x50x432xf32, #tpu.memory_space<vmem>>, vector<16xf32>,
        tpu.vector_store %arg11[%swap3A_517, %swap3A_518, %swap3A_519], %get3A_515 {strides = array<i32>} : memref<2x50x432xf32, #tpu.memory_space<vmem>>, vector<16xf32>,
        %add3A_521 = arith.constant 50 : i32
        %add3A_522 = arith.addi %add3A_521, %scan3A_182 : i32
        %get3A_523 = arith.index_cast %add3A_522 : i32 to index
        %get3A_524 = arith.constant 112 : index
        %get3A_525 = tpu.vector_load %arg9[%get3A_523, %get3A_524] {strides = array<i32>} : memref<100x432xf32, #tpu.memory_space<vmem>>, vector<16xf32>,
        %swap3A_526 = arith.constant 1 : i32
        %swap3A_527 = arith.index_cast %swap3A_526 : i32 to index
        %swap3A_528 = arith.index_cast %scan3A_182 : i32 to index
        %swap3A_529 = arith.constant 112 : index
        %swap3A_530 = tpu.vector_load %arg11[%swap3A_527, %swap3A_528, %swap3A_529] {strides = array<i32>} : memref<2x50x432xf32, #tpu.memory_space<vmem>>, vector<16xf32>,
        tpu.vector_store %arg11[%swap3A_527, %swap3A_528, %swap3A_529], %get3A_525 {strides = array<i32>} : memref<2x50x432xf32, #tpu.memory_space<vmem>>, vector<16xf32>,
        %add3A_531 = arith.constant 50 : i32
        %add3A_532 = arith.addi %add3A_531, %scan3A_182 : i32
        %get3A_533 = arith.index_cast %add3A_532 : i32 to index
        %get3A_534 = arith.constant 128 : index
        %get3A_535 = tpu.vector_load %arg9[%get3A_533, %get3A_534] {strides = array<i32>} : memref<100x432xf32, #tpu.memory_space<vmem>>, vector<16xf32>,
        %swap3A_536 = arith.constant 1 : i32
        %swap3A_537 = arith.index_cast %swap3A_536 : i32 to index
        %swap3A_538 = arith.index_cast %scan3A_182 : i32 to index
        %swap3A_539 = arith.constant 128 : index
        %swap3A_540 = tpu.vector_load %arg11[%swap3A_537, %swap3A_538, %swap3A_539] {strides = array<i32>} : memref<2x50x432xf32, #tpu.memory_space<vmem>>, vector<16xf32>,
        tpu.vector_store %arg11[%swap3A_537, %swap3A_538, %swap3A_539], %get3A_535 {strides = array<i32>} : memref<2x50x432xf32, #tpu.memory_space<vmem>>, vector<16xf32>,
        %add3A_541 = arith.constant 50 : i32
        %add3A_542 = arith.addi %add3A_541, %scan3A_182 : i32
        %get3A_543 = arith.index_cast %add3A_542 : i32 to index
        %get3A_544 = arith.constant 144 : index
        %get3A_545 = tpu.vector_load %arg9[%get3A_543, %get3A_544] {strides = array<i32>} : memref<100x432xf32, #tpu.memory_space<vmem>>, vector<16xf32>,
        %swap3A_546 = arith.constant 1 : i32
        %swap3A_547 = arith.index_cast %swap3A_546 : i32 to index
        %swap3A_548 = arith.index_cast %scan3A_182 : i32 to index
        %swap3A_549 = arith.constant 144 : index
        %swap3A_550 = tpu.vector_load %arg11[%swap3A_547, %swap3A_548, %swap3A_549] {strides = array<i32>} : memref<2x50x432xf32, #tpu.memory_space<vmem>>, vector<16xf32>,
        tpu.vector_store %arg11[%swap3A_547, %swap3A_548, %swap3A_549], %get3A_545 {strides = array<i32>} : memref<2x50x432xf32, #tpu.memory_space<vmem>>, vector<16xf32>,
        %add3A_551 = arith.constant 50 : i32
        %add3A_552 = arith.addi %add3A_551, %scan3A_182 : i32
        %get3A_553 = arith.index_cast %add3A_552 : i32 to index
        %get3A_554 = arith.constant 160 : index
        %get3A_555 = tpu.vector_load %arg9[%get3A_553, %get3A_554] {strides = array<i32>} : memref<100x432xf32, #tpu.memory_space<vmem>>, vector<16xf32>,
        %swap3A_556 = arith.constant 1 : i32
        %swap3A_557 = arith.index_cast %swap3A_556 : i32 to index
        %swap3A_558 = arith.index_cast %scan3A_182 : i32 to index
        %swap3A_559 = arith.constant 160 : index
        %swap3A_560 = tpu.vector_load %arg11[%swap3A_557, %swap3A_558, %swap3A_559] {strides = array<i32>} : memref<2x50x432xf32, #tpu.memory_space<vmem>>, vector<16xf32>,
        tpu.vector_store %arg11[%swap3A_557, %swap3A_558, %swap3A_559], %get3A_555 {strides = array<i32>} : memref<2x50x432xf32, #tpu.memory_space<vmem>>, vector<16xf32>,
        %add3A_561 = arith.constant 50 : i32
        %add3A_562 = arith.addi %add3A_561, %scan3A_182 : i32
        %get3A_563 = arith.index_cast %add3A_562 : i32 to index
        %get3A_564 = arith.constant 176 : index
        %get3A_565 = tpu.vector_load %arg9[%get3A_563, %get3A_564] {strides = array<i32>} : memref<100x432xf32, #tpu.memory_space<vmem>>, vector<16xf32>,
        %swap3A_566 = arith.constant 1 : i32
        %swap3A_567 = arith.index_cast %swap3A_566 : i32 to index
        %swap3A_568 = arith.index_cast %scan3A_182 : i32 to index
        %swap3A_569 = arith.constant 176 : index
        %swap3A_570 = tpu.vector_load %arg11[%swap3A_567, %swap3A_568, %swap3A_569] {strides = array<i32>} : memref<2x50x432xf32, #tpu.memory_space<vmem>>, vector<16xf32>,
        tpu.vector_store %arg11[%swap3A_567, %swap3A_568, %swap3A_569], %get3A_565 {strides = array<i32>} : memref<2x50x432xf32, #tpu.memory_space<vmem>>, vector<16xf32>,
        %add3A_571 = arith.constant 50 : i32
        %add3A_572 = arith.addi %add3A_571, %scan3A_182 : i32
        %get3A_573 = arith.index_cast %add3A_572 : i32 to index
        %get3A_574 = arith.constant 192 : index
        %get3A_575 = tpu.vector_load %arg9[%get3A_573, %get3A_574] {strides = array<i32>} : memref<100x432xf32, #tpu.memory_space<vmem>>, vector<16xf32>,
        %swap3A_576 = arith.constant 1 : i32
        %swap3A_577 = arith.index_cast %swap3A_576 : i32 to index
        %swap3A_578 = arith.index_cast %scan3A_182 : i32 to index
        %swap3A_579 = arith.constant 192 : index
        %swap3A_580 = tpu.vector_load %arg11[%swap3A_577, %swap3A_578, %swap3A_579] {strides = array<i32>} : memref<2x50x432xf32, #tpu.memory_space<vmem>>, vector<16xf32>,
        tpu.vector_store %arg11[%swap3A_577, %swap3A_578, %swap3A_579], %get3A_575 {strides = array<i32>} : memref<2x50x432xf32, #tpu.memory_space<vmem>>, vector<16xf32>,
        %add3A_581 = arith.constant 50 : i32
        %add3A_582 = arith.addi %add3A_581, %scan3A_182 : i32
        %get3A_583 = arith.index_cast %add3A_582 : i32 to index
        %get3A_584 = arith.constant 208 : index
        %get3A_585 = tpu.vector_load %arg9[%get3A_583, %get3A_584] {strides = array<i32>} : memref<100x432xf32, #tpu.memory_space<vmem>>, vector<16xf32>,
        %swap3A_586 = arith.constant 1 : i32
        %swap3A_587 = arith.index_cast %swap3A_586 : i32 to index
        %swap3A_588 = arith.index_cast %scan3A_182 : i32 to index
        %swap3A_589 = arith.constant 208 : index
        %swap3A_590 = tpu.vector_load %arg11[%swap3A_587, %swap3A_588, %swap3A_589] {strides = array<i32>} : memref<2x50x432xf32, #tpu.memory_space<vmem>>, vector<16xf32>,
        tpu.vector_store %arg11[%swap3A_587, %swap3A_588, %swap3A_589], %get3A_585 {strides = array<i32>} : memref<2x50x432xf32, #tpu.memory_space<vmem>>, vector<16xf32>,
        %add3A_591 = arith.constant 50 : i32
        %add3A_592 = arith.addi %add3A_591, %scan3A_182 : i32
        %get3A_593 = arith.index_cast %add3A_592 : i32 to index
        %get3A_594 = arith.constant 224 : index
        %get3A_595 = tpu.vector_load %arg9[%get3A_593, %get3A_594] {strides = array<i32>} : memref<100x432xf32, #tpu.memory_space<vmem>>, vector<16xf32>,
        %swap3A_596 = arith.constant 1 : i32
        %swap3A_597 = arith.index_cast %swap3A_596 : i32 to index
        %swap3A_598 = arith.index_cast %scan3A_182 : i32 to index
        %swap3A_599 = arith.constant 224 : index
        %swap3A_600 = tpu.vector_load %arg11[%swap3A_597, %swap3A_598, %swap3A_599] {strides = array<i32>} : memref<2x50x432xf32, #tpu.memory_space<vmem>>, vector<16xf32>,
        tpu.vector_store %arg11[%swap3A_597, %swap3A_598, %swap3A_599], %get3A_595 {strides = array<i32>} : memref<2x50x432xf32, #tpu.memory_space<vmem>>, vector<16xf32>,
        %add3A_601 = arith.constant 50 : i32
        %add3A_602 = arith.addi %add3A_601, %scan3A_182 : i32
        %get3A_603 = arith.index_cast %add3A_602 : i32 to index
        %get3A_604 = arith.constant 240 : index
        %get3A_605 = tpu.vector_load %arg9[%get3A_603, %get3A_604] {strides = array<i32>} : memref<100x432xf32, #tpu.memory_space<vmem>>, vector<16xf32>,
        %swap3A_606 = arith.constant 1 : i32
        %swap3A_607 = arith.index_cast %swap3A_606 : i32 to index
        %swap3A_608 = arith.index_cast %scan3A_182 : i32 to index
        %swap3A_609 = arith.constant 240 : index
        %swap3A_610 = tpu.vector_load %arg11[%swap3A_607, %swap3A_608, %swap3A_609] {strides = array<i32>} : memref<2x50x432xf32, #tpu.memory_space<vmem>>, vector<16xf32>,
        tpu.vector_store %arg11[%swap3A_607, %swap3A_608, %swap3A_609], %get3A_605 {strides = array<i32>} : memref<2x50x432xf32, #tpu.memory_space<vmem>>, vector<16xf32>,
        %add3A_611 = arith.constant 50 : i32
        %add3A_612 = arith.addi %add3A_611, %scan3A_182 : i32
        %get3A_613 = arith.index_cast %add3A_612 : i32 to index
        %get3A_614 = arith.constant 256 : index
        %get3A_615 = tpu.vector_load %arg9[%get3A_613, %get3A_614] {strides = array<i32>} : memref<100x432xf32, #tpu.memory_space<vmem>>, vector<16xf32>,
        %swap3A_616 = arith.constant 1 : i32
        %swap3A_617 = arith.index_cast %swap3A_616 : i32 to index
        %swap3A_618 = arith.index_cast %scan3A_182 : i32 to index
        %swap3A_619 = arith.constant 256 : index
        %swap3A_620 = tpu.vector_load %arg11[%swap3A_617, %swap3A_618, %swap3A_619] {strides = array<i32>} : memref<2x50x432xf32, #tpu.memory_space<vmem>>, vector<16xf32>,
        tpu.vector_store %arg11[%swap3A_617, %swap3A_618, %swap3A_619], %get3A_615 {strides = array<i32>} : memref<2x50x432xf32, #tpu.memory_space<vmem>>, vector<16xf32>,
        %add3A_621 = arith.constant 50 : i32
        %add3A_622 = arith.addi %add3A_621, %scan3A_182 : i32
        %get3A_623 = arith.index_cast %add3A_622 : i32 to index
        %get3A_624 = arith.constant 272 : index
        %get3A_625 = tpu.vector_load %arg9[%get3A_623, %get3A_624] {strides = array<i32>} : memref<100x432xf32, #tpu.memory_space<vmem>>, vector<16xf32>,
        %swap3A_626 = arith.constant 1 : i32
        %swap3A_627 = arith.index_cast %swap3A_626 : i32 to index
        %swap3A_628 = arith.index_cast %scan3A_182 : i32 to index
        %swap3A_629 = arith.constant 272 : index
        %swap3A_630 = tpu.vector_load %arg11[%swap3A_627, %swap3A_628, %swap3A_629] {strides = array<i32>} : memref<2x50x432xf32, #tpu.memory_space<vmem>>, vector<16xf32>,
        tpu.vector_store %arg11[%swap3A_627, %swap3A_628, %swap3A_629], %get3A_625 {strides = array<i32>} : memref<2x50x432xf32, #tpu.memory_space<vmem>>, vector<16xf32>,
        %add3A_631 = arith.constant 50 : i32
        %add3A_632 = arith.addi %add3A_631, %scan3A_182 : i32
        %get3A_633 = arith.index_cast %add3A_632 : i32 to index
        %get3A_634 = arith.constant 288 : index
        %get3A_635 = tpu.vector_load %arg9[%get3A_633, %get3A_634] {strides = array<i32>} : memref<100x432xf32, #tpu.memory_space<vmem>>, vector<16xf32>,
        %swap3A_636 = arith.constant 1 : i32
        %swap3A_637 = arith.index_cast %swap3A_636 : i32 to index
        %swap3A_638 = arith.index_cast %scan3A_182 : i32 to index
        %swap3A_639 = arith.constant 288 : index
        %swap3A_640 = tpu.vector_load %arg11[%swap3A_637, %swap3A_638, %swap3A_639] {strides = array<i32>} : memref<2x50x432xf32, #tpu.memory_space<vmem>>, vector<16xf32>,
        tpu.vector_store %arg11[%swap3A_637, %swap3A_638, %swap3A_639], %get3A_635 {strides = array<i32>} : memref<2x50x432xf32, #tpu.memory_space<vmem>>, vector<16xf32>,
        %add3A_641 = arith.constant 50 : i32
        %add3A_642 = arith.addi %add3A_641, %scan3A_182 : i32
        %get3A_643 = arith.index_cast %add3A_642 : i32 to index
        %get3A_644 = arith.constant 304 : index
        %get3A_645 = tpu.vector_load %arg9[%get3A_643, %get3A_644] {strides = array<i32>} : memref<100x432xf32, #tpu.memory_space<vmem>>, vector<16xf32>,
        %swap3A_646 = arith.constant 1 : i32
        %swap3A_647 = arith.index_cast %swap3A_646 : i32 to index
        %swap3A_648 = arith.index_cast %scan3A_182 : i32 to index
        %swap3A_649 = arith.constant 304 : index
        %swap3A_650 = tpu.vector_load %arg11[%swap3A_647, %swap3A_648, %swap3A_649] {strides = array<i32>} : memref<2x50x432xf32, #tpu.memory_space<vmem>>, vector<16xf32>,
        tpu.vector_store %arg11[%swap3A_647, %swap3A_648, %swap3A_649], %get3A_645 {strides = array<i32>} : memref<2x50x432xf32, #tpu.memory_space<vmem>>, vector<16xf32>,
        %add3A_651 = arith.constant 50 : i32
        %add3A_652 = arith.addi %add3A_651, %scan3A_182 : i32
        %get3A_653 = arith.index_cast %add3A_652 : i32 to index
        %get3A_654 = arith.constant 320 : index
        %get3A_655 = tpu.vector_load %arg9[%get3A_653, %get3A_654] {strides = array<i32>} : memref<100x432xf32, #tpu.memory_space<vmem>>, vector<16xf32>,
        %swap3A_656 = arith.constant 1 : i32
        %swap3A_657 = arith.index_cast %swap3A_656 : i32 to index
        %swap3A_658 = arith.index_cast %scan3A_182 : i32 to index
        %swap3A_659 = arith.constant 320 : index
        %swap3A_660 = tpu.vector_load %arg11[%swap3A_657, %swap3A_658, %swap3A_659] {strides = array<i32>} : memref<2x50x432xf32, #tpu.memory_space<vmem>>, vector<16xf32>,
        tpu.vector_store %arg11[%swap3A_657, %swap3A_658, %swap3A_659], %get3A_655 {strides = array<i32>} : memref<2x50x432xf32, #tpu.memory_space<vmem>>, vector<16xf32>,
        %add3A_661 = arith.constant 50 : i32
        %add3A_662 = arith.addi %add3A_661, %scan3A_182 : i32
        %get3A_663 = arith.index_cast %add3A_662 : i32 to index
        %get3A_664 = arith.constant 336 : index
        %get3A_665 = tpu.vector_load %arg9[%get3A_663, %get3A_664] {strides = array<i32>} : memref<100x432xf32, #tpu.memory_space<vmem>>, vector<16xf32>,
        %swap3A_666 = arith.constant 1 : i32
        %swap3A_667 = arith.index_cast %swap3A_666 : i32 to index
        %swap3A_668 = arith.index_cast %scan3A_182 : i32 to index
        %swap3A_669 = arith.constant 336 : index
        %swap3A_670 = tpu.vector_load %arg11[%swap3A_667, %swap3A_668, %swap3A_669] {strides = array<i32>} : memref<2x50x432xf32, #tpu.memory_space<vmem>>, vector<16xf32>,
        tpu.vector_store %arg11[%swap3A_667, %swap3A_668, %swap3A_669], %get3A_665 {strides = array<i32>} : memref<2x50x432xf32, #tpu.memory_space<vmem>>, vector<16xf32>,
        %add3A_671 = arith.constant 50 : i32
        %add3A_672 = arith.addi %add3A_671, %scan3A_182 : i32
        %get3A_673 = arith.index_cast %add3A_672 : i32 to index
        %get3A_674 = arith.constant 352 : index
        %get3A_675 = tpu.vector_load %arg9[%get3A_673, %get3A_674] {strides = array<i32>} : memref<100x432xf32, #tpu.memory_space<vmem>>, vector<16xf32>,
        %swap3A_676 = arith.constant 1 : i32
        %swap3A_677 = arith.index_cast %swap3A_676 : i32 to index
        %swap3A_678 = arith.index_cast %scan3A_182 : i32 to index
        %swap3A_679 = arith.constant 352 : index
        %swap3A_680 = tpu.vector_load %arg11[%swap3A_677, %swap3A_678, %swap3A_679] {strides = array<i32>} : memref<2x50x432xf32, #tpu.memory_space<vmem>>, vector<16xf32>,
        tpu.vector_store %arg11[%swap3A_677, %swap3A_678, %swap3A_679], %get3A_675 {strides = array<i32>} : memref<2x50x432xf32, #tpu.memory_space<vmem>>, vector<16xf32>,
        %add3A_681 = arith.constant 50 : i32
        %add3A_682 = arith.addi %add3A_681, %scan3A_182 : i32
        %get3A_683 = arith.index_cast %add3A_682 : i32 to index
        %get3A_684 = arith.constant 368 : index
        %get3A_685 = tpu.vector_load %arg9[%get3A_683, %get3A_684] {strides = array<i32>} : memref<100x432xf32, #tpu.memory_space<vmem>>, vector<16xf32>,
        %swap3A_686 = arith.constant 1 : i32
        %swap3A_687 = arith.index_cast %swap3A_686 : i32 to index
        %swap3A_688 = arith.index_cast %scan3A_182 : i32 to index
        %swap3A_689 = arith.constant 368 : index
        %swap3A_690 = tpu.vector_load %arg11[%swap3A_687, %swap3A_688, %swap3A_689] {strides = array<i32>} : memref<2x50x432xf32, #tpu.memory_space<vmem>>, vector<16xf32>,
        tpu.vector_store %arg11[%swap3A_687, %swap3A_688, %swap3A_689], %get3A_685 {strides = array<i32>} : memref<2x50x432xf32, #tpu.memory_space<vmem>>, vector<16xf32>,
        %add3A_691 = arith.constant 50 : i32
        %add3A_692 = arith.addi %add3A_691, %scan3A_182 : i32
        %get3A_693 = arith.index_cast %add3A_692 : i32 to index
        %get3A_694 = arith.constant 384 : index
        %get3A_695 = tpu.vector_load %arg9[%get3A_693, %get3A_694] {strides = array<i32>} : memref<100x432xf32, #tpu.memory_space<vmem>>, vector<16xf32>,
        %swap3A_696 = arith.constant 1 : i32
        %swap3A_697 = arith.index_cast %swap3A_696 : i32 to index
        %swap3A_698 = arith.index_cast %scan3A_182 : i32 to index
        %swap3A_699 = arith.constant 384 : index
        %swap3A_700 = tpu.vector_load %arg11[%swap3A_697, %swap3A_698, %swap3A_699] {strides = array<i32>} : memref<2x50x432xf32, #tpu.memory_space<vmem>>, vector<16xf32>,
        tpu.vector_store %arg11[%swap3A_697, %swap3A_698, %swap3A_699], %get3A_695 {strides = array<i32>} : memref<2x50x432xf32, #tpu.memory_space<vmem>>, vector<16xf32>,
        %add3A_701 = arith.constant 50 : i32
        %add3A_702 = arith.addi %add3A_701, %scan3A_182 : i32
        %get3A_703 = arith.index_cast %add3A_702 : i32 to index
        %get3A_704 = arith.constant 400 : index
        %get3A_705 = tpu.vector_load %arg9[%get3A_703, %get3A_704] {strides = array<i32>} : memref<100x432xf32, #tpu.memory_space<vmem>>, vector<16xf32>,
        %swap3A_706 = arith.constant 1 : i32
        %swap3A_707 = arith.index_cast %swap3A_706 : i32 to index
        %swap3A_708 = arith.index_cast %scan3A_182 : i32 to index
        %swap3A_709 = arith.constant 400 : index
        %swap3A_710 = tpu.vector_load %arg11[%swap3A_707, %swap3A_708, %swap3A_709] {strides = array<i32>} : memref<2x50x432xf32, #tpu.memory_space<vmem>>, vector<16xf32>,
        tpu.vector_store %arg11[%swap3A_707, %swap3A_708, %swap3A_709], %get3A_705 {strides = array<i32>} : memref<2x50x432xf32, #tpu.memory_space<vmem>>, vector<16xf32>,
        %add3A_711 = arith.constant 50 : i32
        %add3A_712 = arith.addi %add3A_711, %scan3A_182 : i32
        %get3A_713 = arith.index_cast %add3A_712 : i32 to index
        %get3A_714 = arith.constant 416 : index
        %get3A_715 = tpu.vector_load %arg9[%get3A_713, %get3A_714] {strides = array<i32>} : memref<100x432xf32, #tpu.memory_space<vmem>>, vector<16xf32>,
        %swap3A_716 = arith.constant 1 : i32
        %swap3A_717 = arith.index_cast %swap3A_716 : i32 to index
        %swap3A_718 = arith.index_cast %scan3A_182 : i32 to index
        %swap3A_719 = arith.constant 416 : index
        %swap3A_720 = tpu.vector_load %arg11[%swap3A_717, %swap3A_718, %swap3A_719] {strides = array<i32>} : memref<2x50x432xf32, #tpu.memory_space<vmem>>, vector<16xf32>,
        tpu.vector_store %arg11[%swap3A_717, %swap3A_718, %swap3A_719], %get3A_715 {strides = array<i32>} : memref<2x50x432xf32, #tpu.memory_space<vmem>>, vector<16xf32>,
        %scan3A_721 = arith.constant 1 : i32
        %scan3A_722 = arith.addi %scan3A_182, %scan3A_721 : i32
        %add3A_723 = arith.constant 0 : i32
        %add3A_724 = arith.addi %add3A_723, %scan3A_722 : i32
        %get3A_725 = arith.index_cast %add3A_724 : i32 to index
        %get3A_726 = arith.constant 0 : index
        %get3A_727 = tpu.vector_load %arg9[%get3A_725, %get3A_726] {strides = array<i32>} : memref<100x432xf32, #tpu.memory_space<vmem>>, vector<16xf32>,
        %swap3A_728 = arith.constant 0 : i32
        %swap3A_729 = arith.index_cast %swap3A_728 : i32 to index
        %swap3A_730 = arith.index_cast %scan3A_722 : i32 to index
        %swap3A_731 = arith.constant 0 : index
        %swap3A_732 = tpu.vector_load %arg11[%swap3A_729, %swap3A_730, %swap3A_731] {strides = array<i32>} : memref<2x50x432xf32, #tpu.memory_space<vmem>>, vector<16xf32>,
        tpu.vector_store %arg11[%swap3A_729, %swap3A_730, %swap3A_731], %get3A_727 {strides = array<i32>} : memref<2x50x432xf32, #tpu.memory_space<vmem>>, vector<16xf32>,
        %add3A_733 = arith.constant 0 : i32
        %add3A_734 = arith.addi %add3A_733, %scan3A_722 : i32
        %get3A_735 = arith.index_cast %add3A_734 : i32 to index
        %get3A_736 = arith.constant 16 : index
        %get3A_737 = tpu.vector_load %arg9[%get3A_735, %get3A_736] {strides = array<i32>} : memref<100x432xf32, #tpu.memory_space<vmem>>, vector<16xf32>,
        %swap3A_738 = arith.constant 0 : i32
        %swap3A_739 = arith.index_cast %swap3A_738 : i32 to index
        %swap3A_740 = arith.index_cast %scan3A_722 : i32 to index
        %swap3A_741 = arith.constant 16 : index
        %swap3A_742 = tpu.vector_load %arg11[%swap3A_739, %swap3A_740, %swap3A_741] {strides = array<i32>} : memref<2x50x432xf32, #tpu.memory_space<vmem>>, vector<16xf32>,
        tpu.vector_store %arg11[%swap3A_739, %swap3A_740, %swap3A_741], %get3A_737 {strides = array<i32>} : memref<2x50x432xf32, #tpu.memory_space<vmem>>, vector<16xf32>,
        %add3A_743 = arith.constant 0 : i32
        %add3A_744 = arith.addi %add3A_743, %scan3A_722 : i32
        %get3A_745 = arith.index_cast %add3A_744 : i32 to index
        %get3A_746 = arith.constant 32 : index
        %get3A_747 = tpu.vector_load %arg9[%get3A_745, %get3A_746] {strides = array<i32>} : memref<100x432xf32, #tpu.memory_space<vmem>>, vector<16xf32>,
        %swap3A_748 = arith.constant 0 : i32
        %swap3A_749 = arith.index_cast %swap3A_748 : i32 to index
        %swap3A_750 = arith.index_cast %scan3A_722 : i32 to index
        %swap3A_751 = arith.constant 32 : index
        %swap3A_752 = tpu.vector_load %arg11[%swap3A_749, %swap3A_750, %swap3A_751] {strides = array<i32>} : memref<2x50x432xf32, #tpu.memory_space<vmem>>, vector<16xf32>,
        tpu.vector_store %arg11[%swap3A_749, %swap3A_750, %swap3A_751], %get3A_747 {strides = array<i32>} : memref<2x50x432xf32, #tpu.memory_space<vmem>>, vector<16xf32>,
        %add3A_753 = arith.constant 0 : i32
        %add3A_754 = arith.addi %add3A_753, %scan3A_722 : i32
        %get3A_755 = arith.index_cast %add3A_754 : i32 to index
        %get3A_756 = arith.constant 48 : index
        %get3A_757 = tpu.vector_load %arg9[%get3A_755, %get3A_756] {strides = array<i32>} : memref<100x432xf32, #tpu.memory_space<vmem>>, vector<16xf32>,
        %swap3A_758 = arith.constant 0 : i32
        %swap3A_759 = arith.index_cast %swap3A_758 : i32 to index
        %swap3A_760 = arith.index_cast %scan3A_722 : i32 to index
        %swap3A_761 = arith.constant 48 : index
        %swap3A_762 = tpu.vector_load %arg11[%swap3A_759, %swap3A_760, %swap3A_761] {strides = array<i32>} : memref<2x50x432xf32, #tpu.memory_space<vmem>>, vector<16xf32>,
        tpu.vector_store %arg11[%swap3A_759, %swap3A_760, %swap3A_761], %get3A_757 {strides = array<i32>} : memref<2x50x432xf32, #tpu.memory_space<vmem>>, vector<16xf32>,
        %add3A_763 = arith.constant 0 : i32
        %add3A_764 = arith.addi %add3A_763, %scan3A_722 : i32
        %get3A_765 = arith.index_cast %add3A_764 : i32 to index
        %get3A_766 = arith.constant 64 : index
        %get3A_767 = tpu.vector_load %arg9[%get3A_765, %get3A_766] {strides = array<i32>} : memref<100x432xf32, #tpu.memory_space<vmem>>, vector<16xf32>,
        %swap3A_768 = arith.constant 0 : i32
        %swap3A_769 = arith.index_cast %swap3A_768 : i32 to index
        %swap3A_770 = arith.index_cast %scan3A_722 : i32 to index
        %swap3A_771 = arith.constant 64 : index
        %swap3A_772 = tpu.vector_load %arg11[%swap3A_769, %swap3A_770, %swap3A_771] {strides = array<i32>} : memref<2x50x432xf32, #tpu.memory_space<vmem>>, vector<16xf32>,
        tpu.vector_store %arg11[%swap3A_769, %swap3A_770, %swap3A_771], %get3A_767 {strides = array<i32>} : memref<2x50x432xf32, #tpu.memory_space<vmem>>, vector<16xf32>,
        %add3A_773 = arith.constant 0 : i32
        %add3A_774 = arith.addi %add3A_773, %scan3A_722 : i32
        %get3A_775 = arith.index_cast %add3A_774 : i32 to index
        %get3A_776 = arith.constant 80 : index
        %get3A_777 = tpu.vector_load %arg9[%get3A_775, %get3A_776] {strides = array<i32>} : memref<100x432xf32, #tpu.memory_space<vmem>>, vector<16xf32>,
        %swap3A_778 = arith.constant 0 : i32
        %swap3A_779 = arith.index_cast %swap3A_778 : i32 to index
        %swap3A_780 = arith.index_cast %scan3A_722 : i32 to index
        %swap3A_781 = arith.constant 80 : index
        %swap3A_782 = tpu.vector_load %arg11[%swap3A_779, %swap3A_780, %swap3A_781] {strides = array<i32>} : memref<2x50x432xf32, #tpu.memory_space<vmem>>, vector<16xf32>,
        tpu.vector_store %arg11[%swap3A_779, %swap3A_780, %swap3A_781], %get3A_777 {strides = array<i32>} : memref<2x50x432xf32, #tpu.memory_space<vmem>>, vector<16xf32>,
        %add3A_783 = arith.constant 0 : i32
        %add3A_784 = arith.addi %add3A_783, %scan3A_722 : i32
        %get3A_785 = arith.index_cast %add3A_784 : i32 to index
        %get3A_786 = arith.constant 96 : index
        %get3A_787 = tpu.vector_load %arg9[%get3A_785, %get3A_786] {strides = array<i32>} : memref<100x432xf32, #tpu.memory_space<vmem>>, vector<16xf32>,
        %swap3A_788 = arith.constant 0 : i32
        %swap3A_789 = arith.index_cast %swap3A_788 : i32 to index
        %swap3A_790 = arith.index_cast %scan3A_722 : i32 to index
        %swap3A_791 = arith.constant 96 : index
        %swap3A_792 = tpu.vector_load %arg11[%swap3A_789, %swap3A_790, %swap3A_791] {strides = array<i32>} : memref<2x50x432xf32, #tpu.memory_space<vmem>>, vector<16xf32>,
        tpu.vector_store %arg11[%swap3A_789, %swap3A_790, %swap3A_791], %get3A_787 {strides = array<i32>} : memref<2x50x432xf32, #tpu.memory_space<vmem>>, vector<16xf32>,
        %add3A_793 = arith.constant 0 : i32
        %add3A_794 = arith.addi %add3A_793, %scan3A_722 : i32
        %get3A_795 = arith.index_cast %add3A_794 : i32 to index
        %get3A_796 = arith.constant 112 : index
        %get3A_797 = tpu.vector_load %arg9[%get3A_795, %get3A_796] {strides = array<i32>} : memref<100x432xf32, #tpu.memory_space<vmem>>, vector<16xf32>,
        %swap3A_798 = arith.constant 0 : i32
        %swap3A_799 = arith.index_cast %swap3A_798 : i32 to index
        %swap3A_800 = arith.index_cast %scan3A_722 : i32 to index
        %swap3A_801 = arith.constant 112 : index
        %swap3A_802 = tpu.vector_load %arg11[%swap3A_799, %swap3A_800, %swap3A_801] {strides = array<i32>} : memref<2x50x432xf32, #tpu.memory_space<vmem>>, vector<16xf32>,
        tpu.vector_store %arg11[%swap3A_799, %swap3A_800, %swap3A_801], %get3A_797 {strides = array<i32>} : memref<2x50x432xf32, #tpu.memory_space<vmem>>, vector<16xf32>,
        %add3A_803 = arith.constant 0 : i32
        %add3A_804 = arith.addi %add3A_803, %scan3A_722 : i32
        %get3A_805 = arith.index_cast %add3A_804 : i32 to index
        %get3A_806 = arith.constant 128 : index
        %get3A_807 = tpu.vector_load %arg9[%get3A_805, %get3A_806] {strides = array<i32>} : memref<100x432xf32, #tpu.memory_space<vmem>>, vector<16xf32>,
        %swap3A_808 = arith.constant 0 : i32
        %swap3A_809 = arith.index_cast %swap3A_808 : i32 to index
        %swap3A_810 = arith.index_cast %scan3A_722 : i32 to index
        %swap3A_811 = arith.constant 128 : index
        %swap3A_812 = tpu.vector_load %arg11[%swap3A_809, %swap3A_810, %swap3A_811] {strides = array<i32>} : memref<2x50x432xf32, #tpu.memory_space<vmem>>, vector<16xf32>,
        tpu.vector_store %arg11[%swap3A_809, %swap3A_810, %swap3A_811], %get3A_807 {strides = array<i32>} : memref<2x50x432xf32, #tpu.memory_space<vmem>>, vector<16xf32>,
        %add3A_813 = arith.constant 0 : i32
        %add3A_814 = arith.addi %add3A_813, %scan3A_722 : i32
        %get3A_815 = arith.index_cast %add3A_814 : i32 to index
        %get3A_816 = arith.constant 144 : index
        %get3A_817 = tpu.vector_load %arg9[%get3A_815, %get3A_816] {strides = array<i32>} : memref<100x432xf32, #tpu.memory_space<vmem>>, vector<16xf32>,
        %swap3A_818 = arith.constant 0 : i32
        %swap3A_819 = arith.index_cast %swap3A_818 : i32 to index
        %swap3A_820 = arith.index_cast %scan3A_722 : i32 to index
        %swap3A_821 = arith.constant 144 : index
        %swap3A_822 = tpu.vector_load %arg11[%swap3A_819, %swap3A_820, %swap3A_821] {strides = array<i32>} : memref<2x50x432xf32, #tpu.memory_space<vmem>>, vector<16xf32>,
        tpu.vector_store %arg11[%swap3A_819, %swap3A_820, %swap3A_821], %get3A_817 {strides = array<i32>} : memref<2x50x432xf32, #tpu.memory_space<vmem>>, vector<16xf32>,
        %add3A_823 = arith.constant 0 : i32
        %add3A_824 = arith.addi %add3A_823, %scan3A_722 : i32
        %get3A_825 = arith.index_cast %add3A_824 : i32 to index
        %get3A_826 = arith.constant 160 : index
        %get3A_827 = tpu.vector_load %arg9[%get3A_825, %get3A_826] {strides = array<i32>} : memref<100x432xf32, #tpu.memory_space<vmem>>, vector<16xf32>,
        %swap3A_828 = arith.constant 0 : i32
        %swap3A_829 = arith.index_cast %swap3A_828 : i32 to index
        %swap3A_830 = arith.index_cast %scan3A_722 : i32 to index
        %swap3A_831 = arith.constant 160 : index
        %swap3A_832 = tpu.vector_load %arg11[%swap3A_829, %swap3A_830, %swap3A_831] {strides = array<i32>} : memref<2x50x432xf32, #tpu.memory_space<vmem>>, vector<16xf32>,
        tpu.vector_store %arg11[%swap3A_829, %swap3A_830, %swap3A_831], %get3A_827 {strides = array<i32>} : memref<2x50x432xf32, #tpu.memory_space<vmem>>, vector<16xf32>,
        %add3A_833 = arith.constant 0 : i32
        %add3A_834 = arith.addi %add3A_833, %scan3A_722 : i32
        %get3A_835 = arith.index_cast %add3A_834 : i32 to index
        %get3A_836 = arith.constant 176 : index
        %get3A_837 = tpu.vector_load %arg9[%get3A_835, %get3A_836] {strides = array<i32>} : memref<100x432xf32, #tpu.memory_space<vmem>>, vector<16xf32>,
        %swap3A_838 = arith.constant 0 : i32
        %swap3A_839 = arith.index_cast %swap3A_838 : i32 to index
        %swap3A_840 = arith.index_cast %scan3A_722 : i32 to index
        %swap3A_841 = arith.constant 176 : index
        %swap3A_842 = tpu.vector_load %arg11[%swap3A_839, %swap3A_840, %swap3A_841] {strides = array<i32>} : memref<2x50x432xf32, #tpu.memory_space<vmem>>, vector<16xf32>,
        tpu.vector_store %arg11[%swap3A_839, %swap3A_840, %swap3A_841], %get3A_837 {strides = array<i32>} : memref<2x50x432xf32, #tpu.memory_space<vmem>>, vector<16xf32>,
        %add3A_843 = arith.constant 0 : i32
        %add3A_844 = arith.addi %add3A_843, %scan3A_722 : i32
        %get3A_845 = arith.index_cast %add3A_844 : i32 to index
        %get3A_846 = arith.constant 192 : index
        %get3A_847 = tpu.vector_load %arg9[%get3A_845, %get3A_846] {strides = array<i32>} : memref<100x432xf32, #tpu.memory_space<vmem>>, vector<16xf32>,
        %swap3A_848 = arith.constant 0 : i32
        %swap3A_849 = arith.index_cast %swap3A_848 : i32 to index
        %swap3A_850 = arith.index_cast %scan3A_722 : i32 to index
        %swap3A_851 = arith.constant 192 : index
        %swap3A_852 = tpu.vector_load %arg11[%swap3A_849, %swap3A_850, %swap3A_851] {strides = array<i32>} : memref<2x50x432xf32, #tpu.memory_space<vmem>>, vector<16xf32>,
        tpu.vector_store %arg11[%swap3A_849, %swap3A_850, %swap3A_851], %get3A_847 {strides = array<i32>} : memref<2x50x432xf32, #tpu.memory_space<vmem>>, vector<16xf32>,
        %add3A_853 = arith.constant 0 : i32
        %add3A_854 = arith.addi %add3A_853, %scan3A_722 : i32
        %get3A_855 = arith.index_cast %add3A_854 : i32 to index
        %get3A_856 = arith.constant 208 : index
        %get3A_857 = tpu.vector_load %arg9[%get3A_855, %get3A_856] {strides = array<i32>} : memref<100x432xf32, #tpu.memory_space<vmem>>, vector<16xf32>,
        %swap3A_858 = arith.constant 0 : i32
        %swap3A_859 = arith.index_cast %swap3A_858 : i32 to index
        %swap3A_860 = arith.index_cast %scan3A_722 : i32 to index
        %swap3A_861 = arith.constant 208 : index
        %swap3A_862 = tpu.vector_load %arg11[%swap3A_859, %swap3A_860, %swap3A_861] {strides = array<i32>} : memref<2x50x432xf32, #tpu.memory_space<vmem>>, vector<16xf32>,
        tpu.vector_store %arg11[%swap3A_859, %swap3A_860, %swap3A_861], %get3A_857 {strides = array<i32>} : memref<2x50x432xf32, #tpu.memory_space<vmem>>, vector<16xf32>,
        %add3A_863 = arith.constant 0 : i32
        %add3A_864 = arith.addi %add3A_863, %scan3A_722 : i32
        %get3A_865 = arith.index_cast %add3A_864 : i32 to index
        %get3A_866 = arith.constant 224 : index
        %get3A_867 = tpu.vector_load %arg9[%get3A_865, %get3A_866] {strides = array<i32>} : memref<100x432xf32, #tpu.memory_space<vmem>>, vector<16xf32>,
        %swap3A_868 = arith.constant 0 : i32
        %swap3A_869 = arith.index_cast %swap3A_868 : i32 to index
        %swap3A_870 = arith.index_cast %scan3A_722 : i32 to index
        %swap3A_871 = arith.constant 224 : index
        %swap3A_872 = tpu.vector_load %arg11[%swap3A_869, %swap3A_870, %swap3A_871] {strides = array<i32>} : memref<2x50x432xf32, #tpu.memory_space<vmem>>, vector<16xf32>,
        tpu.vector_store %arg11[%swap3A_869, %swap3A_870, %swap3A_871], %get3A_867 {strides = array<i32>} : memref<2x50x432xf32, #tpu.memory_space<vmem>>, vector<16xf32>,
        %add3A_873 = arith.constant 0 : i32
        %add3A_874 = arith.addi %add3A_873, %scan3A_722 : i32
        %get3A_875 = arith.index_cast %add3A_874 : i32 to index
        %get3A_876 = arith.constant 240 : index
        %get3A_877 = tpu.vector_load %arg9[%get3A_875, %get3A_876] {strides = array<i32>} : memref<100x432xf32, #tpu.memory_space<vmem>>, vector<16xf32>,
        %swap3A_878 = arith.constant 0 : i32
        %swap3A_879 = arith.index_cast %swap3A_878 : i32 to index
        %swap3A_880 = arith.index_cast %scan3A_722 : i32 to index
        %swap3A_881 = arith.constant 240 : index
        %swap3A_882 = tpu.vector_load %arg11[%swap3A_879, %swap3A_880, %swap3A_881] {strides = array<i32>} : memref<2x50x432xf32, #tpu.memory_space<vmem>>, vector<16xf32>,
        tpu.vector_store %arg11[%swap3A_879, %swap3A_880, %swap3A_881], %get3A_877 {strides = array<i32>} : memref<2x50x432xf32, #tpu.memory_space<vmem>>, vector<16xf32>,
        %add3A_883 = arith.constant 0 : i32
        %add3A_884 = arith.addi %add3A_883, %scan3A_722 : i32
        %get3A_885 = arith.index_cast %add3A_884 : i32 to index
        %get3A_886 = arith.constant 256 : index
        %get3A_887 = tpu.vector_load %arg9[%get3A_885, %get3A_886] {strides = array<i32>} : memref<100x432xf32, #tpu.memory_space<vmem>>, vector<16xf32>,
        %swap3A_888 = arith.constant 0 : i32
        %swap3A_889 = arith.index_cast %swap3A_888 : i32 to index
        %swap3A_890 = arith.index_cast %scan3A_722 : i32 to index
        %swap3A_891 = arith.constant 256 : index
        %swap3A_892 = tpu.vector_load %arg11[%swap3A_889, %swap3A_890, %swap3A_891] {strides = array<i32>} : memref<2x50x432xf32, #tpu.memory_space<vmem>>, vector<16xf32>,
        tpu.vector_store %arg11[%swap3A_889, %swap3A_890, %swap3A_891], %get3A_887 {strides = array<i32>} : memref<2x50x432xf32, #tpu.memory_space<vmem>>, vector<16xf32>,
        %add3A_893 = arith.constant 0 : i32
        %add3A_894 = arith.addi %add3A_893, %scan3A_722 : i32
        %get3A_895 = arith.index_cast %add3A_894 : i32 to index
        %get3A_896 = arith.constant 272 : index
        %get3A_897 = tpu.vector_load %arg9[%get3A_895, %get3A_896] {strides = array<i32>} : memref<100x432xf32, #tpu.memory_space<vmem>>, vector<16xf32>,
        %swap3A_898 = arith.constant 0 : i32
        %swap3A_899 = arith.index_cast %swap3A_898 : i32 to index
        %swap3A_900 = arith.index_cast %scan3A_722 : i32 to index
        %swap3A_901 = arith.constant 272 : index
        %swap3A_902 = tpu.vector_load %arg11[%swap3A_899, %swap3A_900, %swap3A_901] {strides = array<i32>} : memref<2x50x432xf32, #tpu.memory_space<vmem>>, vector<16xf32>,
        tpu.vector_store %arg11[%swap3A_899, %swap3A_900, %swap3A_901], %get3A_897 {strides = array<i32>} : memref<2x50x432xf32, #tpu.memory_space<vmem>>, vector<16xf32>,
        %add3A_903 = arith.constant 0 : i32
        %add3A_904 = arith.addi %add3A_903, %scan3A_722 : i32
        %get3A_905 = arith.index_cast %add3A_904 : i32 to index
        %get3A_906 = arith.constant 288 : index
        %get3A_907 = tpu.vector_load %arg9[%get3A_905, %get3A_906] {strides = array<i32>} : memref<100x432xf32, #tpu.memory_space<vmem>>, vector<16xf32>,
        %swap3A_908 = arith.constant 0 : i32
        %swap3A_909 = arith.index_cast %swap3A_908 : i32 to index
        %swap3A_910 = arith.index_cast %scan3A_722 : i32 to index
        %swap3A_911 = arith.constant 288 : index
        %swap3A_912 = tpu.vector_load %arg11[%swap3A_909, %swap3A_910, %swap3A_911] {strides = array<i32>} : memref<2x50x432xf32, #tpu.memory_space<vmem>>, vector<16xf32>,
        tpu.vector_store %arg11[%swap3A_909, %swap3A_910, %swap3A_911], %get3A_907 {strides = array<i32>} : memref<2x50x432xf32, #tpu.memory_space<vmem>>, vector<16xf32>,
        %add3A_913 = arith.constant 0 : i32
        %add3A_914 = arith.addi %add3A_913, %scan3A_722 : i32
        %get3A_915 = arith.index_cast %add3A_914 : i32 to index
        %get3A_916 = arith.constant 304 : index
        %get3A_917 = tpu.vector_load %arg9[%get3A_915, %get3A_916] {strides = array<i32>} : memref<100x432xf32, #tpu.memory_space<vmem>>, vector<16xf32>,
        %swap3A_918 = arith.constant 0 : i32
        %swap3A_919 = arith.index_cast %swap3A_918 : i32 to index
        %swap3A_920 = arith.index_cast %scan3A_722 : i32 to index
        %swap3A_921 = arith.constant 304 : index
        %swap3A_922 = tpu.vector_load %arg11[%swap3A_919, %swap3A_920, %swap3A_921] {strides = array<i32>} : memref<2x50x432xf32, #tpu.memory_space<vmem>>, vector<16xf32>,
        tpu.vector_store %arg11[%swap3A_919, %swap3A_920, %swap3A_921], %get3A_917 {strides = array<i32>} : memref<2x50x432xf32, #tpu.memory_space<vmem>>, vector<16xf32>,
        %add3A_923 = arith.constant 0 : i32
        %add3A_924 = arith.addi %add3A_923, %scan3A_722 : i32
        %get3A_925 = arith.index_cast %add3A_924 : i32 to index
        %get3A_926 = arith.constant 320 : index
        %get3A_927 = tpu.vector_load %arg9[%get3A_925, %get3A_926] {strides = array<i32>} : memref<100x432xf32, #tpu.memory_space<vmem>>, vector<16xf32>,
        %swap3A_928 = arith.constant 0 : i32
        %swap3A_929 = arith.index_cast %swap3A_928 : i32 to index
        %swap3A_930 = arith.index_cast %scan3A_722 : i32 to index
        %swap3A_931 = arith.constant 320 : index
        %swap3A_932 = tpu.vector_load %arg11[%swap3A_929, %swap3A_930, %swap3A_931] {strides = array<i32>} : memref<2x50x432xf32, #tpu.memory_space<vmem>>, vector<16xf32>,
        tpu.vector_store %arg11[%swap3A_929, %swap3A_930, %swap3A_931], %get3A_927 {strides = array<i32>} : memref<2x50x432xf32, #tpu.memory_space<vmem>>, vector<16xf32>,
        %add3A_933 = arith.constant 0 : i32
        %add3A_934 = arith.addi %add3A_933, %scan3A_722 : i32
        %get3A_935 = arith.index_cast %add3A_934 : i32 to index
        %get3A_936 = arith.constant 336 : index
        %get3A_937 = tpu.vector_load %arg9[%get3A_935, %get3A_936] {strides = array<i32>} : memref<100x432xf32, #tpu.memory_space<vmem>>, vector<16xf32>,
        %swap3A_938 = arith.constant 0 : i32
        %swap3A_939 = arith.index_cast %swap3A_938 : i32 to index
        %swap3A_940 = arith.index_cast %scan3A_722 : i32 to index
        %swap3A_941 = arith.constant 336 : index
        %swap3A_942 = tpu.vector_load %arg11[%swap3A_939, %swap3A_940, %swap3A_941] {strides = array<i32>} : memref<2x50x432xf32, #tpu.memory_space<vmem>>, vector<16xf32>,
        tpu.vector_store %arg11[%swap3A_939, %swap3A_940, %swap3A_941], %get3A_937 {strides = array<i32>} : memref<2x50x432xf32, #tpu.memory_space<vmem>>, vector<16xf32>,
        %add3A_943 = arith.constant 0 : i32
        %add3A_944 = arith.addi %add3A_943, %scan3A_722 : i32
        %get3A_945 = arith.index_cast %add3A_944 : i32 to index
        %get3A_946 = arith.constant 352 : index
        %get3A_947 = tpu.vector_load %arg9[%get3A_945, %get3A_946] {strides = array<i32>} : memref<100x432xf32, #tpu.memory_space<vmem>>, vector<16xf32>,
        %swap3A_948 = arith.constant 0 : i32
        %swap3A_949 = arith.index_cast %swap3A_948 : i32 to index
        %swap3A_950 = arith.index_cast %scan3A_722 : i32 to index
        %swap3A_951 = arith.constant 352 : index
        %swap3A_952 = tpu.vector_load %arg11[%swap3A_949, %swap3A_950, %swap3A_951] {strides = array<i32>} : memref<2x50x432xf32, #tpu.memory_space<vmem>>, vector<16xf32>,
        tpu.vector_store %arg11[%swap3A_949, %swap3A_950, %swap3A_951], %get3A_947 {strides = array<i32>} : memref<2x50x432xf32, #tpu.memory_space<vmem>>, vector<16xf32>,
        %add3A_953 = arith.constant 0 : i32
        %add3A_954 = arith.addi %add3A_953, %scan3A_722 : i32
        %get3A_955 = arith.index_cast %add3A_954 : i32 to index
        %get3A_956 = arith.constant 368 : index
        %get3A_957 = tpu.vector_load %arg9[%get3A_955, %get3A_956] {strides = array<i32>} : memref<100x432xf32, #tpu.memory_space<vmem>>, vector<16xf32>,
        %swap3A_958 = arith.constant 0 : i32
        %swap3A_959 = arith.index_cast %swap3A_958 : i32 to index
        %swap3A_960 = arith.index_cast %scan3A_722 : i32 to index
        %swap3A_961 = arith.constant 368 : index
        %swap3A_962 = tpu.vector_load %arg11[%swap3A_959, %swap3A_960, %swap3A_961] {strides = array<i32>} : memref<2x50x432xf32, #tpu.memory_space<vmem>>, vector<16xf32>,
        tpu.vector_store %arg11[%swap3A_959, %swap3A_960, %swap3A_961], %get3A_957 {strides = array<i32>} : memref<2x50x432xf32, #tpu.memory_space<vmem>>, vector<16xf32>,
        %add3A_963 = arith.constant 0 : i32
        %add3A_964 = arith.addi %add3A_963, %scan3A_722 : i32
        %get3A_965 = arith.index_cast %add3A_964 : i32 to index
        %get3A_966 = arith.constant 384 : index
        %get3A_967 = tpu.vector_load %arg9[%get3A_965, %get3A_966] {strides = array<i32>} : memref<100x432xf32, #tpu.memory_space<vmem>>, vector<16xf32>,
        %swap3A_968 = arith.constant 0 : i32
        %swap3A_969 = arith.index_cast %swap3A_968 : i32 to index
        %swap3A_970 = arith.index_cast %scan3A_722 : i32 to index
        %swap3A_971 = arith.constant 384 : index
        %swap3A_972 = tpu.vector_load %arg11[%swap3A_969, %swap3A_970, %swap3A_971] {strides = array<i32>} : memref<2x50x432xf32, #tpu.memory_space<vmem>>, vector<16xf32>,
        tpu.vector_store %arg11[%swap3A_969, %swap3A_970, %swap3A_971], %get3A_967 {strides = array<i32>} : memref<2x50x432xf32, #tpu.memory_space<vmem>>, vector<16xf32>,
        %add3A_973 = arith.constant 0 : i32
        %add3A_974 = arith.addi %add3A_973, %scan3A_722 : i32
        %get3A_975 = arith.index_cast %add3A_974 : i32 to index
        %get3A_976 = arith.constant 400 : index
        %get3A_977 = tpu.vector_load %arg9[%get3A_975, %get3A_976] {strides = array<i32>} : memref<100x432xf32, #tpu.memory_space<vmem>>, vector<16xf32>,
        %swap3A_978 = arith.constant 0 : i32
        %swap3A_979 = arith.index_cast %swap3A_978 : i32 to index
        %swap3A_980 = arith.index_cast %scan3A_722 : i32 to index
        %swap3A_981 = arith.constant 400 : index
        %swap3A_982 = tpu.vector_load %arg11[%swap3A_979, %swap3A_980, %swap3A_981] {strides = array<i32>} : memref<2x50x432xf32, #tpu.memory_space<vmem>>, vector<16xf32>,
        tpu.vector_store %arg11[%swap3A_979, %swap3A_980, %swap3A_981], %get3A_977 {strides = array<i32>} : memref<2x50x432xf32, #tpu.memory_space<vmem>>, vector<16xf32>,
        %add3A_983 = arith.constant 0 : i32
        %add3A_984 = arith.addi %add3A_983, %scan3A_722 : i32
        %get3A_985 = arith.index_cast %add3A_984 : i32 to index
        %get3A_986 = arith.constant 416 : index
        %get3A_987 = tpu.vector_load %arg9[%get3A_985, %get3A_986] {strides = array<i32>} : memref<100x432xf32, #tpu.memory_space<vmem>>, vector<16xf32>,
        %swap3A_988 = arith.constant 0 : i32
        %swap3A_989 = arith.index_cast %swap3A_988 : i32 to index
        %swap3A_990 = arith.index_cast %scan3A_722 : i32 to index
        %swap3A_991 = arith.constant 416 : index
        %swap3A_992 = tpu.vector_load %arg11[%swap3A_989, %swap3A_990, %swap3A_991] {strides = array<i32>} : memref<2x50x432xf32, #tpu.memory_space<vmem>>, vector<16xf32>,
        tpu.vector_store %arg11[%swap3A_989, %swap3A_990, %swap3A_991], %get3A_987 {strides = array<i32>} : memref<2x50x432xf32, #tpu.memory_space<vmem>>, vector<16xf32>,
        %add3A_993 = arith.constant 50 : i32
        %add3A_994 = arith.addi %add3A_993, %scan3A_722 : i32
        %get3A_995 = arith.index_cast %add3A_994 : i32 to index
        %get3A_996 = arith.constant 0 : index
        %get3A_997 = tpu.vector_load %arg9[%get3A_995, %get3A_996] {strides = array<i32>} : memref<100x432xf32, #tpu.memory_space<vmem>>, vector<16xf32>,
        %swap3A_998 = arith.constant 1 : i32
        %swap3A_999 = arith.index_cast %swap3A_998 : i32 to index
        %swap3A_1000 = arith.index_cast %scan3A_722 : i32 to index
        %swap3A_1001 = arith.constant 0 : index
        %swap3A_1002 = tpu.vector_load %arg11[%swap3A_999, %swap3A_1000, %swap3A_1001] {strides = array<i32>} : memref<2x50x432xf32, #tpu.memory_space<vmem>>, vector<16xf32>,
        tpu.vector_store %arg11[%swap3A_999, %swap3A_1000, %swap3A_1001], %get3A_997 {strides = array<i32>} : memref<2x50x432xf32, #tpu.memory_space<vmem>>, vector<16xf32>,
        %add3A_1003 = arith.constant 50 : i32
        %add3A_1004 = arith.addi %add3A_1003, %scan3A_722 : i32
        %get3A_1005 = arith.index_cast %add3A_1004 : i32 to index
        %get3A_1006 = arith.constant 16 : index
        %get3A_1007 = tpu.vector_load %arg9[%get3A_1005, %get3A_1006] {strides = array<i32>} : memref<100x432xf32, #tpu.memory_space<vmem>>, vector<16xf32>,
        %swap3A_1008 = arith.constant 1 : i32
        %swap3A_1009 = arith.index_cast %swap3A_1008 : i32 to index
        %swap3A_1010 = arith.index_cast %scan3A_722 : i32 to index
        %swap3A_1011 = arith.constant 16 : index
        %swap3A_1012 = tpu.vector_load %arg11[%swap3A_1009, %swap3A_1010, %swap3A_1011] {strides = array<i32>} : memref<2x50x432xf32, #tpu.memory_space<vmem>>, vector<16xf32>,
        tpu.vector_store %arg11[%swap3A_1009, %swap3A_1010, %swap3A_1011], %get3A_1007 {strides = array<i32>} : memref<2x50x432xf32, #tpu.memory_space<vmem>>, vector<16xf32>,
        %add3A_1013 = arith.constant 50 : i32
        %add3A_1014 = arith.addi %add3A_1013, %scan3A_722 : i32
        %get3A_1015 = arith.index_cast %add3A_1014 : i32 to index
        %get3A_1016 = arith.constant 32 : index
        %get3A_1017 = tpu.vector_load %arg9[%get3A_1015, %get3A_1016] {strides = array<i32>} : memref<100x432xf32, #tpu.memory_space<vmem>>, vector<16xf32>,
        %swap3A_1018 = arith.constant 1 : i32
        %swap3A_1019 = arith.index_cast %swap3A_1018 : i32 to index
        %swap3A_1020 = arith.index_cast %scan3A_722 : i32 to index
        %swap3A_1021 = arith.constant 32 : index
        %swap3A_1022 = tpu.vector_load %arg11[%swap3A_1019, %swap3A_1020, %swap3A_1021] {strides = array<i32>} : memref<2x50x432xf32, #tpu.memory_space<vmem>>, vector<16xf32>,
        tpu.vector_store %arg11[%swap3A_1019, %swap3A_1020, %swap3A_1021], %get3A_1017 {strides = array<i32>} : memref<2x50x432xf32, #tpu.memory_space<vmem>>, vector<16xf32>,
        %add3A_1023 = arith.constant 50 : i32
        %add3A_1024 = arith.addi %add3A_1023, %scan3A_722 : i32
        %get3A_1025 = arith.index_cast %add3A_1024 : i32 to index
        %get3A_1026 = arith.constant 48 : index
        %get3A_1027 = tpu.vector_load %arg9[%get3A_1025, %get3A_1026] {strides = array<i32>} : memref<100x432xf32, #tpu.memory_space<vmem>>, vector<16xf32>,
        %swap3A_1028 = arith.constant 1 : i32
        %swap3A_1029 = arith.index_cast %swap3A_1028 : i32 to index
        %swap3A_1030 = arith.index_cast %scan3A_722 : i32 to index
        %swap3A_1031 = arith.constant 48 : index
        %swap3A_1032 = tpu.vector_load %arg11[%swap3A_1029, %swap3A_1030, %swap3A_1031] {strides = array<i32>} : memref<2x50x432xf32, #tpu.memory_space<vmem>>, vector<16xf32>,
        tpu.vector_store %arg11[%swap3A_1029, %swap3A_1030, %swap3A_1031], %get3A_1027 {strides = array<i32>} : memref<2x50x432xf32, #tpu.memory_space<vmem>>, vector<16xf32>,
        %add3A_1033 = arith.constant 50 : i32
        %add3A_1034 = arith.addi %add3A_1033, %scan3A_722 : i32
        %get3A_1035 = arith.index_cast %add3A_1034 : i32 to index
        %get3A_1036 = arith.constant 64 : index
        %get3A_1037 = tpu.vector_load %arg9[%get3A_1035, %get3A_1036] {strides = array<i32>} : memref<100x432xf32, #tpu.memory_space<vmem>>, vector<16xf32>,
        %swap3A_1038 = arith.constant 1 : i32
        %swap3A_1039 = arith.index_cast %swap3A_1038 : i32 to index
        %swap3A_1040 = arith.index_cast %scan3A_722 : i32 to index
        %swap3A_1041 = arith.constant 64 : index
        %swap3A_1042 = tpu.vector_load %arg11[%swap3A_1039, %swap3A_1040, %swap3A_1041] {strides = array<i32>} : memref<2x50x432xf32, #tpu.memory_space<vmem>>, vector<16xf32>,
        tpu.vector_store %arg11[%swap3A_1039, %swap3A_1040, %swap3A_1041], %get3A_1037 {strides = array<i32>} : memref<2x50x432xf32, #tpu.memory_space<vmem>>, vector<16xf32>,
        %add3A_1043 = arith.constant 50 : i32
        %add3A_1044 = arith.addi %add3A_1043, %scan3A_722 : i32
        %get3A_1045 = arith.index_cast %add3A_1044 : i32 to index
        %get3A_1046 = arith.constant 80 : index
        %get3A_1047 = tpu.vector_load %arg9[%get3A_1045, %get3A_1046] {strides = array<i32>} : memref<100x432xf32, #tpu.memory_space<vmem>>, vector<16xf32>,
        %swap3A_1048 = arith.constant 1 : i32
        %swap3A_1049 = arith.index_cast %swap3A_1048 : i32 to index
        %swap3A_1050 = arith.index_cast %scan3A_722 : i32 to index
        %swap3A_1051 = arith.constant 80 : index
        %swap3A_1052 = tpu.vector_load %arg11[%swap3A_1049, %swap3A_1050, %swap3A_1051] {strides = array<i32>} : memref<2x50x432xf32, #tpu.memory_space<vmem>>, vector<16xf32>,
        tpu.vector_store %arg11[%swap3A_1049, %swap3A_1050, %swap3A_1051], %get3A_1047 {strides = array<i32>} : memref<2x50x432xf32, #tpu.memory_space<vmem>>, vector<16xf32>,
        %add3A_1053 = arith.constant 50 : i32
        %add3A_1054 = arith.addi %add3A_1053, %scan3A_722 : i32
        %get3A_1055 = arith.index_cast %add3A_1054 : i32 to index
        %get3A_1056 = arith.constant 96 : index
        %get3A_1057 = tpu.vector_load %arg9[%get3A_1055, %get3A_1056] {strides = array<i32>} : memref<100x432xf32, #tpu.memory_space<vmem>>, vector<16xf32>,
        %swap3A_1058 = arith.constant 1 : i32
        %swap3A_1059 = arith.index_cast %swap3A_1058 : i32 to index
        %swap3A_1060 = arith.index_cast %scan3A_722 : i32 to index
        %swap3A_1061 = arith.constant 96 : index
        %swap3A_1062 = tpu.vector_load %arg11[%swap3A_1059, %swap3A_1060, %swap3A_1061] {strides = array<i32>} : memref<2x50x432xf32, #tpu.memory_space<vmem>>, vector<16xf32>,
        tpu.vector_store %arg11[%swap3A_1059, %swap3A_1060, %swap3A_1061], %get3A_1057 {strides = array<i32>} : memref<2x50x432xf32, #tpu.memory_space<vmem>>, vector<16xf32>,
        %add3A_1063 = arith.constant 50 : i32
        %add3A_1064 = arith.addi %add3A_1063, %scan3A_722 : i32
        %get3A_1065 = arith.index_cast %add3A_1064 : i32 to index
        %get3A_1066 = arith.constant 112 : index
        %get3A_1067 = tpu.vector_load %arg9[%get3A_1065, %get3A_1066] {strides = array<i32>} : memref<100x432xf32, #tpu.memory_space<vmem>>, vector<16xf32>,
        %swap3A_1068 = arith.constant 1 : i32
        %swap3A_1069 = arith.index_cast %swap3A_1068 : i32 to index
        %swap3A_1070 = arith.index_cast %scan3A_722 : i32 to index
        %swap3A_1071 = arith.constant 112 : index
        %swap3A_1072 = tpu.vector_load %arg11[%swap3A_1069, %swap3A_1070, %swap3A_1071] {strides = array<i32>} : memref<2x50x432xf32, #tpu.memory_space<vmem>>, vector<16xf32>,
        tpu.vector_store %arg11[%swap3A_1069, %swap3A_1070, %swap3A_1071], %get3A_1067 {strides = array<i32>} : memref<2x50x432xf32, #tpu.memory_space<vmem>>, vector<16xf32>,
        %add3A_1073 = arith.constant 50 : i32
        %add3A_1074 = arith.addi %add3A_1073, %scan3A_722 : i32
        %get3A_1075 = arith.index_cast %add3A_1074 : i32 to index
        %get3A_1076 = arith.constant 128 : index
        %get3A_1077 = tpu.vector_load %arg9[%get3A_1075, %get3A_1076] {strides = array<i32>} : memref<100x432xf32, #tpu.memory_space<vmem>>, vector<16xf32>,
        %swap3A_1078 = arith.constant 1 : i32
        %swap3A_1079 = arith.index_cast %swap3A_1078 : i32 to index
        %swap3A_1080 = arith.index_cast %scan3A_722 : i32 to index
        %swap3A_1081 = arith.constant 128 : index
        %swap3A_1082 = tpu.vector_load %arg11[%swap3A_1079, %swap3A_1080, %swap3A_1081] {strides = array<i32>} : memref<2x50x432xf32, #tpu.memory_space<vmem>>, vector<16xf32>,
        tpu.vector_store %arg11[%swap3A_1079, %swap3A_1080, %swap3A_1081], %get3A_1077 {strides = array<i32>} : memref<2x50x432xf32, #tpu.memory_space<vmem>>, vector<16xf32>,
        %add3A_1083 = arith.constant 50 : i32
        %add3A_1084 = arith.addi %add3A_1083, %scan3A_722 : i32
        %get3A_1085 = arith.index_cast %add3A_1084 : i32 to index
        %get3A_1086 = arith.constant 144 : index
        %get3A_1087 = tpu.vector_load %arg9[%get3A_1085, %get3A_1086] {strides = array<i32>} : memref<100x432xf32, #tpu.memory_space<vmem>>, vector<16xf32>,
        %swap3A_1088 = arith.constant 1 : i32
        %swap3A_1089 = arith.index_cast %swap3A_1088 : i32 to index
        %swap3A_1090 = arith.index_cast %scan3A_722 : i32 to index
        %swap3A_1091 = arith.constant 144 : index
        %swap3A_1092 = tpu.vector_load %arg11[%swap3A_1089, %swap3A_1090, %swap3A_1091] {strides = array<i32>} : memref<2x50x432xf32, #tpu.memory_space<vmem>>, vector<16xf32>,
        tpu.vector_store %arg11[%swap3A_1089, %swap3A_1090, %swap3A_1091], %get3A_1087 {strides = array<i32>} : memref<2x50x432xf32, #tpu.memory_space<vmem>>, vector<16xf32>,
        %add3A_1093 = arith.constant 50 : i32
        %add3A_1094 = arith.addi %add3A_1093, %scan3A_722 : i32
        %get3A_1095 = arith.index_cast %add3A_1094 : i32 to index
        %get3A_1096 = arith.constant 160 : index
        %get3A_1097 = tpu.vector_load %arg9[%get3A_1095, %get3A_1096] {strides = array<i32>} : memref<100x432xf32, #tpu.memory_space<vmem>>, vector<16xf32>,
        %swap3A_1098 = arith.constant 1 : i32
        %swap3A_1099 = arith.index_cast %swap3A_1098 : i32 to index
        %swap3A_1100 = arith.index_cast %scan3A_722 : i32 to index
        %swap3A_1101 = arith.constant 160 : index
        %swap3A_1102 = tpu.vector_load %arg11[%swap3A_1099, %swap3A_1100, %swap3A_1101] {strides = array<i32>} : memref<2x50x432xf32, #tpu.memory_space<vmem>>, vector<16xf32>,
        tpu.vector_store %arg11[%swap3A_1099, %swap3A_1100, %swap3A_1101], %get3A_1097 {strides = array<i32>} : memref<2x50x432xf32, #tpu.memory_space<vmem>>, vector<16xf32>,
        %add3A_1103 = arith.constant 50 : i32
        %add3A_1104 = arith.addi %add3A_1103, %scan3A_722 : i32
        %get3A_1105 = arith.index_cast %add3A_1104 : i32 to index
        %get3A_1106 = arith.constant 176 : index
        %get3A_1107 = tpu.vector_load %arg9[%get3A_1105, %get3A_1106] {strides = array<i32>} : memref<100x432xf32, #tpu.memory_space<vmem>>, vector<16xf32>,
        %swap3A_1108 = arith.constant 1 : i32
        %swap3A_1109 = arith.index_cast %swap3A_1108 : i32 to index
        %swap3A_1110 = arith.index_cast %scan3A_722 : i32 to index
        %swap3A_1111 = arith.constant 176 : index
        %swap3A_1112 = tpu.vector_load %arg11[%swap3A_1109, %swap3A_1110, %swap3A_1111] {strides = array<i32>} : memref<2x50x432xf32, #tpu.memory_space<vmem>>, vector<16xf32>,
        tpu.vector_store %arg11[%swap3A_1109, %swap3A_1110, %swap3A_1111], %get3A_1107 {strides = array<i32>} : memref<2x50x432xf32, #tpu.memory_space<vmem>>, vector<16xf32>,
        %add3A_1113 = arith.constant 50 : i32
        %add3A_1114 = arith.addi %add3A_1113, %scan3A_722 : i32
        %get3A_1115 = arith.index_cast %add3A_1114 : i32 to index
        %get3A_1116 = arith.constant 192 : index
        %get3A_1117 = tpu.vector_load %arg9[%get3A_1115, %get3A_1116] {strides = array<i32>} : memref<100x432xf32, #tpu.memory_space<vmem>>, vector<16xf32>,
        %swap3A_1118 = arith.constant 1 : i32
        %swap3A_1119 = arith.index_cast %swap3A_1118 : i32 to index
        %swap3A_1120 = arith.index_cast %scan3A_722 : i32 to index
        %swap3A_1121 = arith.constant 192 : index
        %swap3A_1122 = tpu.vector_load %arg11[%swap3A_1119, %swap3A_1120, %swap3A_1121] {strides = array<i32>} : memref<2x50x432xf32, #tpu.memory_space<vmem>>, vector<16xf32>,
        tpu.vector_store %arg11[%swap3A_1119, %swap3A_1120, %swap3A_1121], %get3A_1117 {strides = array<i32>} : memref<2x50x432xf32, #tpu.memory_space<vmem>>, vector<16xf32>,
        %add3A_1123 = arith.constant 50 : i32
        %add3A_1124 = arith.addi %add3A_1123, %scan3A_722 : i32
        %get3A_1125 = arith.index_cast %add3A_1124 : i32 to index
        %get3A_1126 = arith.constant 208 : index
        %get3A_1127 = tpu.vector_load %arg9[%get3A_1125, %get3A_1126] {strides = array<i32>} : memref<100x432xf32, #tpu.memory_space<vmem>>, vector<16xf32>,
        %swap3A_1128 = arith.constant 1 : i32
        %swap3A_1129 = arith.index_cast %swap3A_1128 : i32 to index
        %swap3A_1130 = arith.index_cast %scan3A_722 : i32 to index
        %swap3A_1131 = arith.constant 208 : index
        %swap3A_1132 = tpu.vector_load %arg11[%swap3A_1129, %swap3A_1130, %swap3A_1131] {strides = array<i32>} : memref<2x50x432xf32, #tpu.memory_space<vmem>>, vector<16xf32>,
        tpu.vector_store %arg11[%swap3A_1129, %swap3A_1130, %swap3A_1131], %get3A_1127 {strides = array<i32>} : memref<2x50x432xf32, #tpu.memory_space<vmem>>, vector<16xf32>,
        %add3A_1133 = arith.constant 50 : i32
        %add3A_1134 = arith.addi %add3A_1133, %scan3A_722 : i32
        %get3A_1135 = arith.index_cast %add3A_1134 : i32 to index
        %get3A_1136 = arith.constant 224 : index
        %get3A_1137 = tpu.vector_load %arg9[%get3A_1135, %get3A_1136] {strides = array<i32>} : memref<100x432xf32, #tpu.memory_space<vmem>>, vector<16xf32>,
        %swap3A_1138 = arith.constant 1 : i32
        %swap3A_1139 = arith.index_cast %swap3A_1138 : i32 to index
        %swap3A_1140 = arith.index_cast %scan3A_722 : i32 to index
        %swap3A_1141 = arith.constant 224 : index
        %swap3A_1142 = tpu.vector_load %arg11[%swap3A_1139, %swap3A_1140, %swap3A_1141] {strides = array<i32>} : memref<2x50x432xf32, #tpu.memory_space<vmem>>, vector<16xf32>,
        tpu.vector_store %arg11[%swap3A_1139, %swap3A_1140, %swap3A_1141], %get3A_1137 {strides = array<i32>} : memref<2x50x432xf32, #tpu.memory_space<vmem>>, vector<16xf32>,
        %add3A_1143 = arith.constant 50 : i32
        %add3A_1144 = arith.addi %add3A_1143, %scan3A_722 : i32
        %get3A_1145 = arith.index_cast %add3A_1144 : i32 to index
        %get3A_1146 = arith.constant 240 : index
        %get3A_1147 = tpu.vector_load %arg9[%get3A_1145, %get3A_1146] {strides = array<i32>} : memref<100x432xf32, #tpu.memory_space<vmem>>, vector<16xf32>,
        %swap3A_1148 = arith.constant 1 : i32
        %swap3A_1149 = arith.index_cast %swap3A_1148 : i32 to index
        %swap3A_1150 = arith.index_cast %scan3A_722 : i32 to index
        %swap3A_1151 = arith.constant 240 : index
        %swap3A_1152 = tpu.vector_load %arg11[%swap3A_1149, %swap3A_1150, %swap3A_1151] {strides = array<i32>} : memref<2x50x432xf32, #tpu.memory_space<vmem>>, vector<16xf32>,
        tpu.vector_store %arg11[%swap3A_1149, %swap3A_1150, %swap3A_1151], %get3A_1147 {strides = array<i32>} : memref<2x50x432xf32, #tpu.memory_space<vmem>>, vector<16xf32>,
        %add3A_1153 = arith.constant 50 : i32
        %add3A_1154 = arith.addi %add3A_1153, %scan3A_722 : i32
        %get3A_1155 = arith.index_cast %add3A_1154 : i32 to index
        %get3A_1156 = arith.constant 256 : index
        %get3A_1157 = tpu.vector_load %arg9[%get3A_1155, %get3A_1156] {strides = array<i32>} : memref<100x432xf32, #tpu.memory_space<vmem>>, vector<16xf32>,
        %swap3A_1158 = arith.constant 1 : i32
        %swap3A_1159 = arith.index_cast %swap3A_1158 : i32 to index
        %swap3A_1160 = arith.index_cast %scan3A_722 : i32 to index
        %swap3A_1161 = arith.constant 256 : index
        %swap3A_1162 = tpu.vector_load %arg11[%swap3A_1159, %swap3A_1160, %swap3A_1161] {strides = array<i32>} : memref<2x50x432xf32, #tpu.memory_space<vmem>>, vector<16xf32>,
        tpu.vector_store %arg11[%swap3A_1159, %swap3A_1160, %swap3A_1161], %get3A_1157 {strides = array<i32>} : memref<2x50x432xf32, #tpu.memory_space<vmem>>, vector<16xf32>,
        %add3A_1163 = arith.constant 50 : i32
        %add3A_1164 = arith.addi %add3A_1163, %scan3A_722 : i32
        %get3A_1165 = arith.index_cast %add3A_1164 : i32 to index
        %get3A_1166 = arith.constant 272 : index
        %get3A_1167 = tpu.vector_load %arg9[%get3A_1165, %get3A_1166] {strides = array<i32>} : memref<100x432xf32, #tpu.memory_space<vmem>>, vector<16xf32>,
        %swap3A_1168 = arith.constant 1 : i32
        %swap3A_1169 = arith.index_cast %swap3A_1168 : i32 to index
        %swap3A_1170 = arith.index_cast %scan3A_722 : i32 to index
        %swap3A_1171 = arith.constant 272 : index
        %swap3A_1172 = tpu.vector_load %arg11[%swap3A_1169, %swap3A_1170, %swap3A_1171] {strides = array<i32>} : memref<2x50x432xf32, #tpu.memory_space<vmem>>, vector<16xf32>,
        tpu.vector_store %arg11[%swap3A_1169, %swap3A_1170, %swap3A_1171], %get3A_1167 {strides = array<i32>} : memref<2x50x432xf32, #tpu.memory_space<vmem>>, vector<16xf32>,
        %add3A_1173 = arith.constant 50 : i32
        %add3A_1174 = arith.addi %add3A_1173, %scan3A_722 : i32
        %get3A_1175 = arith.index_cast %add3A_1174 : i32 to index
        %get3A_1176 = arith.constant 288 : index
        %get3A_1177 = tpu.vector_load %arg9[%get3A_1175, %get3A_1176] {strides = array<i32>} : memref<100x432xf32, #tpu.memory_space<vmem>>, vector<16xf32>,
        %swap3A_1178 = arith.constant 1 : i32
        %swap3A_1179 = arith.index_cast %swap3A_1178 : i32 to index
        %swap3A_1180 = arith.index_cast %scan3A_722 : i32 to index
        %swap3A_1181 = arith.constant 288 : index
        %swap3A_1182 = tpu.vector_load %arg11[%swap3A_1179, %swap3A_1180, %swap3A_1181] {strides = array<i32>} : memref<2x50x432xf32, #tpu.memory_space<vmem>>, vector<16xf32>,
        tpu.vector_store %arg11[%swap3A_1179, %swap3A_1180, %swap3A_1181], %get3A_1177 {strides = array<i32>} : memref<2x50x432xf32, #tpu.memory_space<vmem>>, vector<16xf32>,
        %add3A_1183 = arith.constant 50 : i32
        %add3A_1184 = arith.addi %add3A_1183, %scan3A_722 : i32
        %get3A_1185 = arith.index_cast %add3A_1184 : i32 to index
        %get3A_1186 = arith.constant 304 : index
        %get3A_1187 = tpu.vector_load %arg9[%get3A_1185, %get3A_1186] {strides = array<i32>} : memref<100x432xf32, #tpu.memory_space<vmem>>, vector<16xf32>,
        %swap3A_1188 = arith.constant 1 : i32
        %swap3A_1189 = arith.index_cast %swap3A_1188 : i32 to index
        %swap3A_1190 = arith.index_cast %scan3A_722 : i32 to index
        %swap3A_1191 = arith.constant 304 : index
        %swap3A_1192 = tpu.vector_load %arg11[%swap3A_1189, %swap3A_1190, %swap3A_1191] {strides = array<i32>} : memref<2x50x432xf32, #tpu.memory_space<vmem>>, vector<16xf32>,
        tpu.vector_store %arg11[%swap3A_1189, %swap3A_1190, %swap3A_1191], %get3A_1187 {strides = array<i32>} : memref<2x50x432xf32, #tpu.memory_space<vmem>>, vector<16xf32>,
        %add3A_1193 = arith.constant 50 : i32
        %add3A_1194 = arith.addi %add3A_1193, %scan3A_722 : i32
        %get3A_1195 = arith.index_cast %add3A_1194 : i32 to index
        %get3A_1196 = arith.constant 320 : index
        %get3A_1197 = tpu.vector_load %arg9[%get3A_1195, %get3A_1196] {strides = array<i32>} : memref<100x432xf32, #tpu.memory_space<vmem>>, vector<16xf32>,
        %swap3A_1198 = arith.constant 1 : i32
        %swap3A_1199 = arith.index_cast %swap3A_1198 : i32 to index
        %swap3A_1200 = arith.index_cast %scan3A_722 : i32 to index
        %swap3A_1201 = arith.constant 320 : index
        %swap3A_1202 = tpu.vector_load %arg11[%swap3A_1199, %swap3A_1200, %swap3A_1201] {strides = array<i32>} : memref<2x50x432xf32, #tpu.memory_space<vmem>>, vector<16xf32>,
        tpu.vector_store %arg11[%swap3A_1199, %swap3A_1200, %swap3A_1201], %get3A_1197 {strides = array<i32>} : memref<2x50x432xf32, #tpu.memory_space<vmem>>, vector<16xf32>,
        %add3A_1203 = arith.constant 50 : i32
        %add3A_1204 = arith.addi %add3A_1203, %scan3A_722 : i32
        %get3A_1205 = arith.index_cast %add3A_1204 : i32 to index
        %get3A_1206 = arith.constant 336 : index
        %get3A_1207 = tpu.vector_load %arg9[%get3A_1205, %get3A_1206] {strides = array<i32>} : memref<100x432xf32, #tpu.memory_space<vmem>>, vector<16xf32>,
        %swap3A_1208 = arith.constant 1 : i32
        %swap3A_1209 = arith.index_cast %swap3A_1208 : i32 to index
        %swap3A_1210 = arith.index_cast %scan3A_722 : i32 to index
        %swap3A_1211 = arith.constant 336 : index
        %swap3A_1212 = tpu.vector_load %arg11[%swap3A_1209, %swap3A_1210, %swap3A_1211] {strides = array<i32>} : memref<2x50x432xf32, #tpu.memory_space<vmem>>, vector<16xf32>,
        tpu.vector_store %arg11[%swap3A_1209, %swap3A_1210, %swap3A_1211], %get3A_1207 {strides = array<i32>} : memref<2x50x432xf32, #tpu.memory_space<vmem>>, vector<16xf32>,
        %add3A_1213 = arith.constant 50 : i32
        %add3A_1214 = arith.addi %add3A_1213, %scan3A_722 : i32
        %get3A_1215 = arith.index_cast %add3A_1214 : i32 to index
        %get3A_1216 = arith.constant 352 : index
        %get3A_1217 = tpu.vector_load %arg9[%get3A_1215, %get3A_1216] {strides = array<i32>} : memref<100x432xf32, #tpu.memory_space<vmem>>, vector<16xf32>,
        %swap3A_1218 = arith.constant 1 : i32
        %swap3A_1219 = arith.index_cast %swap3A_1218 : i32 to index
        %swap3A_1220 = arith.index_cast %scan3A_722 : i32 to index
        %swap3A_1221 = arith.constant 352 : index
        %swap3A_1222 = tpu.vector_load %arg11[%swap3A_1219, %swap3A_1220, %swap3A_1221] {strides = array<i32>} : memref<2x50x432xf32, #tpu.memory_space<vmem>>, vector<16xf32>,
        tpu.vector_store %arg11[%swap3A_1219, %swap3A_1220, %swap3A_1221], %get3A_1217 {strides = array<i32>} : memref<2x50x432xf32, #tpu.memory_space<vmem>>, vector<16xf32>,
        %add3A_1223 = arith.constant 50 : i32
        %add3A_1224 = arith.addi %add3A_1223, %scan3A_722 : i32
        %get3A_1225 = arith.index_cast %add3A_1224 : i32 to index
        %get3A_1226 = arith.constant 368 : index
        %get3A_1227 = tpu.vector_load %arg9[%get3A_1225, %get3A_1226] {strides = array<i32>} : memref<100x432xf32, #tpu.memory_space<vmem>>, vector<16xf32>,
        %swap3A_1228 = arith.constant 1 : i32
        %swap3A_1229 = arith.index_cast %swap3A_1228 : i32 to index
        %swap3A_1230 = arith.index_cast %scan3A_722 : i32 to index
        %swap3A_1231 = arith.constant 368 : index
        %swap3A_1232 = tpu.vector_load %arg11[%swap3A_1229, %swap3A_1230, %swap3A_1231] {strides = array<i32>} : memref<2x50x432xf32, #tpu.memory_space<vmem>>, vector<16xf32>,
        tpu.vector_store %arg11[%swap3A_1229, %swap3A_1230, %swap3A_1231], %get3A_1227 {strides = array<i32>} : memref<2x50x432xf32, #tpu.memory_space<vmem>>, vector<16xf32>,
        %add3A_1233 = arith.constant 50 : i32
        %add3A_1234 = arith.addi %add3A_1233, %scan3A_722 : i32
        %get3A_1235 = arith.index_cast %add3A_1234 : i32 to index
        %get3A_1236 = arith.constant 384 : index
        %get3A_1237 = tpu.vector_load %arg9[%get3A_1235, %get3A_1236] {strides = array<i32>} : memref<100x432xf32, #tpu.memory_space<vmem>>, vector<16xf32>,
        %swap3A_1238 = arith.constant 1 : i32
        %swap3A_1239 = arith.index_cast %swap3A_1238 : i32 to index
        %swap3A_1240 = arith.index_cast %scan3A_722 : i32 to index
        %swap3A_1241 = arith.constant 384 : index
        %swap3A_1242 = tpu.vector_load %arg11[%swap3A_1239, %swap3A_1240, %swap3A_1241] {strides = array<i32>} : memref<2x50x432xf32, #tpu.memory_space<vmem>>, vector<16xf32>,
        tpu.vector_store %arg11[%swap3A_1239, %swap3A_1240, %swap3A_1241], %get3A_1237 {strides = array<i32>} : memref<2x50x432xf32, #tpu.memory_space<vmem>>, vector<16xf32>,
        %add3A_1243 = arith.constant 50 : i32
        %add3A_1244 = arith.addi %add3A_1243, %scan3A_722 : i32
        %get3A_1245 = arith.index_cast %add3A_1244 : i32 to index
        %get3A_1246 = arith.constant 400 : index
        %get3A_1247 = tpu.vector_load %arg9[%get3A_1245, %get3A_1246] {strides = array<i32>} : memref<100x432xf32, #tpu.memory_space<vmem>>, vector<16xf32>,
        %swap3A_1248 = arith.constant 1 : i32
        %swap3A_1249 = arith.index_cast %swap3A_1248 : i32 to index
        %swap3A_1250 = arith.index_cast %scan3A_722 : i32 to index
        %swap3A_1251 = arith.constant 400 : index
        %swap3A_1252 = tpu.vector_load %arg11[%swap3A_1249, %swap3A_1250, %swap3A_1251] {strides = array<i32>} : memref<2x50x432xf32, #tpu.memory_space<vmem>>, vector<16xf32>,
        tpu.vector_store %arg11[%swap3A_1249, %swap3A_1250, %swap3A_1251], %get3A_1247 {strides = array<i32>} : memref<2x50x432xf32, #tpu.memory_space<vmem>>, vector<16xf32>,
        %add3A_1253 = arith.constant 50 : i32
        %add3A_1254 = arith.addi %add3A_1253, %scan3A_722 : i32
        %get3A_1255 = arith.index_cast %add3A_1254 : i32 to index
        %get3A_1256 = arith.constant 416 : index
        %get3A_1257 = tpu.vector_load %arg9[%get3A_1255, %get3A_1256] {strides = array<i32>} : memref<100x432xf32, #tpu.memory_space<vmem>>, vector<16xf32>,
        %swap3A_1258 = arith.constant 1 : i32
        %swap3A_1259 = arith.index_cast %swap3A_1258 : i32 to index
        %swap3A_1260 = arith.index_cast %scan3A_722 : i32 to index
        %swap3A_1261 = arith.constant 416 : index
        %swap3A_1262 = tpu.vector_load %arg11[%swap3A_1259, %swap3A_1260, %swap3A_1261] {strides = array<i32>} : memref<2x50x432xf32, #tpu.memory_space<vmem>>, vector<16xf32>,
        tpu.vector_store %arg11[%swap3A_1259, %swap3A_1260, %swap3A_1261], %get3A_1257 {strides = array<i32>} : memref<2x50x432xf32, #tpu.memory_space<vmem>>, vector<16xf32>,
      }
      %scan3A_138 = arith.constant 50 : i32
      %mul3A_139 = arith.constant 2 : i32
      %mul3A_140 = arith.muli %mul3A_64, %mul3A_139 : i32
      %add3A_141 = arith.addi %mul3A_2, %mul3A_140 : i32
      %dma_start3A_142 = arith.constant 0 : i32
      %dma_start3A_143 = arith.constant 0 : i32
      %dma_start3A_144 = tpu.memref_slice %arg4[%add3A_141, %dma_start3A_142, %dma_start3A_143] : memref<4096x50x432xf32, #tpu.memory_space<hbm>> -> memref<2x50x432xf32, #tpu.memory_space<hbm>>
      %dma_start3A_145 = arith.constant 0 : i32
      %dma_start3A_146 = arith.constant 0 : i32
      %dma_start3A_147 = tpu.memref_slice %arg4[%add3A_141, %dma_start3A_145, %dma_start3A_146] : memref<4096x50x432xf32, #tpu.memory_space<hbm>> -> memref<2x50x432xf32, #tpu.memory_space<hbm>>
      tpu.enqueue_dma source(%arg11 : memref<2x50x432xf32, #tpu.memory_space<vmem>>) target(%dma_start3A_147 : memref<2x50x432xf32, #tpu.memory_space<hbm>>) target_semaphore(%arg14 : memref<!tpu.dma_semaphore, #tpu.memory_space<semaphore_mem>>)
      %lt3A_148 = arith.constant 31 : i32
      %lt3A_149 = arith.cmpi slt, %scan3A_62, %lt3A_148 : i32
      %convert_element_type3A_150 = arith.extui %lt3A_149 : i1 to i32
      %cond3A_151 = arith.constant 0 : i32
      %cond3A_152 = arith.cmpi ne, %convert_element_type3A_150, %cond3A_151 : i32
      scf.if %cond3A_152 {
        %add3A_182 = arith.constant 2 : i32
        %add3A_183 = arith.addi %mul3A_64, %add3A_182 : i32
        %mul3A_184 = arith.constant 2 : i32
        %mul3A_185 = arith.muli %add3A_183, %mul3A_184 : i32
        %add3A_186 = arith.addi %mul3A_2, %mul3A_185 : i32
        "tpu.region"() ({
          %run_scoped3A = tpu.sem_alloc : memref<!tpu.dma_semaphore, #tpu.memory_space<semaphore_mem>>
          %dma_start3A_245 = arith.constant 0 : i32
          %dma_start3A_246 = tpu.memref_slice %arg2[%add3A_186, %dma_start3A_245] : memref<4096x50xi32, #tpu.memory_space<hbm>> -> memref<2x50xi32, #tpu.memory_space<hbm>>
          %dma_start3A_247 = arith.constant 0 : i32
          %dma_start3A_248 = tpu.memref_slice %arg2[%add3A_186, %dma_start3A_247] : memref<4096x50xi32, #tpu.memory_space<hbm>> -> memref<2x50xi32, #tpu.memory_space<hbm>>
          tpu.enqueue_dma source(%dma_start3A_248 : memref<2x50xi32, #tpu.memory_space<hbm>>) target(%arg5 : memref<2x50xi32, #tpu.memory_space<vmem>>) target_semaphore(%run_scoped3A : memref<!tpu.dma_semaphore, #tpu.memory_space<semaphore_mem>>)
          %dma_wait3A_249 = arith.constant 0 : i32
          %dma_wait3A_250 = tpu.memref_slice %arg2[%add3A_186, %dma_wait3A_249] : memref<4096x50xi32, #tpu.memory_space<hbm>> -> memref<2x50xi32, #tpu.memory_space<hbm>>
          %dma_wait3A_251 = arith.constant 0 : i32
          %dma_wait3A_252 = tpu.memref_slice %arg2[%add3A_186, %dma_wait3A_251] : memref<4096x50xi32, #tpu.memory_space<hbm>> -> memref<2x50xi32, #tpu.memory_space<hbm>>
          tpu.wait_dma2 semaphore(%run_scoped3A : memref<!tpu.dma_semaphore, #tpu.memory_space<semaphore_mem>>) src(%dma_wait3A_252 : memref<2x50xi32, #tpu.memory_space<hbm>>) dst(%arg5 : memref<2x50xi32, #tpu.memory_space<vmem>>)
          tpu.yield
        }) : () -> ()
        %scan3A_187 = arith.constant 0 : i32
        %scan3A_188 = arith.constant 0 : i32
        %scan3A_189 = arith.constant 6 : i32
        %scan3A_190 = arith.addi %scan3A_188, %scan3A_189 : i32
        %scan3A_191 = arith.constant 2 : i32
        scf.for %scan3A_245 = %scan3A_188 to %scan3A_190 step %scan3A_191  : i32 {
          %iota3A_246 = tpu.iota {dimensions = array<i32: 0>} : vector<16xi32>
          %mul3A_247 = arith.constant 16 : i32
          %mul3A_248 = arith.muli %scan3A_245, %mul3A_247 : i32
          %add3A_249 = vector.broadcast %mul3A_248 : i32 to vector<16xi32>
          %add3A_250 = arith.addi %iota3A_246, %add3A_249 : vector<16xi32>
          %lt3A_251 = arith.constant 100 : i32
          %lt3A_252 = vector.broadcast %lt3A_251 : i32 to vector<16xi32>
          %lt3A_253 = arith.cmpi slt, %add3A_250, %lt3A_252 : vector<16xi32>
          %min3A_254 = arith.constant 99 : i32
          %min3A_255 = vector.broadcast %min3A_254 : i32 to vector<16xi32>
          %min3A_256 = arith.minsi %add3A_250, %min3A_255 : vector<16xi32>
          %jit3A_257 = arith.constant 50 : i32
          %div3A_258 = vector.broadcast %jit3A_257 : i32 to vector<16xi32>
          %div3A_259 = arith.divsi %min3A_256, %div3A_258 : vector<16xi32>
          %sign3A_260 = arith.constant 0 : i32
          %sign3A_261 = vector.broadcast %sign3A_260 : i32 to vector<16xi32>
          %sign3A_262 = arith.cmpi sgt, %min3A_256, %sign3A_261 : vector<16xi32>
          %sign3A_263 = arith.extui %sign3A_262 : vector<16xi1> to vector<16xi32>
          %sign3A_264 = arith.constant 0 : i32
          %sign3A_265 = vector.broadcast %sign3A_264 : i32 to vector<16xi32>
          %sign3A_266 = arith.cmpi slt, %min3A_256, %sign3A_265 : vector<16xi32>
          %sign3A_267 = arith.extui %sign3A_266 : vector<16xi1> to vector<16xi32>
          %sign3A_268 = arith.subi %sign3A_263, %sign3A_267 : vector<16xi32>
          %sign3A_269 = arith.constant 0 : i32
          %sign3A_270 = arith.cmpi sgt, %jit3A_257, %sign3A_269 : i32
          %sign3A_271 = arith.extui %sign3A_270 : i1 to i32
          %sign3A_272 = arith.constant 0 : i32
          %sign3A_273 = arith.cmpi slt, %jit3A_257, %sign3A_272 : i32
          %sign3A_274 = arith.extui %sign3A_273 : i1 to i32
          %sign3A_275 = arith.subi %sign3A_271, %sign3A_274 : i32
          %ne3A_276 = vector.broadcast %sign3A_275 : i32 to vector<16xi32>
          %ne3A_277 = arith.cmpi ne, %sign3A_268, %ne3A_276 : vector<16xi32>
          %rem3A_278 = vector.broadcast %jit3A_257 : i32 to vector<16xi32>
          %rem3A_279 = arith.remsi %min3A_256, %rem3A_278 : vector<16xi32>
          %ne3A_280 = arith.constant 0 : i32
          %ne3A_281 = vector.broadcast %ne3A_280 : i32 to vector<16xi32>
          %ne3A_282 = arith.cmpi ne, %rem3A_279, %ne3A_281 : vector<16xi32>
          %and3A_283 = arith.andi %ne3A_277, %ne3A_282 : vector<16xi1>
          %sub3A_284 = arith.constant 1 : i32
          %sub3A_285 = vector.broadcast %sub3A_284 : i32 to vector<16xi32>
          %sub3A_286 = arith.subi %div3A_259, %sub3A_285 : vector<16xi32>
          %select_n3A_287 = arith.select %and3A_283, %sub3A_286, %div3A_259 : vector<16xi1>, vector<16xi32>
          %mul3A_288 = arith.constant 50 : i32
          %mul3A_289 = vector.broadcast %mul3A_288 : i32 to vector<16xi32>
          %mul3A_290 = arith.muli %select_n3A_287, %mul3A_289 : vector<16xi32>
          %sub3A_291 = arith.subi %min3A_256, %mul3A_290 : vector<16xi32>
          %gather3A_292 = tpu.vector_load_idx %arg5[%select_n3A_287, %sub3A_291] masked %lt3A_253 : memref<2x50xi32, #tpu.memory_space<vmem>>[vector<16xi32>, vector<16xi32>], vector<16xi32>, vector<16xi1>
          tpu.vector_store_idx %arg7[%min3A_256], %gather3A_292 masked %lt3A_253 : memref<100xi32, #tpu.memory_space<vmem>>[vector<16xi32>], vector<16xi32>, vector<16xi1>
          %scan3A_293 = arith.constant 1 : i32
          %scan3A_294 = arith.addi %scan3A_245, %scan3A_293 : i32
          %iota3A_295 = tpu.iota {dimensions = array<i32: 0>} : vector<16xi32>
          %mul3A_296 = arith.constant 16 : i32
          %mul3A_297 = arith.muli %scan3A_294, %mul3A_296 : i32
          %add3A_298 = vector.broadcast %mul3A_297 : i32 to vector<16xi32>
          %add3A_299 = arith.addi %iota3A_295, %add3A_298 : vector<16xi32>
          %lt3A_300 = arith.constant 100 : i32
          %lt3A_301 = vector.broadcast %lt3A_300 : i32 to vector<16xi32>
          %lt3A_302 = arith.cmpi slt, %add3A_299, %lt3A_301 : vector<16xi32>
          %min3A_303 = arith.constant 99 : i32
          %min3A_304 = vector.broadcast %min3A_303 : i32 to vector<16xi32>
          %min3A_305 = arith.minsi %add3A_299, %min3A_304 : vector<16xi32>
          %jit3A_306 = arith.constant 50 : i32
          %div3A_307 = vector.broadcast %jit3A_306 : i32 to vector<16xi32>
          %div3A_308 = arith.divsi %min3A_305, %div3A_307 : vector<16xi32>
          %sign3A_309 = arith.constant 0 : i32
          %sign3A_310 = vector.broadcast %sign3A_309 : i32 to vector<16xi32>
          %sign3A_311 = arith.cmpi sgt, %min3A_305, %sign3A_310 : vector<16xi32>
          %sign3A_312 = arith.extui %sign3A_311 : vector<16xi1> to vector<16xi32>
          %sign3A_313 = arith.constant 0 : i32
          %sign3A_314 = vector.broadcast %sign3A_313 : i32 to vector<16xi32>
          %sign3A_315 = arith.cmpi slt, %min3A_305, %sign3A_314 : vector<16xi32>
          %sign3A_316 = arith.extui %sign3A_315 : vector<16xi1> to vector<16xi32>
          %sign3A_317 = arith.subi %sign3A_312, %sign3A_316 : vector<16xi32>
          %sign3A_318 = arith.constant 0 : i32
          %sign3A_319 = arith.cmpi sgt, %jit3A_306, %sign3A_318 : i32
          %sign3A_320 = arith.extui %sign3A_319 : i1 to i32
          %sign3A_321 = arith.constant 0 : i32
          %sign3A_322 = arith.cmpi slt, %jit3A_306, %sign3A_321 : i32
          %sign3A_323 = arith.extui %sign3A_322 : i1 to i32
          %sign3A_324 = arith.subi %sign3A_320, %sign3A_323 : i32
          %ne3A_325 = vector.broadcast %sign3A_324 : i32 to vector<16xi32>
          %ne3A_326 = arith.cmpi ne, %sign3A_317, %ne3A_325 : vector<16xi32>
          %rem3A_327 = vector.broadcast %jit3A_306 : i32 to vector<16xi32>
          %rem3A_328 = arith.remsi %min3A_305, %rem3A_327 : vector<16xi32>
          %ne3A_329 = arith.constant 0 : i32
          %ne3A_330 = vector.broadcast %ne3A_329 : i32 to vector<16xi32>
          %ne3A_331 = arith.cmpi ne, %rem3A_328, %ne3A_330 : vector<16xi32>
          %and3A_332 = arith.andi %ne3A_326, %ne3A_331 : vector<16xi1>
          %sub3A_333 = arith.constant 1 : i32
          %sub3A_334 = vector.broadcast %sub3A_333 : i32 to vector<16xi32>
          %sub3A_335 = arith.subi %div3A_308, %sub3A_334 : vector<16xi32>
          %select_n3A_336 = arith.select %and3A_332, %sub3A_335, %div3A_308 : vector<16xi1>, vector<16xi32>
          %mul3A_337 = arith.constant 50 : i32
          %mul3A_338 = vector.broadcast %mul3A_337 : i32 to vector<16xi32>
          %mul3A_339 = arith.muli %select_n3A_336, %mul3A_338 : vector<16xi32>
          %sub3A_340 = arith.subi %min3A_305, %mul3A_339 : vector<16xi32>
          %gather3A_341 = tpu.vector_load_idx %arg5[%select_n3A_336, %sub3A_340] masked %lt3A_302 : memref<2x50xi32, #tpu.memory_space<vmem>>[vector<16xi32>, vector<16xi32>], vector<16xi32>, vector<16xi1>
          tpu.vector_store_idx %arg7[%min3A_305], %gather3A_341 masked %lt3A_302 : memref<100xi32, #tpu.memory_space<vmem>>[vector<16xi32>], vector<16xi32>, vector<16xi1>
        }
        %scan3A_192 = arith.constant 6 : i32
        %scan3A_193 = arith.addi %scan3A_188, %scan3A_192 : i32
        %iota3A_194 = tpu.iota {dimensions = array<i32: 0>} : vector<16xi32>
        %mul3A_195 = arith.constant 16 : i32
        %mul3A_196 = arith.muli %scan3A_193, %mul3A_195 : i32
        %add3A_197 = vector.broadcast %mul3A_196 : i32 to vector<16xi32>
        %add3A_198 = arith.addi %iota3A_194, %add3A_197 : vector<16xi32>
        %lt3A_199 = arith.constant 100 : i32
        %lt3A_200 = vector.broadcast %lt3A_199 : i32 to vector<16xi32>
        %lt3A_201 = arith.cmpi slt, %add3A_198, %lt3A_200 : vector<16xi32>
        %min3A_202 = arith.constant 99 : i32
        %min3A_203 = vector.broadcast %min3A_202 : i32 to vector<16xi32>
        %min3A_204 = arith.minsi %add3A_198, %min3A_203 : vector<16xi32>
        %jit3A_205 = arith.constant 50 : i32
        %div3A_206 = vector.broadcast %jit3A_205 : i32 to vector<16xi32>
        %div3A_207 = arith.divsi %min3A_204, %div3A_206 : vector<16xi32>
        %sign3A_208 = arith.constant 0 : i32
        %sign3A_209 = vector.broadcast %sign3A_208 : i32 to vector<16xi32>
        %sign3A_210 = arith.cmpi sgt, %min3A_204, %sign3A_209 : vector<16xi32>
        %sign3A_211 = arith.extui %sign3A_210 : vector<16xi1> to vector<16xi32>
        %sign3A_212 = arith.constant 0 : i32
        %sign3A_213 = vector.broadcast %sign3A_212 : i32 to vector<16xi32>
        %sign3A_214 = arith.cmpi slt, %min3A_204, %sign3A_213 : vector<16xi32>
        %sign3A_215 = arith.extui %sign3A_214 : vector<16xi1> to vector<16xi32>
        %sign3A_216 = arith.subi %sign3A_211, %sign3A_215 : vector<16xi32>
        %sign3A_217 = arith.constant 0 : i32
        %sign3A_218 = arith.cmpi sgt, %jit3A_205, %sign3A_217 : i32
        %sign3A_219 = arith.extui %sign3A_218 : i1 to i32
        %sign3A_220 = arith.constant 0 : i32
        %sign3A_221 = arith.cmpi slt, %jit3A_205, %sign3A_220 : i32
        %sign3A_222 = arith.extui %sign3A_221 : i1 to i32
        %sign3A_223 = arith.subi %sign3A_219, %sign3A_222 : i32
        %ne3A_224 = vector.broadcast %sign3A_223 : i32 to vector<16xi32>
        %ne3A_225 = arith.cmpi ne, %sign3A_216, %ne3A_224 : vector<16xi32>
        %rem3A_226 = vector.broadcast %jit3A_205 : i32 to vector<16xi32>
        %rem3A_227 = arith.remsi %min3A_204, %rem3A_226 : vector<16xi32>
        %ne3A_228 = arith.constant 0 : i32
        %ne3A_229 = vector.broadcast %ne3A_228 : i32 to vector<16xi32>
        %ne3A_230 = arith.cmpi ne, %rem3A_227, %ne3A_229 : vector<16xi32>
        %and3A_231 = arith.andi %ne3A_225, %ne3A_230 : vector<16xi1>
        %sub3A_232 = arith.constant 1 : i32
        %sub3A_233 = vector.broadcast %sub3A_232 : i32 to vector<16xi32>
        %sub3A_234 = arith.subi %div3A_207, %sub3A_233 : vector<16xi32>
        %select_n3A_235 = arith.select %and3A_231, %sub3A_234, %div3A_207 : vector<16xi1>, vector<16xi32>
        %mul3A_236 = arith.constant 50 : i32
        %mul3A_237 = vector.broadcast %mul3A_236 : i32 to vector<16xi32>
        %mul3A_238 = arith.muli %select_n3A_235, %mul3A_237 : vector<16xi32>
        %sub3A_239 = arith.subi %min3A_204, %mul3A_238 : vector<16xi32>
        %gather3A_240 = tpu.vector_load_idx %arg5[%select_n3A_235, %sub3A_239] masked %lt3A_201 : memref<2x50xi32, #tpu.memory_space<vmem>>[vector<16xi32>, vector<16xi32>], vector<16xi32>, vector<16xi1>
        tpu.vector_store_idx %arg7[%min3A_204], %gather3A_240 masked %lt3A_201 : memref<100xi32, #tpu.memory_space<vmem>>[vector<16xi32>], vector<16xi32>, vector<16xi1>
        %scan3A_241 = arith.constant 7 : i32
        %dma_start3A_242 = arith.constant 0 : i32
        %dma_start3A_243 = arith.constant 0 : i32
        %dma_start3A_244 = tpu.memref_slice %arg3[%dma_start3A_242, %dma_start3A_243] : memref<100000x432xf32, #tpu.memory_space<hbm>> -> memref<100000x432xf32, #tpu.memory_space<hbm>>
        tpu.enqueue_indirect_dma source(%dma_start3A_244 : memref<100000x432xf32, #tpu.memory_space<hbm>>) target(%arg9 : memref<100x432xf32, #tpu.memory_space<vmem>>) offsets(%arg7 : memref<100xi32, #tpu.memory_space<vmem>>) semaphore(%arg12 : memref<!tpu.dma_semaphore, #tpu.memory_space<semaphore_mem>>)
      } else {
      }
      %dma_wait3A_153 = arith.constant 0 : i32
      %dma_wait3A_154 = arith.constant 0 : i32
      %dma_wait3A_155 = tpu.memref_slice %arg3[%dma_wait3A_153, %dma_wait3A_154] : memref<100000x432xf32, #tpu.memory_space<hbm>> -> memref<100000x432xf32, #tpu.memory_space<hbm>>
      tpu.wait_indirect_dma semaphore(%arg13 : memref<!tpu.dma_semaphore, #tpu.memory_space<semaphore_mem>>) src(%dma_wait3A_155 : memref<100000x432xf32, #tpu.memory_space<hbm>>) dst(%arg10 : memref<100x432xf32, #tpu.memory_space<vmem>>)
      %mul3A_156 = arith.constant 2 : i32
      %mul3A_157 = arith.muli %mul3A_64, %mul3A_156 : i32
      %add3A_158 = arith.addi %mul3A_2, %mul3A_157 : i32
      %dma_wait3A_159 = arith.constant 0 : i32
      %dma_wait3A_160 = arith.constant 0 : i32
      %dma_wait3A_161 = tpu.memref_slice %arg4[%add3A_158, %dma_wait3A_159, %dma_wait3A_160] : memref<4096x50x432xf32, #tpu.memory_space<hbm>> -> memref<2x50x432xf32, #tpu.memory_space<hbm>>
      %dma_wait3A_162 = arith.constant 0 : i32
      %dma_wait3A_163 = arith.constant 0 : i32
      %dma_wait3A_164 = tpu.memref_slice %arg4[%add3A_158, %dma_wait3A_162, %dma_wait3A_163] : memref<4096x50x432xf32, #tpu.memory_space<hbm>> -> memref<2x50x432xf32, #tpu.memory_space<hbm>>
      tpu.wait_dma2 semaphore(%arg14 : memref<!tpu.dma_semaphore, #tpu.memory_space<semaphore_mem>>) src(%arg11 : memref<2x50x432xf32, #tpu.memory_space<vmem>>) dst(%dma_wait3A_164 : memref<2x50x432xf32, #tpu.memory_space<hbm>>)
      %add3A_165 = arith.constant 1 : i32
      %add3A_166 = arith.addi %mul3A_64, %add3A_165 : i32
      %scan3A_167 = arith.constant 0 : i32
      %scan3A_168 = arith.constant 0 : i32
      %scan3A_169 = arith.constant 50 : i32
      %scan3A_170 = arith.addi %scan3A_168, %scan3A_169 : i32
      %scan3A_171 = arith.constant 2 : i32
      scf.for %scan3A_182 = %scan3A_168 to %scan3A_170 step %scan3A_171  : i32 {
        %add3A_183 = arith.constant 0 : i32
        %add3A_184 = arith.addi %add3A_183, %scan3A_182 : i32
        %get3A = arith.index_cast %add3A_184 : i32 to index
        %get3A_185 = arith.constant 0 : index
        %get3A_186 = tpu.vector_load %arg10[%get3A, %get3A_185] {strides = array<i32>} : memref<100x432xf32, #tpu.memory_space<vmem>>, vector<16xf32>,
        %swap3A = arith.constant 0 : i32
        %swap3A_187 = arith.index_cast %swap3A : i32 to index
        %swap3A_188 = arith.index_cast %scan3A_182 : i32 to index
        %swap3A_189 = arith.constant 0 : index
        %swap3A_190 = tpu.vector_load %arg11[%swap3A_187, %swap3A_188, %swap3A_189] {strides = array<i32>} : memref<2x50x432xf32, #tpu.memory_space<vmem>>, vector<16xf32>,
        tpu.vector_store %arg11[%swap3A_187, %swap3A_188, %swap3A_189], %get3A_186 {strides = array<i32>} : memref<2x50x432xf32, #tpu.memory_space<vmem>>, vector<16xf32>,
        %add3A_191 = arith.constant 0 : i32
        %add3A_192 = arith.addi %add3A_191, %scan3A_182 : i32
        %get3A_193 = arith.index_cast %add3A_192 : i32 to index
        %get3A_194 = arith.constant 16 : index
        %get3A_195 = tpu.vector_load %arg10[%get3A_193, %get3A_194] {strides = array<i32>} : memref<100x432xf32, #tpu.memory_space<vmem>>, vector<16xf32>,
        %swap3A_196 = arith.constant 0 : i32
        %swap3A_197 = arith.index_cast %swap3A_196 : i32 to index
        %swap3A_198 = arith.index_cast %scan3A_182 : i32 to index
        %swap3A_199 = arith.constant 16 : index
        %swap3A_200 = tpu.vector_load %arg11[%swap3A_197, %swap3A_198, %swap3A_199] {strides = array<i32>} : memref<2x50x432xf32, #tpu.memory_space<vmem>>, vector<16xf32>,
        tpu.vector_store %arg11[%swap3A_197, %swap3A_198, %swap3A_199], %get3A_195 {strides = array<i32>} : memref<2x50x432xf32, #tpu.memory_space<vmem>>, vector<16xf32>,
        %add3A_201 = arith.constant 0 : i32
        %add3A_202 = arith.addi %add3A_201, %scan3A_182 : i32
        %get3A_203 = arith.index_cast %add3A_202 : i32 to index
        %get3A_204 = arith.constant 32 : index
        %get3A_205 = tpu.vector_load %arg10[%get3A_203, %get3A_204] {strides = array<i32>} : memref<100x432xf32, #tpu.memory_space<vmem>>, vector<16xf32>,
        %swap3A_206 = arith.constant 0 : i32
        %swap3A_207 = arith.index_cast %swap3A_206 : i32 to index
        %swap3A_208 = arith.index_cast %scan3A_182 : i32 to index
        %swap3A_209 = arith.constant 32 : index
        %swap3A_210 = tpu.vector_load %arg11[%swap3A_207, %swap3A_208, %swap3A_209] {strides = array<i32>} : memref<2x50x432xf32, #tpu.memory_space<vmem>>, vector<16xf32>,
        tpu.vector_store %arg11[%swap3A_207, %swap3A_208, %swap3A_209], %get3A_205 {strides = array<i32>} : memref<2x50x432xf32, #tpu.memory_space<vmem>>, vector<16xf32>,
        %add3A_211 = arith.constant 0 : i32
        %add3A_212 = arith.addi %add3A_211, %scan3A_182 : i32
        %get3A_213 = arith.index_cast %add3A_212 : i32 to index
        %get3A_214 = arith.constant 48 : index
        %get3A_215 = tpu.vector_load %arg10[%get3A_213, %get3A_214] {strides = array<i32>} : memref<100x432xf32, #tpu.memory_space<vmem>>, vector<16xf32>,
        %swap3A_216 = arith.constant 0 : i32
        %swap3A_217 = arith.index_cast %swap3A_216 : i32 to index
        %swap3A_218 = arith.index_cast %scan3A_182 : i32 to index
        %swap3A_219 = arith.constant 48 : index
        %swap3A_220 = tpu.vector_load %arg11[%swap3A_217, %swap3A_218, %swap3A_219] {strides = array<i32>} : memref<2x50x432xf32, #tpu.memory_space<vmem>>, vector<16xf32>,
        tpu.vector_store %arg11[%swap3A_217, %swap3A_218, %swap3A_219], %get3A_215 {strides = array<i32>} : memref<2x50x432xf32, #tpu.memory_space<vmem>>, vector<16xf32>,
        %add3A_221 = arith.constant 0 : i32
        %add3A_222 = arith.addi %add3A_221, %scan3A_182 : i32
        %get3A_223 = arith.index_cast %add3A_222 : i32 to index
        %get3A_224 = arith.constant 64 : index
        %get3A_225 = tpu.vector_load %arg10[%get3A_223, %get3A_224] {strides = array<i32>} : memref<100x432xf32, #tpu.memory_space<vmem>>, vector<16xf32>,
        %swap3A_226 = arith.constant 0 : i32
        %swap3A_227 = arith.index_cast %swap3A_226 : i32 to index
        %swap3A_228 = arith.index_cast %scan3A_182 : i32 to index
        %swap3A_229 = arith.constant 64 : index
        %swap3A_230 = tpu.vector_load %arg11[%swap3A_227, %swap3A_228, %swap3A_229] {strides = array<i32>} : memref<2x50x432xf32, #tpu.memory_space<vmem>>, vector<16xf32>,
        tpu.vector_store %arg11[%swap3A_227, %swap3A_228, %swap3A_229], %get3A_225 {strides = array<i32>} : memref<2x50x432xf32, #tpu.memory_space<vmem>>, vector<16xf32>,
        %add3A_231 = arith.constant 0 : i32
        %add3A_232 = arith.addi %add3A_231, %scan3A_182 : i32
        %get3A_233 = arith.index_cast %add3A_232 : i32 to index
        %get3A_234 = arith.constant 80 : index
        %get3A_235 = tpu.vector_load %arg10[%get3A_233, %get3A_234] {strides = array<i32>} : memref<100x432xf32, #tpu.memory_space<vmem>>, vector<16xf32>,
        %swap3A_236 = arith.constant 0 : i32
        %swap3A_237 = arith.index_cast %swap3A_236 : i32 to index
        %swap3A_238 = arith.index_cast %scan3A_182 : i32 to index
        %swap3A_239 = arith.constant 80 : index
        %swap3A_240 = tpu.vector_load %arg11[%swap3A_237, %swap3A_238, %swap3A_239] {strides = array<i32>} : memref<2x50x432xf32, #tpu.memory_space<vmem>>, vector<16xf32>,
        tpu.vector_store %arg11[%swap3A_237, %swap3A_238, %swap3A_239], %get3A_235 {strides = array<i32>} : memref<2x50x432xf32, #tpu.memory_space<vmem>>, vector<16xf32>,
        %add3A_241 = arith.constant 0 : i32
        %add3A_242 = arith.addi %add3A_241, %scan3A_182 : i32
        %get3A_243 = arith.index_cast %add3A_242 : i32 to index
        %get3A_244 = arith.constant 96 : index
        %get3A_245 = tpu.vector_load %arg10[%get3A_243, %get3A_244] {strides = array<i32>} : memref<100x432xf32, #tpu.memory_space<vmem>>, vector<16xf32>,
        %swap3A_246 = arith.constant 0 : i32
        %swap3A_247 = arith.index_cast %swap3A_246 : i32 to index
        %swap3A_248 = arith.index_cast %scan3A_182 : i32 to index
        %swap3A_249 = arith.constant 96 : index
        %swap3A_250 = tpu.vector_load %arg11[%swap3A_247, %swap3A_248, %swap3A_249] {strides = array<i32>} : memref<2x50x432xf32, #tpu.memory_space<vmem>>, vector<16xf32>,
        tpu.vector_store %arg11[%swap3A_247, %swap3A_248, %swap3A_249], %get3A_245 {strides = array<i32>} : memref<2x50x432xf32, #tpu.memory_space<vmem>>, vector<16xf32>,
        %add3A_251 = arith.constant 0 : i32
        %add3A_252 = arith.addi %add3A_251, %scan3A_182 : i32
        %get3A_253 = arith.index_cast %add3A_252 : i32 to index
        %get3A_254 = arith.constant 112 : index
        %get3A_255 = tpu.vector_load %arg10[%get3A_253, %get3A_254] {strides = array<i32>} : memref<100x432xf32, #tpu.memory_space<vmem>>, vector<16xf32>,
        %swap3A_256 = arith.constant 0 : i32
        %swap3A_257 = arith.index_cast %swap3A_256 : i32 to index
        %swap3A_258 = arith.index_cast %scan3A_182 : i32 to index
        %swap3A_259 = arith.constant 112 : index
        %swap3A_260 = tpu.vector_load %arg11[%swap3A_257, %swap3A_258, %swap3A_259] {strides = array<i32>} : memref<2x50x432xf32, #tpu.memory_space<vmem>>, vector<16xf32>,
        tpu.vector_store %arg11[%swap3A_257, %swap3A_258, %swap3A_259], %get3A_255 {strides = array<i32>} : memref<2x50x432xf32, #tpu.memory_space<vmem>>, vector<16xf32>,
        %add3A_261 = arith.constant 0 : i32
        %add3A_262 = arith.addi %add3A_261, %scan3A_182 : i32
        %get3A_263 = arith.index_cast %add3A_262 : i32 to index
        %get3A_264 = arith.constant 128 : index
        %get3A_265 = tpu.vector_load %arg10[%get3A_263, %get3A_264] {strides = array<i32>} : memref<100x432xf32, #tpu.memory_space<vmem>>, vector<16xf32>,
        %swap3A_266 = arith.constant 0 : i32
        %swap3A_267 = arith.index_cast %swap3A_266 : i32 to index
        %swap3A_268 = arith.index_cast %scan3A_182 : i32 to index
        %swap3A_269 = arith.constant 128 : index
        %swap3A_270 = tpu.vector_load %arg11[%swap3A_267, %swap3A_268, %swap3A_269] {strides = array<i32>} : memref<2x50x432xf32, #tpu.memory_space<vmem>>, vector<16xf32>,
        tpu.vector_store %arg11[%swap3A_267, %swap3A_268, %swap3A_269], %get3A_265 {strides = array<i32>} : memref<2x50x432xf32, #tpu.memory_space<vmem>>, vector<16xf32>,
        %add3A_271 = arith.constant 0 : i32
        %add3A_272 = arith.addi %add3A_271, %scan3A_182 : i32
        %get3A_273 = arith.index_cast %add3A_272 : i32 to index
        %get3A_274 = arith.constant 144 : index
        %get3A_275 = tpu.vector_load %arg10[%get3A_273, %get3A_274] {strides = array<i32>} : memref<100x432xf32, #tpu.memory_space<vmem>>, vector<16xf32>,
        %swap3A_276 = arith.constant 0 : i32
        %swap3A_277 = arith.index_cast %swap3A_276 : i32 to index
        %swap3A_278 = arith.index_cast %scan3A_182 : i32 to index
        %swap3A_279 = arith.constant 144 : index
        %swap3A_280 = tpu.vector_load %arg11[%swap3A_277, %swap3A_278, %swap3A_279] {strides = array<i32>} : memref<2x50x432xf32, #tpu.memory_space<vmem>>, vector<16xf32>,
        tpu.vector_store %arg11[%swap3A_277, %swap3A_278, %swap3A_279], %get3A_275 {strides = array<i32>} : memref<2x50x432xf32, #tpu.memory_space<vmem>>, vector<16xf32>,
        %add3A_281 = arith.constant 0 : i32
        %add3A_282 = arith.addi %add3A_281, %scan3A_182 : i32
        %get3A_283 = arith.index_cast %add3A_282 : i32 to index
        %get3A_284 = arith.constant 160 : index
        %get3A_285 = tpu.vector_load %arg10[%get3A_283, %get3A_284] {strides = array<i32>} : memref<100x432xf32, #tpu.memory_space<vmem>>, vector<16xf32>,
        %swap3A_286 = arith.constant 0 : i32
        %swap3A_287 = arith.index_cast %swap3A_286 : i32 to index
        %swap3A_288 = arith.index_cast %scan3A_182 : i32 to index
        %swap3A_289 = arith.constant 160 : index
        %swap3A_290 = tpu.vector_load %arg11[%swap3A_287, %swap3A_288, %swap3A_289] {strides = array<i32>} : memref<2x50x432xf32, #tpu.memory_space<vmem>>, vector<16xf32>,
        tpu.vector_store %arg11[%swap3A_287, %swap3A_288, %swap3A_289], %get3A_285 {strides = array<i32>} : memref<2x50x432xf32, #tpu.memory_space<vmem>>, vector<16xf32>,
        %add3A_291 = arith.constant 0 : i32
        %add3A_292 = arith.addi %add3A_291, %scan3A_182 : i32
        %get3A_293 = arith.index_cast %add3A_292 : i32 to index
        %get3A_294 = arith.constant 176 : index
        %get3A_295 = tpu.vector_load %arg10[%get3A_293, %get3A_294] {strides = array<i32>} : memref<100x432xf32, #tpu.memory_space<vmem>>, vector<16xf32>,
        %swap3A_296 = arith.constant 0 : i32
        %swap3A_297 = arith.index_cast %swap3A_296 : i32 to index
        %swap3A_298 = arith.index_cast %scan3A_182 : i32 to index
        %swap3A_299 = arith.constant 176 : index
        %swap3A_300 = tpu.vector_load %arg11[%swap3A_297, %swap3A_298, %swap3A_299] {strides = array<i32>} : memref<2x50x432xf32, #tpu.memory_space<vmem>>, vector<16xf32>,
        tpu.vector_store %arg11[%swap3A_297, %swap3A_298, %swap3A_299], %get3A_295 {strides = array<i32>} : memref<2x50x432xf32, #tpu.memory_space<vmem>>, vector<16xf32>,
        %add3A_301 = arith.constant 0 : i32
        %add3A_302 = arith.addi %add3A_301, %scan3A_182 : i32
        %get3A_303 = arith.index_cast %add3A_302 : i32 to index
        %get3A_304 = arith.constant 192 : index
        %get3A_305 = tpu.vector_load %arg10[%get3A_303, %get3A_304] {strides = array<i32>} : memref<100x432xf32, #tpu.memory_space<vmem>>, vector<16xf32>,
        %swap3A_306 = arith.constant 0 : i32
        %swap3A_307 = arith.index_cast %swap3A_306 : i32 to index
        %swap3A_308 = arith.index_cast %scan3A_182 : i32 to index
        %swap3A_309 = arith.constant 192 : index
        %swap3A_310 = tpu.vector_load %arg11[%swap3A_307, %swap3A_308, %swap3A_309] {strides = array<i32>} : memref<2x50x432xf32, #tpu.memory_space<vmem>>, vector<16xf32>,
        tpu.vector_store %arg11[%swap3A_307, %swap3A_308, %swap3A_309], %get3A_305 {strides = array<i32>} : memref<2x50x432xf32, #tpu.memory_space<vmem>>, vector<16xf32>,
        %add3A_311 = arith.constant 0 : i32
        %add3A_312 = arith.addi %add3A_311, %scan3A_182 : i32
        %get3A_313 = arith.index_cast %add3A_312 : i32 to index
        %get3A_314 = arith.constant 208 : index
        %get3A_315 = tpu.vector_load %arg10[%get3A_313, %get3A_314] {strides = array<i32>} : memref<100x432xf32, #tpu.memory_space<vmem>>, vector<16xf32>,
        %swap3A_316 = arith.constant 0 : i32
        %swap3A_317 = arith.index_cast %swap3A_316 : i32 to index
        %swap3A_318 = arith.index_cast %scan3A_182 : i32 to index
        %swap3A_319 = arith.constant 208 : index
        %swap3A_320 = tpu.vector_load %arg11[%swap3A_317, %swap3A_318, %swap3A_319] {strides = array<i32>} : memref<2x50x432xf32, #tpu.memory_space<vmem>>, vector<16xf32>,
        tpu.vector_store %arg11[%swap3A_317, %swap3A_318, %swap3A_319], %get3A_315 {strides = array<i32>} : memref<2x50x432xf32, #tpu.memory_space<vmem>>, vector<16xf32>,
        %add3A_321 = arith.constant 0 : i32
        %add3A_322 = arith.addi %add3A_321, %scan3A_182 : i32
        %get3A_323 = arith.index_cast %add3A_322 : i32 to index
        %get3A_324 = arith.constant 224 : index
        %get3A_325 = tpu.vector_load %arg10[%get3A_323, %get3A_324] {strides = array<i32>} : memref<100x432xf32, #tpu.memory_space<vmem>>, vector<16xf32>,
        %swap3A_326 = arith.constant 0 : i32
        %swap3A_327 = arith.index_cast %swap3A_326 : i32 to index
        %swap3A_328 = arith.index_cast %scan3A_182 : i32 to index
        %swap3A_329 = arith.constant 224 : index
        %swap3A_330 = tpu.vector_load %arg11[%swap3A_327, %swap3A_328, %swap3A_329] {strides = array<i32>} : memref<2x50x432xf32, #tpu.memory_space<vmem>>, vector<16xf32>,
        tpu.vector_store %arg11[%swap3A_327, %swap3A_328, %swap3A_329], %get3A_325 {strides = array<i32>} : memref<2x50x432xf32, #tpu.memory_space<vmem>>, vector<16xf32>,
        %add3A_331 = arith.constant 0 : i32
        %add3A_332 = arith.addi %add3A_331, %scan3A_182 : i32
        %get3A_333 = arith.index_cast %add3A_332 : i32 to index
        %get3A_334 = arith.constant 240 : index
        %get3A_335 = tpu.vector_load %arg10[%get3A_333, %get3A_334] {strides = array<i32>} : memref<100x432xf32, #tpu.memory_space<vmem>>, vector<16xf32>,
        %swap3A_336 = arith.constant 0 : i32
        %swap3A_337 = arith.index_cast %swap3A_336 : i32 to index
        %swap3A_338 = arith.index_cast %scan3A_182 : i32 to index
        %swap3A_339 = arith.constant 240 : index
        %swap3A_340 = tpu.vector_load %arg11[%swap3A_337, %swap3A_338, %swap3A_339] {strides = array<i32>} : memref<2x50x432xf32, #tpu.memory_space<vmem>>, vector<16xf32>,
        tpu.vector_store %arg11[%swap3A_337, %swap3A_338, %swap3A_339], %get3A_335 {strides = array<i32>} : memref<2x50x432xf32, #tpu.memory_space<vmem>>, vector<16xf32>,
        %add3A_341 = arith.constant 0 : i32
        %add3A_342 = arith.addi %add3A_341, %scan3A_182 : i32
        %get3A_343 = arith.index_cast %add3A_342 : i32 to index
        %get3A_344 = arith.constant 256 : index
        %get3A_345 = tpu.vector_load %arg10[%get3A_343, %get3A_344] {strides = array<i32>} : memref<100x432xf32, #tpu.memory_space<vmem>>, vector<16xf32>,
        %swap3A_346 = arith.constant 0 : i32
        %swap3A_347 = arith.index_cast %swap3A_346 : i32 to index
        %swap3A_348 = arith.index_cast %scan3A_182 : i32 to index
        %swap3A_349 = arith.constant 256 : index
        %swap3A_350 = tpu.vector_load %arg11[%swap3A_347, %swap3A_348, %swap3A_349] {strides = array<i32>} : memref<2x50x432xf32, #tpu.memory_space<vmem>>, vector<16xf32>,
        tpu.vector_store %arg11[%swap3A_347, %swap3A_348, %swap3A_349], %get3A_345 {strides = array<i32>} : memref<2x50x432xf32, #tpu.memory_space<vmem>>, vector<16xf32>,
        %add3A_351 = arith.constant 0 : i32
        %add3A_352 = arith.addi %add3A_351, %scan3A_182 : i32
        %get3A_353 = arith.index_cast %add3A_352 : i32 to index
        %get3A_354 = arith.constant 272 : index
        %get3A_355 = tpu.vector_load %arg10[%get3A_353, %get3A_354] {strides = array<i32>} : memref<100x432xf32, #tpu.memory_space<vmem>>, vector<16xf32>,
        %swap3A_356 = arith.constant 0 : i32
        %swap3A_357 = arith.index_cast %swap3A_356 : i32 to index
        %swap3A_358 = arith.index_cast %scan3A_182 : i32 to index
        %swap3A_359 = arith.constant 272 : index
        %swap3A_360 = tpu.vector_load %arg11[%swap3A_357, %swap3A_358, %swap3A_359] {strides = array<i32>} : memref<2x50x432xf32, #tpu.memory_space<vmem>>, vector<16xf32>,
        tpu.vector_store %arg11[%swap3A_357, %swap3A_358, %swap3A_359], %get3A_355 {strides = array<i32>} : memref<2x50x432xf32, #tpu.memory_space<vmem>>, vector<16xf32>,
        %add3A_361 = arith.constant 0 : i32
        %add3A_362 = arith.addi %add3A_361, %scan3A_182 : i32
        %get3A_363 = arith.index_cast %add3A_362 : i32 to index
        %get3A_364 = arith.constant 288 : index
        %get3A_365 = tpu.vector_load %arg10[%get3A_363, %get3A_364] {strides = array<i32>} : memref<100x432xf32, #tpu.memory_space<vmem>>, vector<16xf32>,
        %swap3A_366 = arith.constant 0 : i32
        %swap3A_367 = arith.index_cast %swap3A_366 : i32 to index
        %swap3A_368 = arith.index_cast %scan3A_182 : i32 to index
        %swap3A_369 = arith.constant 288 : index
        %swap3A_370 = tpu.vector_load %arg11[%swap3A_367, %swap3A_368, %swap3A_369] {strides = array<i32>} : memref<2x50x432xf32, #tpu.memory_space<vmem>>, vector<16xf32>,
        tpu.vector_store %arg11[%swap3A_367, %swap3A_368, %swap3A_369], %get3A_365 {strides = array<i32>} : memref<2x50x432xf32, #tpu.memory_space<vmem>>, vector<16xf32>,
        %add3A_371 = arith.constant 0 : i32
        %add3A_372 = arith.addi %add3A_371, %scan3A_182 : i32
        %get3A_373 = arith.index_cast %add3A_372 : i32 to index
        %get3A_374 = arith.constant 304 : index
        %get3A_375 = tpu.vector_load %arg10[%get3A_373, %get3A_374] {strides = array<i32>} : memref<100x432xf32, #tpu.memory_space<vmem>>, vector<16xf32>,
        %swap3A_376 = arith.constant 0 : i32
        %swap3A_377 = arith.index_cast %swap3A_376 : i32 to index
        %swap3A_378 = arith.index_cast %scan3A_182 : i32 to index
        %swap3A_379 = arith.constant 304 : index
        %swap3A_380 = tpu.vector_load %arg11[%swap3A_377, %swap3A_378, %swap3A_379] {strides = array<i32>} : memref<2x50x432xf32, #tpu.memory_space<vmem>>, vector<16xf32>,
        tpu.vector_store %arg11[%swap3A_377, %swap3A_378, %swap3A_379], %get3A_375 {strides = array<i32>} : memref<2x50x432xf32, #tpu.memory_space<vmem>>, vector<16xf32>,
        %add3A_381 = arith.constant 0 : i32
        %add3A_382 = arith.addi %add3A_381, %scan3A_182 : i32
        %get3A_383 = arith.index_cast %add3A_382 : i32 to index
        %get3A_384 = arith.constant 320 : index
        %get3A_385 = tpu.vector_load %arg10[%get3A_383, %get3A_384] {strides = array<i32>} : memref<100x432xf32, #tpu.memory_space<vmem>>, vector<16xf32>,
        %swap3A_386 = arith.constant 0 : i32
        %swap3A_387 = arith.index_cast %swap3A_386 : i32 to index
        %swap3A_388 = arith.index_cast %scan3A_182 : i32 to index
        %swap3A_389 = arith.constant 320 : index
        %swap3A_390 = tpu.vector_load %arg11[%swap3A_387, %swap3A_388, %swap3A_389] {strides = array<i32>} : memref<2x50x432xf32, #tpu.memory_space<vmem>>, vector<16xf32>,
        tpu.vector_store %arg11[%swap3A_387, %swap3A_388, %swap3A_389], %get3A_385 {strides = array<i32>} : memref<2x50x432xf32, #tpu.memory_space<vmem>>, vector<16xf32>,
        %add3A_391 = arith.constant 0 : i32
        %add3A_392 = arith.addi %add3A_391, %scan3A_182 : i32
        %get3A_393 = arith.index_cast %add3A_392 : i32 to index
        %get3A_394 = arith.constant 336 : index
        %get3A_395 = tpu.vector_load %arg10[%get3A_393, %get3A_394] {strides = array<i32>} : memref<100x432xf32, #tpu.memory_space<vmem>>, vector<16xf32>,
        %swap3A_396 = arith.constant 0 : i32
        %swap3A_397 = arith.index_cast %swap3A_396 : i32 to index
        %swap3A_398 = arith.index_cast %scan3A_182 : i32 to index
        %swap3A_399 = arith.constant 336 : index
        %swap3A_400 = tpu.vector_load %arg11[%swap3A_397, %swap3A_398, %swap3A_399] {strides = array<i32>} : memref<2x50x432xf32, #tpu.memory_space<vmem>>, vector<16xf32>,
        tpu.vector_store %arg11[%swap3A_397, %swap3A_398, %swap3A_399], %get3A_395 {strides = array<i32>} : memref<2x50x432xf32, #tpu.memory_space<vmem>>, vector<16xf32>,
        %add3A_401 = arith.constant 0 : i32
        %add3A_402 = arith.addi %add3A_401, %scan3A_182 : i32
        %get3A_403 = arith.index_cast %add3A_402 : i32 to index
        %get3A_404 = arith.constant 352 : index
        %get3A_405 = tpu.vector_load %arg10[%get3A_403, %get3A_404] {strides = array<i32>} : memref<100x432xf32, #tpu.memory_space<vmem>>, vector<16xf32>,
        %swap3A_406 = arith.constant 0 : i32
        %swap3A_407 = arith.index_cast %swap3A_406 : i32 to index
        %swap3A_408 = arith.index_cast %scan3A_182 : i32 to index
        %swap3A_409 = arith.constant 352 : index
        %swap3A_410 = tpu.vector_load %arg11[%swap3A_407, %swap3A_408, %swap3A_409] {strides = array<i32>} : memref<2x50x432xf32, #tpu.memory_space<vmem>>, vector<16xf32>,
        tpu.vector_store %arg11[%swap3A_407, %swap3A_408, %swap3A_409], %get3A_405 {strides = array<i32>} : memref<2x50x432xf32, #tpu.memory_space<vmem>>, vector<16xf32>,
        %add3A_411 = arith.constant 0 : i32
        %add3A_412 = arith.addi %add3A_411, %scan3A_182 : i32
        %get3A_413 = arith.index_cast %add3A_412 : i32 to index
        %get3A_414 = arith.constant 368 : index
        %get3A_415 = tpu.vector_load %arg10[%get3A_413, %get3A_414] {strides = array<i32>} : memref<100x432xf32, #tpu.memory_space<vmem>>, vector<16xf32>,
        %swap3A_416 = arith.constant 0 : i32
        %swap3A_417 = arith.index_cast %swap3A_416 : i32 to index
        %swap3A_418 = arith.index_cast %scan3A_182 : i32 to index
        %swap3A_419 = arith.constant 368 : index
        %swap3A_420 = tpu.vector_load %arg11[%swap3A_417, %swap3A_418, %swap3A_419] {strides = array<i32>} : memref<2x50x432xf32, #tpu.memory_space<vmem>>, vector<16xf32>,
        tpu.vector_store %arg11[%swap3A_417, %swap3A_418, %swap3A_419], %get3A_415 {strides = array<i32>} : memref<2x50x432xf32, #tpu.memory_space<vmem>>, vector<16xf32>,
        %add3A_421 = arith.constant 0 : i32
        %add3A_422 = arith.addi %add3A_421, %scan3A_182 : i32
        %get3A_423 = arith.index_cast %add3A_422 : i32 to index
        %get3A_424 = arith.constant 384 : index
        %get3A_425 = tpu.vector_load %arg10[%get3A_423, %get3A_424] {strides = array<i32>} : memref<100x432xf32, #tpu.memory_space<vmem>>, vector<16xf32>,
        %swap3A_426 = arith.constant 0 : i32
        %swap3A_427 = arith.index_cast %swap3A_426 : i32 to index
        %swap3A_428 = arith.index_cast %scan3A_182 : i32 to index
        %swap3A_429 = arith.constant 384 : index
        %swap3A_430 = tpu.vector_load %arg11[%swap3A_427, %swap3A_428, %swap3A_429] {strides = array<i32>} : memref<2x50x432xf32, #tpu.memory_space<vmem>>, vector<16xf32>,
        tpu.vector_store %arg11[%swap3A_427, %swap3A_428, %swap3A_429], %get3A_425 {strides = array<i32>} : memref<2x50x432xf32, #tpu.memory_space<vmem>>, vector<16xf32>,
        %add3A_431 = arith.constant 0 : i32
        %add3A_432 = arith.addi %add3A_431, %scan3A_182 : i32
        %get3A_433 = arith.index_cast %add3A_432 : i32 to index
        %get3A_434 = arith.constant 400 : index
        %get3A_435 = tpu.vector_load %arg10[%get3A_433, %get3A_434] {strides = array<i32>} : memref<100x432xf32, #tpu.memory_space<vmem>>, vector<16xf32>,
        %swap3A_436 = arith.constant 0 : i32
        %swap3A_437 = arith.index_cast %swap3A_436 : i32 to index
        %swap3A_438 = arith.index_cast %scan3A_182 : i32 to index
        %swap3A_439 = arith.constant 400 : index
        %swap3A_440 = tpu.vector_load %arg11[%swap3A_437, %swap3A_438, %swap3A_439] {strides = array<i32>} : memref<2x50x432xf32, #tpu.memory_space<vmem>>, vector<16xf32>,
        tpu.vector_store %arg11[%swap3A_437, %swap3A_438, %swap3A_439], %get3A_435 {strides = array<i32>} : memref<2x50x432xf32, #tpu.memory_space<vmem>>, vector<16xf32>,
        %add3A_441 = arith.constant 0 : i32
        %add3A_442 = arith.addi %add3A_441, %scan3A_182 : i32
        %get3A_443 = arith.index_cast %add3A_442 : i32 to index
        %get3A_444 = arith.constant 416 : index
        %get3A_445 = tpu.vector_load %arg10[%get3A_443, %get3A_444] {strides = array<i32>} : memref<100x432xf32, #tpu.memory_space<vmem>>, vector<16xf32>,
        %swap3A_446 = arith.constant 0 : i32
        %swap3A_447 = arith.index_cast %swap3A_446 : i32 to index
        %swap3A_448 = arith.index_cast %scan3A_182 : i32 to index
        %swap3A_449 = arith.constant 416 : index
        %swap3A_450 = tpu.vector_load %arg11[%swap3A_447, %swap3A_448, %swap3A_449] {strides = array<i32>} : memref<2x50x432xf32, #tpu.memory_space<vmem>>, vector<16xf32>,
        tpu.vector_store %arg11[%swap3A_447, %swap3A_448, %swap3A_449], %get3A_445 {strides = array<i32>} : memref<2x50x432xf32, #tpu.memory_space<vmem>>, vector<16xf32>,
        %add3A_451 = arith.constant 50 : i32
        %add3A_452 = arith.addi %add3A_451, %scan3A_182 : i32
        %get3A_453 = arith.index_cast %add3A_452 : i32 to index
        %get3A_454 = arith.constant 0 : index
        %get3A_455 = tpu.vector_load %arg10[%get3A_453, %get3A_454] {strides = array<i32>} : memref<100x432xf32, #tpu.memory_space<vmem>>, vector<16xf32>,
        %swap3A_456 = arith.constant 1 : i32
        %swap3A_457 = arith.index_cast %swap3A_456 : i32 to index
        %swap3A_458 = arith.index_cast %scan3A_182 : i32 to index
        %swap3A_459 = arith.constant 0 : index
        %swap3A_460 = tpu.vector_load %arg11[%swap3A_457, %swap3A_458, %swap3A_459] {strides = array<i32>} : memref<2x50x432xf32, #tpu.memory_space<vmem>>, vector<16xf32>,
        tpu.vector_store %arg11[%swap3A_457, %swap3A_458, %swap3A_459], %get3A_455 {strides = array<i32>} : memref<2x50x432xf32, #tpu.memory_space<vmem>>, vector<16xf32>,
        %add3A_461 = arith.constant 50 : i32
        %add3A_462 = arith.addi %add3A_461, %scan3A_182 : i32
        %get3A_463 = arith.index_cast %add3A_462 : i32 to index
        %get3A_464 = arith.constant 16 : index
        %get3A_465 = tpu.vector_load %arg10[%get3A_463, %get3A_464] {strides = array<i32>} : memref<100x432xf32, #tpu.memory_space<vmem>>, vector<16xf32>,
        %swap3A_466 = arith.constant 1 : i32
        %swap3A_467 = arith.index_cast %swap3A_466 : i32 to index
        %swap3A_468 = arith.index_cast %scan3A_182 : i32 to index
        %swap3A_469 = arith.constant 16 : index
        %swap3A_470 = tpu.vector_load %arg11[%swap3A_467, %swap3A_468, %swap3A_469] {strides = array<i32>} : memref<2x50x432xf32, #tpu.memory_space<vmem>>, vector<16xf32>,
        tpu.vector_store %arg11[%swap3A_467, %swap3A_468, %swap3A_469], %get3A_465 {strides = array<i32>} : memref<2x50x432xf32, #tpu.memory_space<vmem>>, vector<16xf32>,
        %add3A_471 = arith.constant 50 : i32
        %add3A_472 = arith.addi %add3A_471, %scan3A_182 : i32
        %get3A_473 = arith.index_cast %add3A_472 : i32 to index
        %get3A_474 = arith.constant 32 : index
        %get3A_475 = tpu.vector_load %arg10[%get3A_473, %get3A_474] {strides = array<i32>} : memref<100x432xf32, #tpu.memory_space<vmem>>, vector<16xf32>,
        %swap3A_476 = arith.constant 1 : i32
        %swap3A_477 = arith.index_cast %swap3A_476 : i32 to index
        %swap3A_478 = arith.index_cast %scan3A_182 : i32 to index
        %swap3A_479 = arith.constant 32 : index
        %swap3A_480 = tpu.vector_load %arg11[%swap3A_477, %swap3A_478, %swap3A_479] {strides = array<i32>} : memref<2x50x432xf32, #tpu.memory_space<vmem>>, vector<16xf32>,
        tpu.vector_store %arg11[%swap3A_477, %swap3A_478, %swap3A_479], %get3A_475 {strides = array<i32>} : memref<2x50x432xf32, #tpu.memory_space<vmem>>, vector<16xf32>,
        %add3A_481 = arith.constant 50 : i32
        %add3A_482 = arith.addi %add3A_481, %scan3A_182 : i32
        %get3A_483 = arith.index_cast %add3A_482 : i32 to index
        %get3A_484 = arith.constant 48 : index
        %get3A_485 = tpu.vector_load %arg10[%get3A_483, %get3A_484] {strides = array<i32>} : memref<100x432xf32, #tpu.memory_space<vmem>>, vector<16xf32>,
        %swap3A_486 = arith.constant 1 : i32
        %swap3A_487 = arith.index_cast %swap3A_486 : i32 to index
        %swap3A_488 = arith.index_cast %scan3A_182 : i32 to index
        %swap3A_489 = arith.constant 48 : index
        %swap3A_490 = tpu.vector_load %arg11[%swap3A_487, %swap3A_488, %swap3A_489] {strides = array<i32>} : memref<2x50x432xf32, #tpu.memory_space<vmem>>, vector<16xf32>,
        tpu.vector_store %arg11[%swap3A_487, %swap3A_488, %swap3A_489], %get3A_485 {strides = array<i32>} : memref<2x50x432xf32, #tpu.memory_space<vmem>>, vector<16xf32>,
        %add3A_491 = arith.constant 50 : i32
        %add3A_492 = arith.addi %add3A_491, %scan3A_182 : i32
        %get3A_493 = arith.index_cast %add3A_492 : i32 to index
        %get3A_494 = arith.constant 64 : index
        %get3A_495 = tpu.vector_load %arg10[%get3A_493, %get3A_494] {strides = array<i32>} : memref<100x432xf32, #tpu.memory_space<vmem>>, vector<16xf32>,
        %swap3A_496 = arith.constant 1 : i32
        %swap3A_497 = arith.index_cast %swap3A_496 : i32 to index
        %swap3A_498 = arith.index_cast %scan3A_182 : i32 to index
        %swap3A_499 = arith.constant 64 : index
        %swap3A_500 = tpu.vector_load %arg11[%swap3A_497, %swap3A_498, %swap3A_499] {strides = array<i32>} : memref<2x50x432xf32, #tpu.memory_space<vmem>>, vector<16xf32>,
        tpu.vector_store %arg11[%swap3A_497, %swap3A_498, %swap3A_499], %get3A_495 {strides = array<i32>} : memref<2x50x432xf32, #tpu.memory_space<vmem>>, vector<16xf32>,
        %add3A_501 = arith.constant 50 : i32
        %add3A_502 = arith.addi %add3A_501, %scan3A_182 : i32
        %get3A_503 = arith.index_cast %add3A_502 : i32 to index
        %get3A_504 = arith.constant 80 : index
        %get3A_505 = tpu.vector_load %arg10[%get3A_503, %get3A_504] {strides = array<i32>} : memref<100x432xf32, #tpu.memory_space<vmem>>, vector<16xf32>,
        %swap3A_506 = arith.constant 1 : i32
        %swap3A_507 = arith.index_cast %swap3A_506 : i32 to index
        %swap3A_508 = arith.index_cast %scan3A_182 : i32 to index
        %swap3A_509 = arith.constant 80 : index
        %swap3A_510 = tpu.vector_load %arg11[%swap3A_507, %swap3A_508, %swap3A_509] {strides = array<i32>} : memref<2x50x432xf32, #tpu.memory_space<vmem>>, vector<16xf32>,
        tpu.vector_store %arg11[%swap3A_507, %swap3A_508, %swap3A_509], %get3A_505 {strides = array<i32>} : memref<2x50x432xf32, #tpu.memory_space<vmem>>, vector<16xf32>,
        %add3A_511 = arith.constant 50 : i32
        %add3A_512 = arith.addi %add3A_511, %scan3A_182 : i32
        %get3A_513 = arith.index_cast %add3A_512 : i32 to index
        %get3A_514 = arith.constant 96 : index
        %get3A_515 = tpu.vector_load %arg10[%get3A_513, %get3A_514] {strides = array<i32>} : memref<100x432xf32, #tpu.memory_space<vmem>>, vector<16xf32>,
        %swap3A_516 = arith.constant 1 : i32
        %swap3A_517 = arith.index_cast %swap3A_516 : i32 to index
        %swap3A_518 = arith.index_cast %scan3A_182 : i32 to index
        %swap3A_519 = arith.constant 96 : index
        %swap3A_520 = tpu.vector_load %arg11[%swap3A_517, %swap3A_518, %swap3A_519] {strides = array<i32>} : memref<2x50x432xf32, #tpu.memory_space<vmem>>, vector<16xf32>,
        tpu.vector_store %arg11[%swap3A_517, %swap3A_518, %swap3A_519], %get3A_515 {strides = array<i32>} : memref<2x50x432xf32, #tpu.memory_space<vmem>>, vector<16xf32>,
        %add3A_521 = arith.constant 50 : i32
        %add3A_522 = arith.addi %add3A_521, %scan3A_182 : i32
        %get3A_523 = arith.index_cast %add3A_522 : i32 to index
        %get3A_524 = arith.constant 112 : index
        %get3A_525 = tpu.vector_load %arg10[%get3A_523, %get3A_524] {strides = array<i32>} : memref<100x432xf32, #tpu.memory_space<vmem>>, vector<16xf32>,
        %swap3A_526 = arith.constant 1 : i32
        %swap3A_527 = arith.index_cast %swap3A_526 : i32 to index
        %swap3A_528 = arith.index_cast %scan3A_182 : i32 to index
        %swap3A_529 = arith.constant 112 : index
        %swap3A_530 = tpu.vector_load %arg11[%swap3A_527, %swap3A_528, %swap3A_529] {strides = array<i32>} : memref<2x50x432xf32, #tpu.memory_space<vmem>>, vector<16xf32>,
        tpu.vector_store %arg11[%swap3A_527, %swap3A_528, %swap3A_529], %get3A_525 {strides = array<i32>} : memref<2x50x432xf32, #tpu.memory_space<vmem>>, vector<16xf32>,
        %add3A_531 = arith.constant 50 : i32
        %add3A_532 = arith.addi %add3A_531, %scan3A_182 : i32
        %get3A_533 = arith.index_cast %add3A_532 : i32 to index
        %get3A_534 = arith.constant 128 : index
        %get3A_535 = tpu.vector_load %arg10[%get3A_533, %get3A_534] {strides = array<i32>} : memref<100x432xf32, #tpu.memory_space<vmem>>, vector<16xf32>,
        %swap3A_536 = arith.constant 1 : i32
        %swap3A_537 = arith.index_cast %swap3A_536 : i32 to index
        %swap3A_538 = arith.index_cast %scan3A_182 : i32 to index
        %swap3A_539 = arith.constant 128 : index
        %swap3A_540 = tpu.vector_load %arg11[%swap3A_537, %swap3A_538, %swap3A_539] {strides = array<i32>} : memref<2x50x432xf32, #tpu.memory_space<vmem>>, vector<16xf32>,
        tpu.vector_store %arg11[%swap3A_537, %swap3A_538, %swap3A_539], %get3A_535 {strides = array<i32>} : memref<2x50x432xf32, #tpu.memory_space<vmem>>, vector<16xf32>,
        %add3A_541 = arith.constant 50 : i32
        %add3A_542 = arith.addi %add3A_541, %scan3A_182 : i32
        %get3A_543 = arith.index_cast %add3A_542 : i32 to index
        %get3A_544 = arith.constant 144 : index
        %get3A_545 = tpu.vector_load %arg10[%get3A_543, %get3A_544] {strides = array<i32>} : memref<100x432xf32, #tpu.memory_space<vmem>>, vector<16xf32>,
        %swap3A_546 = arith.constant 1 : i32
        %swap3A_547 = arith.index_cast %swap3A_546 : i32 to index
        %swap3A_548 = arith.index_cast %scan3A_182 : i32 to index
        %swap3A_549 = arith.constant 144 : index
        %swap3A_550 = tpu.vector_load %arg11[%swap3A_547, %swap3A_548, %swap3A_549] {strides = array<i32>} : memref<2x50x432xf32, #tpu.memory_space<vmem>>, vector<16xf32>,
        tpu.vector_store %arg11[%swap3A_547, %swap3A_548, %swap3A_549], %get3A_545 {strides = array<i32>} : memref<2x50x432xf32, #tpu.memory_space<vmem>>, vector<16xf32>,
        %add3A_551 = arith.constant 50 : i32
        %add3A_552 = arith.addi %add3A_551, %scan3A_182 : i32
        %get3A_553 = arith.index_cast %add3A_552 : i32 to index
        %get3A_554 = arith.constant 160 : index
        %get3A_555 = tpu.vector_load %arg10[%get3A_553, %get3A_554] {strides = array<i32>} : memref<100x432xf32, #tpu.memory_space<vmem>>, vector<16xf32>,
        %swap3A_556 = arith.constant 1 : i32
        %swap3A_557 = arith.index_cast %swap3A_556 : i32 to index
        %swap3A_558 = arith.index_cast %scan3A_182 : i32 to index
        %swap3A_559 = arith.constant 160 : index
        %swap3A_560 = tpu.vector_load %arg11[%swap3A_557, %swap3A_558, %swap3A_559] {strides = array<i32>} : memref<2x50x432xf32, #tpu.memory_space<vmem>>, vector<16xf32>,
        tpu.vector_store %arg11[%swap3A_557, %swap3A_558, %swap3A_559], %get3A_555 {strides = array<i32>} : memref<2x50x432xf32, #tpu.memory_space<vmem>>, vector<16xf32>,
        %add3A_561 = arith.constant 50 : i32
        %add3A_562 = arith.addi %add3A_561, %scan3A_182 : i32
        %get3A_563 = arith.index_cast %add3A_562 : i32 to index
        %get3A_564 = arith.constant 176 : index
        %get3A_565 = tpu.vector_load %arg10[%get3A_563, %get3A_564] {strides = array<i32>} : memref<100x432xf32, #tpu.memory_space<vmem>>, vector<16xf32>,
        %swap3A_566 = arith.constant 1 : i32
        %swap3A_567 = arith.index_cast %swap3A_566 : i32 to index
        %swap3A_568 = arith.index_cast %scan3A_182 : i32 to index
        %swap3A_569 = arith.constant 176 : index
        %swap3A_570 = tpu.vector_load %arg11[%swap3A_567, %swap3A_568, %swap3A_569] {strides = array<i32>} : memref<2x50x432xf32, #tpu.memory_space<vmem>>, vector<16xf32>,
        tpu.vector_store %arg11[%swap3A_567, %swap3A_568, %swap3A_569], %get3A_565 {strides = array<i32>} : memref<2x50x432xf32, #tpu.memory_space<vmem>>, vector<16xf32>,
        %add3A_571 = arith.constant 50 : i32
        %add3A_572 = arith.addi %add3A_571, %scan3A_182 : i32
        %get3A_573 = arith.index_cast %add3A_572 : i32 to index
        %get3A_574 = arith.constant 192 : index
        %get3A_575 = tpu.vector_load %arg10[%get3A_573, %get3A_574] {strides = array<i32>} : memref<100x432xf32, #tpu.memory_space<vmem>>, vector<16xf32>,
        %swap3A_576 = arith.constant 1 : i32
        %swap3A_577 = arith.index_cast %swap3A_576 : i32 to index
        %swap3A_578 = arith.index_cast %scan3A_182 : i32 to index
        %swap3A_579 = arith.constant 192 : index
        %swap3A_580 = tpu.vector_load %arg11[%swap3A_577, %swap3A_578, %swap3A_579] {strides = array<i32>} : memref<2x50x432xf32, #tpu.memory_space<vmem>>, vector<16xf32>,
        tpu.vector_store %arg11[%swap3A_577, %swap3A_578, %swap3A_579], %get3A_575 {strides = array<i32>} : memref<2x50x432xf32, #tpu.memory_space<vmem>>, vector<16xf32>,
        %add3A_581 = arith.constant 50 : i32
        %add3A_582 = arith.addi %add3A_581, %scan3A_182 : i32
        %get3A_583 = arith.index_cast %add3A_582 : i32 to index
        %get3A_584 = arith.constant 208 : index
        %get3A_585 = tpu.vector_load %arg10[%get3A_583, %get3A_584] {strides = array<i32>} : memref<100x432xf32, #tpu.memory_space<vmem>>, vector<16xf32>,
        %swap3A_586 = arith.constant 1 : i32
        %swap3A_587 = arith.index_cast %swap3A_586 : i32 to index
        %swap3A_588 = arith.index_cast %scan3A_182 : i32 to index
        %swap3A_589 = arith.constant 208 : index
        %swap3A_590 = tpu.vector_load %arg11[%swap3A_587, %swap3A_588, %swap3A_589] {strides = array<i32>} : memref<2x50x432xf32, #tpu.memory_space<vmem>>, vector<16xf32>,
        tpu.vector_store %arg11[%swap3A_587, %swap3A_588, %swap3A_589], %get3A_585 {strides = array<i32>} : memref<2x50x432xf32, #tpu.memory_space<vmem>>, vector<16xf32>,
        %add3A_591 = arith.constant 50 : i32
        %add3A_592 = arith.addi %add3A_591, %scan3A_182 : i32
        %get3A_593 = arith.index_cast %add3A_592 : i32 to index
        %get3A_594 = arith.constant 224 : index
        %get3A_595 = tpu.vector_load %arg10[%get3A_593, %get3A_594] {strides = array<i32>} : memref<100x432xf32, #tpu.memory_space<vmem>>, vector<16xf32>,
        %swap3A_596 = arith.constant 1 : i32
        %swap3A_597 = arith.index_cast %swap3A_596 : i32 to index
        %swap3A_598 = arith.index_cast %scan3A_182 : i32 to index
        %swap3A_599 = arith.constant 224 : index
        %swap3A_600 = tpu.vector_load %arg11[%swap3A_597, %swap3A_598, %swap3A_599] {strides = array<i32>} : memref<2x50x432xf32, #tpu.memory_space<vmem>>, vector<16xf32>,
        tpu.vector_store %arg11[%swap3A_597, %swap3A_598, %swap3A_599], %get3A_595 {strides = array<i32>} : memref<2x50x432xf32, #tpu.memory_space<vmem>>, vector<16xf32>,
        %add3A_601 = arith.constant 50 : i32
        %add3A_602 = arith.addi %add3A_601, %scan3A_182 : i32
        %get3A_603 = arith.index_cast %add3A_602 : i32 to index
        %get3A_604 = arith.constant 240 : index
        %get3A_605 = tpu.vector_load %arg10[%get3A_603, %get3A_604] {strides = array<i32>} : memref<100x432xf32, #tpu.memory_space<vmem>>, vector<16xf32>,
        %swap3A_606 = arith.constant 1 : i32
        %swap3A_607 = arith.index_cast %swap3A_606 : i32 to index
        %swap3A_608 = arith.index_cast %scan3A_182 : i32 to index
        %swap3A_609 = arith.constant 240 : index
        %swap3A_610 = tpu.vector_load %arg11[%swap3A_607, %swap3A_608, %swap3A_609] {strides = array<i32>} : memref<2x50x432xf32, #tpu.memory_space<vmem>>, vector<16xf32>,
        tpu.vector_store %arg11[%swap3A_607, %swap3A_608, %swap3A_609], %get3A_605 {strides = array<i32>} : memref<2x50x432xf32, #tpu.memory_space<vmem>>, vector<16xf32>,
        %add3A_611 = arith.constant 50 : i32
        %add3A_612 = arith.addi %add3A_611, %scan3A_182 : i32
        %get3A_613 = arith.index_cast %add3A_612 : i32 to index
        %get3A_614 = arith.constant 256 : index
        %get3A_615 = tpu.vector_load %arg10[%get3A_613, %get3A_614] {strides = array<i32>} : memref<100x432xf32, #tpu.memory_space<vmem>>, vector<16xf32>,
        %swap3A_616 = arith.constant 1 : i32
        %swap3A_617 = arith.index_cast %swap3A_616 : i32 to index
        %swap3A_618 = arith.index_cast %scan3A_182 : i32 to index
        %swap3A_619 = arith.constant 256 : index
        %swap3A_620 = tpu.vector_load %arg11[%swap3A_617, %swap3A_618, %swap3A_619] {strides = array<i32>} : memref<2x50x432xf32, #tpu.memory_space<vmem>>, vector<16xf32>,
        tpu.vector_store %arg11[%swap3A_617, %swap3A_618, %swap3A_619], %get3A_615 {strides = array<i32>} : memref<2x50x432xf32, #tpu.memory_space<vmem>>, vector<16xf32>,
        %add3A_621 = arith.constant 50 : i32
        %add3A_622 = arith.addi %add3A_621, %scan3A_182 : i32
        %get3A_623 = arith.index_cast %add3A_622 : i32 to index
        %get3A_624 = arith.constant 272 : index
        %get3A_625 = tpu.vector_load %arg10[%get3A_623, %get3A_624] {strides = array<i32>} : memref<100x432xf32, #tpu.memory_space<vmem>>, vector<16xf32>,
        %swap3A_626 = arith.constant 1 : i32
        %swap3A_627 = arith.index_cast %swap3A_626 : i32 to index
        %swap3A_628 = arith.index_cast %scan3A_182 : i32 to index
        %swap3A_629 = arith.constant 272 : index
        %swap3A_630 = tpu.vector_load %arg11[%swap3A_627, %swap3A_628, %swap3A_629] {strides = array<i32>} : memref<2x50x432xf32, #tpu.memory_space<vmem>>, vector<16xf32>,
        tpu.vector_store %arg11[%swap3A_627, %swap3A_628, %swap3A_629], %get3A_625 {strides = array<i32>} : memref<2x50x432xf32, #tpu.memory_space<vmem>>, vector<16xf32>,
        %add3A_631 = arith.constant 50 : i32
        %add3A_632 = arith.addi %add3A_631, %scan3A_182 : i32
        %get3A_633 = arith.index_cast %add3A_632 : i32 to index
        %get3A_634 = arith.constant 288 : index
        %get3A_635 = tpu.vector_load %arg10[%get3A_633, %get3A_634] {strides = array<i32>} : memref<100x432xf32, #tpu.memory_space<vmem>>, vector<16xf32>,
        %swap3A_636 = arith.constant 1 : i32
        %swap3A_637 = arith.index_cast %swap3A_636 : i32 to index
        %swap3A_638 = arith.index_cast %scan3A_182 : i32 to index
        %swap3A_639 = arith.constant 288 : index
        %swap3A_640 = tpu.vector_load %arg11[%swap3A_637, %swap3A_638, %swap3A_639] {strides = array<i32>} : memref<2x50x432xf32, #tpu.memory_space<vmem>>, vector<16xf32>,
        tpu.vector_store %arg11[%swap3A_637, %swap3A_638, %swap3A_639], %get3A_635 {strides = array<i32>} : memref<2x50x432xf32, #tpu.memory_space<vmem>>, vector<16xf32>,
        %add3A_641 = arith.constant 50 : i32
        %add3A_642 = arith.addi %add3A_641, %scan3A_182 : i32
        %get3A_643 = arith.index_cast %add3A_642 : i32 to index
        %get3A_644 = arith.constant 304 : index
        %get3A_645 = tpu.vector_load %arg10[%get3A_643, %get3A_644] {strides = array<i32>} : memref<100x432xf32, #tpu.memory_space<vmem>>, vector<16xf32>,
        %swap3A_646 = arith.constant 1 : i32
        %swap3A_647 = arith.index_cast %swap3A_646 : i32 to index
        %swap3A_648 = arith.index_cast %scan3A_182 : i32 to index
        %swap3A_649 = arith.constant 304 : index
        %swap3A_650 = tpu.vector_load %arg11[%swap3A_647, %swap3A_648, %swap3A_649] {strides = array<i32>} : memref<2x50x432xf32, #tpu.memory_space<vmem>>, vector<16xf32>,
        tpu.vector_store %arg11[%swap3A_647, %swap3A_648, %swap3A_649], %get3A_645 {strides = array<i32>} : memref<2x50x432xf32, #tpu.memory_space<vmem>>, vector<16xf32>,
        %add3A_651 = arith.constant 50 : i32
        %add3A_652 = arith.addi %add3A_651, %scan3A_182 : i32
        %get3A_653 = arith.index_cast %add3A_652 : i32 to index
        %get3A_654 = arith.constant 320 : index
        %get3A_655 = tpu.vector_load %arg10[%get3A_653, %get3A_654] {strides = array<i32>} : memref<100x432xf32, #tpu.memory_space<vmem>>, vector<16xf32>,
        %swap3A_656 = arith.constant 1 : i32
        %swap3A_657 = arith.index_cast %swap3A_656 : i32 to index
        %swap3A_658 = arith.index_cast %scan3A_182 : i32 to index
        %swap3A_659 = arith.constant 320 : index
        %swap3A_660 = tpu.vector_load %arg11[%swap3A_657, %swap3A_658, %swap3A_659] {strides = array<i32>} : memref<2x50x432xf32, #tpu.memory_space<vmem>>, vector<16xf32>,
        tpu.vector_store %arg11[%swap3A_657, %swap3A_658, %swap3A_659], %get3A_655 {strides = array<i32>} : memref<2x50x432xf32, #tpu.memory_space<vmem>>, vector<16xf32>,
        %add3A_661 = arith.constant 50 : i32
        %add3A_662 = arith.addi %add3A_661, %scan3A_182 : i32
        %get3A_663 = arith.index_cast %add3A_662 : i32 to index
        %get3A_664 = arith.constant 336 : index
        %get3A_665 = tpu.vector_load %arg10[%get3A_663, %get3A_664] {strides = array<i32>} : memref<100x432xf32, #tpu.memory_space<vmem>>, vector<16xf32>,
        %swap3A_666 = arith.constant 1 : i32
        %swap3A_667 = arith.index_cast %swap3A_666 : i32 to index
        %swap3A_668 = arith.index_cast %scan3A_182 : i32 to index
        %swap3A_669 = arith.constant 336 : index
        %swap3A_670 = tpu.vector_load %arg11[%swap3A_667, %swap3A_668, %swap3A_669] {strides = array<i32>} : memref<2x50x432xf32, #tpu.memory_space<vmem>>, vector<16xf32>,
        tpu.vector_store %arg11[%swap3A_667, %swap3A_668, %swap3A_669], %get3A_665 {strides = array<i32>} : memref<2x50x432xf32, #tpu.memory_space<vmem>>, vector<16xf32>,
        %add3A_671 = arith.constant 50 : i32
        %add3A_672 = arith.addi %add3A_671, %scan3A_182 : i32
        %get3A_673 = arith.index_cast %add3A_672 : i32 to index
        %get3A_674 = arith.constant 352 : index
        %get3A_675 = tpu.vector_load %arg10[%get3A_673, %get3A_674] {strides = array<i32>} : memref<100x432xf32, #tpu.memory_space<vmem>>, vector<16xf32>,
        %swap3A_676 = arith.constant 1 : i32
        %swap3A_677 = arith.index_cast %swap3A_676 : i32 to index
        %swap3A_678 = arith.index_cast %scan3A_182 : i32 to index
        %swap3A_679 = arith.constant 352 : index
        %swap3A_680 = tpu.vector_load %arg11[%swap3A_677, %swap3A_678, %swap3A_679] {strides = array<i32>} : memref<2x50x432xf32, #tpu.memory_space<vmem>>, vector<16xf32>,
        tpu.vector_store %arg11[%swap3A_677, %swap3A_678, %swap3A_679], %get3A_675 {strides = array<i32>} : memref<2x50x432xf32, #tpu.memory_space<vmem>>, vector<16xf32>,
        %add3A_681 = arith.constant 50 : i32
        %add3A_682 = arith.addi %add3A_681, %scan3A_182 : i32
        %get3A_683 = arith.index_cast %add3A_682 : i32 to index
        %get3A_684 = arith.constant 368 : index
        %get3A_685 = tpu.vector_load %arg10[%get3A_683, %get3A_684] {strides = array<i32>} : memref<100x432xf32, #tpu.memory_space<vmem>>, vector<16xf32>,
        %swap3A_686 = arith.constant 1 : i32
        %swap3A_687 = arith.index_cast %swap3A_686 : i32 to index
        %swap3A_688 = arith.index_cast %scan3A_182 : i32 to index
        %swap3A_689 = arith.constant 368 : index
        %swap3A_690 = tpu.vector_load %arg11[%swap3A_687, %swap3A_688, %swap3A_689] {strides = array<i32>} : memref<2x50x432xf32, #tpu.memory_space<vmem>>, vector<16xf32>,
        tpu.vector_store %arg11[%swap3A_687, %swap3A_688, %swap3A_689], %get3A_685 {strides = array<i32>} : memref<2x50x432xf32, #tpu.memory_space<vmem>>, vector<16xf32>,
        %add3A_691 = arith.constant 50 : i32
        %add3A_692 = arith.addi %add3A_691, %scan3A_182 : i32
        %get3A_693 = arith.index_cast %add3A_692 : i32 to index
        %get3A_694 = arith.constant 384 : index
        %get3A_695 = tpu.vector_load %arg10[%get3A_693, %get3A_694] {strides = array<i32>} : memref<100x432xf32, #tpu.memory_space<vmem>>, vector<16xf32>,
        %swap3A_696 = arith.constant 1 : i32
        %swap3A_697 = arith.index_cast %swap3A_696 : i32 to index
        %swap3A_698 = arith.index_cast %scan3A_182 : i32 to index
        %swap3A_699 = arith.constant 384 : index
        %swap3A_700 = tpu.vector_load %arg11[%swap3A_697, %swap3A_698, %swap3A_699] {strides = array<i32>} : memref<2x50x432xf32, #tpu.memory_space<vmem>>, vector<16xf32>,
        tpu.vector_store %arg11[%swap3A_697, %swap3A_698, %swap3A_699], %get3A_695 {strides = array<i32>} : memref<2x50x432xf32, #tpu.memory_space<vmem>>, vector<16xf32>,
        %add3A_701 = arith.constant 50 : i32
        %add3A_702 = arith.addi %add3A_701, %scan3A_182 : i32
        %get3A_703 = arith.index_cast %add3A_702 : i32 to index
        %get3A_704 = arith.constant 400 : index
        %get3A_705 = tpu.vector_load %arg10[%get3A_703, %get3A_704] {strides = array<i32>} : memref<100x432xf32, #tpu.memory_space<vmem>>, vector<16xf32>,
        %swap3A_706 = arith.constant 1 : i32
        %swap3A_707 = arith.index_cast %swap3A_706 : i32 to index
        %swap3A_708 = arith.index_cast %scan3A_182 : i32 to index
        %swap3A_709 = arith.constant 400 : index
        %swap3A_710 = tpu.vector_load %arg11[%swap3A_707, %swap3A_708, %swap3A_709] {strides = array<i32>} : memref<2x50x432xf32, #tpu.memory_space<vmem>>, vector<16xf32>,
        tpu.vector_store %arg11[%swap3A_707, %swap3A_708, %swap3A_709], %get3A_705 {strides = array<i32>} : memref<2x50x432xf32, #tpu.memory_space<vmem>>, vector<16xf32>,
        %add3A_711 = arith.constant 50 : i32
        %add3A_712 = arith.addi %add3A_711, %scan3A_182 : i32
        %get3A_713 = arith.index_cast %add3A_712 : i32 to index
        %get3A_714 = arith.constant 416 : index
        %get3A_715 = tpu.vector_load %arg10[%get3A_713, %get3A_714] {strides = array<i32>} : memref<100x432xf32, #tpu.memory_space<vmem>>, vector<16xf32>,
        %swap3A_716 = arith.constant 1 : i32
        %swap3A_717 = arith.index_cast %swap3A_716 : i32 to index
        %swap3A_718 = arith.index_cast %scan3A_182 : i32 to index
        %swap3A_719 = arith.constant 416 : index
        %swap3A_720 = tpu.vector_load %arg11[%swap3A_717, %swap3A_718, %swap3A_719] {strides = array<i32>} : memref<2x50x432xf32, #tpu.memory_space<vmem>>, vector<16xf32>,
        tpu.vector_store %arg11[%swap3A_717, %swap3A_718, %swap3A_719], %get3A_715 {strides = array<i32>} : memref<2x50x432xf32, #tpu.memory_space<vmem>>, vector<16xf32>,
        %scan3A_721 = arith.constant 1 : i32
        %scan3A_722 = arith.addi %scan3A_182, %scan3A_721 : i32
        %add3A_723 = arith.constant 0 : i32
        %add3A_724 = arith.addi %add3A_723, %scan3A_722 : i32
        %get3A_725 = arith.index_cast %add3A_724 : i32 to index
        %get3A_726 = arith.constant 0 : index
        %get3A_727 = tpu.vector_load %arg10[%get3A_725, %get3A_726] {strides = array<i32>} : memref<100x432xf32, #tpu.memory_space<vmem>>, vector<16xf32>,
        %swap3A_728 = arith.constant 0 : i32
        %swap3A_729 = arith.index_cast %swap3A_728 : i32 to index
        %swap3A_730 = arith.index_cast %scan3A_722 : i32 to index
        %swap3A_731 = arith.constant 0 : index
        %swap3A_732 = tpu.vector_load %arg11[%swap3A_729, %swap3A_730, %swap3A_731] {strides = array<i32>} : memref<2x50x432xf32, #tpu.memory_space<vmem>>, vector<16xf32>,
        tpu.vector_store %arg11[%swap3A_729, %swap3A_730, %swap3A_731], %get3A_727 {strides = array<i32>} : memref<2x50x432xf32, #tpu.memory_space<vmem>>, vector<16xf32>,
        %add3A_733 = arith.constant 0 : i32
        %add3A_734 = arith.addi %add3A_733, %scan3A_722 : i32
        %get3A_735 = arith.index_cast %add3A_734 : i32 to index
        %get3A_736 = arith.constant 16 : index
        %get3A_737 = tpu.vector_load %arg10[%get3A_735, %get3A_736] {strides = array<i32>} : memref<100x432xf32, #tpu.memory_space<vmem>>, vector<16xf32>,
        %swap3A_738 = arith.constant 0 : i32
        %swap3A_739 = arith.index_cast %swap3A_738 : i32 to index
        %swap3A_740 = arith.index_cast %scan3A_722 : i32 to index
        %swap3A_741 = arith.constant 16 : index
        %swap3A_742 = tpu.vector_load %arg11[%swap3A_739, %swap3A_740, %swap3A_741] {strides = array<i32>} : memref<2x50x432xf32, #tpu.memory_space<vmem>>, vector<16xf32>,
        tpu.vector_store %arg11[%swap3A_739, %swap3A_740, %swap3A_741], %get3A_737 {strides = array<i32>} : memref<2x50x432xf32, #tpu.memory_space<vmem>>, vector<16xf32>,
        %add3A_743 = arith.constant 0 : i32
        %add3A_744 = arith.addi %add3A_743, %scan3A_722 : i32
        %get3A_745 = arith.index_cast %add3A_744 : i32 to index
        %get3A_746 = arith.constant 32 : index
        %get3A_747 = tpu.vector_load %arg10[%get3A_745, %get3A_746] {strides = array<i32>} : memref<100x432xf32, #tpu.memory_space<vmem>>, vector<16xf32>,
        %swap3A_748 = arith.constant 0 : i32
        %swap3A_749 = arith.index_cast %swap3A_748 : i32 to index
        %swap3A_750 = arith.index_cast %scan3A_722 : i32 to index
        %swap3A_751 = arith.constant 32 : index
        %swap3A_752 = tpu.vector_load %arg11[%swap3A_749, %swap3A_750, %swap3A_751] {strides = array<i32>} : memref<2x50x432xf32, #tpu.memory_space<vmem>>, vector<16xf32>,
        tpu.vector_store %arg11[%swap3A_749, %swap3A_750, %swap3A_751], %get3A_747 {strides = array<i32>} : memref<2x50x432xf32, #tpu.memory_space<vmem>>, vector<16xf32>,
        %add3A_753 = arith.constant 0 : i32
        %add3A_754 = arith.addi %add3A_753, %scan3A_722 : i32
        %get3A_755 = arith.index_cast %add3A_754 : i32 to index
        %get3A_756 = arith.constant 48 : index
        %get3A_757 = tpu.vector_load %arg10[%get3A_755, %get3A_756] {strides = array<i32>} : memref<100x432xf32, #tpu.memory_space<vmem>>, vector<16xf32>,
        %swap3A_758 = arith.constant 0 : i32
        %swap3A_759 = arith.index_cast %swap3A_758 : i32 to index
        %swap3A_760 = arith.index_cast %scan3A_722 : i32 to index
        %swap3A_761 = arith.constant 48 : index
        %swap3A_762 = tpu.vector_load %arg11[%swap3A_759, %swap3A_760, %swap3A_761] {strides = array<i32>} : memref<2x50x432xf32, #tpu.memory_space<vmem>>, vector<16xf32>,
        tpu.vector_store %arg11[%swap3A_759, %swap3A_760, %swap3A_761], %get3A_757 {strides = array<i32>} : memref<2x50x432xf32, #tpu.memory_space<vmem>>, vector<16xf32>,
        %add3A_763 = arith.constant 0 : i32
        %add3A_764 = arith.addi %add3A_763, %scan3A_722 : i32
        %get3A_765 = arith.index_cast %add3A_764 : i32 to index
        %get3A_766 = arith.constant 64 : index
        %get3A_767 = tpu.vector_load %arg10[%get3A_765, %get3A_766] {strides = array<i32>} : memref<100x432xf32, #tpu.memory_space<vmem>>, vector<16xf32>,
        %swap3A_768 = arith.constant 0 : i32
        %swap3A_769 = arith.index_cast %swap3A_768 : i32 to index
        %swap3A_770 = arith.index_cast %scan3A_722 : i32 to index
        %swap3A_771 = arith.constant 64 : index
        %swap3A_772 = tpu.vector_load %arg11[%swap3A_769, %swap3A_770, %swap3A_771] {strides = array<i32>} : memref<2x50x432xf32, #tpu.memory_space<vmem>>, vector<16xf32>,
        tpu.vector_store %arg11[%swap3A_769, %swap3A_770, %swap3A_771], %get3A_767 {strides = array<i32>} : memref<2x50x432xf32, #tpu.memory_space<vmem>>, vector<16xf32>,
        %add3A_773 = arith.constant 0 : i32
        %add3A_774 = arith.addi %add3A_773, %scan3A_722 : i32
        %get3A_775 = arith.index_cast %add3A_774 : i32 to index
        %get3A_776 = arith.constant 80 : index
        %get3A_777 = tpu.vector_load %arg10[%get3A_775, %get3A_776] {strides = array<i32>} : memref<100x432xf32, #tpu.memory_space<vmem>>, vector<16xf32>,
        %swap3A_778 = arith.constant 0 : i32
        %swap3A_779 = arith.index_cast %swap3A_778 : i32 to index
        %swap3A_780 = arith.index_cast %scan3A_722 : i32 to index
        %swap3A_781 = arith.constant 80 : index
        %swap3A_782 = tpu.vector_load %arg11[%swap3A_779, %swap3A_780, %swap3A_781] {strides = array<i32>} : memref<2x50x432xf32, #tpu.memory_space<vmem>>, vector<16xf32>,
        tpu.vector_store %arg11[%swap3A_779, %swap3A_780, %swap3A_781], %get3A_777 {strides = array<i32>} : memref<2x50x432xf32, #tpu.memory_space<vmem>>, vector<16xf32>,
        %add3A_783 = arith.constant 0 : i32
        %add3A_784 = arith.addi %add3A_783, %scan3A_722 : i32
        %get3A_785 = arith.index_cast %add3A_784 : i32 to index
        %get3A_786 = arith.constant 96 : index
        %get3A_787 = tpu.vector_load %arg10[%get3A_785, %get3A_786] {strides = array<i32>} : memref<100x432xf32, #tpu.memory_space<vmem>>, vector<16xf32>,
        %swap3A_788 = arith.constant 0 : i32
        %swap3A_789 = arith.index_cast %swap3A_788 : i32 to index
        %swap3A_790 = arith.index_cast %scan3A_722 : i32 to index
        %swap3A_791 = arith.constant 96 : index
        %swap3A_792 = tpu.vector_load %arg11[%swap3A_789, %swap3A_790, %swap3A_791] {strides = array<i32>} : memref<2x50x432xf32, #tpu.memory_space<vmem>>, vector<16xf32>,
        tpu.vector_store %arg11[%swap3A_789, %swap3A_790, %swap3A_791], %get3A_787 {strides = array<i32>} : memref<2x50x432xf32, #tpu.memory_space<vmem>>, vector<16xf32>,
        %add3A_793 = arith.constant 0 : i32
        %add3A_794 = arith.addi %add3A_793, %scan3A_722 : i32
        %get3A_795 = arith.index_cast %add3A_794 : i32 to index
        %get3A_796 = arith.constant 112 : index
        %get3A_797 = tpu.vector_load %arg10[%get3A_795, %get3A_796] {strides = array<i32>} : memref<100x432xf32, #tpu.memory_space<vmem>>, vector<16xf32>,
        %swap3A_798 = arith.constant 0 : i32
        %swap3A_799 = arith.index_cast %swap3A_798 : i32 to index
        %swap3A_800 = arith.index_cast %scan3A_722 : i32 to index
        %swap3A_801 = arith.constant 112 : index
        %swap3A_802 = tpu.vector_load %arg11[%swap3A_799, %swap3A_800, %swap3A_801] {strides = array<i32>} : memref<2x50x432xf32, #tpu.memory_space<vmem>>, vector<16xf32>,
        tpu.vector_store %arg11[%swap3A_799, %swap3A_800, %swap3A_801], %get3A_797 {strides = array<i32>} : memref<2x50x432xf32, #tpu.memory_space<vmem>>, vector<16xf32>,
        %add3A_803 = arith.constant 0 : i32
        %add3A_804 = arith.addi %add3A_803, %scan3A_722 : i32
        %get3A_805 = arith.index_cast %add3A_804 : i32 to index
        %get3A_806 = arith.constant 128 : index
        %get3A_807 = tpu.vector_load %arg10[%get3A_805, %get3A_806] {strides = array<i32>} : memref<100x432xf32, #tpu.memory_space<vmem>>, vector<16xf32>,
        %swap3A_808 = arith.constant 0 : i32
        %swap3A_809 = arith.index_cast %swap3A_808 : i32 to index
        %swap3A_810 = arith.index_cast %scan3A_722 : i32 to index
        %swap3A_811 = arith.constant 128 : index
        %swap3A_812 = tpu.vector_load %arg11[%swap3A_809, %swap3A_810, %swap3A_811] {strides = array<i32>} : memref<2x50x432xf32, #tpu.memory_space<vmem>>, vector<16xf32>,
        tpu.vector_store %arg11[%swap3A_809, %swap3A_810, %swap3A_811], %get3A_807 {strides = array<i32>} : memref<2x50x432xf32, #tpu.memory_space<vmem>>, vector<16xf32>,
        %add3A_813 = arith.constant 0 : i32
        %add3A_814 = arith.addi %add3A_813, %scan3A_722 : i32
        %get3A_815 = arith.index_cast %add3A_814 : i32 to index
        %get3A_816 = arith.constant 144 : index
        %get3A_817 = tpu.vector_load %arg10[%get3A_815, %get3A_816] {strides = array<i32>} : memref<100x432xf32, #tpu.memory_space<vmem>>, vector<16xf32>,
        %swap3A_818 = arith.constant 0 : i32
        %swap3A_819 = arith.index_cast %swap3A_818 : i32 to index
        %swap3A_820 = arith.index_cast %scan3A_722 : i32 to index
        %swap3A_821 = arith.constant 144 : index
        %swap3A_822 = tpu.vector_load %arg11[%swap3A_819, %swap3A_820, %swap3A_821] {strides = array<i32>} : memref<2x50x432xf32, #tpu.memory_space<vmem>>, vector<16xf32>,
        tpu.vector_store %arg11[%swap3A_819, %swap3A_820, %swap3A_821], %get3A_817 {strides = array<i32>} : memref<2x50x432xf32, #tpu.memory_space<vmem>>, vector<16xf32>,
        %add3A_823 = arith.constant 0 : i32
        %add3A_824 = arith.addi %add3A_823, %scan3A_722 : i32
        %get3A_825 = arith.index_cast %add3A_824 : i32 to index
        %get3A_826 = arith.constant 160 : index
        %get3A_827 = tpu.vector_load %arg10[%get3A_825, %get3A_826] {strides = array<i32>} : memref<100x432xf32, #tpu.memory_space<vmem>>, vector<16xf32>,
        %swap3A_828 = arith.constant 0 : i32
        %swap3A_829 = arith.index_cast %swap3A_828 : i32 to index
        %swap3A_830 = arith.index_cast %scan3A_722 : i32 to index
        %swap3A_831 = arith.constant 160 : index
        %swap3A_832 = tpu.vector_load %arg11[%swap3A_829, %swap3A_830, %swap3A_831] {strides = array<i32>} : memref<2x50x432xf32, #tpu.memory_space<vmem>>, vector<16xf32>,
        tpu.vector_store %arg11[%swap3A_829, %swap3A_830, %swap3A_831], %get3A_827 {strides = array<i32>} : memref<2x50x432xf32, #tpu.memory_space<vmem>>, vector<16xf32>,
        %add3A_833 = arith.constant 0 : i32
        %add3A_834 = arith.addi %add3A_833, %scan3A_722 : i32
        %get3A_835 = arith.index_cast %add3A_834 : i32 to index
        %get3A_836 = arith.constant 176 : index
        %get3A_837 = tpu.vector_load %arg10[%get3A_835, %get3A_836] {strides = array<i32>} : memref<100x432xf32, #tpu.memory_space<vmem>>, vector<16xf32>,
        %swap3A_838 = arith.constant 0 : i32
        %swap3A_839 = arith.index_cast %swap3A_838 : i32 to index
        %swap3A_840 = arith.index_cast %scan3A_722 : i32 to index
        %swap3A_841 = arith.constant 176 : index
        %swap3A_842 = tpu.vector_load %arg11[%swap3A_839, %swap3A_840, %swap3A_841] {strides = array<i32>} : memref<2x50x432xf32, #tpu.memory_space<vmem>>, vector<16xf32>,
        tpu.vector_store %arg11[%swap3A_839, %swap3A_840, %swap3A_841], %get3A_837 {strides = array<i32>} : memref<2x50x432xf32, #tpu.memory_space<vmem>>, vector<16xf32>,
        %add3A_843 = arith.constant 0 : i32
        %add3A_844 = arith.addi %add3A_843, %scan3A_722 : i32
        %get3A_845 = arith.index_cast %add3A_844 : i32 to index
        %get3A_846 = arith.constant 192 : index
        %get3A_847 = tpu.vector_load %arg10[%get3A_845, %get3A_846] {strides = array<i32>} : memref<100x432xf32, #tpu.memory_space<vmem>>, vector<16xf32>,
        %swap3A_848 = arith.constant 0 : i32
        %swap3A_849 = arith.index_cast %swap3A_848 : i32 to index
        %swap3A_850 = arith.index_cast %scan3A_722 : i32 to index
        %swap3A_851 = arith.constant 192 : index
        %swap3A_852 = tpu.vector_load %arg11[%swap3A_849, %swap3A_850, %swap3A_851] {strides = array<i32>} : memref<2x50x432xf32, #tpu.memory_space<vmem>>, vector<16xf32>,
        tpu.vector_store %arg11[%swap3A_849, %swap3A_850, %swap3A_851], %get3A_847 {strides = array<i32>} : memref<2x50x432xf32, #tpu.memory_space<vmem>>, vector<16xf32>,
        %add3A_853 = arith.constant 0 : i32
        %add3A_854 = arith.addi %add3A_853, %scan3A_722 : i32
        %get3A_855 = arith.index_cast %add3A_854 : i32 to index
        %get3A_856 = arith.constant 208 : index
        %get3A_857 = tpu.vector_load %arg10[%get3A_855, %get3A_856] {strides = array<i32>} : memref<100x432xf32, #tpu.memory_space<vmem>>, vector<16xf32>,
        %swap3A_858 = arith.constant 0 : i32
        %swap3A_859 = arith.index_cast %swap3A_858 : i32 to index
        %swap3A_860 = arith.index_cast %scan3A_722 : i32 to index
        %swap3A_861 = arith.constant 208 : index
        %swap3A_862 = tpu.vector_load %arg11[%swap3A_859, %swap3A_860, %swap3A_861] {strides = array<i32>} : memref<2x50x432xf32, #tpu.memory_space<vmem>>, vector<16xf32>,
        tpu.vector_store %arg11[%swap3A_859, %swap3A_860, %swap3A_861], %get3A_857 {strides = array<i32>} : memref<2x50x432xf32, #tpu.memory_space<vmem>>, vector<16xf32>,
        %add3A_863 = arith.constant 0 : i32
        %add3A_864 = arith.addi %add3A_863, %scan3A_722 : i32
        %get3A_865 = arith.index_cast %add3A_864 : i32 to index
        %get3A_866 = arith.constant 224 : index
        %get3A_867 = tpu.vector_load %arg10[%get3A_865, %get3A_866] {strides = array<i32>} : memref<100x432xf32, #tpu.memory_space<vmem>>, vector<16xf32>,
        %swap3A_868 = arith.constant 0 : i32
        %swap3A_869 = arith.index_cast %swap3A_868 : i32 to index
        %swap3A_870 = arith.index_cast %scan3A_722 : i32 to index
        %swap3A_871 = arith.constant 224 : index
        %swap3A_872 = tpu.vector_load %arg11[%swap3A_869, %swap3A_870, %swap3A_871] {strides = array<i32>} : memref<2x50x432xf32, #tpu.memory_space<vmem>>, vector<16xf32>,
        tpu.vector_store %arg11[%swap3A_869, %swap3A_870, %swap3A_871], %get3A_867 {strides = array<i32>} : memref<2x50x432xf32, #tpu.memory_space<vmem>>, vector<16xf32>,
        %add3A_873 = arith.constant 0 : i32
        %add3A_874 = arith.addi %add3A_873, %scan3A_722 : i32
        %get3A_875 = arith.index_cast %add3A_874 : i32 to index
        %get3A_876 = arith.constant 240 : index
        %get3A_877 = tpu.vector_load %arg10[%get3A_875, %get3A_876] {strides = array<i32>} : memref<100x432xf32, #tpu.memory_space<vmem>>, vector<16xf32>,
        %swap3A_878 = arith.constant 0 : i32
        %swap3A_879 = arith.index_cast %swap3A_878 : i32 to index
        %swap3A_880 = arith.index_cast %scan3A_722 : i32 to index
        %swap3A_881 = arith.constant 240 : index
        %swap3A_882 = tpu.vector_load %arg11[%swap3A_879, %swap3A_880, %swap3A_881] {strides = array<i32>} : memref<2x50x432xf32, #tpu.memory_space<vmem>>, vector<16xf32>,
        tpu.vector_store %arg11[%swap3A_879, %swap3A_880, %swap3A_881], %get3A_877 {strides = array<i32>} : memref<2x50x432xf32, #tpu.memory_space<vmem>>, vector<16xf32>,
        %add3A_883 = arith.constant 0 : i32
        %add3A_884 = arith.addi %add3A_883, %scan3A_722 : i32
        %get3A_885 = arith.index_cast %add3A_884 : i32 to index
        %get3A_886 = arith.constant 256 : index
        %get3A_887 = tpu.vector_load %arg10[%get3A_885, %get3A_886] {strides = array<i32>} : memref<100x432xf32, #tpu.memory_space<vmem>>, vector<16xf32>,
        %swap3A_888 = arith.constant 0 : i32
        %swap3A_889 = arith.index_cast %swap3A_888 : i32 to index
        %swap3A_890 = arith.index_cast %scan3A_722 : i32 to index
        %swap3A_891 = arith.constant 256 : index
        %swap3A_892 = tpu.vector_load %arg11[%swap3A_889, %swap3A_890, %swap3A_891] {strides = array<i32>} : memref<2x50x432xf32, #tpu.memory_space<vmem>>, vector<16xf32>,
        tpu.vector_store %arg11[%swap3A_889, %swap3A_890, %swap3A_891], %get3A_887 {strides = array<i32>} : memref<2x50x432xf32, #tpu.memory_space<vmem>>, vector<16xf32>,
        %add3A_893 = arith.constant 0 : i32
        %add3A_894 = arith.addi %add3A_893, %scan3A_722 : i32
        %get3A_895 = arith.index_cast %add3A_894 : i32 to index
        %get3A_896 = arith.constant 272 : index
        %get3A_897 = tpu.vector_load %arg10[%get3A_895, %get3A_896] {strides = array<i32>} : memref<100x432xf32, #tpu.memory_space<vmem>>, vector<16xf32>,
        %swap3A_898 = arith.constant 0 : i32
        %swap3A_899 = arith.index_cast %swap3A_898 : i32 to index
        %swap3A_900 = arith.index_cast %scan3A_722 : i32 to index
        %swap3A_901 = arith.constant 272 : index
        %swap3A_902 = tpu.vector_load %arg11[%swap3A_899, %swap3A_900, %swap3A_901] {strides = array<i32>} : memref<2x50x432xf32, #tpu.memory_space<vmem>>, vector<16xf32>,
        tpu.vector_store %arg11[%swap3A_899, %swap3A_900, %swap3A_901], %get3A_897 {strides = array<i32>} : memref<2x50x432xf32, #tpu.memory_space<vmem>>, vector<16xf32>,
        %add3A_903 = arith.constant 0 : i32
        %add3A_904 = arith.addi %add3A_903, %scan3A_722 : i32
        %get3A_905 = arith.index_cast %add3A_904 : i32 to index
        %get3A_906 = arith.constant 288 : index
        %get3A_907 = tpu.vector_load %arg10[%get3A_905, %get3A_906] {strides = array<i32>} : memref<100x432xf32, #tpu.memory_space<vmem>>, vector<16xf32>,
        %swap3A_908 = arith.constant 0 : i32
        %swap3A_909 = arith.index_cast %swap3A_908 : i32 to index
        %swap3A_910 = arith.index_cast %scan3A_722 : i32 to index
        %swap3A_911 = arith.constant 288 : index
        %swap3A_912 = tpu.vector_load %arg11[%swap3A_909, %swap3A_910, %swap3A_911] {strides = array<i32>} : memref<2x50x432xf32, #tpu.memory_space<vmem>>, vector<16xf32>,
        tpu.vector_store %arg11[%swap3A_909, %swap3A_910, %swap3A_911], %get3A_907 {strides = array<i32>} : memref<2x50x432xf32, #tpu.memory_space<vmem>>, vector<16xf32>,
        %add3A_913 = arith.constant 0 : i32
        %add3A_914 = arith.addi %add3A_913, %scan3A_722 : i32
        %get3A_915 = arith.index_cast %add3A_914 : i32 to index
        %get3A_916 = arith.constant 304 : index
        %get3A_917 = tpu.vector_load %arg10[%get3A_915, %get3A_916] {strides = array<i32>} : memref<100x432xf32, #tpu.memory_space<vmem>>, vector<16xf32>,
        %swap3A_918 = arith.constant 0 : i32
        %swap3A_919 = arith.index_cast %swap3A_918 : i32 to index
        %swap3A_920 = arith.index_cast %scan3A_722 : i32 to index
        %swap3A_921 = arith.constant 304 : index
        %swap3A_922 = tpu.vector_load %arg11[%swap3A_919, %swap3A_920, %swap3A_921] {strides = array<i32>} : memref<2x50x432xf32, #tpu.memory_space<vmem>>, vector<16xf32>,
        tpu.vector_store %arg11[%swap3A_919, %swap3A_920, %swap3A_921], %get3A_917 {strides = array<i32>} : memref<2x50x432xf32, #tpu.memory_space<vmem>>, vector<16xf32>,
        %add3A_923 = arith.constant 0 : i32
        %add3A_924 = arith.addi %add3A_923, %scan3A_722 : i32
        %get3A_925 = arith.index_cast %add3A_924 : i32 to index
        %get3A_926 = arith.constant 320 : index
        %get3A_927 = tpu.vector_load %arg10[%get3A_925, %get3A_926] {strides = array<i32>} : memref<100x432xf32, #tpu.memory_space<vmem>>, vector<16xf32>,
        %swap3A_928 = arith.constant 0 : i32
        %swap3A_929 = arith.index_cast %swap3A_928 : i32 to index
        %swap3A_930 = arith.index_cast %scan3A_722 : i32 to index
        %swap3A_931 = arith.constant 320 : index
        %swap3A_932 = tpu.vector_load %arg11[%swap3A_929, %swap3A_930, %swap3A_931] {strides = array<i32>} : memref<2x50x432xf32, #tpu.memory_space<vmem>>, vector<16xf32>,
        tpu.vector_store %arg11[%swap3A_929, %swap3A_930, %swap3A_931], %get3A_927 {strides = array<i32>} : memref<2x50x432xf32, #tpu.memory_space<vmem>>, vector<16xf32>,
        %add3A_933 = arith.constant 0 : i32
        %add3A_934 = arith.addi %add3A_933, %scan3A_722 : i32
        %get3A_935 = arith.index_cast %add3A_934 : i32 to index
        %get3A_936 = arith.constant 336 : index
        %get3A_937 = tpu.vector_load %arg10[%get3A_935, %get3A_936] {strides = array<i32>} : memref<100x432xf32, #tpu.memory_space<vmem>>, vector<16xf32>,
        %swap3A_938 = arith.constant 0 : i32
        %swap3A_939 = arith.index_cast %swap3A_938 : i32 to index
        %swap3A_940 = arith.index_cast %scan3A_722 : i32 to index
        %swap3A_941 = arith.constant 336 : index
        %swap3A_942 = tpu.vector_load %arg11[%swap3A_939, %swap3A_940, %swap3A_941] {strides = array<i32>} : memref<2x50x432xf32, #tpu.memory_space<vmem>>, vector<16xf32>,
        tpu.vector_store %arg11[%swap3A_939, %swap3A_940, %swap3A_941], %get3A_937 {strides = array<i32>} : memref<2x50x432xf32, #tpu.memory_space<vmem>>, vector<16xf32>,
        %add3A_943 = arith.constant 0 : i32
        %add3A_944 = arith.addi %add3A_943, %scan3A_722 : i32
        %get3A_945 = arith.index_cast %add3A_944 : i32 to index
        %get3A_946 = arith.constant 352 : index
        %get3A_947 = tpu.vector_load %arg10[%get3A_945, %get3A_946] {strides = array<i32>} : memref<100x432xf32, #tpu.memory_space<vmem>>, vector<16xf32>,
        %swap3A_948 = arith.constant 0 : i32
        %swap3A_949 = arith.index_cast %swap3A_948 : i32 to index
        %swap3A_950 = arith.index_cast %scan3A_722 : i32 to index
        %swap3A_951 = arith.constant 352 : index
        %swap3A_952 = tpu.vector_load %arg11[%swap3A_949, %swap3A_950, %swap3A_951] {strides = array<i32>} : memref<2x50x432xf32, #tpu.memory_space<vmem>>, vector<16xf32>,
        tpu.vector_store %arg11[%swap3A_949, %swap3A_950, %swap3A_951], %get3A_947 {strides = array<i32>} : memref<2x50x432xf32, #tpu.memory_space<vmem>>, vector<16xf32>,
        %add3A_953 = arith.constant 0 : i32
        %add3A_954 = arith.addi %add3A_953, %scan3A_722 : i32
        %get3A_955 = arith.index_cast %add3A_954 : i32 to index
        %get3A_956 = arith.constant 368 : index
        %get3A_957 = tpu.vector_load %arg10[%get3A_955, %get3A_956] {strides = array<i32>} : memref<100x432xf32, #tpu.memory_space<vmem>>, vector<16xf32>,
        %swap3A_958 = arith.constant 0 : i32
        %swap3A_959 = arith.index_cast %swap3A_958 : i32 to index
        %swap3A_960 = arith.index_cast %scan3A_722 : i32 to index
        %swap3A_961 = arith.constant 368 : index
        %swap3A_962 = tpu.vector_load %arg11[%swap3A_959, %swap3A_960, %swap3A_961] {strides = array<i32>} : memref<2x50x432xf32, #tpu.memory_space<vmem>>, vector<16xf32>,
        tpu.vector_store %arg11[%swap3A_959, %swap3A_960, %swap3A_961], %get3A_957 {strides = array<i32>} : memref<2x50x432xf32, #tpu.memory_space<vmem>>, vector<16xf32>,
        %add3A_963 = arith.constant 0 : i32
        %add3A_964 = arith.addi %add3A_963, %scan3A_722 : i32
        %get3A_965 = arith.index_cast %add3A_964 : i32 to index
        %get3A_966 = arith.constant 384 : index
        %get3A_967 = tpu.vector_load %arg10[%get3A_965, %get3A_966] {strides = array<i32>} : memref<100x432xf32, #tpu.memory_space<vmem>>, vector<16xf32>,
        %swap3A_968 = arith.constant 0 : i32
        %swap3A_969 = arith.index_cast %swap3A_968 : i32 to index
        %swap3A_970 = arith.index_cast %scan3A_722 : i32 to index
        %swap3A_971 = arith.constant 384 : index
        %swap3A_972 = tpu.vector_load %arg11[%swap3A_969, %swap3A_970, %swap3A_971] {strides = array<i32>} : memref<2x50x432xf32, #tpu.memory_space<vmem>>, vector<16xf32>,
        tpu.vector_store %arg11[%swap3A_969, %swap3A_970, %swap3A_971], %get3A_967 {strides = array<i32>} : memref<2x50x432xf32, #tpu.memory_space<vmem>>, vector<16xf32>,
        %add3A_973 = arith.constant 0 : i32
        %add3A_974 = arith.addi %add3A_973, %scan3A_722 : i32
        %get3A_975 = arith.index_cast %add3A_974 : i32 to index
        %get3A_976 = arith.constant 400 : index
        %get3A_977 = tpu.vector_load %arg10[%get3A_975, %get3A_976] {strides = array<i32>} : memref<100x432xf32, #tpu.memory_space<vmem>>, vector<16xf32>,
        %swap3A_978 = arith.constant 0 : i32
        %swap3A_979 = arith.index_cast %swap3A_978 : i32 to index
        %swap3A_980 = arith.index_cast %scan3A_722 : i32 to index
        %swap3A_981 = arith.constant 400 : index
        %swap3A_982 = tpu.vector_load %arg11[%swap3A_979, %swap3A_980, %swap3A_981] {strides = array<i32>} : memref<2x50x432xf32, #tpu.memory_space<vmem>>, vector<16xf32>,
        tpu.vector_store %arg11[%swap3A_979, %swap3A_980, %swap3A_981], %get3A_977 {strides = array<i32>} : memref<2x50x432xf32, #tpu.memory_space<vmem>>, vector<16xf32>,
        %add3A_983 = arith.constant 0 : i32
        %add3A_984 = arith.addi %add3A_983, %scan3A_722 : i32
        %get3A_985 = arith.index_cast %add3A_984 : i32 to index
        %get3A_986 = arith.constant 416 : index
        %get3A_987 = tpu.vector_load %arg10[%get3A_985, %get3A_986] {strides = array<i32>} : memref<100x432xf32, #tpu.memory_space<vmem>>, vector<16xf32>,
        %swap3A_988 = arith.constant 0 : i32
        %swap3A_989 = arith.index_cast %swap3A_988 : i32 to index
        %swap3A_990 = arith.index_cast %scan3A_722 : i32 to index
        %swap3A_991 = arith.constant 416 : index
        %swap3A_992 = tpu.vector_load %arg11[%swap3A_989, %swap3A_990, %swap3A_991] {strides = array<i32>} : memref<2x50x432xf32, #tpu.memory_space<vmem>>, vector<16xf32>,
        tpu.vector_store %arg11[%swap3A_989, %swap3A_990, %swap3A_991], %get3A_987 {strides = array<i32>} : memref<2x50x432xf32, #tpu.memory_space<vmem>>, vector<16xf32>,
        %add3A_993 = arith.constant 50 : i32
        %add3A_994 = arith.addi %add3A_993, %scan3A_722 : i32
        %get3A_995 = arith.index_cast %add3A_994 : i32 to index
        %get3A_996 = arith.constant 0 : index
        %get3A_997 = tpu.vector_load %arg10[%get3A_995, %get3A_996] {strides = array<i32>} : memref<100x432xf32, #tpu.memory_space<vmem>>, vector<16xf32>,
        %swap3A_998 = arith.constant 1 : i32
        %swap3A_999 = arith.index_cast %swap3A_998 : i32 to index
        %swap3A_1000 = arith.index_cast %scan3A_722 : i32 to index
        %swap3A_1001 = arith.constant 0 : index
        %swap3A_1002 = tpu.vector_load %arg11[%swap3A_999, %swap3A_1000, %swap3A_1001] {strides = array<i32>} : memref<2x50x432xf32, #tpu.memory_space<vmem>>, vector<16xf32>,
        tpu.vector_store %arg11[%swap3A_999, %swap3A_1000, %swap3A_1001], %get3A_997 {strides = array<i32>} : memref<2x50x432xf32, #tpu.memory_space<vmem>>, vector<16xf32>,
        %add3A_1003 = arith.constant 50 : i32
        %add3A_1004 = arith.addi %add3A_1003, %scan3A_722 : i32
        %get3A_1005 = arith.index_cast %add3A_1004 : i32 to index
        %get3A_1006 = arith.constant 16 : index
        %get3A_1007 = tpu.vector_load %arg10[%get3A_1005, %get3A_1006] {strides = array<i32>} : memref<100x432xf32, #tpu.memory_space<vmem>>, vector<16xf32>,
        %swap3A_1008 = arith.constant 1 : i32
        %swap3A_1009 = arith.index_cast %swap3A_1008 : i32 to index
        %swap3A_1010 = arith.index_cast %scan3A_722 : i32 to index
        %swap3A_1011 = arith.constant 16 : index
        %swap3A_1012 = tpu.vector_load %arg11[%swap3A_1009, %swap3A_1010, %swap3A_1011] {strides = array<i32>} : memref<2x50x432xf32, #tpu.memory_space<vmem>>, vector<16xf32>,
        tpu.vector_store %arg11[%swap3A_1009, %swap3A_1010, %swap3A_1011], %get3A_1007 {strides = array<i32>} : memref<2x50x432xf32, #tpu.memory_space<vmem>>, vector<16xf32>,
        %add3A_1013 = arith.constant 50 : i32
        %add3A_1014 = arith.addi %add3A_1013, %scan3A_722 : i32
        %get3A_1015 = arith.index_cast %add3A_1014 : i32 to index
        %get3A_1016 = arith.constant 32 : index
        %get3A_1017 = tpu.vector_load %arg10[%get3A_1015, %get3A_1016] {strides = array<i32>} : memref<100x432xf32, #tpu.memory_space<vmem>>, vector<16xf32>,
        %swap3A_1018 = arith.constant 1 : i32
        %swap3A_1019 = arith.index_cast %swap3A_1018 : i32 to index
        %swap3A_1020 = arith.index_cast %scan3A_722 : i32 to index
        %swap3A_1021 = arith.constant 32 : index
        %swap3A_1022 = tpu.vector_load %arg11[%swap3A_1019, %swap3A_1020, %swap3A_1021] {strides = array<i32>} : memref<2x50x432xf32, #tpu.memory_space<vmem>>, vector<16xf32>,
        tpu.vector_store %arg11[%swap3A_1019, %swap3A_1020, %swap3A_1021], %get3A_1017 {strides = array<i32>} : memref<2x50x432xf32, #tpu.memory_space<vmem>>, vector<16xf32>,
        %add3A_1023 = arith.constant 50 : i32
        %add3A_1024 = arith.addi %add3A_1023, %scan3A_722 : i32
        %get3A_1025 = arith.index_cast %add3A_1024 : i32 to index
        %get3A_1026 = arith.constant 48 : index
        %get3A_1027 = tpu.vector_load %arg10[%get3A_1025, %get3A_1026] {strides = array<i32>} : memref<100x432xf32, #tpu.memory_space<vmem>>, vector<16xf32>,
        %swap3A_1028 = arith.constant 1 : i32
        %swap3A_1029 = arith.index_cast %swap3A_1028 : i32 to index
        %swap3A_1030 = arith.index_cast %scan3A_722 : i32 to index
        %swap3A_1031 = arith.constant 48 : index
        %swap3A_1032 = tpu.vector_load %arg11[%swap3A_1029, %swap3A_1030, %swap3A_1031] {strides = array<i32>} : memref<2x50x432xf32, #tpu.memory_space<vmem>>, vector<16xf32>,
        tpu.vector_store %arg11[%swap3A_1029, %swap3A_1030, %swap3A_1031], %get3A_1027 {strides = array<i32>} : memref<2x50x432xf32, #tpu.memory_space<vmem>>, vector<16xf32>,
        %add3A_1033 = arith.constant 50 : i32
        %add3A_1034 = arith.addi %add3A_1033, %scan3A_722 : i32
        %get3A_1035 = arith.index_cast %add3A_1034 : i32 to index
        %get3A_1036 = arith.constant 64 : index
        %get3A_1037 = tpu.vector_load %arg10[%get3A_1035, %get3A_1036] {strides = array<i32>} : memref<100x432xf32, #tpu.memory_space<vmem>>, vector<16xf32>,
        %swap3A_1038 = arith.constant 1 : i32
        %swap3A_1039 = arith.index_cast %swap3A_1038 : i32 to index
        %swap3A_1040 = arith.index_cast %scan3A_722 : i32 to index
        %swap3A_1041 = arith.constant 64 : index
        %swap3A_1042 = tpu.vector_load %arg11[%swap3A_1039, %swap3A_1040, %swap3A_1041] {strides = array<i32>} : memref<2x50x432xf32, #tpu.memory_space<vmem>>, vector<16xf32>,
        tpu.vector_store %arg11[%swap3A_1039, %swap3A_1040, %swap3A_1041], %get3A_1037 {strides = array<i32>} : memref<2x50x432xf32, #tpu.memory_space<vmem>>, vector<16xf32>,
        %add3A_1043 = arith.constant 50 : i32
        %add3A_1044 = arith.addi %add3A_1043, %scan3A_722 : i32
        %get3A_1045 = arith.index_cast %add3A_1044 : i32 to index
        %get3A_1046 = arith.constant 80 : index
        %get3A_1047 = tpu.vector_load %arg10[%get3A_1045, %get3A_1046] {strides = array<i32>} : memref<100x432xf32, #tpu.memory_space<vmem>>, vector<16xf32>,
        %swap3A_1048 = arith.constant 1 : i32
        %swap3A_1049 = arith.index_cast %swap3A_1048 : i32 to index
        %swap3A_1050 = arith.index_cast %scan3A_722 : i32 to index
        %swap3A_1051 = arith.constant 80 : index
        %swap3A_1052 = tpu.vector_load %arg11[%swap3A_1049, %swap3A_1050, %swap3A_1051] {strides = array<i32>} : memref<2x50x432xf32, #tpu.memory_space<vmem>>, vector<16xf32>,
        tpu.vector_store %arg11[%swap3A_1049, %swap3A_1050, %swap3A_1051], %get3A_1047 {strides = array<i32>} : memref<2x50x432xf32, #tpu.memory_space<vmem>>, vector<16xf32>,
        %add3A_1053 = arith.constant 50 : i32
        %add3A_1054 = arith.addi %add3A_1053, %scan3A_722 : i32
        %get3A_1055 = arith.index_cast %add3A_1054 : i32 to index
        %get3A_1056 = arith.constant 96 : index
        %get3A_1057 = tpu.vector_load %arg10[%get3A_1055, %get3A_1056] {strides = array<i32>} : memref<100x432xf32, #tpu.memory_space<vmem>>, vector<16xf32>,
        %swap3A_1058 = arith.constant 1 : i32
        %swap3A_1059 = arith.index_cast %swap3A_1058 : i32 to index
        %swap3A_1060 = arith.index_cast %scan3A_722 : i32 to index
        %swap3A_1061 = arith.constant 96 : index
        %swap3A_1062 = tpu.vector_load %arg11[%swap3A_1059, %swap3A_1060, %swap3A_1061] {strides = array<i32>} : memref<2x50x432xf32, #tpu.memory_space<vmem>>, vector<16xf32>,
        tpu.vector_store %arg11[%swap3A_1059, %swap3A_1060, %swap3A_1061], %get3A_1057 {strides = array<i32>} : memref<2x50x432xf32, #tpu.memory_space<vmem>>, vector<16xf32>,
        %add3A_1063 = arith.constant 50 : i32
        %add3A_1064 = arith.addi %add3A_1063, %scan3A_722 : i32
        %get3A_1065 = arith.index_cast %add3A_1064 : i32 to index
        %get3A_1066 = arith.constant 112 : index
        %get3A_1067 = tpu.vector_load %arg10[%get3A_1065, %get3A_1066] {strides = array<i32>} : memref<100x432xf32, #tpu.memory_space<vmem>>, vector<16xf32>,
        %swap3A_1068 = arith.constant 1 : i32
        %swap3A_1069 = arith.index_cast %swap3A_1068 : i32 to index
        %swap3A_1070 = arith.index_cast %scan3A_722 : i32 to index
        %swap3A_1071 = arith.constant 112 : index
        %swap3A_1072 = tpu.vector_load %arg11[%swap3A_1069, %swap3A_1070, %swap3A_1071] {strides = array<i32>} : memref<2x50x432xf32, #tpu.memory_space<vmem>>, vector<16xf32>,
        tpu.vector_store %arg11[%swap3A_1069, %swap3A_1070, %swap3A_1071], %get3A_1067 {strides = array<i32>} : memref<2x50x432xf32, #tpu.memory_space<vmem>>, vector<16xf32>,
        %add3A_1073 = arith.constant 50 : i32
        %add3A_1074 = arith.addi %add3A_1073, %scan3A_722 : i32
        %get3A_1075 = arith.index_cast %add3A_1074 : i32 to index
        %get3A_1076 = arith.constant 128 : index
        %get3A_1077 = tpu.vector_load %arg10[%get3A_1075, %get3A_1076] {strides = array<i32>} : memref<100x432xf32, #tpu.memory_space<vmem>>, vector<16xf32>,
        %swap3A_1078 = arith.constant 1 : i32
        %swap3A_1079 = arith.index_cast %swap3A_1078 : i32 to index
        %swap3A_1080 = arith.index_cast %scan3A_722 : i32 to index
        %swap3A_1081 = arith.constant 128 : index
        %swap3A_1082 = tpu.vector_load %arg11[%swap3A_1079, %swap3A_1080, %swap3A_1081] {strides = array<i32>} : memref<2x50x432xf32, #tpu.memory_space<vmem>>, vector<16xf32>,
        tpu.vector_store %arg11[%swap3A_1079, %swap3A_1080, %swap3A_1081], %get3A_1077 {strides = array<i32>} : memref<2x50x432xf32, #tpu.memory_space<vmem>>, vector<16xf32>,
        %add3A_1083 = arith.constant 50 : i32
        %add3A_1084 = arith.addi %add3A_1083, %scan3A_722 : i32
        %get3A_1085 = arith.index_cast %add3A_1084 : i32 to index
        %get3A_1086 = arith.constant 144 : index
        %get3A_1087 = tpu.vector_load %arg10[%get3A_1085, %get3A_1086] {strides = array<i32>} : memref<100x432xf32, #tpu.memory_space<vmem>>, vector<16xf32>,
        %swap3A_1088 = arith.constant 1 : i32
        %swap3A_1089 = arith.index_cast %swap3A_1088 : i32 to index
        %swap3A_1090 = arith.index_cast %scan3A_722 : i32 to index
        %swap3A_1091 = arith.constant 144 : index
        %swap3A_1092 = tpu.vector_load %arg11[%swap3A_1089, %swap3A_1090, %swap3A_1091] {strides = array<i32>} : memref<2x50x432xf32, #tpu.memory_space<vmem>>, vector<16xf32>,
        tpu.vector_store %arg11[%swap3A_1089, %swap3A_1090, %swap3A_1091], %get3A_1087 {strides = array<i32>} : memref<2x50x432xf32, #tpu.memory_space<vmem>>, vector<16xf32>,
        %add3A_1093 = arith.constant 50 : i32
        %add3A_1094 = arith.addi %add3A_1093, %scan3A_722 : i32
        %get3A_1095 = arith.index_cast %add3A_1094 : i32 to index
        %get3A_1096 = arith.constant 160 : index
        %get3A_1097 = tpu.vector_load %arg10[%get3A_1095, %get3A_1096] {strides = array<i32>} : memref<100x432xf32, #tpu.memory_space<vmem>>, vector<16xf32>,
        %swap3A_1098 = arith.constant 1 : i32
        %swap3A_1099 = arith.index_cast %swap3A_1098 : i32 to index
        %swap3A_1100 = arith.index_cast %scan3A_722 : i32 to index
        %swap3A_1101 = arith.constant 160 : index
        %swap3A_1102 = tpu.vector_load %arg11[%swap3A_1099, %swap3A_1100, %swap3A_1101] {strides = array<i32>} : memref<2x50x432xf32, #tpu.memory_space<vmem>>, vector<16xf32>,
        tpu.vector_store %arg11[%swap3A_1099, %swap3A_1100, %swap3A_1101], %get3A_1097 {strides = array<i32>} : memref<2x50x432xf32, #tpu.memory_space<vmem>>, vector<16xf32>,
        %add3A_1103 = arith.constant 50 : i32
        %add3A_1104 = arith.addi %add3A_1103, %scan3A_722 : i32
        %get3A_1105 = arith.index_cast %add3A_1104 : i32 to index
        %get3A_1106 = arith.constant 176 : index
        %get3A_1107 = tpu.vector_load %arg10[%get3A_1105, %get3A_1106] {strides = array<i32>} : memref<100x432xf32, #tpu.memory_space<vmem>>, vector<16xf32>,
        %swap3A_1108 = arith.constant 1 : i32
        %swap3A_1109 = arith.index_cast %swap3A_1108 : i32 to index
        %swap3A_1110 = arith.index_cast %scan3A_722 : i32 to index
        %swap3A_1111 = arith.constant 176 : index
        %swap3A_1112 = tpu.vector_load %arg11[%swap3A_1109, %swap3A_1110, %swap3A_1111] {strides = array<i32>} : memref<2x50x432xf32, #tpu.memory_space<vmem>>, vector<16xf32>,
        tpu.vector_store %arg11[%swap3A_1109, %swap3A_1110, %swap3A_1111], %get3A_1107 {strides = array<i32>} : memref<2x50x432xf32, #tpu.memory_space<vmem>>, vector<16xf32>,
        %add3A_1113 = arith.constant 50 : i32
        %add3A_1114 = arith.addi %add3A_1113, %scan3A_722 : i32
        %get3A_1115 = arith.index_cast %add3A_1114 : i32 to index
        %get3A_1116 = arith.constant 192 : index
        %get3A_1117 = tpu.vector_load %arg10[%get3A_1115, %get3A_1116] {strides = array<i32>} : memref<100x432xf32, #tpu.memory_space<vmem>>, vector<16xf32>,
        %swap3A_1118 = arith.constant 1 : i32
        %swap3A_1119 = arith.index_cast %swap3A_1118 : i32 to index
        %swap3A_1120 = arith.index_cast %scan3A_722 : i32 to index
        %swap3A_1121 = arith.constant 192 : index
        %swap3A_1122 = tpu.vector_load %arg11[%swap3A_1119, %swap3A_1120, %swap3A_1121] {strides = array<i32>} : memref<2x50x432xf32, #tpu.memory_space<vmem>>, vector<16xf32>,
        tpu.vector_store %arg11[%swap3A_1119, %swap3A_1120, %swap3A_1121], %get3A_1117 {strides = array<i32>} : memref<2x50x432xf32, #tpu.memory_space<vmem>>, vector<16xf32>,
        %add3A_1123 = arith.constant 50 : i32
        %add3A_1124 = arith.addi %add3A_1123, %scan3A_722 : i32
        %get3A_1125 = arith.index_cast %add3A_1124 : i32 to index
        %get3A_1126 = arith.constant 208 : index
        %get3A_1127 = tpu.vector_load %arg10[%get3A_1125, %get3A_1126] {strides = array<i32>} : memref<100x432xf32, #tpu.memory_space<vmem>>, vector<16xf32>,
        %swap3A_1128 = arith.constant 1 : i32
        %swap3A_1129 = arith.index_cast %swap3A_1128 : i32 to index
        %swap3A_1130 = arith.index_cast %scan3A_722 : i32 to index
        %swap3A_1131 = arith.constant 208 : index
        %swap3A_1132 = tpu.vector_load %arg11[%swap3A_1129, %swap3A_1130, %swap3A_1131] {strides = array<i32>} : memref<2x50x432xf32, #tpu.memory_space<vmem>>, vector<16xf32>,
        tpu.vector_store %arg11[%swap3A_1129, %swap3A_1130, %swap3A_1131], %get3A_1127 {strides = array<i32>} : memref<2x50x432xf32, #tpu.memory_space<vmem>>, vector<16xf32>,
        %add3A_1133 = arith.constant 50 : i32
        %add3A_1134 = arith.addi %add3A_1133, %scan3A_722 : i32
        %get3A_1135 = arith.index_cast %add3A_1134 : i32 to index
        %get3A_1136 = arith.constant 224 : index
        %get3A_1137 = tpu.vector_load %arg10[%get3A_1135, %get3A_1136] {strides = array<i32>} : memref<100x432xf32, #tpu.memory_space<vmem>>, vector<16xf32>,
        %swap3A_1138 = arith.constant 1 : i32
        %swap3A_1139 = arith.index_cast %swap3A_1138 : i32 to index
        %swap3A_1140 = arith.index_cast %scan3A_722 : i32 to index
        %swap3A_1141 = arith.constant 224 : index
        %swap3A_1142 = tpu.vector_load %arg11[%swap3A_1139, %swap3A_1140, %swap3A_1141] {strides = array<i32>} : memref<2x50x432xf32, #tpu.memory_space<vmem>>, vector<16xf32>,
        tpu.vector_store %arg11[%swap3A_1139, %swap3A_1140, %swap3A_1141], %get3A_1137 {strides = array<i32>} : memref<2x50x432xf32, #tpu.memory_space<vmem>>, vector<16xf32>,
        %add3A_1143 = arith.constant 50 : i32
        %add3A_1144 = arith.addi %add3A_1143, %scan3A_722 : i32
        %get3A_1145 = arith.index_cast %add3A_1144 : i32 to index
        %get3A_1146 = arith.constant 240 : index
        %get3A_1147 = tpu.vector_load %arg10[%get3A_1145, %get3A_1146] {strides = array<i32>} : memref<100x432xf32, #tpu.memory_space<vmem>>, vector<16xf32>,
        %swap3A_1148 = arith.constant 1 : i32
        %swap3A_1149 = arith.index_cast %swap3A_1148 : i32 to index
        %swap3A_1150 = arith.index_cast %scan3A_722 : i32 to index
        %swap3A_1151 = arith.constant 240 : index
        %swap3A_1152 = tpu.vector_load %arg11[%swap3A_1149, %swap3A_1150, %swap3A_1151] {strides = array<i32>} : memref<2x50x432xf32, #tpu.memory_space<vmem>>, vector<16xf32>,
        tpu.vector_store %arg11[%swap3A_1149, %swap3A_1150, %swap3A_1151], %get3A_1147 {strides = array<i32>} : memref<2x50x432xf32, #tpu.memory_space<vmem>>, vector<16xf32>,
        %add3A_1153 = arith.constant 50 : i32
        %add3A_1154 = arith.addi %add3A_1153, %scan3A_722 : i32
        %get3A_1155 = arith.index_cast %add3A_1154 : i32 to index
        %get3A_1156 = arith.constant 256 : index
        %get3A_1157 = tpu.vector_load %arg10[%get3A_1155, %get3A_1156] {strides = array<i32>} : memref<100x432xf32, #tpu.memory_space<vmem>>, vector<16xf32>,
        %swap3A_1158 = arith.constant 1 : i32
        %swap3A_1159 = arith.index_cast %swap3A_1158 : i32 to index
        %swap3A_1160 = arith.index_cast %scan3A_722 : i32 to index
        %swap3A_1161 = arith.constant 256 : index
        %swap3A_1162 = tpu.vector_load %arg11[%swap3A_1159, %swap3A_1160, %swap3A_1161] {strides = array<i32>} : memref<2x50x432xf32, #tpu.memory_space<vmem>>, vector<16xf32>,
        tpu.vector_store %arg11[%swap3A_1159, %swap3A_1160, %swap3A_1161], %get3A_1157 {strides = array<i32>} : memref<2x50x432xf32, #tpu.memory_space<vmem>>, vector<16xf32>,
        %add3A_1163 = arith.constant 50 : i32
        %add3A_1164 = arith.addi %add3A_1163, %scan3A_722 : i32
        %get3A_1165 = arith.index_cast %add3A_1164 : i32 to index
        %get3A_1166 = arith.constant 272 : index
        %get3A_1167 = tpu.vector_load %arg10[%get3A_1165, %get3A_1166] {strides = array<i32>} : memref<100x432xf32, #tpu.memory_space<vmem>>, vector<16xf32>,
        %swap3A_1168 = arith.constant 1 : i32
        %swap3A_1169 = arith.index_cast %swap3A_1168 : i32 to index
        %swap3A_1170 = arith.index_cast %scan3A_722 : i32 to index
        %swap3A_1171 = arith.constant 272 : index
        %swap3A_1172 = tpu.vector_load %arg11[%swap3A_1169, %swap3A_1170, %swap3A_1171] {strides = array<i32>} : memref<2x50x432xf32, #tpu.memory_space<vmem>>, vector<16xf32>,
        tpu.vector_store %arg11[%swap3A_1169, %swap3A_1170, %swap3A_1171], %get3A_1167 {strides = array<i32>} : memref<2x50x432xf32, #tpu.memory_space<vmem>>, vector<16xf32>,
        %add3A_1173 = arith.constant 50 : i32
        %add3A_1174 = arith.addi %add3A_1173, %scan3A_722 : i32
        %get3A_1175 = arith.index_cast %add3A_1174 : i32 to index
        %get3A_1176 = arith.constant 288 : index
        %get3A_1177 = tpu.vector_load %arg10[%get3A_1175, %get3A_1176] {strides = array<i32>} : memref<100x432xf32, #tpu.memory_space<vmem>>, vector<16xf32>,
        %swap3A_1178 = arith.constant 1 : i32
        %swap3A_1179 = arith.index_cast %swap3A_1178 : i32 to index
        %swap3A_1180 = arith.index_cast %scan3A_722 : i32 to index
        %swap3A_1181 = arith.constant 288 : index
        %swap3A_1182 = tpu.vector_load %arg11[%swap3A_1179, %swap3A_1180, %swap3A_1181] {strides = array<i32>} : memref<2x50x432xf32, #tpu.memory_space<vmem>>, vector<16xf32>,
        tpu.vector_store %arg11[%swap3A_1179, %swap3A_1180, %swap3A_1181], %get3A_1177 {strides = array<i32>} : memref<2x50x432xf32, #tpu.memory_space<vmem>>, vector<16xf32>,
        %add3A_1183 = arith.constant 50 : i32
        %add3A_1184 = arith.addi %add3A_1183, %scan3A_722 : i32
        %get3A_1185 = arith.index_cast %add3A_1184 : i32 to index
        %get3A_1186 = arith.constant 304 : index
        %get3A_1187 = tpu.vector_load %arg10[%get3A_1185, %get3A_1186] {strides = array<i32>} : memref<100x432xf32, #tpu.memory_space<vmem>>, vector<16xf32>,
        %swap3A_1188 = arith.constant 1 : i32
        %swap3A_1189 = arith.index_cast %swap3A_1188 : i32 to index
        %swap3A_1190 = arith.index_cast %scan3A_722 : i32 to index
        %swap3A_1191 = arith.constant 304 : index
        %swap3A_1192 = tpu.vector_load %arg11[%swap3A_1189, %swap3A_1190, %swap3A_1191] {strides = array<i32>} : memref<2x50x432xf32, #tpu.memory_space<vmem>>, vector<16xf32>,
        tpu.vector_store %arg11[%swap3A_1189, %swap3A_1190, %swap3A_1191], %get3A_1187 {strides = array<i32>} : memref<2x50x432xf32, #tpu.memory_space<vmem>>, vector<16xf32>,
        %add3A_1193 = arith.constant 50 : i32
        %add3A_1194 = arith.addi %add3A_1193, %scan3A_722 : i32
        %get3A_1195 = arith.index_cast %add3A_1194 : i32 to index
        %get3A_1196 = arith.constant 320 : index
        %get3A_1197 = tpu.vector_load %arg10[%get3A_1195, %get3A_1196] {strides = array<i32>} : memref<100x432xf32, #tpu.memory_space<vmem>>, vector<16xf32>,
        %swap3A_1198 = arith.constant 1 : i32
        %swap3A_1199 = arith.index_cast %swap3A_1198 : i32 to index
        %swap3A_1200 = arith.index_cast %scan3A_722 : i32 to index
        %swap3A_1201 = arith.constant 320 : index
        %swap3A_1202 = tpu.vector_load %arg11[%swap3A_1199, %swap3A_1200, %swap3A_1201] {strides = array<i32>} : memref<2x50x432xf32, #tpu.memory_space<vmem>>, vector<16xf32>,
        tpu.vector_store %arg11[%swap3A_1199, %swap3A_1200, %swap3A_1201], %get3A_1197 {strides = array<i32>} : memref<2x50x432xf32, #tpu.memory_space<vmem>>, vector<16xf32>,
        %add3A_1203 = arith.constant 50 : i32
        %add3A_1204 = arith.addi %add3A_1203, %scan3A_722 : i32
        %get3A_1205 = arith.index_cast %add3A_1204 : i32 to index
        %get3A_1206 = arith.constant 336 : index
        %get3A_1207 = tpu.vector_load %arg10[%get3A_1205, %get3A_1206] {strides = array<i32>} : memref<100x432xf32, #tpu.memory_space<vmem>>, vector<16xf32>,
        %swap3A_1208 = arith.constant 1 : i32
        %swap3A_1209 = arith.index_cast %swap3A_1208 : i32 to index
        %swap3A_1210 = arith.index_cast %scan3A_722 : i32 to index
        %swap3A_1211 = arith.constant 336 : index
        %swap3A_1212 = tpu.vector_load %arg11[%swap3A_1209, %swap3A_1210, %swap3A_1211] {strides = array<i32>} : memref<2x50x432xf32, #tpu.memory_space<vmem>>, vector<16xf32>,
        tpu.vector_store %arg11[%swap3A_1209, %swap3A_1210, %swap3A_1211], %get3A_1207 {strides = array<i32>} : memref<2x50x432xf32, #tpu.memory_space<vmem>>, vector<16xf32>,
        %add3A_1213 = arith.constant 50 : i32
        %add3A_1214 = arith.addi %add3A_1213, %scan3A_722 : i32
        %get3A_1215 = arith.index_cast %add3A_1214 : i32 to index
        %get3A_1216 = arith.constant 352 : index
        %get3A_1217 = tpu.vector_load %arg10[%get3A_1215, %get3A_1216] {strides = array<i32>} : memref<100x432xf32, #tpu.memory_space<vmem>>, vector<16xf32>,
        %swap3A_1218 = arith.constant 1 : i32
        %swap3A_1219 = arith.index_cast %swap3A_1218 : i32 to index
        %swap3A_1220 = arith.index_cast %scan3A_722 : i32 to index
        %swap3A_1221 = arith.constant 352 : index
        %swap3A_1222 = tpu.vector_load %arg11[%swap3A_1219, %swap3A_1220, %swap3A_1221] {strides = array<i32>} : memref<2x50x432xf32, #tpu.memory_space<vmem>>, vector<16xf32>,
        tpu.vector_store %arg11[%swap3A_1219, %swap3A_1220, %swap3A_1221], %get3A_1217 {strides = array<i32>} : memref<2x50x432xf32, #tpu.memory_space<vmem>>, vector<16xf32>,
        %add3A_1223 = arith.constant 50 : i32
        %add3A_1224 = arith.addi %add3A_1223, %scan3A_722 : i32
        %get3A_1225 = arith.index_cast %add3A_1224 : i32 to index
        %get3A_1226 = arith.constant 368 : index
        %get3A_1227 = tpu.vector_load %arg10[%get3A_1225, %get3A_1226] {strides = array<i32>} : memref<100x432xf32, #tpu.memory_space<vmem>>, vector<16xf32>,
        %swap3A_1228 = arith.constant 1 : i32
        %swap3A_1229 = arith.index_cast %swap3A_1228 : i32 to index
        %swap3A_1230 = arith.index_cast %scan3A_722 : i32 to index
        %swap3A_1231 = arith.constant 368 : index
        %swap3A_1232 = tpu.vector_load %arg11[%swap3A_1229, %swap3A_1230, %swap3A_1231] {strides = array<i32>} : memref<2x50x432xf32, #tpu.memory_space<vmem>>, vector<16xf32>,
        tpu.vector_store %arg11[%swap3A_1229, %swap3A_1230, %swap3A_1231], %get3A_1227 {strides = array<i32>} : memref<2x50x432xf32, #tpu.memory_space<vmem>>, vector<16xf32>,
        %add3A_1233 = arith.constant 50 : i32
        %add3A_1234 = arith.addi %add3A_1233, %scan3A_722 : i32
        %get3A_1235 = arith.index_cast %add3A_1234 : i32 to index
        %get3A_1236 = arith.constant 384 : index
        %get3A_1237 = tpu.vector_load %arg10[%get3A_1235, %get3A_1236] {strides = array<i32>} : memref<100x432xf32, #tpu.memory_space<vmem>>, vector<16xf32>,
        %swap3A_1238 = arith.constant 1 : i32
        %swap3A_1239 = arith.index_cast %swap3A_1238 : i32 to index
        %swap3A_1240 = arith.index_cast %scan3A_722 : i32 to index
        %swap3A_1241 = arith.constant 384 : index
        %swap3A_1242 = tpu.vector_load %arg11[%swap3A_1239, %swap3A_1240, %swap3A_1241] {strides = array<i32>} : memref<2x50x432xf32, #tpu.memory_space<vmem>>, vector<16xf32>,
        tpu.vector_store %arg11[%swap3A_1239, %swap3A_1240, %swap3A_1241], %get3A_1237 {strides = array<i32>} : memref<2x50x432xf32, #tpu.memory_space<vmem>>, vector<16xf32>,
        %add3A_1243 = arith.constant 50 : i32
        %add3A_1244 = arith.addi %add3A_1243, %scan3A_722 : i32
        %get3A_1245 = arith.index_cast %add3A_1244 : i32 to index
        %get3A_1246 = arith.constant 400 : index
        %get3A_1247 = tpu.vector_load %arg10[%get3A_1245, %get3A_1246] {strides = array<i32>} : memref<100x432xf32, #tpu.memory_space<vmem>>, vector<16xf32>,
        %swap3A_1248 = arith.constant 1 : i32
        %swap3A_1249 = arith.index_cast %swap3A_1248 : i32 to index
        %swap3A_1250 = arith.index_cast %scan3A_722 : i32 to index
        %swap3A_1251 = arith.constant 400 : index
        %swap3A_1252 = tpu.vector_load %arg11[%swap3A_1249, %swap3A_1250, %swap3A_1251] {strides = array<i32>} : memref<2x50x432xf32, #tpu.memory_space<vmem>>, vector<16xf32>,
        tpu.vector_store %arg11[%swap3A_1249, %swap3A_1250, %swap3A_1251], %get3A_1247 {strides = array<i32>} : memref<2x50x432xf32, #tpu.memory_space<vmem>>, vector<16xf32>,
        %add3A_1253 = arith.constant 50 : i32
        %add3A_1254 = arith.addi %add3A_1253, %scan3A_722 : i32
        %get3A_1255 = arith.index_cast %add3A_1254 : i32 to index
        %get3A_1256 = arith.constant 416 : index
        %get3A_1257 = tpu.vector_load %arg10[%get3A_1255, %get3A_1256] {strides = array<i32>} : memref<100x432xf32, #tpu.memory_space<vmem>>, vector<16xf32>,
        %swap3A_1258 = arith.constant 1 : i32
        %swap3A_1259 = arith.index_cast %swap3A_1258 : i32 to index
        %swap3A_1260 = arith.index_cast %scan3A_722 : i32 to index
        %swap3A_1261 = arith.constant 416 : index
        %swap3A_1262 = tpu.vector_load %arg11[%swap3A_1259, %swap3A_1260, %swap3A_1261] {strides = array<i32>} : memref<2x50x432xf32, #tpu.memory_space<vmem>>, vector<16xf32>,
        tpu.vector_store %arg11[%swap3A_1259, %swap3A_1260, %swap3A_1261], %get3A_1257 {strides = array<i32>} : memref<2x50x432xf32, #tpu.memory_space<vmem>>, vector<16xf32>,
      }
      %scan3A_172 = arith.constant 50 : i32
      %mul3A_173 = arith.constant 2 : i32
      %mul3A_174 = arith.muli %add3A_166, %mul3A_173 : i32
      %add3A_175 = arith.addi %mul3A_2, %mul3A_174 : i32
      %dma_start3A_176 = arith.constant 0 : i32
      %dma_start3A_177 = arith.constant 0 : i32
      %dma_start3A_178 = tpu.memref_slice %arg4[%add3A_175, %dma_start3A_176, %dma_start3A_177] : memref<4096x50x432xf32, #tpu.memory_space<hbm>> -> memref<2x50x432xf32, #tpu.memory_space<hbm>>
      %dma_start3A_179 = arith.constant 0 : i32
      %dma_start3A_180 = arith.constant 0 : i32
      %dma_start3A_181 = tpu.memref_slice %arg4[%add3A_175, %dma_start3A_179, %dma_start3A_180] : memref<4096x50x432xf32, #tpu.memory_space<hbm>> -> memref<2x50x432xf32, #tpu.memory_space<hbm>>
      tpu.enqueue_dma source(%arg11 : memref<2x50x432xf32, #tpu.memory_space<vmem>>) target(%dma_start3A_181 : memref<2x50x432xf32, #tpu.memory_space<hbm>>) target_semaphore(%arg14 : memref<!tpu.dma_semaphore, #tpu.memory_space<semaphore_mem>>)
    }
    %scan3A_54 = arith.constant 32 : i32
    %add3A_55 = arith.constant 126 : i32
    %add3A_56 = arith.addi %mul3A_2, %add3A_55 : i32
    %dma_wait3A = arith.constant 0 : i32
    %dma_wait3A_57 = arith.constant 0 : i32
    %dma_wait3A_58 = tpu.memref_slice %arg4[%add3A_56, %dma_wait3A, %dma_wait3A_57] : memref<4096x50x432xf32, #tpu.memory_space<hbm>> -> memref<2x50x432xf32, #tpu.memory_space<hbm>>
    %dma_wait3A_59 = arith.constant 0 : i32
    %dma_wait3A_60 = arith.constant 0 : i32
    %dma_wait3A_61 = tpu.memref_slice %arg4[%add3A_56, %dma_wait3A_59, %dma_wait3A_60] : memref<4096x50x432xf32, #tpu.memory_space<hbm>> -> memref<2x50x432xf32, #tpu.memory_space<hbm>>
    tpu.wait_dma2 semaphore(%arg14 : memref<!tpu.dma_semaphore, #tpu.memory_space<semaphore_mem>>) src(%arg11 : memref<2x50x432xf32, #tpu.memory_space<vmem>>) dst(%dma_wait3A_61 : memref<2x50x432xf32, #tpu.memory_space<hbm>>)
    return
  }
}

module attributes {stable_mosaic.version = 14 : i64} {
  func.func @_comb_body(%arg0: i32, %arg1: memref<2000x300xf32, #tpu.memory_space<vmem>>, %arg2: memref<2000x128xf32, #tpu.memory_space<vmem>>, %arg3: memref<2000x432xf32, #tpu.memory_space<vmem>>) attributes {dimension_semantics = [#tpu.dimension_semantics<arbitrary>], iteration_bounds = array<i64: 50>, scalar_prefetch = 0 : i64, scratch_operands = 0 : i64, tpu.core_type = #tpu.core_type<tc>, window_params = [{transform_indices = @transform_0, window_bounds = array<i64: 2000, 300>}, {transform_indices = @transform_1, window_bounds = array<i64: 2000, 128>}, {transform_indices = @transform_2, window_bounds = array<i64: 2000, 432>}]} {
    %get3A = arith.constant 0 : index
    %get3A_0 = arith.constant 0 : index
    %get3A_1 = vector.load %arg2[%get3A, %get3A_0] : memref<2000x128xf32, #tpu.memory_space<vmem>>, vector<2000x128xf32>
    %tanh3A = math.tanh %get3A_1 : vector<2000x128xf32>
    %swap3A = arith.constant 0 : index
    %swap3A_2 = arith.constant 0 : index
    %swap3A_3 = vector.load %arg3[%swap3A, %swap3A_2] : memref<2000x432xf32, #tpu.memory_space<vmem>>, vector<2000x128xf32>
    tpu.vector_store %arg3[%swap3A, %swap3A_2], %tanh3A {strides = array<i32>} : memref<2000x432xf32, #tpu.memory_space<vmem>>, vector<2000x128xf32>,
    %get3A_4 = arith.constant 0 : index
    %get3A_5 = arith.constant 0 : index
    %get3A_6 = vector.load %arg1[%get3A_4, %get3A_5] : memref<2000x300xf32, #tpu.memory_space<vmem>>, vector<2000x300xf32>
    %swap3A_7 = arith.constant 0 : index
    %swap3A_8 = arith.constant 128 : index
    %swap3A_9 = vector.load %arg3[%swap3A_7, %swap3A_8] : memref<2000x432xf32, #tpu.memory_space<vmem>>, vector<2000x300xf32>
    tpu.vector_store %arg3[%swap3A_7, %swap3A_8], %get3A_6 {strides = array<i32>} : memref<2000x432xf32, #tpu.memory_space<vmem>>, vector<2000x300xf32>,
    %broadcast_in_dim3A = arith.constant 0.000000e+00 : f32
    %broadcast_in_dim3A_10 = vector.broadcast %broadcast_in_dim3A : f32 to vector<2000x4xf32>
    %swap3A_11 = arith.constant 0 : index
    %swap3A_12 = arith.constant 428 : index
    %swap3A_13 = vector.load %arg3[%swap3A_11, %swap3A_12] : memref<2000x432xf32, #tpu.memory_space<vmem>>, vector<2000x4xf32>
    tpu.vector_store %arg3[%swap3A_11, %swap3A_12], %broadcast_in_dim3A_10 {strides = array<i32>} : memref<2000x432xf32, #tpu.memory_space<vmem>>, vector<2000x4xf32>,
    return
  }
  func.func @transform_0(%arg0: i32) -> (i32, i32) {
    %c0_i32 = arith.constant 0 : i32
    %c0_i32_0 = arith.constant 0 : i32
    return %arg0, %c0_i32 : i32, i32
  }
  func.func @transform_1(%arg0: i32) -> (i32, i32) {
    %c0_i32 = arith.constant 0 : i32
    %c0_i32_0 = arith.constant 0 : i32
    return %arg0, %c0_i32 : i32, i32
  }
  func.func @transform_2(%arg0: i32) -> (i32, i32) {
    %c0_i32 = arith.constant 0 : i32
    %c0_i32_0 = arith.constant 0 : i32
    return %arg0, %c0_i32 : i32, i32
  }
}

</mosaic_0001>

<sc_bundles>
// kernel: _glove_fused.4.cloned.1.call-start
scs
__scs_entry_jumppad:
0x0: {  	(pc) =	sbr.rel $0x88, $3  }
0x1: {  	(tag) =	ssettag $0x0;
	lr =	simm.s32 $0x1  }
0x2: {  	[smem:$0x3F9E] =	sst lr;
	_ =	strace $0xD0000000  }
0x3: {  	_ = 	snop  }
0x4: {  	_ = 	snop  }
0x5: {  	_ = 	snop  }
0x6: {  	_ = 	snop  }
0x7: {  	_ = 	snop  }
__scs_overlays_trampoline_lowered:
0x8: {  	[smem:$0x3FAD] =	sst s0  }
0x9: {  	[smem:$0x3FAE] =	sst s1  }
0xa: {  	[smem:$0x3FAF] =	sst s2  }
0xb: {  	[smem:$0x3FB0] =	sst s3  }
0xc: {  	[smem:$0x3FB1] =	sst s4  }
0xd: {  	[smem:$0x3FB2] =	sst s5  }
0xe: {  	[smem:$0x3FB3] =	sst s6  }
0xf: {  	[smem:$0x3FB4] =	sst s7  }
0x10: {  	[smem:$0x3FB5] =	sst s8  }
0x11: {  	[smem:$0x3FB6] =	sst s9;
	s0 =	simm.s32 @!p0 $0x0  }
0x12: {  	s1 =	sld [smem:$0x3F9C];
	s0 =	simm.s32 @p0 $0x1  }
0x13: {  	[smem:$0x3FB7] =	sst s0;
	s0 =	simm.s32 @!p1 $0x0  }
0x14: {  	s2 =	sld [smem:$0x3F9B];
	s0 =	simm.s32 @p1 $0x1  }
0x15: {  	[smem:$0x3FB8] =	sst s0;
	s0 =	simm.s32 @!p2 $0x0  }
0x16: {  	s3 =	sld [smem:$0x3FDB];
	s0 =	simm.s32 @p2 $0x1  }
0x17: {  	s4 =	simm.s32 $0x1BF5;
	[smem:$0x3FBA] =	sst s0  }
0x18: {  	s0 =	sld [smem:$0x3F9D];
	_ =	swait.ge [sflag:s4], $0x0  }
0x19: {  	s7 =	sld [smem:$0x3F9E]  }
0x1a: {  	s8 =	sadd.s32 $0xFFFFE003, lr  }
0x1b: {  	s9 =	sadd.s32 $0xFFFFFEF7, lr;
	s5 =	simm.s32 $0xFFFFFFFF;
	p2 =	slt.u32 s8, $0xFFFFF086  }
0x1c: {  	p1 =	slt.u32 s9, $0xF7A;
	s5 =	simm.s32 @!p2 $0x0  }
0x1d: {  	s5 =	simm.s32 @p1 $0x1;
	p0 =	seq.s32 s7, s2  }
0x1e: {  	s7 =	smul.u32 @!p0 $0xF7A, s2;
	p2 =	seq.s32 @!p0 s5, $0x0  }
0x1f: {  	s9 =	smul.u32 $0xF7A, s1;
	s8 =	simm.s32 @!p0 $0x1BF5;
	p2 =	por !p2, p0  }
0x20: {  	[sflag:s8] =	ssyncset.s32 @!p0 $0xFFFFF086;
	s6 =	sadd.s32 @!p0 s3, s7;
	s7 =	simm.s32 @!p0 $0x108  }
0x21: {  	s3 =	sadd.s32 s3, s9;
	s6 =	sadd.s32 @!p0 $0x88, s6;
	s7 =	simm.s32 @p2 $0x1082  }
0x22: {  	[simem:s7], [sflag:s8] =	dma.local @!p0 [hbm:s6], $0xF7A  }
0x23: {  	s9 =	sor.u32 $0xD0000000, s2;
	s6 =	simm.s32 $0x108;
	_ =	swait.ge @!p0 [sflag:s8], $0x0  }
0x24: {  	s3 =	sadd.s32 $0x88, s3;
	s6 =	simm.s32 @!p1 $0x1082;
	[sflag:s4] =	ssyncset.s32 $0xFFFFF086  }
0x25: {  	[simem:s6], [sflag:s4] =	dma.local [hbm:s3], $0xF7A  }
0x26: {  	[smem:$0x3F9E] =	sst s1;
	(tag) =	ssettag s2;
	_ =	strace s9  }
0x27: {  	s1 =	sld [smem:$0x3FAE]  }
0x28: {  	s2 =	sld [smem:$0x3FAF]  }
0x29: {  	s4 =	sld [smem:$0x3FB1]  }
0x2a: {  	p0 =	seq.s32 s5, $0x0;
	s5 =	sld [smem:$0x3FB2]  }
0x2b: {  	s6 =	sld [smem:$0x3FB3]  }
0x2c: {  	s7 =	sld [smem:$0x3FB4]  }
0x2d: {  	s3 =	simm.s32 $0x108;
	s8 =	sld [smem:$0x3FB5]  }
0x2e: {  	s3 =	simm.s32 @!p0 $0x1082;
	s9 =	sld [smem:$0x3FB6]  }
0x2f: {  	lr =	sadd.s32 s0, s3;
	s0 =	sld [smem:$0x3FAD]  }
0x30: {  	s3 =	sld [smem:$0x3FB0]  }
0x31: {  	[smem:$0x3FB9] =	sst s10  }
0x32: {  	s10 =	sld [smem:$0x3FB7];
	_ =	sdelay $0x3  }
0x33: {  	p0 =	seq.s32 s10, $0x1;
	s10 =	sld [smem:$0x3FB9];
	_ =	sdelay $0x3  }
0x34: {  	[smem:$0x3FB9] =	sst s10  }
0x35: {  	s10 =	sld [smem:$0x3FB8];
	_ =	sdelay $0x3  }
0x36: {  	p1 =	seq.s32 s10, $0x1;
	s10 =	sld [smem:$0x3FB9];
	_ =	sdelay $0x3  }
0x37: {  	[smem:$0x3FB9] =	sst s10  }
0x38: {  	s10 =	sld [smem:$0x3FBA]  }
0x39: {  	_ = 	snop;
	(pc) =	sbr.ind lr, $3  }
0x3a: {  	_ = 	snop  }
0x3b: {  	_ = 	snop  }
0x3c: {  	p2 =	seq.s32 s10, $0x1;
	s10 =	sld [smem:$0x3FB9]  }
0x3d: {  	_ =	shalt  }
0x3e: {  	_ =	shalt  }
0x3f: {  	_ =	shalt  }
0x40: {  	_ =	shalt  }
0x41: {  	_ =	shalt  }
0x42: {  	_ =	shalt  }
0x43: {  	_ =	shalt  }
0x44: {  	_ =	shalt  }
0x45: {  	_ =	shalt  }
0x46: {  	_ =	shalt  }
0x47: {  	_ =	shalt  }
0x48: {  	_ =	shalt  }
0x49: {  	_ =	shalt  }
0x4a: {  	_ =	shalt  }
0x4b: {  	_ =	shalt  }
0x4c: {  	_ =	shalt  }
0x4d: {  	_ =	shalt  }
0x4e: {  	_ =	shalt  }
0x4f: {  	_ =	shalt  }
0x50: {  	_ =	shalt  }
0x51: {  	_ =	shalt  }
0x52: {  	_ =	shalt  }
0x53: {  	_ =	shalt  }
0x54: {  	_ =	shalt  }
0x55: {  	_ =	shalt  }
0x56: {  	_ =	shalt  }
0x57: {  	_ =	shalt  }
0x58: {  	_ =	shalt  }
0x59: {  	_ =	shalt  }
0x5a: {  	_ =	shalt  }
0x5b: {  	_ =	shalt  }
0x5c: {  	_ =	shalt  }
0x5d: {  	_ =	shalt  }
0x5e: {  	_ =	shalt  }
0x5f: {  	_ =	shalt  }
0x60: {  	_ =	shalt  }
0x61: {  	_ =	shalt  }
0x62: {  	_ =	shalt  }
0x63: {  	_ =	shalt  }
0x64: {  	_ =	shalt  }
0x65: {  	_ =	shalt  }
0x66: {  	_ =	shalt  }
0x67: {  	_ =	shalt  }
0x68: {  	_ =	shalt  }
0x69: {  	_ =	shalt  }
0x6a: {  	_ =	shalt  }
0x6b: {  	_ =	shalt  }
0x6c: {  	_ =	shalt  }
0x6d: {  	_ =	shalt  }
0x6e: {  	_ =	shalt  }
0x6f: {  	_ =	shalt  }
0x70: {  	_ =	shalt  }
0x71: {  	_ =	shalt  }
0x72: {  	_ =	shalt  }
0x73: {  	_ =	shalt  }
0x74: {  	_ =	shalt  }
0x75: {  	_ =	shalt  }
0x76: {  	_ =	shalt  }
0x77: {  	_ =	shalt  }
0x78: {  	_ =	shalt  }
0x79: {  	_ =	shalt  }
0x7a: {  	_ =	shalt  }
0x7b: {  	_ =	shalt  }
0x7c: {  	_ =	shalt  }
0x7d: {  	_ =	shalt  }
0x7e: {  	_ =	shalt  }
0x7f: {  	_ =	shalt  }
0x80: {  	_ =	shalt  }
0x81: {  	_ =	shalt  }
0x82: {  	_ =	shalt  }
0x83: {  	_ =	shalt  }
0x84: {  	_ =	shalt  }
0x85: {  	_ =	shalt  }
0x86: {  	_ =	shalt  }
0x87: {  	_ =	shalt  }
.Lfunc_end0:
.L_simem_size_0:
called_computation.1_lowered:
.L_overlay_start_0:
0x88: {  	s2 =	sld [smem:$0x3FD9]  }
0x89: {  	s3 =	sld [smem:$0x3FFE];
	_ =	sdelay $0x1  }
0x8a: {  	s1 =	srdreg.scid  }
0x8b: {  	s0 =	sand.u32 $0x1, s1  }
0x8c: {  	s17 =	sshll.u32 s0, $0xA;
	s2 =	sadd.s32 s3, s2  }
0x8d: {  	s2 =	sadd.s32 s2, s17  }
0x8e: {  	[smem:$0x3FC5] =	sst s2  }
0x8f: {  	_ = 	snop  }
0x90: {  	s2 =	sld [smem:$0x3FD0];
	(tm) =	ssettm $0x1  }
0x91: {  	s18 =	sld [smem:$0x3FFB];
	_ =	sdelay $0x3  }
0x92: {  	_ =	strace s18  }
0x93: {  	s3 =	sld [smem:$0x3FFC];
	_ =	sdelay $0x3  }
0x94: {  	_ =	strace s3  }
0x95: {  	s3 =	sld [smem:$0x3FFD];
	_ =	sdelay $0x3  }
0x96: {  	_ =	strace s3  }
0x97: {  	_ =	strace $0x8FFFFFFF  }
0x98: {  	s19 =	sld [smem:$0x3FDB];
	_ =	sdelay $0x1  }
0x99: {  	s4 =	simm.s32 $_scs_section_size  }
0x9a: {  	s5 =	simm.s32 $_size__tile_overlayer_lowered;
	s6 =	simm.s32 $_tile_overlayer_lowered  }
0x9b: {  	s22 =	simm.s32 $0x1BFF;
	s21 =	sshll.u32 s6, $0x1;
	s3 =	sadd.s32 s4, s19  }
0x9c: {  	s7 =	simm.s32 $0x0;
	s20 =	sshll.u32 s5, $0x1;
	s5 =	sadd.s32 s21, s3  }
0x9d: {  	[timem:s7], [sflag:s22] =	dma.local [hbm:s5], s20  }
0x9e: {  	_ =	swait.ge [sflag:s22], s20  }
0x9f: {  	s4 =	ssub.s32 $0x0, s20;
	[sflag:s22] =	ssyncset.done $0x0  }
0xa0: {  	[sflag:s22] =	ssyncadd.s32 s4;
	_ =	sdelay $0x1  }
0xa1: {  	s23 =	simm.s32 $0x1B8B  }
0xa2: {  	_ =	swait.ge [sflag:s23], $0x1  }
0xa3: {  	[sflag:s23] =	ssyncset.done $0x0  }
0xa4: {  	s25 =	simm.s32 $0x1B8E;
	s24 =	sld [smem:$0x3FFE];
	[sflag:s23] =	ssyncadd.s32 $0xFFFFFFFF  }
0xa5: {  	s26 =	simm.s32 $execute0_lowered;
	[smem:$0x3FD2] =	sst s25  }
0xa6: {  	s5 =	sshll.u32 s26, $0x1;
	_ =	strace $0x80000046;
	[dreg:$0x1] =	wrdreg $0xFFFFFFFF  }
0xa7: {  	s28 =	simm.s32 $_size_execute0_lowered;
	s3 =	sadd.s32 s3, s5;
	[dreg:$0x0] =	wrdreg $0x0  }
0xa8: {  	s5 =	sshll.u32 s28, $0x1;
	[dreg:$0x2] =	wrdreg s3  }
0xa9: {  	[dreg:$0x3] =	wrdreg s5  }
0xaa: {  	[dreg:$0x4] =	wrdreg $0xC0  }
0xab: {  	_ =	task [dreg:s7], $0x5FFFF  }
0xac: {  	[dreg:$0x1] =	wrdreg $0xFFFFFFFF  }
0xad: {  	[dreg:$0x0] =	wrdreg $0x60  }
0xae: {  	[dreg:$0x2] =	wrdreg s24  }
0xaf: {  	[dreg:$0x3] =	wrdreg s2  }
0xb0: {  	[dreg:$0x4] =	wrdreg $0x9  }
0xb1: {  	_ =	task.clear_ibuf [dreg:s7], $0x5FFFF;
	_ =	strace $0x90000046  }
0xb2: {  	s29 =	simm.s32 $0x9;
	_ =	strace $0x80000048  }
0xb3: {  	_ =	swait.ge [sflag:s29], $0x1  }
0xb4: {  	[sflag:s29] =	ssyncadd.s32 $0xFFFFFFFF  }
0xb5: {  	_ =	strace $0x90000048  }
0xb6: {  	_ =	sfence  }
0xb7: {  	s30 =	sld [smem:$0x0];
	_ =	sdelay $0x2  }
0xb8: {  	s31 =	sshll.u32 s1, $0xD;
	s1 =	sshrl.u32 s1, $0x2  }
0xb9: {  	s3 =	sand.u32 $0x4000, s31;
	s1 =	sadd.s32 s1, s30  }
0xba: {  	s0 =	sor.u32 s3, s0;
	s1 =	sshll.u32 s1, $0x11  }
0xbb: {  	s0 =	sor.u32 s1, s0  }
0xbc: {  	s0 =	sadd.s32 $0x8F2B, s0  }
0xbd: {  	[sflag:s0] =	ssyncadd.remote.s32 $0x1  }
0xbe: {  	_ =	sfence.sel $0xFFFF  }
0xbf: {  	[dreg:$0x0] =	wrdreg $0xFFFFFFFF;
	(pc) =	sbr.abs _section_cstart, $3  }
0xc0: {  	[dreg:$0x1] =	wrdreg $0xFFFFFFFF  }
0xc1: {  	_ =	task.clear_ibuf [dreg:s7], $0x2FFFF;
	_ =	strace $0x9FFFFFFF  }
0xc2: {  	(tm) =	ssettm $0x7FFFFFFF  }
0xc3: {  	_ =	shalt  }
tec
execute0_lowered:
.L_overlay_start_1:
0x0: {  	(tag) =	ssettag $0x1  }
0x1: {  	s1 =	srdreg.scid;
	s6 =	rddreg [dreg:$0x0]  }
0x2: {  	s0 =	stileid.u32;
	s2 =	rddreg [dreg:$0x1]  }
0x3: {  	s3 =	simm.s32 $0x0;
	s11 =	simm.s32 $0x4;
	s12 =	simm.s32 $0xE0  }
0x4: {  	s13 =	simm.s32 $0x64;
	s14 =	simm.s32 $0x1B0;
	s15 =	simm.s32 $0x70  }
0x5: {  	s16 =	simm.s32 $0x148;
	s17 =	simm.s32 $0xAA70;
	s18 =	simm.s32 $0x1  }
0x6: {  	s19 =	simm.s32 $0x15330;
	s20 =	simm.s32 $0x2;
	s21 =	simm.s32 $0x3  }
0x7: {  	s22 =	simm.s32 $0x0;
	s5 =	sand.u32 $0x1, s1;
	s1 =	rddreg [dreg:$0x2]  }
0x8: {  	s4 =	sshll.u32 s0, $0x8;
	[smem:$0x7FF] =	sst s3;
	s7 =	sshll.u32 s5, $0x7  }
0x9: {  	v0 =	vimm.s32 $0x69686766;
	v1 =	vimm.s32 $0x63626160;
	s31 =	ssub.s32 $0x2, s5;
	_ =	strace $0x80000047;
	s4 =	sor.u32 s7, s4  }
0xa: {  	v2 =	vunpack.c.0.s8.s32 v0;
	v3 =	vunpack.c.0.s8.s32 v1;
	s5 =	sadd.s32 $0x800, s6;
	s9 =	sshrl.u32 s31, $0x1;
	s8 =	smul.u32 $0x7, s4  }
0xb: {  	vm0 =	vcmask $0xF00;
	v0 =	vlaneseq.u32;
	s6 =	sadd.s32 $0x7800, s6;
	s9 =	ssub.s32 s31, s9;
	s10 =	sor.u32 $0x2, s4  }
0xc: {  	v1 =	vimm.s32 $0x0;
	v2 =	vnsel vm0, $0x69, v2;
	v3 =	vnsel vm0, $0x63, v3;
	s9 =	smax.u32 s9, $0x1;
	s7 =	sadd.s32 s5, s8;
	s8 =	sor.u32 $0x4, s4  }
.LBB2_1:
0xd: {  	s23 =	simm.s32 $0x0  }
0xe: {  	v8 =	vor.u32 s23, v0  }
0xf: {  	vm0 =	vlt.s32 v8, $0x63  }
0x10: {  	v4 =	vnsel vm0, $0x63, v8  }
0x11: {  	v5 =	vmulhi.u32 $0x51EB851F, v4;
	_ =	sdelay $0x1  }
0x12: {  	v5 =	vshrl.u32 v5, $0x4  }
0x13: {  	v6 =	vmul.u32 $0xFFFFFFCE, v5  }
0x14: {  	v7 =	vmov s23;
	v9 =	vsub.s32 $0x0, v4  }
0x15: {  	vm0 =	veq.s32 v7, v0;
	vm1 =	vne.s32 v6, v9  }
0x16: {  	vm0 =	vmand vm0, vm1  }
0x17: {  	v6 =	vsel vm0, $0xFFFFFFFF, v1  }
0x18: {  	s31 =	simm.s32 $0x10;
	s24 =	simm.s32 $0x20;
	v6 =	vadd.s32 v6, v5  }
0x19: {  	v7 =	vor.u32 s24, v0;
	v9 =	vor.u32 s31, v0;
	v5 =	vmul.u32 $0xFFFFFFCE, v6  }
0x1a: {  	vm1 =	vlt.u32 v8, $0x64;
	vm0 =	vlt.s32 v9, $0x63;
	v11 =	vmul.u32 $0x38, v6  }
0x1b: {  	v10 =	vadd.s32 v4, v5;
	v5 =	vnsel vm0, $0x63, v9;
	vm0 =	vlt.s32 v7, $0x63  }
0x1c: {  	v12 =	vmulhi.u32 $0x51EB851F, v5;
	v6 =	vnsel vm0, $0x63, v7;
	v13 =	vand.u32 $0xFFFFFFF8, v10  }
0x1d: {  	v8 =	vand.u32 $0x7, v10;
	v14 =	vmulhi.u32 $0x51EB851F, v6;
	v10 =	vadd.s32 v11, v13  }
0x1e: {  	v8 =	vor.u32 v8, v10;
	v10 =	vshrl.u32 v12, $0x4  }
0x1f: {  	[tilespmem:s3], [sflag:$0x4] =	stream.linear.gather [hbm4b:s7+s3], $0x70, $0x38;
	v61 =	vmov s24;
	v11 =	vshrl.u32 v14, $0x4;
	v12 =	vmul.u32 $0xFFFFFFCE, v10;
	[tilespmem:$0x1FBF0] =	vst v63  }
0x20: {  	_ =	swait.ge [sflag:s11], $0x70;
	vm3 =	veq.s32 v61, v0;
	vm2 =	vlt.u32 v9, $0x64;
	v14 =	vmul.u32 $0xFFFFFFCE, v11  }
0x21: {  	[sflag:s11] =	ssyncset.done $0x0;
	v62 =	vsub.s32 $0x0, v6;
	v10 =	vmul.u32 $0x38, v10;
	v12 =	vadd.s32 v5, v12  }
0x22: {  	[sflag:s11] =	ssyncadd.s32 $0xFFFFFF90;
	vm0 =	vmmov vm1;
	vm4 =	vne.s32 v14, v62;
	v9 =	vand.u32 $0xFFFFFFF8, v12  }
0x23: {  	v12 =	vand.u32 $0x7, v12;
	vm3 =	vmand vm3, vm4;
	v10 =	vadd.s32 v10, v9;
	v9 =	vld.idx.msk [tilespmem:v8+s3+$0x0], vm1  }
0x24: {  	v63 =	vsel vm3, $0xFFFFFFFF, v1;
	v8 =	vor.u32 v12, v10  }
0x25: {  	s25 =	simm.s32 $0x50;
	s23 =	simm.s32 $0x30;
	s24 =	simm.s32 $0x2;
	vm1 =	vmmov vm2;
	v10 =	vadd.s32 v63, v11  }
.LBB2_2:
0x26: {  	s26 =	sadd.s32 $0xFFFFFFF0, s25;
	v11 =	vmul.u32 $0xFFFFFFCE, v10;
	v12 =	vor.u32 s23, v0;
	s23 =	smov.u32 s25  }
0x27: {  	s24 =	sadd.s32 $0x2, s24;
	vm3 =	vlt.u32 v7, $0x64;
	v7 =	vor.u32 s26, v0;
	vm4 =	vlt.s32 v12, $0x63  }
0x28: {  	v10 =	vmul.u32 $0x38, v10;
	p0 =	slt.u32 s24, $0x4;
	v11 =	vadd.s32 v6, v11;
	v13 =	vnsel vm4, $0x63, v12;
	[tilespmem:v4+s12+$0x0] =	vst.idx.msk vm0, v9;
	v4 =	vmovc v6  }
0x29: {  	vm0 =	vlt.s32 v7, $0x63;
	v9 =	vand.u32 $0xFFFFFFF8, v11;
	v14 =	vmulhi.u32 $0x51EB851F, v13;
	v8 =	vld.idx.msk [tilespmem:v8+s3+$0x0], vm2  }
0x2a: {  	v6 =	vnsel vm0, $0x63, v7;
	v11 =	vand.u32 $0x7, v11;
	v9 =	vadd.s32 v10, v9  }
0x2b: {  	vm0 =	vmmov vm3;
	v10 =	vmulhi.u32 $0x51EB851F, v6;
	v9 =	vor.u32 v11, v9  }
0x2c: {  	v11 =	vshrl.u32 v14, $0x4  }
0x2d: {  	v10 =	vshrl.u32 v10, $0x4;
	v14 =	vmul.u32 $0xFFFFFFCE, v11  }
0x2e: {  	v15 =	vmov s26;
	vm2 =	vlt.u32 v12, $0x64;
	v16 =	vmul.u32 $0xFFFFFFCE, v10  }
.Ltmp0:
0x2f: {  	v12 =	vsub.s32 $0x0, v6;
	v11 =	vmul.u32 $0x38, v11;
	v14 =	vadd.s32 v13, v14;
	[tilespmem:v5+s12+$0x0] =	vst.idx.msk vm1, v8;
	v5 =	vmovc v13;
	(pc) =	sbr.rel @p0 .LBB2_2-.Ltmp0, $4  }
0x30: {  	vm1 =	veq.s32 v15, v0;
	vm4 =	vne.s32 v16, v12;
	v8 =	vand.u32 $0xFFFFFFF8, v14;
	v9 =	vld.idx.msk [tilespmem:v9+s3+$0x0], vm3  }
0x31: {  	v12 =	vand.u32 $0x7, v14;
	vm1 =	vmand vm1, vm4;
	v8 =	vadd.s32 v11, v8  }
0x32: {  	v11 =	vsel vm1, $0xFFFFFFFF, v1;
	v8 =	vor.u32 v12, v8;
	vm1 =	vmmov vm2  }
0x33: {  	s25 =	sadd.s32 $0x20, s25;
	v10 =	vadd.s32 v11, v10  }
0x34: {  	_ =	sdelay $0x1  }
0x35: {  	v11 =	vmul.u32 $0xFFFFFFCE, v10;
	v12 =	vor.u32 s23, v0  }
0x36: {  	vm3 =	vlt.s32 v12, $0x63  }
0x37: {  	v58 =	vmul.u32 $0x38, v10;
	v11 =	vadd.s32 v6, v11;
	v13 =	vnsel vm3, $0x63, v12  }
0x38: {  	[tilespmem:v4+s12+$0x0] =	vst.idx.msk vm0, v9;
	v4 =	vand.u32 $0xFFFFFFF8, v11;
	v59 =	vmulhi.u32 $0x51EB851F, v13  }
0x39: {  	vm12 =	vlt.u32 v7, $0x64;
	v60 =	vld.idx.msk [tilespmem:v8+s3+$0x0], vm2;
	v61 =	vand.u32 $0x7, v11;
	v4 =	vadd.s32 v58, v4  }
0x3a: {  	v4 =	vor.u32 v61, v4;
	v62 =	vshrl.u32 v59, $0x4  }
0x3b: {  	v9 =	vmul.u32 $0xFFFFFFCE, v62;
	_ =	sdelay $0x1  }
0x3c: {  	v8 =	vmul.u32 $0x38, v62;
	v9 =	vadd.s32 v13, v9  }
0x3d: {  	vm13 =	vmmov vm12;
	[tilespmem:v5+s12+$0x0] =	vst.idx.msk vm1, v60;
	v5 =	vand.u32 $0xFFFFFFF8, v9  }
0x3e: {  	vm14 =	vlt.u32 v12, $0x64;
	v63 =	vand.u32 $0x7, v9;
	v4 =	vld.idx.msk [tilespmem:v4+s3+$0x0], vm12;
	v5 =	vadd.s32 v8, v5  }
0x3f: {  	v5 =	vor.u32 v63, v5;
	_ =	sdelay $0x3  }
0x40: {  	[tilespmem:v6+s12+$0x0] =	vst.idx.msk vm13, v4  }
0x41: {  	v4 =	vld.idx.msk [tilespmem:v5+s3+$0x0], vm14;
	_ =	sdelay $0x4  }
0x42: {  	s23 =	simm.s32 $0x0;
	[tilespmem:v13+s12+$0x0] =	vst.idx.msk vm14, v4  }
0x43: {  	v4 =	vld.idx.msk [tilespmem:v2+s23+$0x0], $0xf;
	_ =	sdelay $0x4  }
0x44: {  	[tilespmem:v3+s12+$0x0] =	vst.idx.msk $0xf, v4  }
0x45: {  	vm15 =	vmmov vm14;
	[tilespmem:s14], [sflag:$0x1] =	stream.indirect.gather [hbm4b:s6+s13], $0x1B0, s12, s13, $0xb8;
	[tilespmem:$0x1FBF0] =	vst v63  }
.LBB2_4:
0x46: {  	s24 =	simm.s32 $0x0  }
0x47: {  	v8 =	vor.u32 s24, v0  }
0x48: {  	vm0 =	vlt.s32 v8, $0x63  }
0x49: {  	v4 =	vnsel vm0, $0x63, v8  }
0x4a: {  	v5 =	vmulhi.u32 $0x51EB851F, v4;
	_ =	sdelay $0x1  }
0x4b: {  	v5 =	vshrl.u32 v5, $0x4  }
0x4c: {  	v6 =	vmul.u32 $0xFFFFFFCE, v5  }
0x4d: {  	v7 =	vmov s24;
	v9 =	vsub.s32 $0x0, v4  }
0x4e: {  	vm0 =	veq.s32 v7, v0;
	vm1 =	vne.s32 v6, v9  }
0x4f: {  	vm0 =	vmand vm0, vm1  }
0x50: {  	v6 =	vsel vm0, $0xFFFFFFFF, v1  }
0x51: {  	s31 =	simm.s32 $0x10;
	s26 =	simm.s32 $0x20;
	v6 =	vadd.s32 v6, v5  }
0x52: {  	v7 =	vor.u32 s26, v0;
	v9 =	vor.u32 s31, v0;
	v5 =	vmul.u32 $0xFFFFFFCE, v6  }
0x53: {  	s25 =	sshll.u32 s23, $0x2;
	vm1 =	vlt.u32 v8, $0x64;
	vm0 =	vlt.s32 v9, $0x63;
	v11 =	vmul.u32 $0x38, v6  }
0x54: {  	s24 =	sor.u32 s10, s25;
	v10 =	vadd.s32 v4, v5;
	v5 =	vnsel vm0, $0x63, v9;
	vm0 =	vlt.s32 v7, $0x63  }
0x55: {  	s28 =	smul.u32 $0x7, s24;
	v12 =	vmulhi.u32 $0x51EB851F, v5;
	v6 =	vnsel vm0, $0x63, v7;
	v13 =	vand.u32 $0xFFFFFFF8, v10  }
0x56: {  	v8 =	vand.u32 $0x7, v10;
	v14 =	vmulhi.u32 $0x51EB851F, v6;
	v10 =	vadd.s32 v11, v13  }
0x57: {  	s28 =	sadd.s32 s5, s28;
	v8 =	vor.u32 v8, v10;
	v10 =	vshrl.u32 v12, $0x4  }
0x58: {  	v61 =	vmov s26;
	[tilespmem:s15], [sflag:$0x4] =	stream.linear.gather [hbm4b:s28+s3], $0x70, $0x38;
	v11 =	vshrl.u32 v14, $0x4;
	v12 =	vmul.u32 $0xFFFFFFCE, v10;
	[tilespmem:$0x1FBF0] =	vst v63  }
0x59: {  	vm3 =	veq.s32 v61, v0;
	_ =	swait.ge [sflag:s11], $0x70;
	vm2 =	vlt.u32 v9, $0x64;
	v14 =	vmul.u32 $0xFFFFFFCE, v11  }
0x5a: {  	[sflag:s11] =	ssyncset.done $0x0;
	v62 =	vsub.s32 $0x0, v6;
	v10 =	vmul.u32 $0x38, v10;
	v12 =	vadd.s32 v5, v12  }
0x5b: {  	[sflag:s11] =	ssyncadd.s32 $0xFFFFFF90;
	vm0 =	vmmov vm1;
	vm4 =	vne.s32 v14, v62;
	v9 =	vand.u32 $0xFFFFFFF8, v12  }
0x5c: {  	v12 =	vand.u32 $0x7, v12;
	vm3 =	vmand vm3, vm4;
	v10 =	vadd.s32 v10, v9;
	v9 =	vld.idx.msk [tilespmem:v8+s15+$0x0], vm1  }
0x5d: {  	v63 =	vsel vm3, $0xFFFFFFFF, v1;
	v8 =	vor.u32 v12, v10  }
0x5e: {  	s29 =	simm.s32 $0x50;
	s26 =	simm.s32 $0x30;
	s28 =	simm.s32 $0x2;
	vm1 =	vmmov vm2;
	v10 =	vadd.s32 v63, v11  }
.LBB2_5:
0x5f: {  	s30 =	sadd.s32 $0xFFFFFFF0, s29;
	v11 =	vmul.u32 $0xFFFFFFCE, v10;
	v12 =	vor.u32 s26, v0;
	s26 =	smov.u32 s29  }
0x60: {  	s28 =	sadd.s32 $0x2, s28;
	vm3 =	vlt.u32 v7, $0x64;
	v7 =	vor.u32 s30, v0;
	vm4 =	vlt.s32 v12, $0x63  }
0x61: {  	v10 =	vmul.u32 $0x38, v10;
	p0 =	slt.u32 s28, $0x4;
	v11 =	vadd.s32 v6, v11;
	v13 =	vnsel vm4, $0x63, v12;
	[tilespmem:v4+s16+$0x0] =	vst.idx.msk vm0, v9;
	v4 =	vmovc v6  }
0x62: {  	vm0 =	vlt.s32 v7, $0x63;
	v9 =	vand.u32 $0xFFFFFFF8, v11;
	v14 =	vmulhi.u32 $0x51EB851F, v13;
	v8 =	vld.idx.msk [tilespmem:v8+s15+$0x0], vm2  }
0x63: {  	v6 =	vnsel vm0, $0x63, v7;
	v11 =	vand.u32 $0x7, v11;
	v9 =	vadd.s32 v10, v9  }
0x64: {  	vm0 =	vmmov vm3;
	v10 =	vmulhi.u32 $0x51EB851F, v6;
	v9 =	vor.u32 v11, v9  }
0x65: {  	v11 =	vshrl.u32 v14, $0x4  }
0x66: {  	v10 =	vshrl.u32 v10, $0x4;
	v14 =	vmul.u32 $0xFFFFFFCE, v11  }
0x67: {  	v15 =	vmov s30;
	vm2 =	vlt.u32 v12, $0x64;
	v16 =	vmul.u32 $0xFFFFFFCE, v10  }
.Ltmp1:
0x68: {  	v12 =	vsub.s32 $0x0, v6;
	v11 =	vmul.u32 $0x38, v11;
	v14 =	vadd.s32 v13, v14;
	[tilespmem:v5+s16+$0x0] =	vst.idx.msk vm1, v8;
	v5 =	vmovc v13;
	(pc) =	sbr.rel @p0 .LBB2_5-.Ltmp1, $4  }
0x69: {  	vm1 =	veq.s32 v15, v0;
	vm4 =	vne.s32 v16, v12;
	v8 =	vand.u32 $0xFFFFFFF8, v14;
	v9 =	vld.idx.msk [tilespmem:v9+s15+$0x0], vm3  }
0x6a: {  	v12 =	vand.u32 $0x7, v14;
	vm1 =	vmand vm1, vm4;
	v8 =	vadd.s32 v11, v8  }
0x6b: {  	v11 =	vsel vm1, $0xFFFFFFFF, v1;
	v8 =	vor.u32 v12, v8;
	vm1 =	vmmov vm2  }
0x6c: {  	s29 =	sadd.s32 $0x20, s29;
	v10 =	vadd.s32 v11, v10  }
0x6d: {  	_ =	sdelay $0x1  }
0x6e: {  	v11 =	vmul.u32 $0xFFFFFFCE, v10;
	v12 =	vor.u32 s26, v0  }
0x6f: {  	vm3 =	vlt.s32 v12, $0x63  }
0x70: {  	v10 =	vmul.u32 $0x38, v10;
	v11 =	vadd.s32 v6, v11;
	v13 =	vnsel vm3, $0x63, v12  }
0x71: {  	[tilespmem:v4+s16+$0x0] =	vst.idx.msk vm0, v9;
	v4 =	vand.u32 $0xFFFFFFF8, v11;
	v9 =	vmulhi.u32 $0x51EB851F, v13  }
0x72: {  	vm12 =	vlt.u32 v7, $0x64;
	v7 =	vld.idx.msk [tilespmem:v8+s15+$0x0], vm2;
	v8 =	vand.u32 $0x7, v11;
	v4 =	vadd.s32 v10, v4  }
0x73: {  	v4 =	vor.u32 v8, v4;
	v8 =	vshrl.u32 v9, $0x4  }
0x74: {  	v9 =	vmul.u32 $0xFFFFFFCE, v8;
	_ =	sdelay $0x1  }
0x75: {  	v8 =	vmul.u32 $0x38, v8;
	v9 =	vadd.s32 v13, v9  }
0x76: {  	vm13 =	vmmov vm12;
	[tilespmem:v5+s16+$0x0] =	vst.idx.msk vm1, v7;
	v5 =	vand.u32 $0xFFFFFFF8, v9  }
0x77: {  	vm14 =	vlt.u32 v12, $0x64;
	v7 =	vand.u32 $0x7, v9;
	v4 =	vld.idx.msk [tilespmem:v4+s15+$0x0], vm12;
	v5 =	vadd.s32 v8, v5  }
0x78: {  	v5 =	vor.u32 v7, v5;
	_ =	sdelay $0x3  }
0x79: {  	[tilespmem:v6+s16+$0x0] =	vst.idx.msk vm13, v4  }
0x7a: {  	v4 =	vld.idx.msk [tilespmem:v5+s15+$0x0], vm14;
	_ =	sdelay $0x4  }
0x7b: {  	[tilespmem:v13+s16+$0x0] =	vst.idx.msk vm14, v4  }
0x7c: {  	v4 =	vld.idx.msk [tilespmem:v2+s15+$0x0], $0xf;
	_ =	sdelay $0x4  }
0x7d: {  	[tilespmem:v3+s16+$0x0] =	vst.idx.msk $0xf, v4  }
0x7e: {  	[tilespmem:s17], [sflag:$0x2] =	stream.indirect.gather [hbm4b:s6+s13], $0x1B0, s16, s13, $0xb8;
	[tilespmem:$0x1FBF0] =	vst v63  }
0x7f: {  	_ =	swait.ge [sflag:s18], $0xA8C0  }
0x80: {  	p0 =	seq.s32 s23, $0x0;
	[sflag:s18] =	ssyncset.done $0x0  }
0x81: {  	s28 =	simm.s32 @!p0 $0x3;
	[sflag:s18] =	ssyncadd.s32 $0xFFFF5740  }
0x82: {  	s31 =	simm.s32 $0x0;
	_ =	swait.ge @!p0 [sflag:s28], $0xA8C0  }
0x83: {  	s26 =	smul.u32 $0x1B0, s31;
	[sflag:s28] =	ssyncset.done @!p0 $0x0  }
0x84: {  	[sflag:s28] =	ssyncadd.s32 @!p0 $0xFFFF5740  }
0x85: {  	v4 =	vld [tilespmem:s26+$0x5960]  }
0x86: {  	v5 =	vld [tilespmem:s26+$0x1B0]  }
0x87: {  	v6 =	vld [tilespmem:s26+$0x1C0]  }
0x88: {  	v7 =	vld [tilespmem:s26+$0x1D0]  }
0x89: {  	v8 =	vld [tilespmem:s26+$0x1E0]  }
0x8a: {  	v9 =	vld [tilespmem:s26+$0x1F0];
	[tilespmem:s26+$0x1AAE0] =	vst v4  }
0x8b: {  	v10 =	vld [tilespmem:s26+$0x58C0];
	[tilespmem:s26+$0x15330] =	vst v5  }
0x8c: {  	v4 =	vld [tilespmem:s26+$0x200];
	[tilespmem:s26+$0x15340] =	vst v6  }
0x8d: {  	v5 =	vld [tilespmem:s26+$0x210];
	[tilespmem:s26+$0x15350] =	vst v7  }
0x8e: {  	[tilespmem:s26+$0x15360] =	vst v8;
	v7 =	vld [tilespmem:s26+$0x230]  }
0x8f: {  	[tilespmem:s26+$0x15370] =	vst v9;
	v8 =	vld [tilespmem:s26+$0x240]  }
0x90: {  	v6 =	vld [tilespmem:s26+$0x220];
	[tilespmem:s26+$0x1AA40] =	vst v10  }
0x91: {  	v9 =	vld [tilespmem:s26+$0x58B0];
	[tilespmem:s26+$0x15380] =	vst v4  }
0x92: {  	v4 =	vld [tilespmem:s26+$0x250];
	[tilespmem:s26+$0x15390] =	vst v5  }
0x93: {  	[tilespmem:s26+$0x153B0] =	vst v7;
	v7 =	vld [tilespmem:s26+$0x280]  }
0x94: {  	[tilespmem:s26+$0x153C0] =	vst v8;
	v8 =	vld [tilespmem:s26+$0x290]  }
0x95: {  	v5 =	vld [tilespmem:s26+$0x260];
	[tilespmem:s26+$0x153A0] =	vst v6  }
0x96: {  	v6 =	vld [tilespmem:s26+$0x270];
	[tilespmem:s26+$0x1AA30] =	vst v9  }
0x97: {  	[tilespmem:s26+$0x153D0] =	vst v4;
	v4 =	vld [tilespmem:s26+$0x2A0]  }
0x98: {  	[tilespmem:s26+$0x15400] =	vst v7;
	v7 =	vld [tilespmem:s26+$0x2D0]  }
0x99: {  	[tilespmem:s26+$0x15410] =	vst v8;
	v8 =	vld [tilespmem:s26+$0x2E0]  }
0x9a: {  	[tilespmem:s26+$0x153E0] =	vst v5;
	v5 =	vld [tilespmem:s26+$0x2B0]  }
0x9b: {  	[tilespmem:s26+$0x153F0] =	vst v6;
	v6 =	vld [tilespmem:s26+$0x2C0]  }
0x9c: {  	[tilespmem:s26+$0x15420] =	vst v4;
	v4 =	vld [tilespmem:s26+$0x2F0]  }
0x9d: {  	[tilespmem:s26+$0x15450] =	vst v7;
	v7 =	vld [tilespmem:s26+$0x320]  }
0x9e: {  	[tilespmem:s26+$0x15460] =	vst v8;
	v8 =	vld [tilespmem:s26+$0x330]  }
0x9f: {  	[tilespmem:s26+$0x15430] =	vst v5;
	v5 =	vld [tilespmem:s26+$0x300]  }
0xa0: {  	[tilespmem:s26+$0x15440] =	vst v6;
	v6 =	vld [tilespmem:s26+$0x310]  }
0xa1: {  	[tilespmem:s26+$0x15470] =	vst v4;
	v4 =	vld [tilespmem:s26+$0x340]  }
0xa2: {  	[tilespmem:s26+$0x154A0] =	vst v7;
	v7 =	vld [tilespmem:s26+$0x5620]  }
0xa3: {  	[tilespmem:s26+$0x154B0] =	vst v8;
	v8 =	vld [tilespmem:s26+$0x5630]  }
0xa4: {  	[tilespmem:s26+$0x15480] =	vst v5;
	v5 =	vld [tilespmem:s26+$0x350]  }
0xa5: {  	[tilespmem:s26+$0x15490] =	vst v6;
	v6 =	vld [tilespmem:s26+$0x5610]  }
0xa6: {  	[tilespmem:s26+$0x154C0] =	vst v4;
	v4 =	vld [tilespmem:s26+$0x5640]  }
0xa7: {  	[tilespmem:s26+$0x1A7A0] =	vst v7;
	v7 =	vld [tilespmem:s26+$0x5670]  }
0xa8: {  	[tilespmem:s26+$0x1A7B0] =	vst v8;
	v8 =	vld [tilespmem:s26+$0x5680]  }
0xa9: {  	[tilespmem:s26+$0x154D0] =	vst v5;
	v5 =	vld [tilespmem:s26+$0x5650]  }
0xaa: {  	[tilespmem:s26+$0x1A790] =	vst v6;
	v6 =	vld [tilespmem:s26+$0x5660]  }
0xab: {  	[tilespmem:s26+$0x1A7C0] =	vst v4;
	v4 =	vld [tilespmem:s26+$0x5690]  }
0xac: {  	[tilespmem:s26+$0x1A7F0] =	vst v7;
	v7 =	vld [tilespmem:s26+$0x56C0]  }
0xad: {  	[tilespmem:s26+$0x1A800] =	vst v8;
	v8 =	vld [tilespmem:s26+$0x56D0]  }
0xae: {  	[tilespmem:s26+$0x1A7D0] =	vst v5;
	v5 =	vld [tilespmem:s26+$0x56A0]  }
0xaf: {  	[tilespmem:s26+$0x1A7E0] =	vst v6;
	v6 =	vld [tilespmem:s26+$0x56B0]  }
0xb0: {  	[tilespmem:s26+$0x1A810] =	vst v4;
	v4 =	vld [tilespmem:s26+$0x56E0]  }
0xb1: {  	[tilespmem:s26+$0x1A840] =	vst v7;
	v7 =	vld [tilespmem:s26+$0x5710]  }
0xb2: {  	[tilespmem:s26+$0x1A850] =	vst v8;
	v8 =	vld [tilespmem:s26+$0x5720]  }
0xb3: {  	[tilespmem:s26+$0x1A820] =	vst v5;
	v5 =	vld [tilespmem:s26+$0x56F0]  }
0xb4: {  	[tilespmem:s26+$0x1A830] =	vst v6;
	v6 =	vld [tilespmem:s26+$0x5700]  }
0xb5: {  	[tilespmem:s26+$0x1A860] =	vst v4;
	v4 =	vld [tilespmem:s26+$0x5730]  }
0xb6: {  	[tilespmem:s26+$0x1A890] =	vst v7;
	v7 =	vld [tilespmem:s26+$0x5760]  }
0xb7: {  	[tilespmem:s26+$0x1A8A0] =	vst v8;
	v8 =	vld [tilespmem:s26+$0x5770]  }
0xb8: {  	[tilespmem:s26+$0x1A870] =	vst v5;
	v5 =	vld [tilespmem:s26+$0x5740]  }
0xb9: {  	[tilespmem:s26+$0x1A880] =	vst v6;
	v6 =	vld [tilespmem:s26+$0x5750]  }
0xba: {  	[tilespmem:s26+$0x1A8B0] =	vst v4;
	v4 =	vld [tilespmem:s26+$0x5780]  }
0xbb: {  	[tilespmem:s26+$0x1A8E0] =	vst v7;
	v7 =	vld [tilespmem:s26+$0x57B0]  }
0xbc: {  	[tilespmem:s26+$0x1A8F0] =	vst v8;
	v8 =	vld [tilespmem:s26+$0x360]  }
0xbd: {  	[tilespmem:s26+$0x1A8C0] =	vst v5;
	v5 =	vld [tilespmem:s26+$0x5790]  }
0xbe: {  	[tilespmem:s26+$0x1A8D0] =	vst v6;
	v6 =	vld [tilespmem:s26+$0x57A0]  }
0xbf: {  	[tilespmem:s26+$0x1A900] =	vst v4;
	v4 =	vld [tilespmem:s26+$0x370]  }
0xc0: {  	[tilespmem:s26+$0x1A930] =	vst v7;
	v7 =	vld [tilespmem:s26+$0x3A0]  }
0xc1: {  	[tilespmem:s26+$0x154E0] =	vst v8;
	v8 =	vld [tilespmem:s26+$0x3B0]  }
0xc2: {  	[tilespmem:s26+$0x1A910] =	vst v5;
	v5 =	vld [tilespmem:s26+$0x380]  }
0xc3: {  	[tilespmem:s26+$0x1A920] =	vst v6;
	v6 =	vld [tilespmem:s26+$0x390]  }
0xc4: {  	[tilespmem:s26+$0x154F0] =	vst v4;
	v4 =	vld [tilespmem:s26+$0x3C0]  }
0xc5: {  	[tilespmem:s26+$0x15520] =	vst v7;
	v7 =	vld [tilespmem:s26+$0x3F0]  }
0xc6: {  	[tilespmem:s26+$0x15530] =	vst v8;
	v8 =	vld [tilespmem:s26+$0x400]  }
0xc7: {  	[tilespmem:s26+$0x15500] =	vst v5;
	v5 =	vld [tilespmem:s26+$0x3D0]  }
0xc8: {  	[tilespmem:s26+$0x15510] =	vst v6;
	v6 =	vld [tilespmem:s26+$0x3E0]  }
0xc9: {  	[tilespmem:s26+$0x15540] =	vst v4;
	v4 =	vld [tilespmem:s26+$0x410]  }
0xca: {  	[tilespmem:s26+$0x15570] =	vst v7;
	v7 =	vld [tilespmem:s26+$0x440]  }
0xcb: {  	[tilespmem:s26+$0x15580] =	vst v8;
	v8 =	vld [tilespmem:s26+$0x450]  }
0xcc: {  	[tilespmem:s26+$0x15550] =	vst v5;
	v5 =	vld [tilespmem:s26+$0x420]  }
0xcd: {  	[tilespmem:s26+$0x15560] =	vst v6;
	v6 =	vld [tilespmem:s26+$0x430]  }
0xce: {  	[tilespmem:s26+$0x15590] =	vst v4;
	v4 =	vld [tilespmem:s26+$0x460]  }
0xcf: {  	[tilespmem:s26+$0x155C0] =	vst v7;
	v7 =	vld [tilespmem:s26+$0x490]  }
0xd0: {  	[tilespmem:s26+$0x155D0] =	vst v8;
	v8 =	vld [tilespmem:s26+$0x4A0]  }
0xd1: {  	[tilespmem:s26+$0x155A0] =	vst v5;
	v5 =	vld [tilespmem:s26+$0x470]  }
0xd2: {  	[tilespmem:s26+$0x155B0] =	vst v6;
	v6 =	vld [tilespmem:s26+$0x480]  }
0xd3: {  	[tilespmem:s26+$0x155E0] =	vst v4;
	v4 =	vld [tilespmem:s26+$0x4B0]  }
0xd4: {  	[tilespmem:s26+$0x15610] =	vst v7;
	v7 =	vld [tilespmem:s26+$0x4E0]  }
0xd5: {  	[tilespmem:s26+$0x15620] =	vst v8;
	v8 =	vld [tilespmem:s26+$0x4F0]  }
0xd6: {  	[tilespmem:s26+$0x155F0] =	vst v5;
	v5 =	vld [tilespmem:s26+$0x4C0]  }
0xd7: {  	[tilespmem:s26+$0x15600] =	vst v6;
	v6 =	vld [tilespmem:s26+$0x4D0]  }
0xd8: {  	[tilespmem:s26+$0x15630] =	vst v4;
	v4 =	vld [tilespmem:s26+$0x500]  }
0xd9: {  	[tilespmem:s26+$0x15660] =	vst v7;
	v7 =	vld [tilespmem:s26+$0x57E0]  }
0xda: {  	[tilespmem:s26+$0x15670] =	vst v8;
	v8 =	vld [tilespmem:s26+$0x57F0]  }
0xdb: {  	[tilespmem:s26+$0x15640] =	vst v5;
	v5 =	vld [tilespmem:s26+$0x57C0]  }
0xdc: {  	[tilespmem:s26+$0x15650] =	vst v6;
	v6 =	vld [tilespmem:s26+$0x57D0]  }
0xdd: {  	[tilespmem:s26+$0x15680] =	vst v4;
	v4 =	vld [tilespmem:s26+$0x5800]  }
0xde: {  	[tilespmem:s26+$0x1A960] =	vst v7;
	v7 =	vld [tilespmem:s26+$0x5830]  }
0xdf: {  	[tilespmem:s26+$0x1A970] =	vst v8;
	v8 =	vld [tilespmem:s26+$0x5840]  }
0xe0: {  	[tilespmem:s26+$0x1A940] =	vst v5;
	v5 =	vld [tilespmem:s26+$0x5810]  }
0xe1: {  	[tilespmem:s26+$0x1A950] =	vst v6;
	v6 =	vld [tilespmem:s26+$0x5820]  }
0xe2: {  	[tilespmem:s26+$0x1A980] =	vst v4;
	v4 =	vld [tilespmem:s26+$0x5850]  }
0xe3: {  	[tilespmem:s26+$0x1A9B0] =	vst v7;
	v7 =	vld [tilespmem:s26+$0x5880]  }
0xe4: {  	[tilespmem:s26+$0x1A9C0] =	vst v8;
	v8 =	vld [tilespmem:s26+$0x5890]  }
0xe5: {  	[tilespmem:s26+$0x1A990] =	vst v5;
	v5 =	vld [tilespmem:s26+$0x5860]  }
0xe6: {  	[tilespmem:s26+$0x1A9A0] =	vst v6;
	v6 =	vld [tilespmem:s26+$0x5870]  }
0xe7: {  	[tilespmem:s26+$0x1A9D0] =	vst v4;
	v4 =	vld [tilespmem:s26+$0x58A0]  }
0xe8: {  	[tilespmem:s26+$0x1AA00] =	vst v7;
	v7 =	vld [tilespmem:s26+$0x58D0]  }
0xe9: {  	[tilespmem:s26+$0x1AA10] =	vst v8;
	v8 =	vld [tilespmem:s26+$0x58E0]  }
0xea: {  	[tilespmem:s26+$0x1A9E0] =	vst v5;
	v5 =	vld [tilespmem:s26+$0x58F0]  }
0xeb: {  	[tilespmem:s26+$0x1A9F0] =	vst v6;
	v6 =	vld [tilespmem:s26+$0x5900]  }
0xec: {  	[tilespmem:s26+$0x1AA20] =	vst v4;
	v4 =	vld [tilespmem:s26+$0x5910]  }
0xed: {  	[tilespmem:s26+$0x1AA50] =	vst v7;
	v7 =	vld [tilespmem:s26+$0x5920]  }
0xee: {  	vm15 =	vmmov vm14;
	s28 =	simm.s32 $0x2;
	[tilespmem:s26+$0x1AA60] =	vst v8;
	v8 =	vld [tilespmem:s26+$0x5930]  }
.LBB2_7:
0xef: {  	s29 =	smul.u32 $0x1B0, s28;
	p0 =	slt.u32 s28, $0x30;
	[tilespmem:s26+$0x1AA70] =	vst v5;
	v5 =	vld [tilespmem:s26+$0x5940]  }
0xf0: {  	[tilespmem:s26+$0x1AA80] =	vst v6;
	v6 =	vld [tilespmem:s26+$0x5950]  }
0xf1: {  	v9 =	vld [tilespmem:s29+$0x5960];
	[tilespmem:s26+$0x1AA90] =	vst v4  }
0xf2: {  	v4 =	vld [tilespmem:s29+$0x1B0];
	[tilespmem:s26+$0x1AAA0] =	vst v7  }
0xf3: {  	v7 =	vld [tilespmem:s29+$0x1C0];
	[tilespmem:s26+$0x1AAB0] =	vst v8  }
0xf4: {  	v8 =	vld [tilespmem:s29+$0x1D0];
	[tilespmem:s26+$0x1AAC0] =	vst v5  }
0xf5: {  	v5 =	vld [tilespmem:s29+$0x1E0];
	[tilespmem:s26+$0x1AAD0] =	vst v6;
	s26 =	smov.u32 s29  }
0xf6: {  	v6 =	vld [tilespmem:s26+$0x1F0];
	[tilespmem:s26+$0x1AAE0] =	vst v9  }
0xf7: {  	[tilespmem:s26+$0x15330] =	vst v4;
	v4 =	vld [tilespmem:s26+$0x200]  }
0xf8: {  	[tilespmem:s26+$0x15340] =	vst v7;
	v7 =	vld [tilespmem:s26+$0x210]  }
0xf9: {  	[tilespmem:s26+$0x15350] =	vst v8;
	v8 =	vld [tilespmem:s26+$0x220]  }
0xfa: {  	[tilespmem:s26+$0x15360] =	vst v5;
	v5 =	vld [tilespmem:s26+$0x230]  }
0xfb: {  	[tilespmem:s26+$0x15370] =	vst v6;
	v6 =	vld [tilespmem:s26+$0x240]  }
0xfc: {  	[tilespmem:s26+$0x15380] =	vst v4;
	v4 =	vld [tilespmem:s26+$0x250]  }
0xfd: {  	[tilespmem:s26+$0x15390] =	vst v7;
	v7 =	vld [tilespmem:s26+$0x260]  }
0xfe: {  	[tilespmem:s26+$0x153A0] =	vst v8;
	v8 =	vld [tilespmem:s26+$0x270]  }
0xff: {  	[tilespmem:s26+$0x153B0] =	vst v5;
	v5 =	vld [tilespmem:s26+$0x280]  }
0x100: {  	[tilespmem:s26+$0x153C0] =	vst v6;
	v6 =	vld [tilespmem:s26+$0x290]  }
0x101: {  	[tilespmem:s26+$0x153D0] =	vst v4;
	v4 =	vld [tilespmem:s26+$0x2A0]  }
0x102: {  	[tilespmem:s26+$0x153E0] =	vst v7;
	v7 =	vld [tilespmem:s26+$0x2B0]  }
0x103: {  	[tilespmem:s26+$0x153F0] =	vst v8;
	v8 =	vld [tilespmem:s26+$0x2C0]  }
0x104: {  	[tilespmem:s26+$0x15400] =	vst v5;
	v5 =	vld [tilespmem:s26+$0x2D0]  }
0x105: {  	[tilespmem:s26+$0x15410] =	vst v6;
	v6 =	vld [tilespmem:s26+$0x2E0]  }
0x106: {  	[tilespmem:s26+$0x15420] =	vst v4;
	v4 =	vld [tilespmem:s26+$0x2F0]  }
0x107: {  	[tilespmem:s26+$0x15430] =	vst v7;
	v7 =	vld [tilespmem:s26+$0x300]  }
0x108: {  	[tilespmem:s26+$0x15440] =	vst v8;
	v8 =	vld [tilespmem:s26+$0x310]  }
0x109: {  	[tilespmem:s26+$0x15450] =	vst v5;
	v5 =	vld [tilespmem:s26+$0x320]  }
0x10a: {  	[tilespmem:s26+$0x15460] =	vst v6;
	v6 =	vld [tilespmem:s26+$0x330]  }
0x10b: {  	[tilespmem:s26+$0x15470] =	vst v4;
	v4 =	vld [tilespmem:s26+$0x340]  }
0x10c: {  	[tilespmem:s26+$0x15480] =	vst v7;
	v7 =	vld [tilespmem:s26+$0x350]  }
0x10d: {  	[tilespmem:s26+$0x15490] =	vst v8;
	v8 =	vld [tilespmem:s26+$0x5610]  }
0x10e: {  	[tilespmem:s26+$0x154A0] =	vst v5;
	v5 =	vld [tilespmem:s26+$0x5620]  }
0x10f: {  	[tilespmem:s26+$0x154B0] =	vst v6;
	v6 =	vld [tilespmem:s26+$0x5630]  }
0x110: {  	[tilespmem:s26+$0x154C0] =	vst v4;
	v4 =	vld [tilespmem:s26+$0x5640]  }
0x111: {  	[tilespmem:s26+$0x154D0] =	vst v7;
	v7 =	vld [tilespmem:s26+$0x5650]  }
0x112: {  	[tilespmem:s26+$0x1A790] =	vst v8;
	v8 =	vld [tilespmem:s26+$0x5660]  }
0x113: {  	[tilespmem:s26+$0x1A7A0] =	vst v5;
	v5 =	vld [tilespmem:s26+$0x5670]  }
0x114: {  	[tilespmem:s26+$0x1A7B0] =	vst v6;
	v6 =	vld [tilespmem:s26+$0x5680]  }
0x115: {  	[tilespmem:s26+$0x1A7C0] =	vst v4;
	v4 =	vld [tilespmem:s26+$0x5690]  }
0x116: {  	[tilespmem:s26+$0x1A7D0] =	vst v7;
	v7 =	vld [tilespmem:s26+$0x56A0]  }
0x117: {  	[tilespmem:s26+$0x1A7E0] =	vst v8;
	v8 =	vld [tilespmem:s26+$0x56B0]  }
0x118: {  	[tilespmem:s26+$0x1A7F0] =	vst v5;
	v5 =	vld [tilespmem:s26+$0x56C0]  }
0x119: {  	[tilespmem:s26+$0x1A800] =	vst v6;
	v6 =	vld [tilespmem:s26+$0x56D0]  }
0x11a: {  	[tilespmem:s26+$0x1A810] =	vst v4;
	v4 =	vld [tilespmem:s26+$0x56E0]  }
0x11b: {  	[tilespmem:s26+$0x1A820] =	vst v7;
	v7 =	vld [tilespmem:s26+$0x56F0]  }
0x11c: {  	[tilespmem:s26+$0x1A830] =	vst v8;
	v8 =	vld [tilespmem:s26+$0x5700]  }
0x11d: {  	[tilespmem:s26+$0x1A840] =	vst v5;
	v5 =	vld [tilespmem:s26+$0x5710]  }
0x11e: {  	[tilespmem:s26+$0x1A850] =	vst v6;
	v6 =	vld [tilespmem:s26+$0x5720]  }
0x11f: {  	[tilespmem:s26+$0x1A860] =	vst v4;
	v4 =	vld [tilespmem:s26+$0x5730]  }
0x120: {  	[tilespmem:s26+$0x1A870] =	vst v7;
	v7 =	vld [tilespmem:s26+$0x5740]  }
0x121: {  	[tilespmem:s26+$0x1A880] =	vst v8;
	v8 =	vld [tilespmem:s26+$0x5750]  }
0x122: {  	[tilespmem:s26+$0x1A890] =	vst v5;
	v5 =	vld [tilespmem:s26+$0x5760]  }
0x123: {  	[tilespmem:s26+$0x1A8A0] =	vst v6;
	v6 =	vld [tilespmem:s26+$0x5770]  }
0x124: {  	[tilespmem:s26+$0x1A8B0] =	vst v4;
	v4 =	vld [tilespmem:s26+$0x5780]  }
0x125: {  	[tilespmem:s26+$0x1A8C0] =	vst v7;
	v7 =	vld [tilespmem:s26+$0x5790]  }
0x126: {  	[tilespmem:s26+$0x1A8D0] =	vst v8;
	v8 =	vld [tilespmem:s26+$0x57A0]  }
0x127: {  	[tilespmem:s26+$0x1A8E0] =	vst v5;
	v5 =	vld [tilespmem:s26+$0x57B0]  }
0x128: {  	[tilespmem:s26+$0x1A8F0] =	vst v6;
	v6 =	vld [tilespmem:s26+$0x360]  }
0x129: {  	[tilespmem:s26+$0x1A900] =	vst v4;
	v4 =	vld [tilespmem:s26+$0x370]  }
0x12a: {  	[tilespmem:s26+$0x1A910] =	vst v7;
	v7 =	vld [tilespmem:s26+$0x380]  }
0x12b: {  	[tilespmem:s26+$0x1A920] =	vst v8;
	v8 =	vld [tilespmem:s26+$0x390]  }
0x12c: {  	[tilespmem:s26+$0x1A930] =	vst v5;
	v5 =	vld [tilespmem:s26+$0x3A0]  }
0x12d: {  	[tilespmem:s26+$0x154E0] =	vst v6;
	v6 =	vld [tilespmem:s26+$0x3B0]  }
0x12e: {  	[tilespmem:s26+$0x154F0] =	vst v4;
	v4 =	vld [tilespmem:s26+$0x3C0]  }
0x12f: {  	[tilespmem:s26+$0x15500] =	vst v7;
	v7 =	vld [tilespmem:s26+$0x3D0]  }
0x130: {  	[tilespmem:s26+$0x15510] =	vst v8;
	v8 =	vld [tilespmem:s26+$0x3E0]  }
0x131: {  	[tilespmem:s26+$0x15520] =	vst v5;
	v5 =	vld [tilespmem:s26+$0x3F0]  }
0x132: {  	[tilespmem:s26+$0x15530] =	vst v6;
	v6 =	vld [tilespmem:s26+$0x400]  }
0x133: {  	[tilespmem:s26+$0x15540] =	vst v4;
	v4 =	vld [tilespmem:s26+$0x410]  }
0x134: {  	[tilespmem:s26+$0x15550] =	vst v7;
	v7 =	vld [tilespmem:s26+$0x420]  }
0x135: {  	[tilespmem:s26+$0x15560] =	vst v8;
	v8 =	vld [tilespmem:s26+$0x430]  }
0x136: {  	[tilespmem:s26+$0x15570] =	vst v5;
	v5 =	vld [tilespmem:s26+$0x440]  }
0x137: {  	[tilespmem:s26+$0x15580] =	vst v6;
	v6 =	vld [tilespmem:s26+$0x450]  }
0x138: {  	[tilespmem:s26+$0x15590] =	vst v4;
	v4 =	vld [tilespmem:s26+$0x460]  }
0x139: {  	[tilespmem:s26+$0x155A0] =	vst v7;
	v7 =	vld [tilespmem:s26+$0x470]  }
0x13a: {  	[tilespmem:s26+$0x155B0] =	vst v8;
	v8 =	vld [tilespmem:s26+$0x480]  }
0x13b: {  	[tilespmem:s26+$0x155C0] =	vst v5;
	v5 =	vld [tilespmem:s26+$0x490]  }
0x13c: {  	[tilespmem:s26+$0x155D0] =	vst v6;
	v6 =	vld [tilespmem:s26+$0x4A0]  }
0x13d: {  	[tilespmem:s26+$0x155E0] =	vst v4;
	v4 =	vld [tilespmem:s26+$0x4B0]  }
0x13e: {  	[tilespmem:s26+$0x155F0] =	vst v7;
	v7 =	vld [tilespmem:s26+$0x4C0]  }
0x13f: {  	[tilespmem:s26+$0x15600] =	vst v8;
	v8 =	vld [tilespmem:s26+$0x4D0]  }
0x140: {  	[tilespmem:s26+$0x15610] =	vst v5;
	v5 =	vld [tilespmem:s26+$0x4E0]  }
0x141: {  	[tilespmem:s26+$0x15620] =	vst v6;
	v6 =	vld [tilespmem:s26+$0x4F0]  }
0x142: {  	[tilespmem:s26+$0x15630] =	vst v4;
	v4 =	vld [tilespmem:s26+$0x500]  }
0x143: {  	[tilespmem:s26+$0x15640] =	vst v7;
	v7 =	vld [tilespmem:s26+$0x57C0]  }
0x144: {  	[tilespmem:s26+$0x15650] =	vst v8;
	v8 =	vld [tilespmem:s26+$0x57D0]  }
0x145: {  	[tilespmem:s26+$0x15660] =	vst v5;
	v5 =	vld [tilespmem:s26+$0x57E0]  }
0x146: {  	[tilespmem:s26+$0x15670] =	vst v6;
	v6 =	vld [tilespmem:s26+$0x57F0]  }
0x147: {  	[tilespmem:s26+$0x15680] =	vst v4;
	v4 =	vld [tilespmem:s26+$0x5800]  }
0x148: {  	[tilespmem:s26+$0x1A940] =	vst v7;
	v7 =	vld [tilespmem:s26+$0x5810]  }
0x149: {  	[tilespmem:s26+$0x1A950] =	vst v8;
	v8 =	vld [tilespmem:s26+$0x5820]  }
0x14a: {  	[tilespmem:s26+$0x1A960] =	vst v5;
	v5 =	vld [tilespmem:s26+$0x5830]  }
0x14b: {  	[tilespmem:s26+$0x1A970] =	vst v6;
	v6 =	vld [tilespmem:s26+$0x5840]  }
0x14c: {  	[tilespmem:s26+$0x1A980] =	vst v4;
	v4 =	vld [tilespmem:s26+$0x5850]  }
0x14d: {  	[tilespmem:s26+$0x1A990] =	vst v7;
	v7 =	vld [tilespmem:s26+$0x5860]  }
0x14e: {  	[tilespmem:s26+$0x1A9A0] =	vst v8;
	v8 =	vld [tilespmem:s26+$0x5870]  }
0x14f: {  	[tilespmem:s26+$0x1A9B0] =	vst v5;
	v5 =	vld [tilespmem:s26+$0x5880]  }
0x150: {  	[tilespmem:s26+$0x1A9C0] =	vst v6;
	v6 =	vld [tilespmem:s26+$0x5890]  }
0x151: {  	[tilespmem:s26+$0x1A9D0] =	vst v4;
	v4 =	vld [tilespmem:s26+$0x58A0]  }
0x152: {  	[tilespmem:s26+$0x1A9E0] =	vst v7;
	v7 =	vld [tilespmem:s26+$0x58B0]  }
0x153: {  	[tilespmem:s26+$0x1A9F0] =	vst v8;
	v8 =	vld [tilespmem:s26+$0x58C0]  }
0x154: {  	[tilespmem:s26+$0x1AA00] =	vst v5;
	v9 =	vld [tilespmem:s26+$0x58D0]  }
0x155: {  	[tilespmem:s26+$0x1AA10] =	vst v6;
	v10 =	vld [tilespmem:s26+$0x58E0]  }
.Ltmp2:
0x156: {  	[tilespmem:s26+$0x1AA20] =	vst v4;
	v5 =	vld [tilespmem:s26+$0x58F0];
	(pc) =	sbr.rel @p0 .LBB2_7-.Ltmp2, $4  }
0x157: {  	[tilespmem:s26+$0x1AA30] =	vst v7;
	v6 =	vld [tilespmem:s26+$0x5900]  }
0x158: {  	[tilespmem:s26+$0x1AA40] =	vst v8;
	v4 =	vld [tilespmem:s26+$0x5910]  }
0x159: {  	[tilespmem:s26+$0x1AA50] =	vst v9;
	v7 =	vld [tilespmem:s26+$0x5920]  }
0x15a: {  	s28 =	sadd.s32 $0x2, s28;
	[tilespmem:s26+$0x1AA60] =	vst v10;
	v8 =	vld [tilespmem:s26+$0x5930]  }
0x15b: {  	[tilespmem:s26+$0x1AA70] =	vst v5;
	v5 =	vld [tilespmem:s26+$0x5940]  }
0x15c: {  	v63 =	vld [tilespmem:s26+$0x5950];
	[tilespmem:s26+$0x1AA80] =	vst v6  }
0x15d: {  	p0 =	seq.s32 s23, $0x1F;
	[tilespmem:s26+$0x1AA90] =	vst v4  }
.Ltmp3:
0x15e: {  	s28 =	sadd.s32 s4, s25;
	[tilespmem:s26+$0x1AAA0] =	vst v7;
	(pc) =	sbr.rel @p0 .LBB2_12-.Ltmp3, $4  }
0x15f: {  	s28 =	smul.u32 $0xA8C, s28;
	[tilespmem:s26+$0x1AAB0] =	vst v8  }
0x160: {  	[tilespmem:s26+$0x1AAC0] =	vst v5  }
0x161: {  	s31 =	sadd.s32 s2, s28;
	[tilespmem:s26+$0x1AAD0] =	vst v63  }
0x162: {  	[hbm4b:s31+s3] =	stream.linear.scatter [tilespmem:s19], [sflag:$0x3], $0xA8C0, $0x38;
	[tilespmem:$0x1FBF0] =	vst v63  }
0x163: {  	s26 =	simm.s32 $0x0  }
0x164: {  	v8 =	vor.u32 s26, v0  }
0x165: {  	vm0 =	vlt.s32 v8, $0x63  }
0x166: {  	v4 =	vnsel vm0, $0x63, v8  }
0x167: {  	v5 =	vmulhi.u32 $0x51EB851F, v4;
	_ =	sdelay $0x1  }
0x168: {  	v5 =	vshrl.u32 v5, $0x4  }
0x169: {  	v6 =	vmul.u32 $0xFFFFFFCE, v5  }
0x16a: {  	v7 =	vmov s26;
	v9 =	vsub.s32 $0x0, v4  }
0x16b: {  	vm0 =	veq.s32 v7, v0;
	vm1 =	vne.s32 v6, v9  }
0x16c: {  	vm0 =	vmand vm0, vm1  }
0x16d: {  	v6 =	vsel vm0, $0xFFFFFFFF, v1  }
0x16e: {  	s31 =	simm.s32 $0x10;
	s28 =	simm.s32 $0x20;
	v6 =	vadd.s32 v6, v5  }
0x16f: {  	v7 =	vor.u32 s28, v0;
	v9 =	vor.u32 s31, v0;
	v5 =	vmul.u32 $0xFFFFFFCE, v6  }
0x170: {  	vm1 =	vlt.u32 v8, $0x64;
	vm0 =	vlt.s32 v9, $0x63;
	v11 =	vmul.u32 $0x38, v6  }
0x171: {  	s25 =	sadd.s32 s25, s8;
	v10 =	vadd.s32 v4, v5;
	v5 =	vnsel vm0, $0x63, v9;
	vm0 =	vlt.s32 v7, $0x63  }
0x172: {  	s25 =	smul.u32 $0x7, s25;
	v12 =	vmulhi.u32 $0x51EB851F, v5;
	v6 =	vnsel vm0, $0x63, v7;
	v13 =	vand.u32 $0xFFFFFFF8, v10  }
0x173: {  	v8 =	vand.u32 $0x7, v10;
	v14 =	vmulhi.u32 $0x51EB851F, v6;
	v10 =	vadd.s32 v11, v13  }
0x174: {  	s25 =	sadd.s32 s5, s25;
	v8 =	vor.u32 v8, v10;
	v10 =	vshrl.u32 v12, $0x4  }
0x175: {  	v61 =	vmov s28;
	[tilespmem:s3], [sflag:$0x4] =	stream.linear.gather [hbm4b:s25+s3], $0x70, $0x38;
	v11 =	vshrl.u32 v14, $0x4;
	v12 =	vmul.u32 $0xFFFFFFCE, v10;
	[tilespmem:$0x1FBF0] =	vst v63  }
0x176: {  	vm3 =	veq.s32 v61, v0;
	_ =	swait.ge [sflag:s11], $0x70;
	vm2 =	vlt.u32 v9, $0x64;
	v14 =	vmul.u32 $0xFFFFFFCE, v11  }
0x177: {  	[sflag:s11] =	ssyncset.done $0x0;
	v62 =	vsub.s32 $0x0, v6;
	v10 =	vmul.u32 $0x38, v10;
	v12 =	vadd.s32 v5, v12  }
0x178: {  	[sflag:s11] =	ssyncadd.s32 $0xFFFFFF90;
	vm0 =	vmmov vm1;
	vm4 =	vne.s32 v14, v62;
	v9 =	vand.u32 $0xFFFFFFF8, v12  }
0x179: {  	v12 =	vand.u32 $0x7, v12;
	vm3 =	vmand vm3, vm4;
	v10 =	vadd.s32 v10, v9;
	v9 =	vld.idx.msk [tilespmem:v8+s3+$0x0], vm1  }
0x17a: {  	v63 =	vsel vm3, $0xFFFFFFFF, v1;
	v8 =	vor.u32 v12, v10  }
0x17b: {  	s26 =	simm.s32 $0x2;
	s28 =	simm.s32 $0x50;
	s25 =	simm.s32 $0x30;
	vm1 =	vmmov vm2;
	v10 =	vadd.s32 v63, v11  }
.LBB2_10:
0x17c: {  	s29 =	sadd.s32 $0xFFFFFFF0, s28;
	v11 =	vmul.u32 $0xFFFFFFCE, v10;
	v12 =	vor.u32 s25, v0;
	s25 =	smov.u32 s28  }
0x17d: {  	s26 =	sadd.s32 $0x2, s26;
	vm3 =	vlt.u32 v7, $0x64;
	v7 =	vor.u32 s29, v0;
	vm4 =	vlt.s32 v12, $0x63  }
0x17e: {  	v10 =	vmul.u32 $0x38, v10;
	p0 =	slt.u32 s26, $0x4;
	v11 =	vadd.s32 v6, v11;
	v13 =	vnsel vm4, $0x63, v12;
	[tilespmem:v4+s12+$0x0] =	vst.idx.msk vm0, v9;
	v4 =	vmovc v6  }
0x17f: {  	vm0 =	vlt.s32 v7, $0x63;
	v9 =	vand.u32 $0xFFFFFFF8, v11;
	v14 =	vmulhi.u32 $0x51EB851F, v13;
	v8 =	vld.idx.msk [tilespmem:v8+s3+$0x0], vm2  }
0x180: {  	v6 =	vnsel vm0, $0x63, v7;
	v11 =	vand.u32 $0x7, v11;
	v9 =	vadd.s32 v10, v9  }
0x181: {  	vm0 =	vmmov vm3;
	v10 =	vmulhi.u32 $0x51EB851F, v6;
	v9 =	vor.u32 v11, v9  }
0x182: {  	v11 =	vshrl.u32 v14, $0x4  }
0x183: {  	v10 =	vshrl.u32 v10, $0x4;
	v14 =	vmul.u32 $0xFFFFFFCE, v11  }
0x184: {  	v15 =	vmov s29;
	vm2 =	vlt.u32 v12, $0x64;
	v16 =	vmul.u32 $0xFFFFFFCE, v10  }
.Ltmp4:
0x185: {  	v12 =	vsub.s32 $0x0, v6;
	v11 =	vmul.u32 $0x38, v11;
	v14 =	vadd.s32 v13, v14;
	[tilespmem:v5+s12+$0x0] =	vst.idx.msk vm1, v8;
	v5 =	vmovc v13;
	(pc) =	sbr.rel @p0 .LBB2_10-.Ltmp4, $4  }
0x186: {  	vm1 =	veq.s32 v15, v0;
	vm4 =	vne.s32 v16, v12;
	v8 =	vand.u32 $0xFFFFFFF8, v14;
	v9 =	vld.idx.msk [tilespmem:v9+s3+$0x0], vm3  }
0x187: {  	v12 =	vand.u32 $0x7, v14;
	vm1 =	vmand vm1, vm4;
	v8 =	vadd.s32 v11, v8  }
0x188: {  	v11 =	vsel vm1, $0xFFFFFFFF, v1;
	v8 =	vor.u32 v12, v8;
	vm1 =	vmmov vm2  }
0x189: {  	s28 =	sadd.s32 $0x20, s28;
	v10 =	vadd.s32 v11, v10  }
0x18a: {  	_ =	sdelay $0x1  }
0x18b: {  	v11 =	vmul.u32 $0xFFFFFFCE, v10;
	v12 =	vor.u32 s25, v0  }
0x18c: {  	vm3 =	vlt.s32 v12, $0x63  }
0x18d: {  	v58 =	vmul.u32 $0x38, v10;
	v11 =	vadd.s32 v6, v11;
	v13 =	vnsel vm3, $0x63, v12  }
0x18e: {  	[tilespmem:v4+s12+$0x0] =	vst.idx.msk vm0, v9;
	v4 =	vand.u32 $0xFFFFFFF8, v11;
	v59 =	vmulhi.u32 $0x51EB851F, v13  }
0x18f: {  	vm12 =	vlt.u32 v7, $0x64;
	v60 =	vld.idx.msk [tilespmem:v8+s3+$0x0], vm2;
	v61 =	vand.u32 $0x7, v11;
	v4 =	vadd.s32 v58, v4  }
0x190: {  	v4 =	vor.u32 v61, v4;
	v62 =	vshrl.u32 v59, $0x4  }
0x191: {  	v9 =	vmul.u32 $0xFFFFFFCE, v62;
	_ =	sdelay $0x1  }
0x192: {  	v8 =	vmul.u32 $0x38, v62;
	v9 =	vadd.s32 v13, v9  }
0x193: {  	vm13 =	vmmov vm12;
	[tilespmem:v5+s12+$0x0] =	vst.idx.msk vm1, v60;
	v5 =	vand.u32 $0xFFFFFFF8, v9  }
0x194: {  	vm14 =	vlt.u32 v12, $0x64;
	v63 =	vand.u32 $0x7, v9;
	v4 =	vld.idx.msk [tilespmem:v4+s3+$0x0], vm12;
	v5 =	vadd.s32 v8, v5  }
0x195: {  	v5 =	vor.u32 v63, v5;
	_ =	sdelay $0x3  }
0x196: {  	[tilespmem:v6+s12+$0x0] =	vst.idx.msk vm13, v4  }
0x197: {  	v4 =	vld.idx.msk [tilespmem:v5+s3+$0x0], vm14;
	_ =	sdelay $0x4  }
0x198: {  	[tilespmem:v13+s12+$0x0] =	vst.idx.msk vm14, v4  }
0x199: {  	v4 =	vld.idx.msk [tilespmem:v2+s3+$0x0], $0xf;
	_ =	sdelay $0x4  }
0x19a: {  	[tilespmem:v3+s12+$0x0] =	vst.idx.msk $0xf, v4  }
0x19b: {  	vm15 =	vmmov vm14;
	[tilespmem:s14], [sflag:$0x1] =	stream.indirect.gather [hbm4b:s6+s13], $0x1B0, s12, s13, $0xb8;
	[tilespmem:$0x1FBF0] =	vst v63  }
.LBB2_12:
0x19c: {  	_ =	swait.ge [sflag:s20], $0xA8C0  }
0x19d: {  	[sflag:s20] =	ssyncset.done $0x0  }
0x19e: {  	[sflag:s20] =	ssyncadd.s32 $0xFFFF5740  }
0x19f: {  	s25 =	simm.s32 $0x0;
	_ =	swait.ge [sflag:s21], $0xA8C0  }
0x1a0: {  	s25 =	smul.u32 $0x1B0, s25;
	[sflag:s21] =	ssyncset.done $0x0  }
0x1a1: {  	[sflag:s21] =	ssyncadd.s32 $0xFFFF5740  }
0x1a2: {  	v4 =	vld [tilespmem:s25+$0x10220]  }
0x1a3: {  	v5 =	vld [tilespmem:s25+$0xAA70]  }
0x1a4: {  	v6 =	vld [tilespmem:s25+$0xAA80]  }
0x1a5: {  	v7 =	vld [tilespmem:s25+$0xAA90]  }
0x1a6: {  	v8 =	vld [tilespmem:s25+$0xAAA0]  }
0x1a7: {  	v9 =	vld [tilespmem:s25+$0xAAB0];
	[tilespmem:s25+$0x1AAE0] =	vst v4  }
0x1a8: {  	v10 =	vld [tilespmem:s25+$0x10180];
	[tilespmem:s25+$0x15330] =	vst v5  }
0x1a9: {  	v4 =	vld [tilespmem:s25+$0xAAC0];
	[tilespmem:s25+$0x15340] =	vst v6  }
0x1aa: {  	v5 =	vld [tilespmem:s25+$0xAAD0];
	[tilespmem:s25+$0x15350] =	vst v7  }
0x1ab: {  	[tilespmem:s25+$0x15360] =	vst v8;
	v7 =	vld [tilespmem:s25+$0xAAF0]  }
0x1ac: {  	[tilespmem:s25+$0x15370] =	vst v9;
	v8 =	vld [tilespmem:s25+$0xAB00]  }
0x1ad: {  	v6 =	vld [tilespmem:s25+$0xAAE0];
	[tilespmem:s25+$0x1AA40] =	vst v10  }
0x1ae: {  	v9 =	vld [tilespmem:s25+$0x10170];
	[tilespmem:s25+$0x15380] =	vst v4  }
0x1af: {  	v4 =	vld [tilespmem:s25+$0xAB10];
	[tilespmem:s25+$0x15390] =	vst v5  }
0x1b0: {  	[tilespmem:s25+$0x153B0] =	vst v7;
	v7 =	vld [tilespmem:s25+$0xAB40]  }
0x1b1: {  	[tilespmem:s25+$0x153C0] =	vst v8;
	v8 =	vld [tilespmem:s25+$0xAB50]  }
0x1b2: {  	v5 =	vld [tilespmem:s25+$0xAB20];
	[tilespmem:s25+$0x153A0] =	vst v6  }
0x1b3: {  	v6 =	vld [tilespmem:s25+$0xAB30];
	[tilespmem:s25+$0x1AA30] =	vst v9  }
0x1b4: {  	[tilespmem:s25+$0x153D0] =	vst v4;
	v4 =	vld [tilespmem:s25+$0xAB60]  }
0x1b5: {  	[tilespmem:s25+$0x15400] =	vst v7;
	v7 =	vld [tilespmem:s25+$0xAB90]  }
0x1b6: {  	[tilespmem:s25+$0x15410] =	vst v8;
	v8 =	vld [tilespmem:s25+$0xABA0]  }
0x1b7: {  	[tilespmem:s25+$0x153E0] =	vst v5;
	v5 =	vld [tilespmem:s25+$0xAB70]  }
0x1b8: {  	[tilespmem:s25+$0x153F0] =	vst v6;
	v6 =	vld [tilespmem:s25+$0xAB80]  }
0x1b9: {  	[tilespmem:s25+$0x15420] =	vst v4;
	v4 =	vld [tilespmem:s25+$0xABB0]  }
0x1ba: {  	[tilespmem:s25+$0x15450] =	vst v7;
	v7 =	vld [tilespmem:s25+$0xABE0]  }
0x1bb: {  	[tilespmem:s25+$0x15460] =	vst v8;
	v8 =	vld [tilespmem:s25+$0xABF0]  }
0x1bc: {  	[tilespmem:s25+$0x15430] =	vst v5;
	v5 =	vld [tilespmem:s25+$0xABC0]  }
0x1bd: {  	[tilespmem:s25+$0x15440] =	vst v6;
	v6 =	vld [tilespmem:s25+$0xABD0]  }
0x1be: {  	[tilespmem:s25+$0x15470] =	vst v4;
	v4 =	vld [tilespmem:s25+$0xAC00]  }
0x1bf: {  	[tilespmem:s25+$0x154A0] =	vst v7;
	v7 =	vld [tilespmem:s25+$0xFEE0]  }
0x1c0: {  	[tilespmem:s25+$0x154B0] =	vst v8;
	v8 =	vld [tilespmem:s25+$0xFEF0]  }
0x1c1: {  	[tilespmem:s25+$0x15480] =	vst v5;
	v5 =	vld [tilespmem:s25+$0xAC10]  }
0x1c2: {  	[tilespmem:s25+$0x15490] =	vst v6;
	v6 =	vld [tilespmem:s25+$0xFED0]  }
0x1c3: {  	[tilespmem:s25+$0x154C0] =	vst v4;
	v4 =	vld [tilespmem:s25+$0xFF00]  }
0x1c4: {  	[tilespmem:s25+$0x1A7A0] =	vst v7;
	v7 =	vld [tilespmem:s25+$0xFF30]  }
0x1c5: {  	[tilespmem:s25+$0x1A7B0] =	vst v8;
	v8 =	vld [tilespmem:s25+$0xFF40]  }
0x1c6: {  	[tilespmem:s25+$0x154D0] =	vst v5;
	v5 =	vld [tilespmem:s25+$0xFF10]  }
0x1c7: {  	[tilespmem:s25+$0x1A790] =	vst v6;
	v6 =	vld [tilespmem:s25+$0xFF20]  }
0x1c8: {  	[tilespmem:s25+$0x1A7C0] =	vst v4;
	v4 =	vld [tilespmem:s25+$0xFF50]  }
0x1c9: {  	[tilespmem:s25+$0x1A7F0] =	vst v7;
	v7 =	vld [tilespmem:s25+$0xFF80]  }
0x1ca: {  	[tilespmem:s25+$0x1A800] =	vst v8;
	v8 =	vld [tilespmem:s25+$0xFF90]  }
0x1cb: {  	[tilespmem:s25+$0x1A7D0] =	vst v5;
	v5 =	vld [tilespmem:s25+$0xFF60]  }
0x1cc: {  	[tilespmem:s25+$0x1A7E0] =	vst v6;
	v6 =	vld [tilespmem:s25+$0xFF70]  }
0x1cd: {  	[tilespmem:s25+$0x1A810] =	vst v4;
	v4 =	vld [tilespmem:s25+$0xFFA0]  }
0x1ce: {  	[tilespmem:s25+$0x1A840] =	vst v7;
	v7 =	vld [tilespmem:s25+$0xFFD0]  }
0x1cf: {  	[tilespmem:s25+$0x1A850] =	vst v8;
	v8 =	vld [tilespmem:s25+$0xFFE0]  }
0x1d0: {  	[tilespmem:s25+$0x1A820] =	vst v5;
	v5 =	vld [tilespmem:s25+$0xFFB0]  }
0x1d1: {  	[tilespmem:s25+$0x1A830] =	vst v6;
	v6 =	vld [tilespmem:s25+$0xFFC0]  }
0x1d2: {  	[tilespmem:s25+$0x1A860] =	vst v4;
	v4 =	vld [tilespmem:s25+$0xFFF0]  }
0x1d3: {  	[tilespmem:s25+$0x1A890] =	vst v7;
	v7 =	vld [tilespmem:s25+$0x10020]  }
0x1d4: {  	[tilespmem:s25+$0x1A8A0] =	vst v8;
	v8 =	vld [tilespmem:s25+$0x10030]  }
0x1d5: {  	[tilespmem:s25+$0x1A870] =	vst v5;
	v5 =	vld [tilespmem:s25+$0x10000]  }
0x1d6: {  	[tilespmem:s25+$0x1A880] =	vst v6;
	v6 =	vld [tilespmem:s25+$0x10010]  }
0x1d7: {  	[tilespmem:s25+$0x1A8B0] =	vst v4;
	v4 =	vld [tilespmem:s25+$0x10040]  }
0x1d8: {  	[tilespmem:s25+$0x1A8E0] =	vst v7;
	v7 =	vld [tilespmem:s25+$0x10070]  }
0x1d9: {  	[tilespmem:s25+$0x1A8F0] =	vst v8;
	v8 =	vld [tilespmem:s25+$0xAC20]  }
0x1da: {  	[tilespmem:s25+$0x1A8C0] =	vst v5;
	v5 =	vld [tilespmem:s25+$0x10050]  }
0x1db: {  	[tilespmem:s25+$0x1A8D0] =	vst v6;
	v6 =	vld [tilespmem:s25+$0x10060]  }
0x1dc: {  	[tilespmem:s25+$0x1A900] =	vst v4;
	v4 =	vld [tilespmem:s25+$0xAC30]  }
0x1dd: {  	[tilespmem:s25+$0x1A930] =	vst v7;
	v7 =	vld [tilespmem:s25+$0xAC60]  }
0x1de: {  	[tilespmem:s25+$0x154E0] =	vst v8;
	v8 =	vld [tilespmem:s25+$0xAC70]  }
0x1df: {  	[tilespmem:s25+$0x1A910] =	vst v5;
	v5 =	vld [tilespmem:s25+$0xAC40]  }
0x1e0: {  	[tilespmem:s25+$0x1A920] =	vst v6;
	v6 =	vld [tilespmem:s25+$0xAC50]  }
0x1e1: {  	[tilespmem:s25+$0x154F0] =	vst v4;
	v4 =	vld [tilespmem:s25+$0xAC80]  }
0x1e2: {  	[tilespmem:s25+$0x15520] =	vst v7;
	v7 =	vld [tilespmem:s25+$0xACB0]  }
0x1e3: {  	[tilespmem:s25+$0x15530] =	vst v8;
	v8 =	vld [tilespmem:s25+$0xACC0]  }
0x1e4: {  	[tilespmem:s25+$0x15500] =	vst v5;
	v5 =	vld [tilespmem:s25+$0xAC90]  }
0x1e5: {  	[tilespmem:s25+$0x15510] =	vst v6;
	v6 =	vld [tilespmem:s25+$0xACA0]  }
0x1e6: {  	[tilespmem:s25+$0x15540] =	vst v4;
	v4 =	vld [tilespmem:s25+$0xACD0]  }
0x1e7: {  	[tilespmem:s25+$0x15570] =	vst v7;
	v7 =	vld [tilespmem:s25+$0xAD00]  }
0x1e8: {  	[tilespmem:s25+$0x15580] =	vst v8;
	v8 =	vld [tilespmem:s25+$0xAD10]  }
0x1e9: {  	[tilespmem:s25+$0x15550] =	vst v5;
	v5 =	vld [tilespmem:s25+$0xACE0]  }
0x1ea: {  	[tilespmem:s25+$0x15560] =	vst v6;
	v6 =	vld [tilespmem:s25+$0xACF0]  }
0x1eb: {  	[tilespmem:s25+$0x15590] =	vst v4;
	v4 =	vld [tilespmem:s25+$0xAD20]  }
0x1ec: {  	[tilespmem:s25+$0x155C0] =	vst v7;
	v7 =	vld [tilespmem:s25+$0xAD50]  }
0x1ed: {  	[tilespmem:s25+$0x155D0] =	vst v8;
	v8 =	vld [tilespmem:s25+$0xAD60]  }
0x1ee: {  	[tilespmem:s25+$0x155A0] =	vst v5;
	v5 =	vld [tilespmem:s25+$0xAD30]  }
0x1ef: {  	[tilespmem:s25+$0x155B0] =	vst v6;
	v6 =	vld [tilespmem:s25+$0xAD40]  }
0x1f0: {  	[tilespmem:s25+$0x155E0] =	vst v4;
	v4 =	vld [tilespmem:s25+$0xAD70]  }
0x1f1: {  	[tilespmem:s25+$0x15610] =	vst v7;
	v7 =	vld [tilespmem:s25+$0xADA0]  }
0x1f2: {  	[tilespmem:s25+$0x15620] =	vst v8;
	v8 =	vld [tilespmem:s25+$0xADB0]  }
0x1f3: {  	[tilespmem:s25+$0x155F0] =	vst v5;
	v5 =	vld [tilespmem:s25+$0xAD80]  }
0x1f4: {  	[tilespmem:s25+$0x15600] =	vst v6;
	v6 =	vld [tilespmem:s25+$0xAD90]  }
0x1f5: {  	[tilespmem:s25+$0x15630] =	vst v4;
	v4 =	vld [tilespmem:s25+$0xADC0]  }
0x1f6: {  	[tilespmem:s25+$0x15660] =	vst v7;
	v7 =	vld [tilespmem:s25+$0x100A0]  }
0x1f7: {  	[tilespmem:s25+$0x15670] =	vst v8;
	v8 =	vld [tilespmem:s25+$0x100B0]  }
0x1f8: {  	[tilespmem:s25+$0x15640] =	vst v5;
	v5 =	vld [tilespmem:s25+$0x10080]  }
0x1f9: {  	[tilespmem:s25+$0x15650] =	vst v6;
	v6 =	vld [tilespmem:s25+$0x10090]  }
0x1fa: {  	[tilespmem:s25+$0x15680] =	vst v4;
	v4 =	vld [tilespmem:s25+$0x100C0]  }
0x1fb: {  	[tilespmem:s25+$0x1A960] =	vst v7;
	v7 =	vld [tilespmem:s25+$0x100F0]  }
0x1fc: {  	[tilespmem:s25+$0x1A970] =	vst v8;
	v8 =	vld [tilespmem:s25+$0x10100]  }
0x1fd: {  	[tilespmem:s25+$0x1A940] =	vst v5;
	v5 =	vld [tilespmem:s25+$0x100D0]  }
0x1fe: {  	[tilespmem:s25+$0x1A950] =	vst v6;
	v6 =	vld [tilespmem:s25+$0x100E0]  }
0x1ff: {  	[tilespmem:s25+$0x1A980] =	vst v4;
	v4 =	vld [tilespmem:s25+$0x10110]  }
0x200: {  	[tilespmem:s25+$0x1A9B0] =	vst v7;
	v7 =	vld [tilespmem:s25+$0x10140]  }
0x201: {  	[tilespmem:s25+$0x1A9C0] =	vst v8;
	v8 =	vld [tilespmem:s25+$0x10150]  }
0x202: {  	[tilespmem:s25+$0x1A990] =	vst v5;
	v5 =	vld [tilespmem:s25+$0x10120]  }
0x203: {  	[tilespmem:s25+$0x1A9A0] =	vst v6;
	v6 =	vld [tilespmem:s25+$0x10130]  }
0x204: {  	[tilespmem:s25+$0x1A9D0] =	vst v4;
	v4 =	vld [tilespmem:s25+$0x10160]  }
0x205: {  	[tilespmem:s25+$0x1AA00] =	vst v7;
	v7 =	vld [tilespmem:s25+$0x10190]  }
0x206: {  	[tilespmem:s25+$0x1AA10] =	vst v8;
	v8 =	vld [tilespmem:s25+$0x101A0]  }
0x207: {  	[tilespmem:s25+$0x1A9E0] =	vst v5;
	v5 =	vld [tilespmem:s25+$0x101B0]  }
0x208: {  	[tilespmem:s25+$0x1A9F0] =	vst v6;
	v6 =	vld [tilespmem:s25+$0x101C0]  }
0x209: {  	[tilespmem:s25+$0x1AA20] =	vst v4;
	v4 =	vld [tilespmem:s25+$0x101D0]  }
0x20a: {  	[tilespmem:s25+$0x1AA50] =	vst v7;
	v7 =	vld [tilespmem:s25+$0x101E0]  }
0x20b: {  	s26 =	simm.s32 $0x2;
	[tilespmem:s25+$0x1AA60] =	vst v8;
	v8 =	vld [tilespmem:s25+$0x101F0]  }
.LBB2_13:
0x20c: {  	s28 =	smul.u32 $0x1B0, s26;
	p0 =	slt.u32 s26, $0x30;
	[tilespmem:s25+$0x1AA70] =	vst v5;
	v5 =	vld [tilespmem:s25+$0x10200]  }
0x20d: {  	[tilespmem:s25+$0x1AA80] =	vst v6;
	v6 =	vld [tilespmem:s25+$0x10210]  }
0x20e: {  	v9 =	vld [tilespmem:s28+$0x10220];
	[tilespmem:s25+$0x1AA90] =	vst v4  }
0x20f: {  	v4 =	vld [tilespmem:s28+$0xAA70];
	[tilespmem:s25+$0x1AAA0] =	vst v7  }
0x210: {  	v7 =	vld [tilespmem:s28+$0xAA80];
	[tilespmem:s25+$0x1AAB0] =	vst v8  }
0x211: {  	v8 =	vld [tilespmem:s28+$0xAA90];
	[tilespmem:s25+$0x1AAC0] =	vst v5  }
0x212: {  	v5 =	vld [tilespmem:s28+$0xAAA0];
	[tilespmem:s25+$0x1AAD0] =	vst v6;
	s25 =	smov.u32 s28  }
0x213: {  	v6 =	vld [tilespmem:s25+$0xAAB0];
	[tilespmem:s25+$0x1AAE0] =	vst v9  }
0x214: {  	[tilespmem:s25+$0x15330] =	vst v4;
	v4 =	vld [tilespmem:s25+$0xAAC0]  }
0x215: {  	[tilespmem:s25+$0x15340] =	vst v7;
	v7 =	vld [tilespmem:s25+$0xAAD0]  }
0x216: {  	[tilespmem:s25+$0x15350] =	vst v8;
	v8 =	vld [tilespmem:s25+$0xAAE0]  }
0x217: {  	[tilespmem:s25+$0x15360] =	vst v5;
	v5 =	vld [tilespmem:s25+$0xAAF0]  }
0x218: {  	[tilespmem:s25+$0x15370] =	vst v6;
	v6 =	vld [tilespmem:s25+$0xAB00]  }
0x219: {  	[tilespmem:s25+$0x15380] =	vst v4;
	v4 =	vld [tilespmem:s25+$0xAB10]  }
0x21a: {  	[tilespmem:s25+$0x15390] =	vst v7;
	v7 =	vld [tilespmem:s25+$0xAB20]  }
0x21b: {  	[tilespmem:s25+$0x153A0] =	vst v8;
	v8 =	vld [tilespmem:s25+$0xAB30]  }
0x21c: {  	[tilespmem:s25+$0x153B0] =	vst v5;
	v5 =	vld [tilespmem:s25+$0xAB40]  }
0x21d: {  	[tilespmem:s25+$0x153C0] =	vst v6;
	v6 =	vld [tilespmem:s25+$0xAB50]  }
0x21e: {  	[tilespmem:s25+$0x153D0] =	vst v4;
	v4 =	vld [tilespmem:s25+$0xAB60]  }
0x21f: {  	[tilespmem:s25+$0x153E0] =	vst v7;
	v7 =	vld [tilespmem:s25+$0xAB70]  }
0x220: {  	[tilespmem:s25+$0x153F0] =	vst v8;
	v8 =	vld [tilespmem:s25+$0xAB80]  }
0x221: {  	[tilespmem:s25+$0x15400] =	vst v5;
	v5 =	vld [tilespmem:s25+$0xAB90]  }
0x222: {  	[tilespmem:s25+$0x15410] =	vst v6;
	v6 =	vld [tilespmem:s25+$0xABA0]  }
0x223: {  	[tilespmem:s25+$0x15420] =	vst v4;
	v4 =	vld [tilespmem:s25+$0xABB0]  }
0x224: {  	[tilespmem:s25+$0x15430] =	vst v7;
	v7 =	vld [tilespmem:s25+$0xABC0]  }
0x225: {  	[tilespmem:s25+$0x15440] =	vst v8;
	v8 =	vld [tilespmem:s25+$0xABD0]  }
0x226: {  	[tilespmem:s25+$0x15450] =	vst v5;
	v5 =	vld [tilespmem:s25+$0xABE0]  }
0x227: {  	[tilespmem:s25+$0x15460] =	vst v6;
	v6 =	vld [tilespmem:s25+$0xABF0]  }
0x228: {  	[tilespmem:s25+$0x15470] =	vst v4;
	v4 =	vld [tilespmem:s25+$0xAC00]  }
0x229: {  	[tilespmem:s25+$0x15480] =	vst v7;
	v7 =	vld [tilespmem:s25+$0xAC10]  }
0x22a: {  	[tilespmem:s25+$0x15490] =	vst v8;
	v8 =	vld [tilespmem:s25+$0xFED0]  }
0x22b: {  	[tilespmem:s25+$0x154A0] =	vst v5;
	v5 =	vld [tilespmem:s25+$0xFEE0]  }
0x22c: {  	[tilespmem:s25+$0x154B0] =	vst v6;
	v6 =	vld [tilespmem:s25+$0xFEF0]  }
0x22d: {  	[tilespmem:s25+$0x154C0] =	vst v4;
	v4 =	vld [tilespmem:s25+$0xFF00]  }
0x22e: {  	[tilespmem:s25+$0x154D0] =	vst v7;
	v7 =	vld [tilespmem:s25+$0xFF10]  }
0x22f: {  	[tilespmem:s25+$0x1A790] =	vst v8;
	v8 =	vld [tilespmem:s25+$0xFF20]  }
0x230: {  	[tilespmem:s25+$0x1A7A0] =	vst v5;
	v5 =	vld [tilespmem:s25+$0xFF30]  }
0x231: {  	[tilespmem:s25+$0x1A7B0] =	vst v6;
	v6 =	vld [tilespmem:s25+$0xFF40]  }
0x232: {  	[tilespmem:s25+$0x1A7C0] =	vst v4;
	v4 =	vld [tilespmem:s25+$0xFF50]  }
0x233: {  	[tilespmem:s25+$0x1A7D0] =	vst v7;
	v7 =	vld [tilespmem:s25+$0xFF60]  }
0x234: {  	[tilespmem:s25+$0x1A7E0] =	vst v8;
	v8 =	vld [tilespmem:s25+$0xFF70]  }
0x235: {  	[tilespmem:s25+$0x1A7F0] =	vst v5;
	v5 =	vld [tilespmem:s25+$0xFF80]  }
0x236: {  	[tilespmem:s25+$0x1A800] =	vst v6;
	v6 =	vld [tilespmem:s25+$0xFF90]  }
0x237: {  	[tilespmem:s25+$0x1A810] =	vst v4;
	v4 =	vld [tilespmem:s25+$0xFFA0]  }
0x238: {  	[tilespmem:s25+$0x1A820] =	vst v7;
	v7 =	vld [tilespmem:s25+$0xFFB0]  }
0x239: {  	[tilespmem:s25+$0x1A830] =	vst v8;
	v8 =	vld [tilespmem:s25+$0xFFC0]  }
0x23a: {  	[tilespmem:s25+$0x1A840] =	vst v5;
	v5 =	vld [tilespmem:s25+$0xFFD0]  }
0x23b: {  	[tilespmem:s25+$0x1A850] =	vst v6;
	v6 =	vld [tilespmem:s25+$0xFFE0]  }
0x23c: {  	[tilespmem:s25+$0x1A860] =	vst v4;
	v4 =	vld [tilespmem:s25+$0xFFF0]  }
0x23d: {  	[tilespmem:s25+$0x1A870] =	vst v7;
	v7 =	vld [tilespmem:s25+$0x10000]  }
0x23e: {  	[tilespmem:s25+$0x1A880] =	vst v8;
	v8 =	vld [tilespmem:s25+$0x10010]  }
0x23f: {  	[tilespmem:s25+$0x1A890] =	vst v5;
	v5 =	vld [tilespmem:s25+$0x10020]  }
0x240: {  	[tilespmem:s25+$0x1A8A0] =	vst v6;
	v6 =	vld [tilespmem:s25+$0x10030]  }
0x241: {  	[tilespmem:s25+$0x1A8B0] =	vst v4;
	v4 =	vld [tilespmem:s25+$0x10040]  }
0x242: {  	[tilespmem:s25+$0x1A8C0] =	vst v7;
	v7 =	vld [tilespmem:s25+$0x10050]  }
0x243: {  	[tilespmem:s25+$0x1A8D0] =	vst v8;
	v8 =	vld [tilespmem:s25+$0x10060]  }
0x244: {  	[tilespmem:s25+$0x1A8E0] =	vst v5;
	v5 =	vld [tilespmem:s25+$0x10070]  }
0x245: {  	[tilespmem:s25+$0x1A8F0] =	vst v6;
	v6 =	vld [tilespmem:s25+$0xAC20]  }
0x246: {  	[tilespmem:s25+$0x1A900] =	vst v4;
	v4 =	vld [tilespmem:s25+$0xAC30]  }
0x247: {  	[tilespmem:s25+$0x1A910] =	vst v7;
	v7 =	vld [tilespmem:s25+$0xAC40]  }
0x248: {  	[tilespmem:s25+$0x1A920] =	vst v8;
	v8 =	vld [tilespmem:s25+$0xAC50]  }
0x249: {  	[tilespmem:s25+$0x1A930] =	vst v5;
	v5 =	vld [tilespmem:s25+$0xAC60]  }
0x24a: {  	[tilespmem:s25+$0x154E0] =	vst v6;
	v6 =	vld [tilespmem:s25+$0xAC70]  }
0x24b: {  	[tilespmem:s25+$0x154F0] =	vst v4;
	v4 =	vld [tilespmem:s25+$0xAC80]  }
0x24c: {  	[tilespmem:s25+$0x15500] =	vst v7;
	v7 =	vld [tilespmem:s25+$0xAC90]  }
0x24d: {  	[tilespmem:s25+$0x15510] =	vst v8;
	v8 =	vld [tilespmem:s25+$0xACA0]  }
0x24e: {  	[tilespmem:s25+$0x15520] =	vst v5;
	v5 =	vld [tilespmem:s25+$0xACB0]  }
0x24f: {  	[tilespmem:s25+$0x15530] =	vst v6;
	v6 =	vld [tilespmem:s25+$0xACC0]  }
0x250: {  	[tilespmem:s25+$0x15540] =	vst v4;
	v4 =	vld [tilespmem:s25+$0xACD0]  }
0x251: {  	[tilespmem:s25+$0x15550] =	vst v7;
	v7 =	vld [tilespmem:s25+$0xACE0]  }
0x252: {  	[tilespmem:s25+$0x15560] =	vst v8;
	v8 =	vld [tilespmem:s25+$0xACF0]  }
0x253: {  	[tilespmem:s25+$0x15570] =	vst v5;
	v5 =	vld [tilespmem:s25+$0xAD00]  }
0x254: {  	[tilespmem:s25+$0x15580] =	vst v6;
	v6 =	vld [tilespmem:s25+$0xAD10]  }
0x255: {  	[tilespmem:s25+$0x15590] =	vst v4;
	v4 =	vld [tilespmem:s25+$0xAD20]  }
0x256: {  	[tilespmem:s25+$0x155A0] =	vst v7;
	v7 =	vld [tilespmem:s25+$0xAD30]  }
0x257: {  	[tilespmem:s25+$0x155B0] =	vst v8;
	v8 =	vld [tilespmem:s25+$0xAD40]  }
0x258: {  	[tilespmem:s25+$0x155C0] =	vst v5;
	v5 =	vld [tilespmem:s25+$0xAD50]  }
0x259: {  	[tilespmem:s25+$0x155D0] =	vst v6;
	v6 =	vld [tilespmem:s25+$0xAD60]  }
0x25a: {  	[tilespmem:s25+$0x155E0] =	vst v4;
	v4 =	vld [tilespmem:s25+$0xAD70]  }
0x25b: {  	[tilespmem:s25+$0x155F0] =	vst v7;
	v7 =	vld [tilespmem:s25+$0xAD80]  }
0x25c: {  	[tilespmem:s25+$0x15600] =	vst v8;
	v8 =	vld [tilespmem:s25+$0xAD90]  }
0x25d: {  	[tilespmem:s25+$0x15610] =	vst v5;
	v5 =	vld [tilespmem:s25+$0xADA0]  }
0x25e: {  	[tilespmem:s25+$0x15620] =	vst v6;
	v6 =	vld [tilespmem:s25+$0xADB0]  }
0x25f: {  	[tilespmem:s25+$0x15630] =	vst v4;
	v4 =	vld [tilespmem:s25+$0xADC0]  }
0x260: {  	[tilespmem:s25+$0x15640] =	vst v7;
	v7 =	vld [tilespmem:s25+$0x10080]  }
0x261: {  	[tilespmem:s25+$0x15650] =	vst v8;
	v8 =	vld [tilespmem:s25+$0x10090]  }
0x262: {  	[tilespmem:s25+$0x15660] =	vst v5;
	v5 =	vld [tilespmem:s25+$0x100A0]  }
0x263: {  	[tilespmem:s25+$0x15670] =	vst v6;
	v6 =	vld [tilespmem:s25+$0x100B0]  }
0x264: {  	[tilespmem:s25+$0x15680] =	vst v4;
	v4 =	vld [tilespmem:s25+$0x100C0]  }
0x265: {  	[tilespmem:s25+$0x1A940] =	vst v7;
	v7 =	vld [tilespmem:s25+$0x100D0]  }
0x266: {  	[tilespmem:s25+$0x1A950] =	vst v8;
	v8 =	vld [tilespmem:s25+$0x100E0]  }
0x267: {  	[tilespmem:s25+$0x1A960] =	vst v5;
	v5 =	vld [tilespmem:s25+$0x100F0]  }
0x268: {  	[tilespmem:s25+$0x1A970] =	vst v6;
	v6 =	vld [tilespmem:s25+$0x10100]  }
0x269: {  	[tilespmem:s25+$0x1A980] =	vst v4;
	v4 =	vld [tilespmem:s25+$0x10110]  }
0x26a: {  	[tilespmem:s25+$0x1A990] =	vst v7;
	v7 =	vld [tilespmem:s25+$0x10120]  }
0x26b: {  	[tilespmem:s25+$0x1A9A0] =	vst v8;
	v8 =	vld [tilespmem:s25+$0x10130]  }
0x26c: {  	[tilespmem:s25+$0x1A9B0] =	vst v5;
	v5 =	vld [tilespmem:s25+$0x10140]  }
0x26d: {  	[tilespmem:s25+$0x1A9C0] =	vst v6;
	v6 =	vld [tilespmem:s25+$0x10150]  }
0x26e: {  	[tilespmem:s25+$0x1A9D0] =	vst v4;
	v4 =	vld [tilespmem:s25+$0x10160]  }
0x26f: {  	[tilespmem:s25+$0x1A9E0] =	vst v7;
	v7 =	vld [tilespmem:s25+$0x10170]  }
0x270: {  	[tilespmem:s25+$0x1A9F0] =	vst v8;
	v8 =	vld [tilespmem:s25+$0x10180]  }
0x271: {  	[tilespmem:s25+$0x1AA00] =	vst v5;
	v9 =	vld [tilespmem:s25+$0x10190]  }
0x272: {  	[tilespmem:s25+$0x1AA10] =	vst v6;
	v10 =	vld [tilespmem:s25+$0x101A0]  }
.Ltmp5:
0x273: {  	[tilespmem:s25+$0x1AA20] =	vst v4;
	v5 =	vld [tilespmem:s25+$0x101B0];
	(pc) =	sbr.rel @p0 .LBB2_13-.Ltmp5, $4  }
0x274: {  	[tilespmem:s25+$0x1AA30] =	vst v7;
	v6 =	vld [tilespmem:s25+$0x101C0]  }
0x275: {  	[tilespmem:s25+$0x1AA40] =	vst v8;
	v4 =	vld [tilespmem:s25+$0x101D0]  }
0x276: {  	[tilespmem:s25+$0x1AA50] =	vst v9;
	v7 =	vld [tilespmem:s25+$0x101E0]  }
0x277: {  	s26 =	sadd.s32 $0x2, s26;
	[tilespmem:s25+$0x1AA60] =	vst v10;
	v8 =	vld [tilespmem:s25+$0x101F0]  }
0x278: {  	[tilespmem:s25+$0x1AA70] =	vst v5;
	v5 =	vld [tilespmem:s25+$0x10200]  }
0x279: {  	v63 =	vld [tilespmem:s25+$0x10210];
	s23 =	sadd.s32 $0x1, s23;
	[tilespmem:s25+$0x1AA80] =	vst v6  }
0x27a: {  	p0 =	sne.s32 s23, $0x20;
	[tilespmem:s25+$0x1AA90] =	vst v4  }
.Ltmp6:
0x27b: {  	[tilespmem:s25+$0x1AAA0] =	vst v7;
	(pc) =	sbr.rel @p0 .LBB2_4-.Ltmp6, $4  }
0x27c: {  	s24 =	smul.u32 $0xA8C, s24;
	[tilespmem:s25+$0x1AAB0] =	vst v8  }
0x27d: {  	[tilespmem:s25+$0x1AAC0] =	vst v5  }
0x27e: {  	s24 =	sadd.s32 s2, s24;
	[tilespmem:s25+$0x1AAD0] =	vst v63  }
0x27f: {  	[hbm4b:s24+s3] =	stream.linear.scatter [tilespmem:s19], [sflag:$0x3], $0xA8C0, $0x38;
	[tilespmem:$0x1FBF0] =	vst v63  }
0x280: {  	s22 =	sadd.s32 $0x1, s22  }
0x281: {  	p0 =	sne.s32 s22, s9  }
.Ltmp7:
0x282: {  	_ = 	snop;
	(pc) =	sbr.rel @p0 .LBB2_1-.Ltmp7, $4  }
0x283: {  	_ = 	snop  }
0x284: {  	_ =	swait.ge [sflag:s21], $0xA8C0  }
0x285: {  	[sflag:s21] =	ssyncset.done $0x0  }
0x286: {  	[sflag:s21] =	ssyncadd.s32 $0xFFFF5740  }
0x287: {  	_ =	sfence.sel $0x180000  }
0x288: {  	[bflag:$0x0] =	sbarrier.arrive $0xFFFF  }
0x289: {  	p0 =	sne.s32 s0, $0x0;
	_ =	strace $0x90000047  }
0x28a: {  	s0 =	sadd.s32 @!p0 $0x100000, s1;
	[bflag:$0x2] =	sbarrier.arrive $0xFFFF  }
0x28b: {  	[sflag:s0] =	ssyncadd.tile.s32 @!p0 $0x1;
	_ =	shalt  }
.Lfunc_end2:
_tile_overlayer_lowered:
.L_overlay_start_2:
0x28c: {  	(tag) =	ssettag $0x2  }
0x28d: {  	s0 =	rddreg [dreg:$0x0];
	s2 =	stileid.u32  }
0x28e: {  	s1 =	rddreg [dreg:$0x1];
	p0 =	sne.s32 s2, $0x0  }
0x28f: {  	s3 =	rddreg [dreg:$0x2];
	[bflag:$0x3] =	sbarrier.arrive $0xFFFF;
	s2 =	simm.s32 @!p0 $0x1C04  }
0x290: {  	[timem:s3], [sflag:s2] =	dma.local @!p0 [hbm:s0], s1  }
0x291: {  	s0 =	simm.s32 @!p0 $0x4  }
0x292: {  	_ =	swait.ge @!p0 [sflag:s0], s1  }
0x293: {  	s1 =	ssub.s32 @!p0 $0x0, s1;
	[sflag:s0] =	ssyncset.done @!p0 $0x0  }
0x294: {  	[sflag:s0] =	ssyncadd.s32 @!p0 s1  }
0x295: {  	[bflag:$0x3] =	sbarrier.arrive $0xFFFF  }
0x296: {  	_ =	shalt  }

// kernel: sparse-core-data-format-call.cloned.1.call-start
scs
called_computation_lowered:
.L_overlay_start_0:
0x0: {  	s2 =	sld [smem:$0x3FD9]  }
0x1: {  	s3 =	sld [smem:$0x3FFE];
	_ =	sdelay $0x1  }
0x2: {  	s1 =	srdreg.scid  }
0x3: {  	s0 =	sand.u32 $0x1, s1  }
0x4: {  	s18 =	sshll.u32 s0, $0xA;
	s2 =	sadd.s32 s3, s2  }
0x5: {  	s2 =	sadd.s32 s2, s18  }
0x6: {  	[smem:$0x3FC5] =	sst s2  }
0x7: {  	_ = 	snop  }
0x8: {  	s2 =	sld [smem:$0x3FD0];
	(tm) =	ssettm $0x1  }
0x9: {  	s19 =	sld [smem:$0x3FFB];
	_ =	sdelay $0x3  }
0xa: {  	_ =	strace s19  }
0xb: {  	s3 =	sld [smem:$0x3FFC];
	_ =	sdelay $0x3  }
0xc: {  	_ =	strace s3  }
0xd: {  	s3 =	sld [smem:$0x3FFD];
	_ =	sdelay $0x3  }
0xe: {  	_ =	strace s3  }
0xf: {  	_ =	strace $0x8FFFFFFF  }
0x10: {  	s20 =	sld [smem:$0x3FDB];
	_ =	sdelay $0x1  }
0x11: {  	s4 =	simm.s32 $_scs_section_size  }
0x12: {  	s5 =	simm.s32 $_size__tile_overlayer_lowered;
	s6 =	simm.s32 $_tile_overlayer_lowered  }
0x13: {  	s23 =	simm.s32 $0x1BFF;
	s22 =	sshll.u32 s6, $0x1;
	s3 =	sadd.s32 s4, s20  }
0x14: {  	s7 =	simm.s32 $0x0;
	s21 =	sshll.u32 s5, $0x1;
	s5 =	sadd.s32 s22, s3  }
0x15: {  	[timem:s7], [sflag:s23] =	dma.local [hbm:s5], s21  }
0x16: {  	_ =	swait.ge [sflag:s23], s21  }
0x17: {  	s4 =	ssub.s32 $0x0, s21;
	[sflag:s23] =	ssyncset.done $0x0  }
0x18: {  	[sflag:s23] =	ssyncadd.s32 s4;
	_ =	sdelay $0x1  }
0x19: {  	s24 =	simm.s32 $0x1B8B  }
0x1a: {  	_ =	swait.ge [sflag:s24], $0x1  }
0x1b: {  	[sflag:s24] =	ssyncset.done $0x0  }
0x1c: {  	s26 =	simm.s32 $0x1B8E;
	s25 =	sld [smem:$0x3FFE];
	[sflag:s24] =	ssyncadd.s32 $0xFFFFFFFF  }
0x1d: {  	s27 =	simm.s32 $execute0_lowered;
	[smem:$0x3FD2] =	sst s26  }
0x1e: {  	s5 =	sshll.u32 s27, $0x1;
	_ =	strace $0x80000049;
	[dreg:$0x1] =	wrdreg $0xFFFFFFFF  }
0x1f: {  	s28 =	simm.s32 $_size_execute0_lowered;
	s3 =	sadd.s32 s3, s5;
	[dreg:$0x0] =	wrdreg $0x0  }
0x20: {  	s5 =	sshll.u32 s28, $0x1;
	[dreg:$0x2] =	wrdreg s3  }
0x21: {  	[dreg:$0x3] =	wrdreg s5  }
0x22: {  	[dreg:$0x4] =	wrdreg $0xC0  }
0x23: {  	_ =	task [dreg:s7], $0x5FFFF  }
0x24: {  	[dreg:$0x1] =	wrdreg $0xFFFFFFFF  }
0x25: {  	[dreg:$0x0] =	wrdreg $0x60  }
0x26: {  	[dreg:$0x2] =	wrdreg s25  }
0x27: {  	[dreg:$0x3] =	wrdreg s2  }
0x28: {  	[dreg:$0x4] =	wrdreg $0x9  }
0x29: {  	_ =	task.clear_ibuf [dreg:s7], $0x5FFFF;
	_ =	strace $0x90000049  }
0x2a: {  	s29 =	simm.s32 $0x9;
	_ =	strace $0x8000004B  }
0x2b: {  	_ =	swait.ge [sflag:s29], $0x1  }
0x2c: {  	[sflag:s29] =	ssyncadd.s32 $0xFFFFFFFF  }
0x2d: {  	_ =	strace $0x9000004B  }
0x2e: {  	_ =	sfence  }
0x2f: {  	s30 =	sld [smem:$0x0];
	_ =	sdelay $0x2  }
0x30: {  	s31 =	sshll.u32 s1, $0xD;
	s1 =	sshrl.u32 s1, $0x2  }
0x31: {  	s3 =	sand.u32 $0x4000, s31;
	s1 =	sadd.s32 s1, s30  }
0x32: {  	s0 =	sor.u32 s3, s0;
	s1 =	sshll.u32 s1, $0x11  }
0x33: {  	s0 =	sor.u32 s1, s0  }
0x34: {  	s0 =	sadd.s32 $0x8F2B, s0  }
0x35: {  	[sflag:s0] =	ssyncadd.remote.s32 $0x1  }
0x36: {  	_ =	sfence.sel $0xFFFF  }
0x37: {  	[dreg:$0x0] =	wrdreg $0xFFFFFFFF;
	(pc) =	sbr.abs _section_cstart, $3  }
0x38: {  	[dreg:$0x1] =	wrdreg $0xFFFFFFFF  }
0x39: {  	_ =	task.clear_ibuf [dreg:s7], $0x2FFFF;
	_ =	strace $0x9FFFFFFF  }
0x3a: {  	(tm) =	ssettm $0x7FFFFFFF  }
0x3b: {  	_ =	shalt  }
tec
execute0_lowered:
.L_overlay_start_1:
0x0: {  	(tag) =	ssettag $0x1  }
0x1: {  	s0 =	srdreg.scid;
	s6 =	rddreg [dreg:$0x0]  }
0x2: {  	s3 =	rddreg [dreg:$0x1];
	s1 =	sshll.u32 s0, $0x4  }
0x3: {  	s5 =	simm.s32 $0x1;
	s0 =	stileid.u32;
	s1 =	sand.u32 $0x10, s1  }
0x4: {  	s31 =	simm.s32 $0x2;
	s16 =	simm.s32 $0x0;
	s1 =	sor.u32 s0, s1  }
0x5: {  	s8 =	simm.s32 $0x8000;
	s18 =	simm.s32 $0x0;
	s2 =	sshll.u32 s1, $0x7  }
0x6: {  	s17 =	simm.s32 $0x0;
	s9 =	simm.s32 $0x0;
	s4 =	ssub.s32 $0x1000, s2  }
0x7: {  	s10 =	simm.s32 $0x0;
	s11 =	simm.s32 $0x0;
	s30 =	sand.u32 $0xF80, s4  }
0x8: {  	s12 =	simm.s32 $0x0;
	s13 =	simm.s32 $0x0;
	p0 =	sne.s32 s30, $0x0  }
.Ltmp0:
0x9: {  	s7 =	sshrl.u32 s4, $0xC;
	s5 =	simm.s32 @!p0 $0x0;
	(pc) =	sbr.rel .LBB1_1-.Ltmp0, $4  }
0xa: {  	s15 =	simm.s32 $0x0;
	s1 =	rddreg [dreg:$0x2];
	s5 =	sadd.s32 s5, s7  }
0xb: {  	_ =	strace $0x8000004A;
	s4 =	simm.s32 $0x1;
	s5 =	smul.u32 $0xC8, s5  }
0xc: {  	s6 =	sadd.s32 $0x800, s6;
	s14 =	smov.u32 s2;
	[sflag:s4] =	ssyncpa.u1 $0x0  }
0xd: {  	[sflag:s31] =	ssyncpa.u1 $0x0;
	p0 =	por $0x0, $0x0;
	s7 =	sor.u32 $0x1, s5  }
.LBB1_4:
0xe: {  	s23 =	sshra.s32 s23, $0x2;
	s30 =	sshll.u32 s9, $0xC  }
0xf: {  	p1 =	sgt.s32 s10, $0x31;
	s24 =	smov.u32 s10;
	s25 =	sshra.s32 s10, $0x1F  }
0x10: {  	s26 =	sshll.u32 s11, $0x3;
	s28 =	smov.u32 s11;
	s29 =	sshra.s32 s11, $0x1F  }
0x11: {  	s22 =	sadd.s32 s23, s22;
	s24 =	simm.s32 @!p1 $0x31;
	s25 =	sand.u32 s25, s10  }
0x12: {  	s23 =	sand.u32 $0xFFFF8000, s30;
	s27 =	sand.u32 $0xFFFFFC00, s26;
	p1 =	sgt.s32 s9, $0x130  }
0x13: {  	s31 =	sand.u32 s29, s11;
	s29 =	sshll.u32 s9, $0x7;
	s30 =	sshra.s32 s9, $0x1F  }
0x14: {  	[tilespmem:s21+$0x2040 ss:$0x81] =	vst.msk $0xffff, v4;
	s24 =	ssub.s32 s24, s25;
	s23 =	sadd.s32 s27, s23;
	s27 =	smov.u32 s9  }
0x15: {  	[tilespmem:s21+$0x2850 ss:$0x81] =	vst.msk $0xffff, v3;
	s29 =	sand.u32 $0x380, s29;
	s25 =	sadd.s32 $0xFFFFFFCF, s24;
	s27 =	simm.s32 @!p1 $0x130  }
0x16: {  	v5 =	vld [tilespmem:s20+$0xFFFFFFD0];
	[tilespmem:s21+$0x3060 ss:$0x81] =	vst.msk $0xffff, v2;
	p1 =	sgt.s32 s11, $0xF80;
	s23 =	sshrl.u32 s23, $0xC;
	s24 =	ssub.s32 $0x32, s24  }
0x17: {  	v58 =	vld [tilespmem:s20+$0xFFFFFFE0];
	[tilespmem:s21+$0x0 ss:$0x81] =	vst.msk $0xffff, v1;
	s28 =	simm.s32 @!p1 $0xF80;
	p1 =	sgt.s32 s25, $0x0;
	s21 =	smulhi.u32 $0x97B426, s23  }
0x18: {  	v59 =	vld [tilespmem:s20+$0xFFFFFFF0];
	s25 =	ssub.s32 s28, s31;
	s28 =	sand.u32 s30, s9;
	s24 =	simm.s32 @p1 $0x0  }
0x19: {  	v60 =	vld [tilespmem:s20+$0x0];
	s27 =	ssub.s32 s27, s28;
	s31 =	sadd.s32 $0xFFFFF080, s25;
	s25 =	ssub.s32 $0x1000, s25  }
0x1a: {  	v61 =	vld [tilespmem:s20+$0x10];
	[tilespmem:s22+$0x3870 ss:$0x81] =	vst.msk $0xffff, v0;
	s21 =	smul.u32 $0x1B0, s21;
	s28 =	sand.u32 $0x7, s11;
	p1 =	sgt.s32 s31, $0x7F  }
0x1b: {  	v62 =	vld [tilespmem:s20+$0x20];
	[tilespmem:s22+$0x810 ss:$0x81] =	vst.msk $0xffff, v5;
	s30 =	sadd.s32 $0xFFFFFED0, s27;
	s31 =	sand.u32 $0x78, s11;
	s25 =	simm.s32 @p1 $0x0  }
0x1c: {  	v63 =	vld [tilespmem:s20+$0xFFFFFFC0];
	[tilespmem:s22+$0x1020 ss:$0x81] =	vst.msk $0xffff, v58;
	p1 =	sgt.s32 s30, $0x7F;
	s30 =	sand.u32 $0xC00, s26;
	s24 =	smul.u32 s25, s24  }
0x1d: {  	[tilespmem:s22+$0x1830 ss:$0x81] =	vst.msk $0xffff, v59;
	s26 =	ssub.s32 $0x1B0, s27;
	s20 =	sor.u32 s31, s30;
	s31 =	smul.u32 $0x36000, s10  }
0x1e: {  	[tilespmem:s22+$0x2040 ss:$0x81] =	vst.msk $0xffff, v60;
	s21 =	ssub.s32 s23, s21;
	s26 =	simm.s32 @p1 $0x0;
	s20 =	sor.u32 s29, s20  }
0x1f: {  	[tilespmem:s22+$0x2850 ss:$0x81] =	vst.msk $0xffff, v61;
	s26 =	smul.u32 s26, s24;
	s20 =	sshrl.u32 s20, $0x3;
	s27 =	sadd.s32 s3, s31  }
0x20: {  	[tilespmem:s22+$0x3060 ss:$0x81] =	vst.msk $0xffff, v62;
	s21 =	sshll.u32 s21, $0x9;
	s29 =	sshll.u32 s28, $0x12;
	s20 =	sadd.s32 s20, s27  }
0x21: {  	[tilespmem:s22+$0x0 ss:$0x81] =	vst.msk $0xffff, v63;
	s31 =	sor.u32 $0x400, s29;
	s30 =	sand.u32 $0x3FFFFFFF, s26;
	s20 =	sadd.s32 s21, s20  }
0x22: {  	[hbm4b:s20+s31] =	stream.strided.scatter [tilespmem:s19], [sflag:$0x2], s30, s8, s31, $0x20;
	[tilespmem:$0x10100] =	vst v63  }
.LBB1_5:
0x23: {  	p1 =	slt.u32 s15, $0x2  }
0x24: {  	p2 =	sgt.s32 @!p1 s18, $0x31  }
0x25: {  	s19 =	smov.u32 s18;
	s20 =	sshra.s32 @!p1 s18, $0x1F;
	p2 =	por !p2, p1  }
0x26: {  	s18 =	sand.u32 @!p1 s20, s18;
	s19 =	simm.s32 @p2 $0x31  }
0x27: {  	p3 =	sgt.s32 @!p1 s16, $0x130;
	s18 =	ssub.s32 @!p1 s19, s18  }
0x28: {  	p4 =	sgt.s32 @!p1 s17, $0xF80;
	s21 =	sshra.s32 @!p1 s17, $0x1F;
	s19 =	sadd.s32 @!p1 $0xFFFFFFCF, s18  }
0x29: {  	s20 =	smov.u32 s16;
	p2 =	sgt.s32 @!p1 s19, $0x0;
	s19 =	sshra.s32 @!p1 s16, $0x1F  }
0x2a: {  	p4 =	por !p4, p1;
	s16 =	sand.u32 @!p1 s19, s16;
	s19 =	smov.u32 s17  }
0x2b: {  	p3 =	por !p3, p1;
	s17 =	sand.u32 @!p1 s21, s17;
	s19 =	simm.s32 @p4 $0xF80  }
0x2c: {  	s20 =	simm.s32 @p3 $0x130;
	s18 =	ssub.s32 @!p1 $0x32, s18;
	s17 =	ssub.s32 @!p1 s19, s17  }
0x2d: {  	p2 =	por !p2, p1;
	s16 =	ssub.s32 @!p1 s20, s16;
	s20 =	sadd.s32 @!p1 $0xFFFFF080, s17  }
0x2e: {  	s18 =	simm.s32 @!p2 $0x0;
	p3 =	sgt.s32 @!p1 s20, $0x7F  }
0x2f: {  	s19 =	sadd.s32 @!p1 $0xFFFFFED0, s16;
	s17 =	ssub.s32 @!p1 $0x1000, s17;
	p3 =	por !p3, p1  }
0x30: {  	p2 =	sgt.s32 @!p1 s19, $0x7F;
	s19 =	sadd.s32 $0x80, s12;
	s17 =	simm.s32 @!p3 $0x0  }
0x31: {  	p3 =	sgt.s32 s19, $0x1AB;
	s17 =	smul.u32 @!p1 s17, s18;
	s18 =	simm.s32 $0x1  }
0x32: {  	s16 =	ssub.s32 @!p1 $0x1B0, s16;
	p2 =	por !p2, p1;
	s18 =	simm.s32 @!p3 $0x0  }
0x33: {  	s21 =	smov.u32 s14;
	s16 =	simm.s32 @!p2 $0x0;
	s20 =	sadd.s32 s18, s13  }
0x34: {  	s16 =	smul.u32 @!p1 s16, s17;
	s17 =	sadd.s32 $0x1000, s14;
	p2 =	sgt.s32 s20, $0x31  }
0x35: {  	p0 =	por !p0, !p0;
	s22 =	simm.s32 @!p1 $0x2;
	s21 =	smov.u32 @p2 s17  }
0x36: {  	s19 =	simm.s32 @p3 $0x0;
	s20 =	simm.s32 @p2 $0x0;
	p2 =	sgt.s32 s21, $0xFFF  }
0x37: {  	s18 =	smov.u32 s10;
	s21 =	smov.u32 @p2 s2;
	p2 =	sne.s32 s15, s7  }
.Ltmp1:
0x38: {  	s10 =	smov.u32 s13;
	s16 =	sand.u32 @!p1 $0x3FFFFFFF, s16;
	(pc) =	sbr.rel @!p2 .LBB1_6-.Ltmp1, $4  }
0x39: {  	s17 =	smov.u32 s11;
	s11 =	smov.u32 s14;
	_ =	swait.ge @!p1 [sflag:s22], s16  }
0x3a: {  	s23 =	ssub.s32 @!p1 $0x0, s16;
	s16 =	smov.u32 s9;
	s9 =	smov.u32 s12  }
0x3b: {  	s12 =	smov.u32 s19;
	s13 =	smov.u32 s20;
	[sflag:s22] =	ssyncset.done @!p1 $0x0  }
0x3c: {  	s15 =	sadd.s32 $0x1, s15;
	[sflag:s22] =	ssyncadd.s32 @!p1 s23;
	s14 =	smov.u32 s21  }
.LBB1_1:
0x3d: {  	p1 =	sge.u32 s15, s5  }
0x3e: {  	s19 =	sshll.u32 @!p1 s13, $0x9;
	s20 =	sshll.u32 @!p1 s12, $0x3  }
0x3f: {  	s21 =	sshll.u32 @!p1 s13, $0x7;
	s19 =	sand.u32 @!p1 $0xFFFFF000, s19;
	s20 =	sand.u32 @!p1 $0xFFFFFC00, s20  }
0x40: {  	s19 =	sadd.s32 @!p1 s19, s20;
	s20 =	sand.u32 @!p1 $0x200, s21  }
0x41: {  	s19 =	sor.u32 @!p1 s20, s19  }
0x42: {  	s19 =	sshrl.u32 @!p1 s19, $0x9  }
0x43: {  	s31 =	sadd.s32 $0xFFFFFFFF, s15;
	s20 =	smulhi.u32 @!p1 $0x4924925, s19  }
0x44: {  	s22 =	sxor.u32 @!p1 $0xFFFFFFFF, s15;
	s23 =	sand.u32 @!p1 $0x78, s12;
	s24 =	smul.u32 @!p1 $0xE00, s14  }
0x45: {  	s22 =	sshll.u32 @!p1 s22, $0xE;
	s21 =	sand.u32 @!p1 $0x180, s21;
	s20 =	smul.u32 @!p1 $0x38, s20  }
0x46: {  	s22 =	sand.u32 @!p1 $0x4000, s22;
	s21 =	sor.u32 @!p1 s23, s21;
	s23 =	sand.u32 @!p1 $0x7, s12  }
0x47: {  	s19 =	ssub.s32 @!p1 s19, s20;
	s20 =	sshrl.u32 @!p1 s21, $0x3;
	s21 =	sadd.s32 @!p1 s6, s24  }
0x48: {  	s19 =	sshll.u32 @!p1 s19, $0x6;
	s20 =	sadd.s32 @!p1 s20, s21;
	s21 =	sshll.u32 @!p1 s23, $0x12  }
0x49: {  	s19 =	sadd.s32 @!p1 s19, s20;
	s20 =	sor.u32 @!p1 $0x80, s21;
	s21 =	simm.s32 @!p1 $0x7000  }
0x4a: {  	[tilespmem:s22], [sflag:$0x1] =	stream.strided.gather @!p1 [hbm4b:s19+s20], $0x4000, s21, s20, $0x38;
	[tilespmem:$0x10100] =	vst v63  }
0x4b: {  	p1 =	sge.u32 s31, s5  }
.Ltmp2:
0x4c: {  	_ = 	snop;
	(pc) =	sbr.rel @p1 .LBB1_5-.Ltmp2, $1  }
0x4d: {  	_ =	sdelay $0x3  }
0x4e: {  	s19 =	simm.s32 $0x1  }
0x4f: {  	_ =	swait.ge [sflag:s4], $0x4000;
	s19 =	simm.s32 @!p0 $0x0  }
0x50: {  	[sflag:s4] =	ssyncset.done $0x0;
	s20 =	sshll.u32 s19, $0xE  }
0x51: {  	[sflag:s4] =	ssyncadd.s32 $0xFFFFC000;
	s20 =	sor.u32 $0x40, s20  }
0x52: {  	s19 =	smul.u32 $0x10200, s19;
	v0 =	vld [tilespmem:s20+$0x30]  }
0x53: {  	v1 =	vld [tilespmem:s20+$0xFFFFFFD0]  }
0x54: {  	s19 =	sshrl.u32 s19, $0x2;
	v5 =	vld [tilespmem:s20+$0xFFFFFFE0]  }
0x55: {  	v6 =	vld [tilespmem:s20+$0xFFFFFFF0];
	s22 =	sor.u32 $0x8000, s19  }
0x56: {  	s31 =	sand.u32 $0x1, s15;
	v4 =	vld [tilespmem:s20+$0x0];
	s21 =	sadd.s32 $0x0, s22  }
0x57: {  	v3 =	vld [tilespmem:s20+$0x10];
	s19 =	smul.u32 $0x10200, s31;
	[tilespmem:s21+$0x3870 ss:$0x81] =	vst.msk $0xffff, v0  }
0x58: {  	v2 =	vld [tilespmem:s20+$0x20];
	[tilespmem:s21+$0x810 ss:$0x81] =	vst.msk $0xffff, v1  }
0x59: {  	s19 =	sshrl.u32 s19, $0x2;
	v1 =	vld [tilespmem:s20+$0xFFFFFFC0];
	[tilespmem:s21+$0x1020 ss:$0x81] =	vst.msk $0xffff, v5;
	s20 =	sadd.s32 $0x80, s20  }
0x5a: {  	s23 =	simm.s32 $0x4;
	s24 =	simm.s32 $0x8;
	s19 =	sor.u32 $0x8000, s19;
	[tilespmem:s21+$0x1830 ss:$0x81] =	vst.msk $0xffff, v6;
	v0 =	vld [tilespmem:s20+$0x30]  }
.LBB1_3:
0x5b: {  	p1 =	sne.s32 s24, $0x1FC;
	v5 =	vld [tilespmem:s20+$0xFFFFFFD0];
	[tilespmem:s21+$0x2040 ss:$0x81] =	vst.msk $0xffff, v4  }
0x5c: {  	v6 =	vld [tilespmem:s20+$0xFFFFFFE0];
	[tilespmem:s21+$0x2850 ss:$0x81] =	vst.msk $0xffff, v3  }
0x5d: {  	s25 =	sshra.s32 s23, $0x2;
	s23 =	smov.u32 s24;
	v7 =	vld [tilespmem:s20+$0xFFFFFFF0];
	[tilespmem:s21+$0x3060 ss:$0x81] =	vst.msk $0xffff, v2  }
.Ltmp3:
0x5e: {  	v4 =	vld [tilespmem:s20+$0x0];
	[tilespmem:s21+$0x0 ss:$0x81] =	vst.msk $0xffff, v1;
	s21 =	sadd.s32 s25, s22;
	(pc) =	sbr.rel @p1 .LBB1_3-.Ltmp3, $4  }
0x5f: {  	v3 =	vld [tilespmem:s20+$0x10];
	[tilespmem:s21+$0x3870 ss:$0x81] =	vst.msk $0xffff, v0  }
0x60: {  	[tilespmem:s21+$0x810 ss:$0x81] =	vst.msk $0xffff, v5;
	v2 =	vld [tilespmem:s20+$0x20]  }
0x61: {  	v1 =	vld [tilespmem:s20+$0xFFFFFFC0];
	[tilespmem:s21+$0x1020 ss:$0x81] =	vst.msk $0xffff, v6;
	s20 =	sadd.s32 $0x80, s20  }
0x62: {  	s24 =	sadd.s32 $0x4, s24;
	v0 =	vld [tilespmem:s20+$0x30];
	[tilespmem:s21+$0x1830 ss:$0x81] =	vst.msk $0xffff, v7  }
.Ltmp4:
0x63: {  	_ = 	snop;
	(pc) =	sbr.rel .LBB1_4-.Ltmp4, $1  }
0x64: {  	_ =	sdelay $0x3  }
.LBB1_6:
0x65: {  	_ =	sfence.sel $0x180000  }
0x66: {  	s2 =	simm.s32 $0x1;
	[bflag:$0x0] =	sbarrier.arrive $0xFFFF  }
0x67: {  	s31 =	simm.s32 $0x2;
	[sflag:s2] =	ssyncpa.u1 $0x1  }
0x68: {  	[sflag:s31] =	ssyncpa.u1 $0x1  }
0x69: {  	p0 =	sne.s32 s0, $0x0;
	_ =	strace $0x9000004A  }
0x6a: {  	s0 =	sadd.s32 @!p0 $0x100000, s1;
	[bflag:$0x2] =	sbarrier.arrive $0xFFFF  }
0x6b: {  	[sflag:s0] =	ssyncadd.tile.s32 @!p0 $0x1;
	_ =	shalt  }
.Lfunc_end1:
_tile_overlayer_lowered:
.L_overlay_start_2:
0x6c: {  	(tag) =	ssettag $0x2  }
0x6d: {  	s0 =	rddreg [dreg:$0x0];
	s2 =	stileid.u32  }
0x6e: {  	s1 =	rddreg [dreg:$0x1];
	p0 =	sne.s32 s2, $0x0  }
0x6f: {  	s3 =	rddreg [dreg:$0x2];
	[bflag:$0x3] =	sbarrier.arrive $0xFFFF;
	s2 =	simm.s32 @!p0 $0x1C01  }
0x70: {  	[timem:s3], [sflag:s2] =	dma.local @!p0 [hbm:s0], s1  }
0x71: {  	s0 =	simm.s32 @!p0 $0x1  }
0x72: {  	_ =	swait.ge @!p0 [sflag:s0], s1  }
0x73: {  	s1 =	ssub.s32 @!p0 $0x0, s1;
	[sflag:s0] =	ssyncset.done @!p0 $0x0  }
0x74: {  	[sflag:s0] =	ssyncadd.s32 @!p0 s1  }
0x75: {  	[bflag:$0x3] =	sbarrier.arrive $0xFFFF  }
0x76: {  	_ =	shalt  }

</sc_bundles>
